<compile_context>
chip_gen: v7x
topology: tpu7x:2x2x1
jax: 0.10.2.dev20260603
libtpu: 0.0.44.dev20260713+nightly
codegen_flags: <defaults>
</compile_context>

<pallas_src>
import functools

import jax
import jax.numpy as jnp
from jax import lax
from jax.experimental import pallas as pl
from jax.experimental.pallas import tpu as pltpu
from jax.experimental.pallas import tpu_sc as plsc

N = 5000
PRE_NMS = 6000
POST_NMS = 300
NMS_THRESH = 0.7

BM = 512


def _mlp_kernel(feat_ref, w1s_ref, b1s_ref, w2s_ref, b2s_ref,
                w1o_ref, b1o_ref, w2o_ref, b2o_ref,
                xsub_ref, xobj_ref):
    feat = feat_ref[...]
    h_s = jnp.maximum(jnp.dot(feat, w1s_ref[...]) + b1s_ref[...], 0.0)
    xsub_ref[...] = jnp.dot(h_s, w2s_ref[...]) + b2s_ref[...]
    h_o = jnp.maximum(jnp.dot(feat, w1o_ref[...]) + b1o_ref[...], 0.0)
    xobj_ref[...] = jnp.dot(h_o, w2o_ref[...]) + b2o_ref[...]


def _u32sort(x):
    bits = jax.lax.bitcast_convert_type(x, jnp.uint32)
    msb = bits >= jnp.uint32(0x80000000)
    return jnp.where(msb, ~bits, bits | jnp.uint32(0x80000000))


def _logits_kernel(xsub_ref, xobj_ref, out_ref, bmax_ref):
    i = pl.program_id(0)
    xs = xsub_ref[...]
    xo = xobj_ref[...]
    logits = jax.lax.dot_general(xs, xo, (((1,), (1,)), ((), ())))
    row = jax.lax.broadcasted_iota(jnp.int32, logits.shape, 0) + i * BM
    col = jax.lax.broadcasted_iota(jnp.int32, logits.shape, 1)
    masked = jnp.where((row == col) | (row >= N) | (col >= N), -jnp.inf, logits)
    out_ref[...] = _u32sort(masked)
    for j in range(NBLK_ROW):
        bm = jnp.max(masked[:, j * 128:(j + 1) * 128], axis=1, keepdims=True)
        bmax_ref[:, j:j + 1] = _u32sort(bm)



NROW_PAD = 5120
NCOL_PAD = 5120
NBLK_ROW = NCOL_PAD // 128
TOT = NROW_PAD * NCOL_PAD
NW = 32
SHARD = TOT // NW
NBM = NROW_PAD * NBLK_ROW
BM_W = NBM // NW
GROUP = 2048
NGRP = SHARD // GROUP
NBINS = 4096
HISTW = NBINS * 16
K1 = PRE_NMS + 144
CAP_W = 32768
DENSE_M = 65536
DM2 = DENSE_M + NW * 16

_SC_MESH = plsc.VectorSubcoreMesh(core_axis_name="c", subcore_axis_name="s",
                                  num_cores=2, num_subcores=16)


def _wid():
    return lax.axis_index("s") * 2 + lax.axis_index("c")


@functools.partial(
    pl.kernel,
    out_type=jax.ShapeDtypeStruct((NW, HISTW), jnp.int32),
    mesh=_SC_MESH,
    compiler_params=pltpu.CompilerParams(needs_layout_passes=False),
    scratch_types=[pltpu.VMEM((BM_W,), jnp.uint32),
                   pltpu.VMEM((HISTW,), jnp.int32)],
)
def _sc_hist(bmax_hbm, hist_hbm, bm_v, hist_v):
    wid = _wid()
    lane = lax.iota(jnp.int32, 16)
    zero16 = jnp.zeros((16,), jnp.int32)
    ones16 = jnp.ones((16,), jnp.int32)

    def zbody(i, _):
        hist_v[pl.ds(i * 16, 16)] = zero16
        return 0
    lax.fori_loop(0, HISTW // 16, zbody, 0)
    pltpu.sync_copy(bmax_hbm.at[pl.ds(wid * BM_W, BM_W)], bm_v)

    def vbody(i, _):
        u = bm_v[pl.ds(i * 16, 16)]
        idx = ((u >> 16) & jnp.uint32(0xFFF0)).astype(jnp.int32) | lane
        plsc.addupdate_scatter(hist_v, [idx], ones16)
        return 0
    lax.fori_loop(0, BM_W // 16, vbody, 0)
    pltpu.sync_copy(hist_v, hist_hbm.at[wid])


@functools.partial(
    pl.kernel,
    out_type=(jax.ShapeDtypeStruct((NW, CAP_W), jnp.int32),
              jax.ShapeDtypeStruct((NW, CAP_W), jnp.uint32),
              jax.ShapeDtypeStruct((NW, 16), jnp.int32)),
    mesh=_SC_MESH,
    compiler_params=pltpu.CompilerParams(needs_layout_passes=False),
    scratch_types=[pltpu.VMEM((BM_W,), jnp.uint32),
                   pltpu.VMEM((BM_W,), jnp.int32),
                   pltpu.VMEM((16, 128), jnp.uint32),
                   pltpu.VMEM((16,), jnp.int32),
                   pltpu.VMEM((16,), jnp.uint32),
                   pltpu.VMEM((CAP_W,), jnp.int32),
                   pltpu.VMEM((CAP_W,), jnp.uint32),
                   pltpu.VMEM((16,), jnp.int32),
                   pltpu.SemaphoreType.DMA],
)
def _sc_compact(logits2d_hbm, thr_hbm, bmax_hbm, cidx_hbm, cval_hbm, cnt_hbm,
                bm_v, fid_v, grp_v, idx16_v, thr_v, ibuf_v, vbuf_v, cnt_v, sem):
    wid = _wid()
    base_blk = wid * BM_W
    lane = lax.iota(jnp.int32, 16)
    pltpu.sync_copy(thr_hbm, thr_v)
    thr = thr_v[...]
    pltpu.sync_copy(bmax_hbm.at[pl.ds(base_blk, BM_W)], bm_v)

    def v1(i, fo):
        bm = bm_v[pl.ds(i * 16, 16)]
        m = bm >= thr
        pc = lax.reduce_max(plsc.all_reduce_population_count(m), (0,))

        @pl.when(pc > 0)
        def _():
            plsc.store_compressed(fid_v.at[pl.ds(fo, 16)],
                                  base_blk + i * 16 + lane, mask=m)
        return fo + pc
    nflag = lax.fori_loop(0, BM_W // 16, v1, jnp.int32(0))

    nb = (nflag + 15) // 16

    def b2(k, off):
        bvec = fid_v[pl.ds(k * 16, 16)]
        loc16 = k * 16 + lane
        bvec = jnp.where(loc16 < nflag, bvec, 0)
        bvec = jnp.minimum(jnp.maximum(bvec, 0), NBM - 1)
        idx16_v[...] = bvec
        pltpu.async_copy(logits2d_hbm.at[idx16_v], grp_v, sem).wait()

        def jbody(j, off):
            id_j = lax.reduce_max(jnp.where(lane == j, bvec, 0), (0,))
            valid_j = (k * 16 + j) < nflag

            def v2(i, off):
                u = grp_v[j, pl.ds(i * 16, 16)]
                m = (u >= thr) & valid_j
                pc = lax.reduce_max(plsc.all_reduce_population_count(m), (0,))
                off_c = jnp.minimum(off, CAP_W - 16)

                @pl.when(pc > 0)
                def _():
                    gidx = id_j * 128 + i * 16 + lane
                    plsc.store_compressed(ibuf_v.at[pl.ds(off_c, 16)], gidx, mask=m)
                    plsc.store_compressed(vbuf_v.at[pl.ds(off_c, 16)], u, mask=m)
                return off + pc
            return lax.fori_loop(0, 8, v2, off)
        return lax.fori_loop(0, 16, jbody, off)
    off = lax.fori_loop(0, nb, b2, jnp.int32(0))
    cnt_v[...] = jnp.zeros((16,), jnp.int32) + jnp.minimum(off, CAP_W)
    pltpu.sync_copy(ibuf_v, cidx_hbm.at[wid])
    pltpu.sync_copy(vbuf_v, cval_hbm.at[wid])
    pltpu.sync_copy(cnt_v, cnt_hbm.at[wid])


@functools.partial(
    pl.kernel,
    out_type=(jax.ShapeDtypeStruct((DM2,), jnp.int32),
              jax.ShapeDtypeStruct((DM2,), jnp.uint32)),
    mesh=_SC_MESH,
    compiler_params=pltpu.CompilerParams(needs_layout_passes=False),
    scratch_types=[pltpu.VMEM((CAP_W,), jnp.int32),
                   pltpu.VMEM((CAP_W,), jnp.uint32),
                   pltpu.VMEM((16,), jnp.int32),
                   pltpu.VMEM((16,), jnp.int32)],
)
def _sc_merge(cidx_hbm, cval_hbm, offs_hbm, cnts_hbm, didx_hbm, dval_hbm,
              ibuf_v, vbuf_v, off_v, cnt_v):
    wid = _wid()
    lane = lax.iota(jnp.int32, 16)
    pltpu.sync_copy(offs_hbm.at[wid], off_v)
    pltpu.sync_copy(cnts_hbm.at[wid], cnt_v)
    off_s = lax.reduce_max(off_v[...], (0,))
    cnt_s = lax.reduce_max(cnt_v[...], (0,))
    pltpu.sync_copy(cidx_hbm.at[wid], ibuf_v)
    pltpu.sync_copy(cval_hbm.at[wid], vbuf_v)
    sink = DENSE_M + wid * 16 + lane
    nk = (cnt_s + 15) // 16

    def kbody(k, _):
        loc = k * 16 + lane
        pos = off_s + loc
        valid = (loc < cnt_s) & (pos < DENSE_M)
        pos = jnp.where(valid, pos, sink)
        pltpu.sync_copy(ibuf_v.at[pl.ds(k * 16, 16)], didx_hbm.at[pos])
        pltpu.sync_copy(vbuf_v.at[pl.ds(k * 16, 16)], dval_hbm.at[pos])
        return 0
    lax.fori_loop(0, nk, kbody, 0)


NMS_B = 256
NMS_KPAD = 6144


def _nms_kernel(boxes_ref, boxes_t_ref, keep_ref):
    K = boxes_ref.shape[0]
    nblk = K // NMS_B
    x0a = boxes_t_ref[0:1, :]
    y0a = boxes_t_ref[1:2, :]
    x1a = boxes_t_ref[2:3, :]
    y1a = boxes_t_ref[3:4, :]
    areas_a = jnp.maximum(x1a - x0a, 0.0) * jnp.maximum(y1a - y0a, 0.0)
    keep_ref[...] = jnp.zeros((K, 1), jnp.float32)

    def block_body(b, _):
        blk = boxes_ref[pl.ds(b * NMS_B, NMS_B), :]
        x0b = blk[:, 0:1]
        y0b = blk[:, 1:2]
        x1b = blk[:, 2:3]
        y1b = blk[:, 3:4]
        areas_b = jnp.maximum(x1b - x0b, 0.0) * jnp.maximum(y1b - y0b, 0.0)
        ltx = jnp.maximum(x0a, x0b)
        lty = jnp.maximum(y0a, y0b)
        rbx = jnp.minimum(x1a, x1b)
        rby = jnp.minimum(y1a, y1b)
        inter = jnp.maximum(rbx - ltx, 0.0) * jnp.maximum(rby - lty, 0.0)
        iou = inter / (areas_a + areas_b - inter + 1e-8)
        s = (iou > NMS_THRESH).astype(jnp.float32)
        kv = keep_ref[...]
        supp_prior = jax.lax.dot_general(
            s, kv, (((1,), (0,)), ((), ())),
            preferred_element_type=jnp.float32) > 0.0
        x0bt = boxes_t_ref[0:1, pl.ds(b * NMS_B, NMS_B)]
        y0bt = boxes_t_ref[1:2, pl.ds(b * NMS_B, NMS_B)]
        x1bt = boxes_t_ref[2:3, pl.ds(b * NMS_B, NMS_B)]
        y1bt = boxes_t_ref[3:4, pl.ds(b * NMS_B, NMS_B)]
        areas_bt = jnp.maximum(x1bt - x0bt, 0.0) * jnp.maximum(y1bt - y0bt, 0.0)
        ltx_b = jnp.maximum(x0bt, x0b)
        lty_b = jnp.maximum(y0bt, y0b)
        rbx_b = jnp.minimum(x1bt, x1b)
        rby_b = jnp.minimum(y1bt, y1b)
        inter_b = jnp.maximum(rbx_b - ltx_b, 0.0) * jnp.maximum(rby_b - lty_b, 0.0)
        iou_b = inter_b / (areas_bt + areas_b - inter_b + 1e-8)
        s_blk = (iou_b > NMS_THRESH).astype(jnp.float32)
        ri = jax.lax.broadcasted_iota(jnp.int32, (NMS_B, NMS_B), 0)
        ci = jax.lax.broadcasted_iota(jnp.int32, (NMS_B, NMS_B), 1)
        s_lo = jnp.where(ci < ri, s_blk, 0.0)
        base = jnp.where(supp_prior, 0.0, 1.0)

        def fp_cond(carry):
            _, changed = carry
            return changed

        def fp_body(carry):
            k, _ = carry
            sup = jax.lax.dot_general(
                s_lo, k, (((1,), (0,)), ((), ())),
                preferred_element_type=jnp.float32) > 0.0
            k2 = jnp.where(sup, 0.0, base)
            return k2, jnp.any(k2 != k)

        k_fin, _ = jax.lax.while_loop(fp_cond, fp_body, (base, True))
        keep_ref[pl.ds(b * NMS_B, NMS_B), :] = k_fin
        return 0

    jax.lax.fori_loop(0, nblk, block_body, 0)


def kernel(rois, roi_feat, W1s, b1s, W2s, b2s, W1o, b1o, W2o, b2o):
    feat = jax.lax.stop_gradient(roi_feat)
    x_sub, x_obj = pl.pallas_call(
        _mlp_kernel,
        out_shape=(jax.ShapeDtypeStruct((N, 64), jnp.float32),
                   jax.ShapeDtypeStruct((N, 64), jnp.float32)),
    )(feat, W1s, b1s, W2s, b2s, W1o, b1o, W2o, b2o)

    x_sub_p = jnp.zeros((NROW_PAD, 64), jnp.float32).at[:N].set(x_sub)
    x_obj_p = jnp.zeros((NCOL_PAD, 64), jnp.float32).at[:N].set(x_obj)
    nblk = NROW_PAD // BM
    logits, bmax = pl.pallas_call(
        _logits_kernel,
        grid=(nblk,),
        in_specs=[
            pl.BlockSpec((BM, 64), lambda i: (i, 0)),
            pl.BlockSpec((NCOL_PAD, 64), lambda i: (0, 0)),
        ],
        out_specs=[pl.BlockSpec((BM, NCOL_PAD), lambda i: (i, 0)),
                   pl.BlockSpec((BM, NBLK_ROW), lambda i: (i, 0))],
        out_shape=(jax.ShapeDtypeStruct((NROW_PAD, NCOL_PAD), jnp.uint32),
                   jax.ShapeDtypeStruct((NROW_PAD, NBLK_ROW), jnp.uint32)),
    )(x_sub_p, x_obj_p)
    logits_flat = logits.reshape(-1)
    bmax_flat = bmax.reshape(-1)


    hist = _sc_hist(bmax_flat)
    hglob = hist.reshape(NW, NBINS, 16).sum(axis=(0, 2))
    cum = jnp.cumsum(hglob[::-1])[::-1]
    bstar = jnp.sum((cum >= K1).astype(jnp.int32)) - 1
    thr = (bstar.astype(jnp.uint32) << 20)
    thr16 = jnp.full((16,), 1, jnp.uint32) * thr

    cidx, cval, cnts = _sc_compact(logits.reshape(-1, 128), thr16, bmax_flat)
    cnt_w = cnts[:, 0]
    offs_w = jnp.concatenate([jnp.zeros((1,), cnt_w.dtype), jnp.cumsum(cnt_w)[:-1]])
    total = jnp.minimum(jnp.sum(cnt_w), DENSE_M)
    offs16 = jnp.broadcast_to(offs_w[:, None], (NW, 16)).astype(jnp.int32)
    cnts16 = jnp.broadcast_to(cnt_w[:, None], (NW, 16)).astype(jnp.int32)
    didx, dval = _sc_merge(cidx, cval, offs16, cnts16)

    du = dval[:DENSE_M]
    bits = jnp.where(du >= jnp.uint32(0x80000000), du ^ jnp.uint32(0x80000000), ~du)
    cand_logit = jax.lax.bitcast_convert_type(bits, jnp.float32)
    valid = jnp.arange(DENSE_M) < total
    s_cand = jnp.where(valid, jax.nn.sigmoid(cand_logit), -1.0)
    top_v, pos6 = jax.lax.top_k(s_cand, PRE_NMS)
    top_i = didx[:DENSE_M][pos6]
    sub = top_i // NCOL_PAD
    obj = top_i % NCOL_PAD
    b_sub = rois[sub, 1:5]
    b_obj = rois[obj, 1:5]
    union = jnp.concatenate(
        [jnp.minimum(b_sub[:, :2], b_obj[:, :2]),
         jnp.maximum(b_sub[:, 2:], b_obj[:, 2:])], axis=1)
    union = jax.lax.stop_gradient(union)

    union_p = jnp.zeros((NMS_KPAD, 4), jnp.float32).at[:PRE_NMS].set(union)
    keep_f = pl.pallas_call(
        _nms_kernel,
        out_shape=jax.ShapeDtypeStruct((NMS_KPAD, 1), jnp.float32),
    )(union_p, union_p.T)
    keep = keep_f[:PRE_NMS, 0] > 0.5
    kept_v = jnp.where(keep, top_v, -jnp.inf)
    _, sel = jax.lax.top_k(kept_v, POST_NMS)
    sub_f = sub[sel]
    obj_f = obj[sel]
    rel_proposal_inds = jnp.stack([jnp.zeros_like(sub_f), sub_f, obj_f], axis=1)
    rel_proposal_scores = top_v[sel]
    return rel_proposal_inds, rel_proposal_scores

# --- scband reference (transcript-rebuilt; emitter-appended) ---
"""Pipeline reference for scband-rel-pnhead-67190468378871 (READ-ONLY COPY).

The authoritative reference and input builder live on the scoring server;
editing this copy changes nothing except your own understanding.
"""

import jax, jax.numpy as jnp
import numpy as np

N = 5000
D = 255
PRE_NMS = 6000
POST_NMS = 300
NMS_THRESH = 0.7


def _init_linear(key, fan_in, fan_out):
    k1, k2 = jax.random.split(key)
    bound = 1.0 / np.sqrt(fan_in)
    W = jax.random.uniform(k1, (fan_in, fan_out), minval=-bound, maxval=bound, dtype=jnp.float32)
    b = jax.random.uniform(k2, (fan_out,), minval=-bound, maxval=bound, dtype=jnp.float32)
    return W, b


def setup_inputs(seed: int = 0) -> dict:
    key = jax.random.key(seed)
    ks = jax.random.split(key, 8)
    roi_feat = jax.random.normal(ks[0], (N, D), dtype=jnp.float32)
    xy = jax.random.uniform(ks[1], (N, 2), minval=0.0, maxval=800.0, dtype=jnp.float32)
    wh = jax.random.uniform(ks[2], (N, 2), minval=16.0, maxval=256.0, dtype=jnp.float32)
    boxes = jnp.concatenate([xy, xy + wh], axis=1)
    rois = jnp.concatenate([jnp.zeros((N, 1), dtype=jnp.float32), boxes], axis=1)
    W1s, b1s = _init_linear(ks[3], D, 64)
    W2s, b2s = _init_linear(ks[4], 64, 64)
    W1o, b1o = _init_linear(ks[5], D, 64)
    W2o, b2o = _init_linear(ks[6], 64, 64)
    return {"rois": rois, "roi_feat": roi_feat, "W1s": W1s, "b1s": b1s, "W2s": W2s, "b2s": b2s, "W1o": W1o, "b1o": b1o, "W2o": W2o, "b2o": b2o}


def _nms(boxes, thresh):
    # greedy NMS; boxes are already sorted by descending score
    K = boxes.shape[0]
    areas = jnp.clip(boxes[:, 2] - boxes[:, 0], 0.0) * jnp.clip(boxes[:, 3] - boxes[:, 1], 0.0)
    idx_range = jnp.arange(K)

    def body(i, keep):
        lt = jnp.maximum(boxes[:, :2], boxes[i, :2])
        rb = jnp.minimum(boxes[:, 2:], boxes[i, 2:])
        whd = jnp.clip(rb - lt, 0.0)
        inter = whd[:, 0] * whd[:, 1]
        iou = inter / (areas + areas[i] - inter + 1e-8)
        suppress = (iou > thresh) & (idx_range > i) & keep[i]
        return keep & (~suppress)

    return jax.lax.fori_loop(0, K, body, jnp.ones((K,), dtype=bool))


def reference(rois, roi_feat, W1s, b1s, W2s, b2s, W1o, b1o, W2o, b2o):
    # roi_feat.detach() in the torch source
    feat = jax.lax.stop_gradient(roi_feat)
    x_sub = jnp.maximum(feat @ W1s + b1s, 0.0) @ W2s + b2s
    x_obj = jnp.maximum(feat @ W1o + b1o, 0.0) @ W2o + b2o
    scores = jax.nn.sigmoid(x_sub @ x_obj.T)  # [N, N] pairwise relation scores
    n = scores.shape[0]
    # rel_proposal(rois, scores, nms_thresh=0.7, pre_nms_topn=6000, post_nms_topn=300)
    sel_scores = jnp.where(jnp.eye(n, dtype=bool), -1.0, jax.lax.stop_gradient(scores))
    top_v, top_i = jax.lax.top_k(sel_scores.reshape(-1), PRE_NMS)
    sub = top_i // n
    obj = top_i % n
    b_sub = rois[sub, 1:5]
    b_obj = rois[obj, 1:5]
    union = jnp.concatenate([jnp.minimum(b_sub[:, :2], b_obj[:, :2]), jnp.maximum(b_sub[:, 2:], b_obj[:, 2:])], axis=1)
    keep = _nms(jax.lax.stop_gradient(union), NMS_THRESH)
    kept_v = jnp.where(keep, top_v, -jnp.inf)
    _, sel = jax.lax.top_k(kept_v, POST_NMS)
    sub_f = sub[sel]
    obj_f = obj[sel]
    rel_proposal_inds = jnp.stack([jnp.zeros_like(sub_f), sub_f, obj_f], axis=1)
    rel_proposal_scores = scores[sub_f, obj_f]
    return rel_proposal_inds, rel_proposal_scores

if __name__ == "__main__":
    import jax
    _d = setup_inputs()
    print(jax.jit(kernel)(*tuple(_d.values())))

</pallas_src>

<mosaic_0001>
#map = affine_map<(d0, d1) -> (0)>
#map1 = affine_map<(d0, d1) -> (0, 0)>
module attributes {stable_mosaic.version = 14 : i64} {
  func.func @_sc_hist(%arg0: i32, %arg1: i32, %arg2: memref<204800xi32, #tpu.memory_space<hbm>>, %arg3: memref<32x65536xi32, #tpu.memory_space<hbm>>, %arg4: memref<6400xi32, #tpu.memory_space<vmem>>, %arg5: memref<65536xi32, #tpu.memory_space<vmem>>) attributes {dimension_semantics = [#tpu.dimension_semantics<core_parallel>, #tpu.dimension_semantics<subcore_parallel>], iteration_bounds = array<i64: 2, 16>, scalar_prefetch = 0 : i64, scratch_operands = 2 : i64, tpu.core_type = #tpu.core_type<sc_vector_subcore>, window_params = [{transform_indices = #map}, {transform_indices = #map1}]} {
    %mul3A = arith.constant 2 : i32
    %mul3A_0 = arith.muli %arg1, %mul3A : i32
    %add3A = arith.addi %mul3A_0, %arg0 : i32
    %iota3A = tpu.iota {dimensions = array<i32: 0>} : vector<16xi32>
    %broadcast_in_dim3A = arith.constant 0 : i32
    %broadcast_in_dim3A_1 = vector.broadcast %broadcast_in_dim3A : i32 to vector<16xi32>
    %broadcast_in_dim3A_2 = arith.constant 1 : i32
    %broadcast_in_dim3A_3 = vector.broadcast %broadcast_in_dim3A_2 : i32 to vector<16xi32>
    %scan3A = arith.constant 0 : i32
    %scan3A_4 = arith.constant 0 : i32
    %scan3A_5 = arith.constant 4096 : i32
    %scan3A_6 = arith.addi %scan3A_4, %scan3A_5 : i32
    %scan3A_7 = arith.constant 1 : i32
    %scan3A_8 = scf.for %scan3A_19 = %scan3A_4 to %scan3A_6 step %scan3A_7 iter_args(%scan3A_20 = %scan3A) -> (i32)  : i32 {
      %mul3A_21 = arith.constant 16 : i32
      %mul3A_22 = arith.muli %scan3A_19, %mul3A_21 : i32
      %swap3A = arith.index_cast %mul3A_22 : i32 to index
      %swap3A_23 = tpu.vector_load %arg5[%swap3A] {strides = array<i32>} : memref<65536xi32, #tpu.memory_space<vmem>>, vector<16xi32>,
      tpu.vector_store %arg5[%swap3A], %broadcast_in_dim3A_1 {strides = array<i32>} : memref<65536xi32, #tpu.memory_space<vmem>>, vector<16xi32>,
      %scan3A_24 = arith.constant 0 : i32
      scf.yield %scan3A_24 : i32
    }
    %scan3A_9 = arith.constant 4096 : i32
    %mul3A_10 = arith.constant 6400 : i32
    %mul3A_11 = arith.muli %add3A, %mul3A_10 : i32
    "tpu.region"() ({
      %run_scoped3A = tpu.sem_alloc : memref<!tpu.dma_semaphore, #tpu.memory_space<semaphore_mem>>
      %dma_start3A = tpu.memref_slice %arg2[%mul3A_11] : memref<204800xi32, #tpu.memory_space<hbm>> -> memref<6400xi32, #tpu.memory_space<hbm>>
      %dma_start3A_19 = tpu.memref_slice %arg2[%mul3A_11] : memref<204800xi32, #tpu.memory_space<hbm>> -> memref<6400xi32, #tpu.memory_space<hbm>>
      tpu.enqueue_dma source(%dma_start3A_19 : memref<6400xi32, #tpu.memory_space<hbm>>) target(%arg4 : memref<6400xi32, #tpu.memory_space<vmem>>) target_semaphore(%run_scoped3A : memref<!tpu.dma_semaphore, #tpu.memory_space<semaphore_mem>>)
      %dma_wait3A = tpu.memref_slice %arg2[%mul3A_11] : memref<204800xi32, #tpu.memory_space<hbm>> -> memref<6400xi32, #tpu.memory_space<hbm>>
      %dma_wait3A_20 = tpu.memref_slice %arg2[%mul3A_11] : memref<204800xi32, #tpu.memory_space<hbm>> -> memref<6400xi32, #tpu.memory_space<hbm>>
      tpu.wait_dma2 semaphore(%run_scoped3A : memref<!tpu.dma_semaphore, #tpu.memory_space<semaphore_mem>>) src(%dma_wait3A_20 : memref<6400xi32, #tpu.memory_space<hbm>>) dst(%arg4 : memref<6400xi32, #tpu.memory_space<vmem>>)
      tpu.yield
    }) : () -> ()
    %scan3A_12 = arith.constant 0 : i32
    %scan3A_13 = arith.constant 0 : i32
    %scan3A_14 = arith.constant 400 : i32
    %scan3A_15 = arith.addi %scan3A_13, %scan3A_14 : i32
    %scan3A_16 = arith.constant 1 : i32
    %scan3A_17 = scf.for %scan3A_19 = %scan3A_13 to %scan3A_15 step %scan3A_16 iter_args(%scan3A_20 = %scan3A_12) -> (i32)  : i32 {
      %mul3A_21 = arith.constant 16 : i32
      %mul3A_22 = arith.muli %scan3A_19, %mul3A_21 : i32
      %get3A = arith.index_cast %mul3A_22 : i32 to index
      %get3A_23 = tpu.vector_load %arg4[%get3A] {strides = array<i32>} : memref<6400xi32, #tpu.memory_space<vmem>>, vector<16xi32>,
      %shift_right_logical3A = arith.constant 16 : i32
      %shift_right_logical3A_24 = vector.broadcast %shift_right_logical3A : i32 to vector<16xi32>
      %shift_right_logical3A_25 = arith.shrui %get3A_23, %shift_right_logical3A_24 : vector<16xi32>
      %and3A = arith.constant 65520 : i32
      %and3A_26 = vector.broadcast %and3A : i32 to vector<16xi32>
      %and3A_27 = arith.andi %shift_right_logical3A_25, %and3A_26 : vector<16xi32>
      %or3A = arith.ori %and3A_27, %iota3A : vector<16xi32>
      tpu.vector_store_idx %arg5[%or3A], %broadcast_in_dim3A_3 {add = true} : memref<65536xi32, #tpu.memory_space<vmem>>[vector<16xi32>], vector<16xi32>,
      %scan3A_28 = arith.constant 0 : i32
      scf.yield %scan3A_28 : i32
    }
    %scan3A_18 = arith.constant 400 : i32
    "tpu.region"() ({
      %run_scoped3A = tpu.sem_alloc : memref<!tpu.dma_semaphore, #tpu.memory_space<semaphore_mem>>
      %dma_start3A = arith.constant 0 : i32
      %dma_start3A_19 = tpu.memref_slice %arg3[%add3A, %dma_start3A] : memref<32x65536xi32, #tpu.memory_space<hbm>> -> memref<1x65536xi32, #tpu.memory_space<hbm>>
      %dma_start3A_20 = tpu.memref_squeeze %dma_start3A_19 : memref<1x65536xi32, #tpu.memory_space<hbm>> -> memref<65536xi32, #tpu.memory_space<hbm>>
      %dma_start3A_21 = arith.constant 0 : i32
      %dma_start3A_22 = tpu.memref_slice %arg3[%add3A, %dma_start3A_21] : memref<32x65536xi32, #tpu.memory_space<hbm>> -> memref<1x65536xi32, #tpu.memory_space<hbm>>
      %dma_start3A_23 = tpu.memref_squeeze %dma_start3A_22 : memref<1x65536xi32, #tpu.memory_space<hbm>> -> memref<65536xi32, #tpu.memory_space<hbm>>
      tpu.enqueue_dma source(%arg5 : memref<65536xi32, #tpu.memory_space<vmem>>) target(%dma_start3A_23 : memref<65536xi32, #tpu.memory_space<hbm>>) target_semaphore(%run_scoped3A : memref<!tpu.dma_semaphore, #tpu.memory_space<semaphore_mem>>)
      %dma_wait3A = arith.constant 0 : i32
      %dma_wait3A_24 = tpu.memref_slice %arg3[%add3A, %dma_wait3A] : memref<32x65536xi32, #tpu.memory_space<hbm>> -> memref<1x65536xi32, #tpu.memory_space<hbm>>
      %dma_wait3A_25 = tpu.memref_squeeze %dma_wait3A_24 : memref<1x65536xi32, #tpu.memory_space<hbm>> -> memref<65536xi32, #tpu.memory_space<hbm>>
      %dma_wait3A_26 = arith.constant 0 : i32
      %dma_wait3A_27 = tpu.memref_slice %arg3[%add3A, %dma_wait3A_26] : memref<32x65536xi32, #tpu.memory_space<hbm>> -> memref<1x65536xi32, #tpu.memory_space<hbm>>
      %dma_wait3A_28 = tpu.memref_squeeze %dma_wait3A_27 : memref<1x65536xi32, #tpu.memory_space<hbm>> -> memref<65536xi32, #tpu.memory_space<hbm>>
      tpu.wait_dma2 semaphore(%run_scoped3A : memref<!tpu.dma_semaphore, #tpu.memory_space<semaphore_mem>>) src(%arg5 : memref<65536xi32, #tpu.memory_space<vmem>>) dst(%dma_wait3A_28 : memref<65536xi32, #tpu.memory_space<hbm>>)
      tpu.yield
    }) : () -> ()
    return
  }
}

#map = affine_map<(d0, d1) -> (0, 0)>
#map1 = affine_map<(d0, d1) -> (0)>
module attributes {stable_mosaic.version = 14 : i64} {
  func.func @_sc_compact(%arg0: i32, %arg1: i32, %arg2: memref<204800x128xi32, #tpu.memory_space<hbm>>, %arg3: memref<16xi32, #tpu.memory_space<hbm>>, %arg4: memref<204800xi32, #tpu.memory_space<hbm>>, %arg5: memref<32x32768xi32, #tpu.memory_space<hbm>>, %arg6: memref<32x32768xi32, #tpu.memory_space<hbm>>, %arg7: memref<32x16xi32, #tpu.memory_space<hbm>>, %arg8: memref<6400xi32, #tpu.memory_space<vmem>>, %arg9: memref<6400xi32, #tpu.memory_space<vmem>>, %arg10: memref<16x128xi32, #tpu.memory_space<vmem>>, %arg11: memref<16xi32, #tpu.memory_space<vmem>>, %arg12: memref<16xi32, #tpu.memory_space<vmem>>, %arg13: memref<32768xi32, #tpu.memory_space<vmem>>, %arg14: memref<32768xi32, #tpu.memory_space<vmem>>, %arg15: memref<16xi32, #tpu.memory_space<vmem>>, %arg16: memref<!tpu.dma_semaphore, #tpu.memory_space<semaphore_mem>>) attributes {dimension_semantics = [#tpu.dimension_semantics<core_parallel>, #tpu.dimension_semantics<subcore_parallel>], iteration_bounds = array<i64: 2, 16>, scalar_prefetch = 0 : i64, scratch_operands = 9 : i64, tpu.core_type = #tpu.core_type<sc_vector_subcore>, window_params = [{transform_indices = #map}, {transform_indices = #map1}, {transform_indices = #map1}, {transform_indices = #map}, {transform_indices = #map}, {transform_indices = #map}]} {
    %mul3A = arith.constant 2 : i32
    %mul3A_0 = arith.muli %arg1, %mul3A : i32
    %add3A = arith.addi %mul3A_0, %arg0 : i32
    %mul3A_1 = arith.constant 6400 : i32
    %mul3A_2 = arith.muli %add3A, %mul3A_1 : i32
    %iota3A = tpu.iota {dimensions = array<i32: 0>} : vector<16xi32>
    "tpu.region"() ({
      %run_scoped3A = tpu.sem_alloc : memref<!tpu.dma_semaphore, #tpu.memory_space<semaphore_mem>>
      tpu.enqueue_dma source(%arg3 : memref<16xi32, #tpu.memory_space<hbm>>) target(%arg12 : memref<16xi32, #tpu.memory_space<vmem>>) target_semaphore(%run_scoped3A : memref<!tpu.dma_semaphore, #tpu.memory_space<semaphore_mem>>)
      tpu.wait_dma2 semaphore(%run_scoped3A : memref<!tpu.dma_semaphore, #tpu.memory_space<semaphore_mem>>) src(%arg3 : memref<16xi32, #tpu.memory_space<hbm>>) dst(%arg12 : memref<16xi32, #tpu.memory_space<vmem>>)
      tpu.yield
    }) : () -> ()
    %get3A = arith.constant 0 : index
    %get3A_3 = tpu.vector_load %arg12[%get3A] {strides = array<i32>} : memref<16xi32, #tpu.memory_space<vmem>>, vector<16xi32>,
    "tpu.region"() ({
      %run_scoped3A = tpu.sem_alloc : memref<!tpu.dma_semaphore, #tpu.memory_space<semaphore_mem>>
      %dma_start3A = tpu.memref_slice %arg4[%mul3A_2] : memref<204800xi32, #tpu.memory_space<hbm>> -> memref<6400xi32, #tpu.memory_space<hbm>>
      %dma_start3A_44 = tpu.memref_slice %arg4[%mul3A_2] : memref<204800xi32, #tpu.memory_space<hbm>> -> memref<6400xi32, #tpu.memory_space<hbm>>
      tpu.enqueue_dma source(%dma_start3A_44 : memref<6400xi32, #tpu.memory_space<hbm>>) target(%arg8 : memref<6400xi32, #tpu.memory_space<vmem>>) target_semaphore(%run_scoped3A : memref<!tpu.dma_semaphore, #tpu.memory_space<semaphore_mem>>)
      %dma_wait3A = tpu.memref_slice %arg4[%mul3A_2] : memref<204800xi32, #tpu.memory_space<hbm>> -> memref<6400xi32, #tpu.memory_space<hbm>>
      %dma_wait3A_45 = tpu.memref_slice %arg4[%mul3A_2] : memref<204800xi32, #tpu.memory_space<hbm>> -> memref<6400xi32, #tpu.memory_space<hbm>>
      tpu.wait_dma2 semaphore(%run_scoped3A : memref<!tpu.dma_semaphore, #tpu.memory_space<semaphore_mem>>) src(%dma_wait3A_45 : memref<6400xi32, #tpu.memory_space<hbm>>) dst(%arg8 : memref<6400xi32, #tpu.memory_space<vmem>>)
      tpu.yield
    }) : () -> ()
    %scan3A = arith.constant 0 : i32
    %scan3A_4 = arith.constant 0 : i32
    %scan3A_5 = arith.constant 400 : i32
    %scan3A_6 = arith.addi %scan3A_4, %scan3A_5 : i32
    %scan3A_7 = arith.constant 1 : i32
    %scan3A_8 = scf.for %scan3A_44 = %scan3A_4 to %scan3A_6 step %scan3A_7 iter_args(%scan3A_45 = %scan3A) -> (i32)  : i32 {
      %mul3A_46 = arith.constant 16 : i32
      %mul3A_47 = arith.muli %scan3A_44, %mul3A_46 : i32
      %get3A_48 = arith.index_cast %mul3A_47 : i32 to index
      %get3A_49 = tpu.vector_load %arg8[%get3A_48] {strides = array<i32>} : memref<6400xi32, #tpu.memory_space<vmem>>, vector<16xi32>,
      %ge3A = arith.cmpi uge, %get3A_49, %get3A_3 : vector<16xi32>
      %all_reduce_population_count3A = tpu.all_reduce %ge3A {dim = 0 : i64, kind = #tpu.reduction_kind<sum>} : vector<16xi1> -> vector<16xi32>
      %reduce_max3A = arith.constant true
      %reduce_max3A_50 = vector.broadcast %reduce_max3A : i1 to vector<16xi1>
      %reduce_max3A_51 = arith.constant -2147483648 : i32
      %reduce_max3A_52 = vector.broadcast %reduce_max3A_51 : i32 to vector<16xi32>
      %reduce_max3A_53 = arith.xori %all_reduce_population_count3A, %reduce_max3A_52 : vector<16xi32>
      %reduce_max3A_54 = tpu.scan <max>, %reduce_max3A_53 masked %reduce_max3A_50 : vector<16xi32>, vector<16xi1> -> vector<16xi32>
      %reduce_max3A_55 = arith.xori %reduce_max3A_54, %reduce_max3A_52 : vector<16xi32>
      %reduce_max3A_56 = vector.extract %reduce_max3A_55[15] : i32 from vector<16xi32>
      %gt3A = arith.constant 0 : i32
      %gt3A_57 = arith.cmpi sgt, %reduce_max3A_56, %gt3A : i32
      %convert_element_type3A = arith.extui %gt3A_57 : i1 to i32
      %cond3A = arith.constant 0 : i32
      %cond3A_58 = arith.cmpi ne, %convert_element_type3A, %cond3A : i32
      scf.if %cond3A_58 {
        %mul3A_60 = arith.constant 16 : i32
        %mul3A_61 = arith.muli %scan3A_44, %mul3A_60 : i32
        %add3A_62 = arith.addi %mul3A_2, %mul3A_61 : i32
        %add3A_63 = vector.broadcast %add3A_62 : i32 to vector<16xi32>
        %add3A_64 = arith.addi %add3A_63, %iota3A : vector<16xi32>
        %swap3A_65 = arith.index_cast %scan3A_45 : i32 to index
        %swap3A_66 = tpu.vector_load %arg9[%swap3A_65] masked %ge3A {strides = array<i32>} : memref<6400xi32, #tpu.memory_space<vmem>>, vector<16xi32>, vector<16xi1>
        tpu.vector_store %arg9[%swap3A_65], %add3A_64 masked %ge3A {strides = array<i32>} : memref<6400xi32, #tpu.memory_space<vmem>>, vector<16xi32>, vector<16xi1>
      } else {
      }
      %add3A_59 = arith.addi %scan3A_45, %reduce_max3A_56 : i32
      scf.yield %add3A_59 : i32
    }
    %scan3A_9 = arith.constant 400 : i32
    %add3A_10 = arith.constant 15 : i32
    %add3A_11 = arith.addi %scan3A_8, %add3A_10 : i32
    %jit3A = arith.constant 16 : i32
    %div3A = arith.divsi %add3A_11, %jit3A : i32
    %sign3A = arith.constant 0 : i32
    %sign3A_12 = arith.cmpi sgt, %add3A_11, %sign3A : i32
    %sign3A_13 = arith.extui %sign3A_12 : i1 to i32
    %sign3A_14 = arith.constant 0 : i32
    %sign3A_15 = arith.cmpi slt, %add3A_11, %sign3A_14 : i32
    %sign3A_16 = arith.extui %sign3A_15 : i1 to i32
    %sign3A_17 = arith.subi %sign3A_13, %sign3A_16 : i32
    %sign3A_18 = arith.constant 0 : i32
    %sign3A_19 = arith.cmpi sgt, %jit3A, %sign3A_18 : i32
    %sign3A_20 = arith.extui %sign3A_19 : i1 to i32
    %sign3A_21 = arith.constant 0 : i32
    %sign3A_22 = arith.cmpi slt, %jit3A, %sign3A_21 : i32
    %sign3A_23 = arith.extui %sign3A_22 : i1 to i32
    %sign3A_24 = arith.subi %sign3A_20, %sign3A_23 : i32
    %ne3A = arith.cmpi ne, %sign3A_17, %sign3A_24 : i32
    %rem3A = arith.remsi %add3A_11, %jit3A : i32
    %ne3A_25 = arith.constant 0 : i32
    %ne3A_26 = arith.cmpi ne, %rem3A, %ne3A_25 : i32
    %and3A = arith.andi %ne3A, %ne3A_26 : i1
    %sub3A = arith.constant 1 : i32
    %sub3A_27 = arith.subi %div3A, %sub3A : i32
    %select_n3A = arith.select %and3A, %sub3A_27, %div3A : i32
    %while3A = arith.constant 0 : i32
    %while3A_28 = arith.constant 0 : i32
    %while3A_29 = arith.subi %select_n3A, %while3A : i32
    %while3A_30 = arith.addi %while3A, %while3A_29 : i32
    %while3A_31 = arith.constant 1 : i32
    %while3A_32 = arith.divsi %while3A_29, %while3A_31 : i32
    %while3A_33 = arith.muli %while3A_32, %while3A_31 : i32
    %while3A_34 = arith.addi %while3A, %while3A_33 : i32
    %while3A_35 = arith.constant 1 : i32
    %while3A_36 = scf.for %while3A_44 = %while3A to %while3A_34 step %while3A_35 iter_args(%while3A_45 = %while3A_28) -> (i32)  : i32 {
      %mul3A_46 = arith.constant 16 : i32
      %mul3A_47 = arith.muli %while3A_44, %mul3A_46 : i32
      %get3A_48 = arith.index_cast %mul3A_47 : i32 to index
      %get3A_49 = tpu.vector_load %arg9[%get3A_48] {strides = array<i32>} : memref<6400xi32, #tpu.memory_space<vmem>>, vector<16xi32>,
      %mul3A_50 = arith.constant 16 : i32
      %mul3A_51 = arith.muli %while3A_44, %mul3A_50 : i32
      %add3A_52 = vector.broadcast %mul3A_51 : i32 to vector<16xi32>
      %add3A_53 = arith.addi %add3A_52, %iota3A : vector<16xi32>
      %lt3A = vector.broadcast %scan3A_8 : i32 to vector<16xi32>
      %lt3A_54 = arith.cmpi slt, %add3A_53, %lt3A : vector<16xi32>
      %jit3A_55 = arith.constant 0 : i32
      %broadcast_in_dim3A_56 = vector.broadcast %jit3A_55 : i32 to vector<16xi32>
      %select_n3A_57 = arith.select %lt3A_54, %get3A_49, %broadcast_in_dim3A_56 : vector<16xi1>, vector<16xi32>
      %max3A = arith.constant 0 : i32
      %max3A_58 = vector.broadcast %max3A : i32 to vector<16xi32>
      %max3A_59 = arith.maxsi %select_n3A_57, %max3A_58 : vector<16xi32>
      %min3A_60 = arith.constant 204799 : i32
      %min3A_61 = vector.broadcast %min3A_60 : i32 to vector<16xi32>
      %min3A_62 = arith.minsi %max3A_59, %min3A_61 : vector<16xi32>
      %swap3A_63 = arith.constant 0 : index
      %swap3A_64 = tpu.vector_load %arg11[%swap3A_63] {strides = array<i32>} : memref<16xi32, #tpu.memory_space<vmem>>, vector<16xi32>,
      tpu.vector_store %arg11[%swap3A_63], %min3A_62 {strides = array<i32>} : memref<16xi32, #tpu.memory_space<vmem>>, vector<16xi32>,
      %dma_start3A = arith.constant 0 : i32
      %dma_start3A_65 = arith.constant 0 : i32
      %dma_start3A_66 = tpu.memref_slice %arg2[%dma_start3A, %dma_start3A_65] : memref<204800x128xi32, #tpu.memory_space<hbm>> -> memref<204800x128xi32, #tpu.memory_space<hbm>>
      tpu.enqueue_indirect_dma source(%dma_start3A_66 : memref<204800x128xi32, #tpu.memory_space<hbm>>) target(%arg10 : memref<16x128xi32, #tpu.memory_space<vmem>>) offsets(%arg11 : memref<16xi32, #tpu.memory_space<vmem>>) semaphore(%arg16 : memref<!tpu.dma_semaphore, #tpu.memory_space<semaphore_mem>>)
      %dma_wait3A = arith.constant 0 : i32
      %dma_wait3A_67 = arith.constant 0 : i32
      %dma_wait3A_68 = tpu.memref_slice %arg2[%dma_wait3A, %dma_wait3A_67] : memref<204800x128xi32, #tpu.memory_space<hbm>> -> memref<204800x128xi32, #tpu.memory_space<hbm>>
      tpu.wait_indirect_dma semaphore(%arg16 : memref<!tpu.dma_semaphore, #tpu.memory_space<semaphore_mem>>) src(%dma_wait3A_68 : memref<204800x128xi32, #tpu.memory_space<hbm>>) dst(%arg10 : memref<16x128xi32, #tpu.memory_space<vmem>>)
      %scan3A_69 = arith.constant 0 : i32
      %scan3A_70 = arith.constant 16 : i32
      %scan3A_71 = arith.addi %scan3A_69, %scan3A_70 : i32
      %scan3A_72 = arith.constant 1 : i32
      %scan3A_73 = scf.for %scan3A_75 = %scan3A_69 to %scan3A_71 step %scan3A_72 iter_args(%scan3A_76 = %while3A_45) -> (i32)  : i32 {
        %eq3A = vector.broadcast %scan3A_75 : i32 to vector<16xi32>
        %eq3A_77 = arith.cmpi eq, %iota3A, %eq3A : vector<16xi32>
        %jit3A_78 = arith.constant 0 : i32
        %broadcast_in_dim3A_79 = vector.broadcast %jit3A_78 : i32 to vector<16xi32>
        %select_n3A_80 = arith.select %eq3A_77, %min3A_62, %broadcast_in_dim3A_79 : vector<16xi1>, vector<16xi32>
        %reduce_max3A = arith.constant true
        %reduce_max3A_81 = vector.broadcast %reduce_max3A : i1 to vector<16xi1>
        %reduce_max3A_82 = arith.constant -2147483648 : i32
        %reduce_max3A_83 = vector.broadcast %reduce_max3A_82 : i32 to vector<16xi32>
        %reduce_max3A_84 = arith.xori %select_n3A_80, %reduce_max3A_83 : vector<16xi32>
        %reduce_max3A_85 = tpu.scan <max>, %reduce_max3A_84 masked %reduce_max3A_81 : vector<16xi32>, vector<16xi1> -> vector<16xi32>
        %reduce_max3A_86 = arith.xori %reduce_max3A_85, %reduce_max3A_83 : vector<16xi32>
        %reduce_max3A_87 = vector.extract %reduce_max3A_86[15] : i32 from vector<16xi32>
        %mul3A_88 = arith.constant 16 : i32
        %mul3A_89 = arith.muli %while3A_44, %mul3A_88 : i32
        %add3A_90 = arith.addi %mul3A_89, %scan3A_75 : i32
        %lt3A_91 = arith.cmpi slt, %add3A_90, %scan3A_8 : i32
        %scan3A_92 = arith.constant 0 : i32
        %scan3A_93 = arith.constant 8 : i32
        %scan3A_94 = arith.addi %scan3A_92, %scan3A_93 : i32
        %scan3A_95 = arith.constant 1 : i32
        %scan3A_96 = scf.for %scan3A_98 = %scan3A_92 to %scan3A_94 step %scan3A_95 iter_args(%scan3A_99 = %scan3A_76) -> (i32)  : i32 {
          %mul3A_100 = arith.constant 16 : i32
          %mul3A_101 = arith.muli %scan3A_98, %mul3A_100 : i32
          %get3A_102 = arith.index_cast %scan3A_75 : i32 to index
          %get3A_103 = arith.index_cast %mul3A_101 : i32 to index
          %get3A_104 = tpu.vector_load %arg10[%get3A_102, %get3A_103] {strides = array<i32>} : memref<16x128xi32, #tpu.memory_space<vmem>>, vector<16xi32>,
          %ge3A = arith.cmpi uge, %get3A_104, %get3A_3 : vector<16xi32>
          %and3A_105 = vector.broadcast %lt3A_91 : i1 to vector<16xi1>
          %and3A_106 = arith.andi %ge3A, %and3A_105 : vector<16xi1>
          %all_reduce_population_count3A = tpu.all_reduce %and3A_106 {dim = 0 : i64, kind = #tpu.reduction_kind<sum>} : vector<16xi1> -> vector<16xi32>
          %reduce_max3A_107 = arith.constant true
          %reduce_max3A_108 = vector.broadcast %reduce_max3A_107 : i1 to vector<16xi1>
          %reduce_max3A_109 = arith.constant -2147483648 : i32
          %reduce_max3A_110 = vector.broadcast %reduce_max3A_109 : i32 to vector<16xi32>
          %reduce_max3A_111 = arith.xori %all_reduce_population_count3A, %reduce_max3A_110 : vector<16xi32>
          %reduce_max3A_112 = tpu.scan <max>, %reduce_max3A_111 masked %reduce_max3A_108 : vector<16xi32>, vector<16xi1> -> vector<16xi32>
          %reduce_max3A_113 = arith.xori %reduce_max3A_112, %reduce_max3A_110 : vector<16xi32>
          %reduce_max3A_114 = vector.extract %reduce_max3A_113[15] : i32 from vector<16xi32>
          %min3A_115 = arith.constant 32752 : i32
          %min3A_116 = arith.minsi %scan3A_99, %min3A_115 : i32
          %gt3A = arith.constant 0 : i32
          %gt3A_117 = arith.cmpi sgt, %reduce_max3A_114, %gt3A : i32
          %convert_element_type3A = arith.extui %gt3A_117 : i1 to i32
          %cond3A = arith.constant 0 : i32
          %cond3A_118 = arith.cmpi ne, %convert_element_type3A, %cond3A : i32
          scf.if %cond3A_118 {
            %mul3A_120 = arith.constant 128 : i32
            %mul3A_121 = arith.muli %reduce_max3A_87, %mul3A_120 : i32
            %mul3A_122 = arith.constant 16 : i32
            %mul3A_123 = arith.muli %scan3A_98, %mul3A_122 : i32
            %add3A_124 = arith.addi %mul3A_121, %mul3A_123 : i32
            %add3A_125 = vector.broadcast %add3A_124 : i32 to vector<16xi32>
            %add3A_126 = arith.addi %add3A_125, %iota3A : vector<16xi32>
            %swap3A_127 = arith.index_cast %min3A_116 : i32 to index
            %swap3A_128 = tpu.vector_load %arg13[%swap3A_127] masked %and3A_106 {strides = array<i32>} : memref<32768xi32, #tpu.memory_space<vmem>>, vector<16xi32>, vector<16xi1>
            tpu.vector_store %arg13[%swap3A_127], %add3A_126 masked %and3A_106 {strides = array<i32>} : memref<32768xi32, #tpu.memory_space<vmem>>, vector<16xi32>, vector<16xi1>
            %swap3A_129 = arith.index_cast %min3A_116 : i32 to index
            %swap3A_130 = tpu.vector_load %arg14[%swap3A_129] masked %and3A_106 {strides = array<i32>} : memref<32768xi32, #tpu.memory_space<vmem>>, vector<16xi32>, vector<16xi1>
            tpu.vector_store %arg14[%swap3A_129], %get3A_104 masked %and3A_106 {strides = array<i32>} : memref<32768xi32, #tpu.memory_space<vmem>>, vector<16xi32>, vector<16xi1>
          } else {
          }
          %add3A_119 = arith.addi %scan3A_99, %reduce_max3A_114 : i32
          scf.yield %add3A_119 : i32
        }
        %scan3A_97 = arith.constant 8 : i32
        scf.yield %scan3A_96 : i32
      }
      %scan3A_74 = arith.constant 16 : i32
      scf.yield %scan3A_73 : i32
    }
    %while3A_37 = arith.constant 1 : i32
    %while3A_38 = scf.for %while3A_44 = %while3A_34 to %while3A_30 step %while3A_37 iter_args(%while3A_45 = %while3A_36) -> (i32)  : i32 {
      %mul3A_46 = arith.constant 16 : i32
      %mul3A_47 = arith.muli %while3A_44, %mul3A_46 : i32
      %get3A_48 = arith.index_cast %mul3A_47 : i32 to index
      %get3A_49 = tpu.vector_load %arg9[%get3A_48] {strides = array<i32>} : memref<6400xi32, #tpu.memory_space<vmem>>, vector<16xi32>,
      %mul3A_50 = arith.constant 16 : i32
      %mul3A_51 = arith.muli %while3A_44, %mul3A_50 : i32
      %add3A_52 = vector.broadcast %mul3A_51 : i32 to vector<16xi32>
      %add3A_53 = arith.addi %add3A_52, %iota3A : vector<16xi32>
      %lt3A = vector.broadcast %scan3A_8 : i32 to vector<16xi32>
      %lt3A_54 = arith.cmpi slt, %add3A_53, %lt3A : vector<16xi32>
      %jit3A_55 = arith.constant 0 : i32
      %broadcast_in_dim3A_56 = vector.broadcast %jit3A_55 : i32 to vector<16xi32>
      %select_n3A_57 = arith.select %lt3A_54, %get3A_49, %broadcast_in_dim3A_56 : vector<16xi1>, vector<16xi32>
      %max3A = arith.constant 0 : i32
      %max3A_58 = vector.broadcast %max3A : i32 to vector<16xi32>
      %max3A_59 = arith.maxsi %select_n3A_57, %max3A_58 : vector<16xi32>
      %min3A_60 = arith.constant 204799 : i32
      %min3A_61 = vector.broadcast %min3A_60 : i32 to vector<16xi32>
      %min3A_62 = arith.minsi %max3A_59, %min3A_61 : vector<16xi32>
      %swap3A_63 = arith.constant 0 : index
      %swap3A_64 = tpu.vector_load %arg11[%swap3A_63] {strides = array<i32>} : memref<16xi32, #tpu.memory_space<vmem>>, vector<16xi32>,
      tpu.vector_store %arg11[%swap3A_63], %min3A_62 {strides = array<i32>} : memref<16xi32, #tpu.memory_space<vmem>>, vector<16xi32>,
      %dma_start3A = arith.constant 0 : i32
      %dma_start3A_65 = arith.constant 0 : i32
      %dma_start3A_66 = tpu.memref_slice %arg2[%dma_start3A, %dma_start3A_65] : memref<204800x128xi32, #tpu.memory_space<hbm>> -> memref<204800x128xi32, #tpu.memory_space<hbm>>
      tpu.enqueue_indirect_dma source(%dma_start3A_66 : memref<204800x128xi32, #tpu.memory_space<hbm>>) target(%arg10 : memref<16x128xi32, #tpu.memory_space<vmem>>) offsets(%arg11 : memref<16xi32, #tpu.memory_space<vmem>>) semaphore(%arg16 : memref<!tpu.dma_semaphore, #tpu.memory_space<semaphore_mem>>)
      %dma_wait3A = arith.constant 0 : i32
      %dma_wait3A_67 = arith.constant 0 : i32
      %dma_wait3A_68 = tpu.memref_slice %arg2[%dma_wait3A, %dma_wait3A_67] : memref<204800x128xi32, #tpu.memory_space<hbm>> -> memref<204800x128xi32, #tpu.memory_space<hbm>>
      tpu.wait_indirect_dma semaphore(%arg16 : memref<!tpu.dma_semaphore, #tpu.memory_space<semaphore_mem>>) src(%dma_wait3A_68 : memref<204800x128xi32, #tpu.memory_space<hbm>>) dst(%arg10 : memref<16x128xi32, #tpu.memory_space<vmem>>)
      %scan3A_69 = arith.constant 0 : i32
      %scan3A_70 = arith.constant 16 : i32
      %scan3A_71 = arith.addi %scan3A_69, %scan3A_70 : i32
      %scan3A_72 = arith.constant 1 : i32
      %scan3A_73 = scf.for %scan3A_75 = %scan3A_69 to %scan3A_71 step %scan3A_72 iter_args(%scan3A_76 = %while3A_45) -> (i32)  : i32 {
        %eq3A = vector.broadcast %scan3A_75 : i32 to vector<16xi32>
        %eq3A_77 = arith.cmpi eq, %iota3A, %eq3A : vector<16xi32>
        %jit3A_78 = arith.constant 0 : i32
        %broadcast_in_dim3A_79 = vector.broadcast %jit3A_78 : i32 to vector<16xi32>
        %select_n3A_80 = arith.select %eq3A_77, %min3A_62, %broadcast_in_dim3A_79 : vector<16xi1>, vector<16xi32>
        %reduce_max3A = arith.constant true
        %reduce_max3A_81 = vector.broadcast %reduce_max3A : i1 to vector<16xi1>
        %reduce_max3A_82 = arith.constant -2147483648 : i32
        %reduce_max3A_83 = vector.broadcast %reduce_max3A_82 : i32 to vector<16xi32>
        %reduce_max3A_84 = arith.xori %select_n3A_80, %reduce_max3A_83 : vector<16xi32>
        %reduce_max3A_85 = tpu.scan <max>, %reduce_max3A_84 masked %reduce_max3A_81 : vector<16xi32>, vector<16xi1> -> vector<16xi32>
        %reduce_max3A_86 = arith.xori %reduce_max3A_85, %reduce_max3A_83 : vector<16xi32>
        %reduce_max3A_87 = vector.extract %reduce_max3A_86[15] : i32 from vector<16xi32>
        %mul3A_88 = arith.constant 16 : i32
        %mul3A_89 = arith.muli %while3A_44, %mul3A_88 : i32
        %add3A_90 = arith.addi %mul3A_89, %scan3A_75 : i32
        %lt3A_91 = arith.cmpi slt, %add3A_90, %scan3A_8 : i32
        %scan3A_92 = arith.constant 0 : i32
        %scan3A_93 = arith.constant 8 : i32
        %scan3A_94 = arith.addi %scan3A_92, %scan3A_93 : i32
        %scan3A_95 = arith.constant 1 : i32
        %scan3A_96 = scf.for %scan3A_98 = %scan3A_92 to %scan3A_94 step %scan3A_95 iter_args(%scan3A_99 = %scan3A_76) -> (i32)  : i32 {
          %mul3A_100 = arith.constant 16 : i32
          %mul3A_101 = arith.muli %scan3A_98, %mul3A_100 : i32
          %get3A_102 = arith.index_cast %scan3A_75 : i32 to index
          %get3A_103 = arith.index_cast %mul3A_101 : i32 to index
          %get3A_104 = tpu.vector_load %arg10[%get3A_102, %get3A_103] {strides = array<i32>} : memref<16x128xi32, #tpu.memory_space<vmem>>, vector<16xi32>,
          %ge3A = arith.cmpi uge, %get3A_104, %get3A_3 : vector<16xi32>
          %and3A_105 = vector.broadcast %lt3A_91 : i1 to vector<16xi1>
          %and3A_106 = arith.andi %ge3A, %and3A_105 : vector<16xi1>
          %all_reduce_population_count3A = tpu.all_reduce %and3A_106 {dim = 0 : i64, kind = #tpu.reduction_kind<sum>} : vector<16xi1> -> vector<16xi32>
          %reduce_max3A_107 = arith.constant true
          %reduce_max3A_108 = vector.broadcast %reduce_max3A_107 : i1 to vector<16xi1>
          %reduce_max3A_109 = arith.constant -2147483648 : i32
          %reduce_max3A_110 = vector.broadcast %reduce_max3A_109 : i32 to vector<16xi32>
          %reduce_max3A_111 = arith.xori %all_reduce_population_count3A, %reduce_max3A_110 : vector<16xi32>
          %reduce_max3A_112 = tpu.scan <max>, %reduce_max3A_111 masked %reduce_max3A_108 : vector<16xi32>, vector<16xi1> -> vector<16xi32>
          %reduce_max3A_113 = arith.xori %reduce_max3A_112, %reduce_max3A_110 : vector<16xi32>
          %reduce_max3A_114 = vector.extract %reduce_max3A_113[15] : i32 from vector<16xi32>
          %min3A_115 = arith.constant 32752 : i32
          %min3A_116 = arith.minsi %scan3A_99, %min3A_115 : i32
          %gt3A = arith.constant 0 : i32
          %gt3A_117 = arith.cmpi sgt, %reduce_max3A_114, %gt3A : i32
          %convert_element_type3A = arith.extui %gt3A_117 : i1 to i32
          %cond3A = arith.constant 0 : i32
          %cond3A_118 = arith.cmpi ne, %convert_element_type3A, %cond3A : i32
          scf.if %cond3A_118 {
            %mul3A_120 = arith.constant 128 : i32
            %mul3A_121 = arith.muli %reduce_max3A_87, %mul3A_120 : i32
            %mul3A_122 = arith.constant 16 : i32
            %mul3A_123 = arith.muli %scan3A_98, %mul3A_122 : i32
            %add3A_124 = arith.addi %mul3A_121, %mul3A_123 : i32
            %add3A_125 = vector.broadcast %add3A_124 : i32 to vector<16xi32>
            %add3A_126 = arith.addi %add3A_125, %iota3A : vector<16xi32>
            %swap3A_127 = arith.index_cast %min3A_116 : i32 to index
            %swap3A_128 = tpu.vector_load %arg13[%swap3A_127] masked %and3A_106 {strides = array<i32>} : memref<32768xi32, #tpu.memory_space<vmem>>, vector<16xi32>, vector<16xi1>
            tpu.vector_store %arg13[%swap3A_127], %add3A_126 masked %and3A_106 {strides = array<i32>} : memref<32768xi32, #tpu.memory_space<vmem>>, vector<16xi32>, vector<16xi1>
            %swap3A_129 = arith.index_cast %min3A_116 : i32 to index
            %swap3A_130 = tpu.vector_load %arg14[%swap3A_129] masked %and3A_106 {strides = array<i32>} : memref<32768xi32, #tpu.memory_space<vmem>>, vector<16xi32>, vector<16xi1>
            tpu.vector_store %arg14[%swap3A_129], %get3A_104 masked %and3A_106 {strides = array<i32>} : memref<32768xi32, #tpu.memory_space<vmem>>, vector<16xi32>, vector<16xi1>
          } else {
          }
          %add3A_119 = arith.addi %scan3A_99, %reduce_max3A_114 : i32
          scf.yield %add3A_119 : i32
        }
        %scan3A_97 = arith.constant 8 : i32
        scf.yield %scan3A_96 : i32
      }
      %scan3A_74 = arith.constant 16 : i32
      scf.yield %scan3A_73 : i32
    }
    %broadcast_in_dim3A = arith.constant 0 : i32
    %broadcast_in_dim3A_39 = vector.broadcast %broadcast_in_dim3A : i32 to vector<16xi32>
    %min3A = arith.constant 32768 : i32
    %min3A_40 = arith.minsi %while3A_38, %min3A : i32
    %add3A_41 = vector.broadcast %min3A_40 : i32 to vector<16xi32>
    %add3A_42 = arith.addi %broadcast_in_dim3A_39, %add3A_41 : vector<16xi32>
    %swap3A = arith.constant 0 : index
    %swap3A_43 = tpu.vector_load %arg15[%swap3A] {strides = array<i32>} : memref<16xi32, #tpu.memory_space<vmem>>, vector<16xi32>,
    tpu.vector_store %arg15[%swap3A], %add3A_42 {strides = array<i32>} : memref<16xi32, #tpu.memory_space<vmem>>, vector<16xi32>,
    "tpu.region"() ({
      %run_scoped3A = tpu.sem_alloc : memref<!tpu.dma_semaphore, #tpu.memory_space<semaphore_mem>>
      %dma_start3A = arith.constant 0 : i32
      %dma_start3A_44 = tpu.memref_slice %arg5[%add3A, %dma_start3A] : memref<32x32768xi32, #tpu.memory_space<hbm>> -> memref<1x32768xi32, #tpu.memory_space<hbm>>
      %dma_start3A_45 = tpu.memref_squeeze %dma_start3A_44 : memref<1x32768xi32, #tpu.memory_space<hbm>> -> memref<32768xi32, #tpu.memory_space<hbm>>
      %dma_start3A_46 = arith.constant 0 : i32
      %dma_start3A_47 = tpu.memref_slice %arg5[%add3A, %dma_start3A_46] : memref<32x32768xi32, #tpu.memory_space<hbm>> -> memref<1x32768xi32, #tpu.memory_space<hbm>>
      %dma_start3A_48 = tpu.memref_squeeze %dma_start3A_47 : memref<1x32768xi32, #tpu.memory_space<hbm>> -> memref<32768xi32, #tpu.memory_space<hbm>>
      tpu.enqueue_dma source(%arg13 : memref<32768xi32, #tpu.memory_space<vmem>>) target(%dma_start3A_48 : memref<32768xi32, #tpu.memory_space<hbm>>) target_semaphore(%run_scoped3A : memref<!tpu.dma_semaphore, #tpu.memory_space<semaphore_mem>>)
      %dma_wait3A = arith.constant 0 : i32
      %dma_wait3A_49 = tpu.memref_slice %arg5[%add3A, %dma_wait3A] : memref<32x32768xi32, #tpu.memory_space<hbm>> -> memref<1x32768xi32, #tpu.memory_space<hbm>>
      %dma_wait3A_50 = tpu.memref_squeeze %dma_wait3A_49 : memref<1x32768xi32, #tpu.memory_space<hbm>> -> memref<32768xi32, #tpu.memory_space<hbm>>
      %dma_wait3A_51 = arith.constant 0 : i32
      %dma_wait3A_52 = tpu.memref_slice %arg5[%add3A, %dma_wait3A_51] : memref<32x32768xi32, #tpu.memory_space<hbm>> -> memref<1x32768xi32, #tpu.memory_space<hbm>>
      %dma_wait3A_53 = tpu.memref_squeeze %dma_wait3A_52 : memref<1x32768xi32, #tpu.memory_space<hbm>> -> memref<32768xi32, #tpu.memory_space<hbm>>
      tpu.wait_dma2 semaphore(%run_scoped3A : memref<!tpu.dma_semaphore, #tpu.memory_space<semaphore_mem>>) src(%arg13 : memref<32768xi32, #tpu.memory_space<vmem>>) dst(%dma_wait3A_53 : memref<32768xi32, #tpu.memory_space<hbm>>)
      tpu.yield
    }) : () -> ()
    "tpu.region"() ({
      %run_scoped3A = tpu.sem_alloc : memref<!tpu.dma_semaphore, #tpu.memory_space<semaphore_mem>>
      %dma_start3A = arith.constant 0 : i32
      %dma_start3A_44 = tpu.memref_slice %arg6[%add3A, %dma_start3A] : memref<32x32768xi32, #tpu.memory_space<hbm>> -> memref<1x32768xi32, #tpu.memory_space<hbm>>
      %dma_start3A_45 = tpu.memref_squeeze %dma_start3A_44 : memref<1x32768xi32, #tpu.memory_space<hbm>> -> memref<32768xi32, #tpu.memory_space<hbm>>
      %dma_start3A_46 = arith.constant 0 : i32
      %dma_start3A_47 = tpu.memref_slice %arg6[%add3A, %dma_start3A_46] : memref<32x32768xi32, #tpu.memory_space<hbm>> -> memref<1x32768xi32, #tpu.memory_space<hbm>>
      %dma_start3A_48 = tpu.memref_squeeze %dma_start3A_47 : memref<1x32768xi32, #tpu.memory_space<hbm>> -> memref<32768xi32, #tpu.memory_space<hbm>>
      tpu.enqueue_dma source(%arg14 : memref<32768xi32, #tpu.memory_space<vmem>>) target(%dma_start3A_48 : memref<32768xi32, #tpu.memory_space<hbm>>) target_semaphore(%run_scoped3A : memref<!tpu.dma_semaphore, #tpu.memory_space<semaphore_mem>>)
      %dma_wait3A = arith.constant 0 : i32
      %dma_wait3A_49 = tpu.memref_slice %arg6[%add3A, %dma_wait3A] : memref<32x32768xi32, #tpu.memory_space<hbm>> -> memref<1x32768xi32, #tpu.memory_space<hbm>>
      %dma_wait3A_50 = tpu.memref_squeeze %dma_wait3A_49 : memref<1x32768xi32, #tpu.memory_space<hbm>> -> memref<32768xi32, #tpu.memory_space<hbm>>
      %dma_wait3A_51 = arith.constant 0 : i32
      %dma_wait3A_52 = tpu.memref_slice %arg6[%add3A, %dma_wait3A_51] : memref<32x32768xi32, #tpu.memory_space<hbm>> -> memref<1x32768xi32, #tpu.memory_space<hbm>>
      %dma_wait3A_53 = tpu.memref_squeeze %dma_wait3A_52 : memref<1x32768xi32, #tpu.memory_space<hbm>> -> memref<32768xi32, #tpu.memory_space<hbm>>
      tpu.wait_dma2 semaphore(%run_scoped3A : memref<!tpu.dma_semaphore, #tpu.memory_space<semaphore_mem>>) src(%arg14 : memref<32768xi32, #tpu.memory_space<vmem>>) dst(%dma_wait3A_53 : memref<32768xi32, #tpu.memory_space<hbm>>)
      tpu.yield
    }) : () -> ()
    "tpu.region"() ({
      %run_scoped3A = tpu.sem_alloc : memref<!tpu.dma_semaphore, #tpu.memory_space<semaphore_mem>>
      %dma_start3A = arith.constant 0 : i32
      %dma_start3A_44 = tpu.memref_slice %arg7[%add3A, %dma_start3A] : memref<32x16xi32, #tpu.memory_space<hbm>> -> memref<1x16xi32, #tpu.memory_space<hbm>>
      %dma_start3A_45 = tpu.memref_squeeze %dma_start3A_44 : memref<1x16xi32, #tpu.memory_space<hbm>> -> memref<16xi32, #tpu.memory_space<hbm>>
      %dma_start3A_46 = arith.constant 0 : i32
      %dma_start3A_47 = tpu.memref_slice %arg7[%add3A, %dma_start3A_46] : memref<32x16xi32, #tpu.memory_space<hbm>> -> memref<1x16xi32, #tpu.memory_space<hbm>>
      %dma_start3A_48 = tpu.memref_squeeze %dma_start3A_47 : memref<1x16xi32, #tpu.memory_space<hbm>> -> memref<16xi32, #tpu.memory_space<hbm>>
      tpu.enqueue_dma source(%arg15 : memref<16xi32, #tpu.memory_space<vmem>>) target(%dma_start3A_48 : memref<16xi32, #tpu.memory_space<hbm>>) target_semaphore(%run_scoped3A : memref<!tpu.dma_semaphore, #tpu.memory_space<semaphore_mem>>)
      %dma_wait3A = arith.constant 0 : i32
      %dma_wait3A_49 = tpu.memref_slice %arg7[%add3A, %dma_wait3A] : memref<32x16xi32, #tpu.memory_space<hbm>> -> memref<1x16xi32, #tpu.memory_space<hbm>>
      %dma_wait3A_50 = tpu.memref_squeeze %dma_wait3A_49 : memref<1x16xi32, #tpu.memory_space<hbm>> -> memref<16xi32, #tpu.memory_space<hbm>>
      %dma_wait3A_51 = arith.constant 0 : i32
      %dma_wait3A_52 = tpu.memref_slice %arg7[%add3A, %dma_wait3A_51] : memref<32x16xi32, #tpu.memory_space<hbm>> -> memref<1x16xi32, #tpu.memory_space<hbm>>
      %dma_wait3A_53 = tpu.memref_squeeze %dma_wait3A_52 : memref<1x16xi32, #tpu.memory_space<hbm>> -> memref<16xi32, #tpu.memory_space<hbm>>
      tpu.wait_dma2 semaphore(%run_scoped3A : memref<!tpu.dma_semaphore, #tpu.memory_space<semaphore_mem>>) src(%arg15 : memref<16xi32, #tpu.memory_space<vmem>>) dst(%dma_wait3A_53 : memref<16xi32, #tpu.memory_space<hbm>>)
      tpu.yield
    }) : () -> ()
    return
  }
}

#map = affine_map<(d0, d1) -> (0, 0)>
#map1 = affine_map<(d0, d1) -> (0)>
module attributes {stable_mosaic.version = 14 : i64} {
  func.func @_sc_merge(%arg0: i32, %arg1: i32, %arg2: memref<32x32768xi32, #tpu.memory_space<hbm>>, %arg3: memref<32x32768xi32, #tpu.memory_space<hbm>>, %arg4: memref<32x16xi32, #tpu.memory_space<hbm>>, %arg5: memref<32x16xi32, #tpu.memory_space<hbm>>, %arg6: memref<66048xi32, #tpu.memory_space<hbm>>, %arg7: memref<66048xi32, #tpu.memory_space<hbm>>, %arg8: memref<32768xi32, #tpu.memory_space<vmem>>, %arg9: memref<32768xi32, #tpu.memory_space<vmem>>, %arg10: memref<16xi32, #tpu.memory_space<vmem>>, %arg11: memref<16xi32, #tpu.memory_space<vmem>>) attributes {dimension_semantics = [#tpu.dimension_semantics<core_parallel>, #tpu.dimension_semantics<subcore_parallel>], iteration_bounds = array<i64: 2, 16>, scalar_prefetch = 0 : i64, scratch_operands = 4 : i64, tpu.core_type = #tpu.core_type<sc_vector_subcore>, window_params = [{transform_indices = #map}, {transform_indices = #map}, {transform_indices = #map}, {transform_indices = #map}, {transform_indices = #map1}, {transform_indices = #map1}]} {
    %mul3A = arith.constant 2 : i32
    %mul3A_0 = arith.muli %arg1, %mul3A : i32
    %add3A = arith.addi %mul3A_0, %arg0 : i32
    %iota3A = tpu.iota {dimensions = array<i32: 0>} : vector<16xi32>
    "tpu.region"() ({
      %run_scoped3A = tpu.sem_alloc : memref<!tpu.dma_semaphore, #tpu.memory_space<semaphore_mem>>
      %dma_start3A = arith.constant 0 : i32
      %dma_start3A_54 = tpu.memref_slice %arg4[%add3A, %dma_start3A] : memref<32x16xi32, #tpu.memory_space<hbm>> -> memref<1x16xi32, #tpu.memory_space<hbm>>
      %dma_start3A_55 = tpu.memref_squeeze %dma_start3A_54 : memref<1x16xi32, #tpu.memory_space<hbm>> -> memref<16xi32, #tpu.memory_space<hbm>>
      %dma_start3A_56 = arith.constant 0 : i32
      %dma_start3A_57 = tpu.memref_slice %arg4[%add3A, %dma_start3A_56] : memref<32x16xi32, #tpu.memory_space<hbm>> -> memref<1x16xi32, #tpu.memory_space<hbm>>
      %dma_start3A_58 = tpu.memref_squeeze %dma_start3A_57 : memref<1x16xi32, #tpu.memory_space<hbm>> -> memref<16xi32, #tpu.memory_space<hbm>>
      tpu.enqueue_dma source(%dma_start3A_58 : memref<16xi32, #tpu.memory_space<hbm>>) target(%arg10 : memref<16xi32, #tpu.memory_space<vmem>>) target_semaphore(%run_scoped3A : memref<!tpu.dma_semaphore, #tpu.memory_space<semaphore_mem>>)
      %dma_wait3A = arith.constant 0 : i32
      %dma_wait3A_59 = tpu.memref_slice %arg4[%add3A, %dma_wait3A] : memref<32x16xi32, #tpu.memory_space<hbm>> -> memref<1x16xi32, #tpu.memory_space<hbm>>
      %dma_wait3A_60 = tpu.memref_squeeze %dma_wait3A_59 : memref<1x16xi32, #tpu.memory_space<hbm>> -> memref<16xi32, #tpu.memory_space<hbm>>
      %dma_wait3A_61 = arith.constant 0 : i32
      %dma_wait3A_62 = tpu.memref_slice %arg4[%add3A, %dma_wait3A_61] : memref<32x16xi32, #tpu.memory_space<hbm>> -> memref<1x16xi32, #tpu.memory_space<hbm>>
      %dma_wait3A_63 = tpu.memref_squeeze %dma_wait3A_62 : memref<1x16xi32, #tpu.memory_space<hbm>> -> memref<16xi32, #tpu.memory_space<hbm>>
      tpu.wait_dma2 semaphore(%run_scoped3A : memref<!tpu.dma_semaphore, #tpu.memory_space<semaphore_mem>>) src(%dma_wait3A_63 : memref<16xi32, #tpu.memory_space<hbm>>) dst(%arg10 : memref<16xi32, #tpu.memory_space<vmem>>)
      tpu.yield
    }) : () -> ()
    "tpu.region"() ({
      %run_scoped3A = tpu.sem_alloc : memref<!tpu.dma_semaphore, #tpu.memory_space<semaphore_mem>>
      %dma_start3A = arith.constant 0 : i32
      %dma_start3A_54 = tpu.memref_slice %arg5[%add3A, %dma_start3A] : memref<32x16xi32, #tpu.memory_space<hbm>> -> memref<1x16xi32, #tpu.memory_space<hbm>>
      %dma_start3A_55 = tpu.memref_squeeze %dma_start3A_54 : memref<1x16xi32, #tpu.memory_space<hbm>> -> memref<16xi32, #tpu.memory_space<hbm>>
      %dma_start3A_56 = arith.constant 0 : i32
      %dma_start3A_57 = tpu.memref_slice %arg5[%add3A, %dma_start3A_56] : memref<32x16xi32, #tpu.memory_space<hbm>> -> memref<1x16xi32, #tpu.memory_space<hbm>>
      %dma_start3A_58 = tpu.memref_squeeze %dma_start3A_57 : memref<1x16xi32, #tpu.memory_space<hbm>> -> memref<16xi32, #tpu.memory_space<hbm>>
      tpu.enqueue_dma source(%dma_start3A_58 : memref<16xi32, #tpu.memory_space<hbm>>) target(%arg11 : memref<16xi32, #tpu.memory_space<vmem>>) target_semaphore(%run_scoped3A : memref<!tpu.dma_semaphore, #tpu.memory_space<semaphore_mem>>)
      %dma_wait3A = arith.constant 0 : i32
      %dma_wait3A_59 = tpu.memref_slice %arg5[%add3A, %dma_wait3A] : memref<32x16xi32, #tpu.memory_space<hbm>> -> memref<1x16xi32, #tpu.memory_space<hbm>>
      %dma_wait3A_60 = tpu.memref_squeeze %dma_wait3A_59 : memref<1x16xi32, #tpu.memory_space<hbm>> -> memref<16xi32, #tpu.memory_space<hbm>>
      %dma_wait3A_61 = arith.constant 0 : i32
      %dma_wait3A_62 = tpu.memref_slice %arg5[%add3A, %dma_wait3A_61] : memref<32x16xi32, #tpu.memory_space<hbm>> -> memref<1x16xi32, #tpu.memory_space<hbm>>
      %dma_wait3A_63 = tpu.memref_squeeze %dma_wait3A_62 : memref<1x16xi32, #tpu.memory_space<hbm>> -> memref<16xi32, #tpu.memory_space<hbm>>
      tpu.wait_dma2 semaphore(%run_scoped3A : memref<!tpu.dma_semaphore, #tpu.memory_space<semaphore_mem>>) src(%dma_wait3A_63 : memref<16xi32, #tpu.memory_space<hbm>>) dst(%arg11 : memref<16xi32, #tpu.memory_space<vmem>>)
      tpu.yield
    }) : () -> ()
    %get3A = arith.constant 0 : index
    %get3A_1 = tpu.vector_load %arg10[%get3A] {strides = array<i32>} : memref<16xi32, #tpu.memory_space<vmem>>, vector<16xi32>,
    %reduce_max3A = arith.constant true
    %reduce_max3A_2 = vector.broadcast %reduce_max3A : i1 to vector<16xi1>
    %reduce_max3A_3 = arith.constant -2147483648 : i32
    %reduce_max3A_4 = vector.broadcast %reduce_max3A_3 : i32 to vector<16xi32>
    %reduce_max3A_5 = arith.xori %get3A_1, %reduce_max3A_4 : vector<16xi32>
    %reduce_max3A_6 = tpu.scan <max>, %reduce_max3A_5 masked %reduce_max3A_2 : vector<16xi32>, vector<16xi1> -> vector<16xi32>
    %reduce_max3A_7 = arith.xori %reduce_max3A_6, %reduce_max3A_4 : vector<16xi32>
    %reduce_max3A_8 = vector.extract %reduce_max3A_7[15] : i32 from vector<16xi32>
    %get3A_9 = arith.constant 0 : index
    %get3A_10 = tpu.vector_load %arg11[%get3A_9] {strides = array<i32>} : memref<16xi32, #tpu.memory_space<vmem>>, vector<16xi32>,
    %reduce_max3A_11 = arith.constant true
    %reduce_max3A_12 = vector.broadcast %reduce_max3A_11 : i1 to vector<16xi1>
    %reduce_max3A_13 = arith.constant -2147483648 : i32
    %reduce_max3A_14 = vector.broadcast %reduce_max3A_13 : i32 to vector<16xi32>
    %reduce_max3A_15 = arith.xori %get3A_10, %reduce_max3A_14 : vector<16xi32>
    %reduce_max3A_16 = tpu.scan <max>, %reduce_max3A_15 masked %reduce_max3A_12 : vector<16xi32>, vector<16xi1> -> vector<16xi32>
    %reduce_max3A_17 = arith.xori %reduce_max3A_16, %reduce_max3A_14 : vector<16xi32>
    %reduce_max3A_18 = vector.extract %reduce_max3A_17[15] : i32 from vector<16xi32>
    "tpu.region"() ({
      %run_scoped3A = tpu.sem_alloc : memref<!tpu.dma_semaphore, #tpu.memory_space<semaphore_mem>>
      %dma_start3A = arith.constant 0 : i32
      %dma_start3A_54 = tpu.memref_slice %arg2[%add3A, %dma_start3A] : memref<32x32768xi32, #tpu.memory_space<hbm>> -> memref<1x32768xi32, #tpu.memory_space<hbm>>
      %dma_start3A_55 = tpu.memref_squeeze %dma_start3A_54 : memref<1x32768xi32, #tpu.memory_space<hbm>> -> memref<32768xi32, #tpu.memory_space<hbm>>
      %dma_start3A_56 = arith.constant 0 : i32
      %dma_start3A_57 = tpu.memref_slice %arg2[%add3A, %dma_start3A_56] : memref<32x32768xi32, #tpu.memory_space<hbm>> -> memref<1x32768xi32, #tpu.memory_space<hbm>>
      %dma_start3A_58 = tpu.memref_squeeze %dma_start3A_57 : memref<1x32768xi32, #tpu.memory_space<hbm>> -> memref<32768xi32, #tpu.memory_space<hbm>>
      tpu.enqueue_dma source(%dma_start3A_58 : memref<32768xi32, #tpu.memory_space<hbm>>) target(%arg8 : memref<32768xi32, #tpu.memory_space<vmem>>) target_semaphore(%run_scoped3A : memref<!tpu.dma_semaphore, #tpu.memory_space<semaphore_mem>>)
      %dma_wait3A = arith.constant 0 : i32
      %dma_wait3A_59 = tpu.memref_slice %arg2[%add3A, %dma_wait3A] : memref<32x32768xi32, #tpu.memory_space<hbm>> -> memref<1x32768xi32, #tpu.memory_space<hbm>>
      %dma_wait3A_60 = tpu.memref_squeeze %dma_wait3A_59 : memref<1x32768xi32, #tpu.memory_space<hbm>> -> memref<32768xi32, #tpu.memory_space<hbm>>
      %dma_wait3A_61 = arith.constant 0 : i32
      %dma_wait3A_62 = tpu.memref_slice %arg2[%add3A, %dma_wait3A_61] : memref<32x32768xi32, #tpu.memory_space<hbm>> -> memref<1x32768xi32, #tpu.memory_space<hbm>>
      %dma_wait3A_63 = tpu.memref_squeeze %dma_wait3A_62 : memref<1x32768xi32, #tpu.memory_space<hbm>> -> memref<32768xi32, #tpu.memory_space<hbm>>
      tpu.wait_dma2 semaphore(%run_scoped3A : memref<!tpu.dma_semaphore, #tpu.memory_space<semaphore_mem>>) src(%dma_wait3A_63 : memref<32768xi32, #tpu.memory_space<hbm>>) dst(%arg8 : memref<32768xi32, #tpu.memory_space<vmem>>)
      tpu.yield
    }) : () -> ()
    "tpu.region"() ({
      %run_scoped3A = tpu.sem_alloc : memref<!tpu.dma_semaphore, #tpu.memory_space<semaphore_mem>>
      %dma_start3A = arith.constant 0 : i32
      %dma_start3A_54 = tpu.memref_slice %arg3[%add3A, %dma_start3A] : memref<32x32768xi32, #tpu.memory_space<hbm>> -> memref<1x32768xi32, #tpu.memory_space<hbm>>
      %dma_start3A_55 = tpu.memref_squeeze %dma_start3A_54 : memref<1x32768xi32, #tpu.memory_space<hbm>> -> memref<32768xi32, #tpu.memory_space<hbm>>
      %dma_start3A_56 = arith.constant 0 : i32
      %dma_start3A_57 = tpu.memref_slice %arg3[%add3A, %dma_start3A_56] : memref<32x32768xi32, #tpu.memory_space<hbm>> -> memref<1x32768xi32, #tpu.memory_space<hbm>>
      %dma_start3A_58 = tpu.memref_squeeze %dma_start3A_57 : memref<1x32768xi32, #tpu.memory_space<hbm>> -> memref<32768xi32, #tpu.memory_space<hbm>>
      tpu.enqueue_dma source(%dma_start3A_58 : memref<32768xi32, #tpu.memory_space<hbm>>) target(%arg9 : memref<32768xi32, #tpu.memory_space<vmem>>) target_semaphore(%run_scoped3A : memref<!tpu.dma_semaphore, #tpu.memory_space<semaphore_mem>>)
      %dma_wait3A = arith.constant 0 : i32
      %dma_wait3A_59 = tpu.memref_slice %arg3[%add3A, %dma_wait3A] : memref<32x32768xi32, #tpu.memory_space<hbm>> -> memref<1x32768xi32, #tpu.memory_space<hbm>>
      %dma_wait3A_60 = tpu.memref_squeeze %dma_wait3A_59 : memref<1x32768xi32, #tpu.memory_space<hbm>> -> memref<32768xi32, #tpu.memory_space<hbm>>
      %dma_wait3A_61 = arith.constant 0 : i32
      %dma_wait3A_62 = tpu.memref_slice %arg3[%add3A, %dma_wait3A_61] : memref<32x32768xi32, #tpu.memory_space<hbm>> -> memref<1x32768xi32, #tpu.memory_space<hbm>>
      %dma_wait3A_63 = tpu.memref_squeeze %dma_wait3A_62 : memref<1x32768xi32, #tpu.memory_space<hbm>> -> memref<32768xi32, #tpu.memory_space<hbm>>
      tpu.wait_dma2 semaphore(%run_scoped3A : memref<!tpu.dma_semaphore, #tpu.memory_space<semaphore_mem>>) src(%dma_wait3A_63 : memref<32768xi32, #tpu.memory_space<hbm>>) dst(%arg9 : memref<32768xi32, #tpu.memory_space<vmem>>)
      tpu.yield
    }) : () -> ()
    %mul3A_19 = arith.constant 16 : i32
    %mul3A_20 = arith.muli %add3A, %mul3A_19 : i32
    %add3A_21 = arith.constant 65536 : i32
    %add3A_22 = arith.addi %add3A_21, %mul3A_20 : i32
    %add3A_23 = vector.broadcast %add3A_22 : i32 to vector<16xi32>
    %add3A_24 = arith.addi %add3A_23, %iota3A : vector<16xi32>
    %add3A_25 = arith.constant 15 : i32
    %add3A_26 = arith.addi %reduce_max3A_18, %add3A_25 : i32
    %jit3A = arith.constant 16 : i32
    %div3A = arith.divsi %add3A_26, %jit3A : i32
    %sign3A = arith.constant 0 : i32
    %sign3A_27 = arith.cmpi sgt, %add3A_26, %sign3A : i32
    %sign3A_28 = arith.extui %sign3A_27 : i1 to i32
    %sign3A_29 = arith.constant 0 : i32
    %sign3A_30 = arith.cmpi slt, %add3A_26, %sign3A_29 : i32
    %sign3A_31 = arith.extui %sign3A_30 : i1 to i32
    %sign3A_32 = arith.subi %sign3A_28, %sign3A_31 : i32
    %sign3A_33 = arith.constant 0 : i32
    %sign3A_34 = arith.cmpi sgt, %jit3A, %sign3A_33 : i32
    %sign3A_35 = arith.extui %sign3A_34 : i1 to i32
    %sign3A_36 = arith.constant 0 : i32
    %sign3A_37 = arith.cmpi slt, %jit3A, %sign3A_36 : i32
    %sign3A_38 = arith.extui %sign3A_37 : i1 to i32
    %sign3A_39 = arith.subi %sign3A_35, %sign3A_38 : i32
    %ne3A = arith.cmpi ne, %sign3A_32, %sign3A_39 : i32
    %rem3A = arith.remsi %add3A_26, %jit3A : i32
    %ne3A_40 = arith.constant 0 : i32
    %ne3A_41 = arith.cmpi ne, %rem3A, %ne3A_40 : i32
    %and3A = arith.andi %ne3A, %ne3A_41 : i1
    %sub3A = arith.constant 1 : i32
    %sub3A_42 = arith.subi %div3A, %sub3A : i32
    %select_n3A = arith.select %and3A, %sub3A_42, %div3A : i32
    %while3A = arith.constant 0 : i32
    %while3A_43 = arith.constant 0 : i32
    %while3A_44 = arith.subi %select_n3A, %while3A : i32
    %while3A_45 = arith.addi %while3A, %while3A_44 : i32
    %while3A_46 = arith.constant 1 : i32
    %while3A_47 = arith.divsi %while3A_44, %while3A_46 : i32
    %while3A_48 = arith.muli %while3A_47, %while3A_46 : i32
    %while3A_49 = arith.addi %while3A, %while3A_48 : i32
    %while3A_50 = arith.constant 1 : i32
    %while3A_51 = scf.for %while3A_54 = %while3A to %while3A_49 step %while3A_50 iter_args(%while3A_55 = %while3A_43) -> (i32)  : i32 {
      %mul3A_56 = arith.constant 16 : i32
      %mul3A_57 = arith.muli %while3A_54, %mul3A_56 : i32
      %add3A_58 = vector.broadcast %mul3A_57 : i32 to vector<16xi32>
      %add3A_59 = arith.addi %add3A_58, %iota3A : vector<16xi32>
      %add3A_60 = vector.broadcast %reduce_max3A_8 : i32 to vector<16xi32>
      %add3A_61 = arith.addi %add3A_60, %add3A_59 : vector<16xi32>
      %lt3A = vector.broadcast %reduce_max3A_18 : i32 to vector<16xi32>
      %lt3A_62 = arith.cmpi slt, %add3A_59, %lt3A : vector<16xi32>
      %lt3A_63 = arith.constant 65536 : i32
      %lt3A_64 = vector.broadcast %lt3A_63 : i32 to vector<16xi32>
      %lt3A_65 = arith.cmpi slt, %add3A_61, %lt3A_64 : vector<16xi32>
      %and3A_66 = arith.andi %lt3A_62, %lt3A_65 : vector<16xi1>
      %select_n3A_67 = arith.select %and3A_66, %add3A_61, %add3A_24 : vector<16xi1>, vector<16xi32>
      %mul3A_68 = arith.constant 16 : i32
      %mul3A_69 = arith.muli %while3A_54, %mul3A_68 : i32
      "tpu.region"() ({
        %run_scoped3A = tpu.sem_alloc : memref<!tpu.dma_semaphore, #tpu.memory_space<semaphore_mem>>
        %dma_start3A = tpu.memref_slice %arg8[%mul3A_69] : memref<32768xi32, #tpu.memory_space<vmem>> -> memref<16xi32, #tpu.memory_space<vmem>>
        %dma_start3A_73 = arith.constant 0 : i32
        %dma_start3A_74 = tpu.memref_slice %arg6[%dma_start3A_73] : memref<66048xi32, #tpu.memory_space<hbm>> -> memref<66048xi32, #tpu.memory_space<hbm>>
        tpu.enqueue_indirect_dma source(%dma_start3A : memref<16xi32, #tpu.memory_space<vmem>>) target(%dma_start3A_74 : memref<66048xi32, #tpu.memory_space<hbm>>) offsets(%select_n3A_67 : vector<16xi32>) semaphore(%run_scoped3A : memref<!tpu.dma_semaphore, #tpu.memory_space<semaphore_mem>>)
        %dma_wait3A = tpu.memref_slice %arg8[%mul3A_69] : memref<32768xi32, #tpu.memory_space<vmem>> -> memref<16xi32, #tpu.memory_space<vmem>>
        %dma_wait3A_75 = arith.constant 0 : i32
        %dma_wait3A_76 = tpu.memref_slice %arg6[%dma_wait3A_75] : memref<66048xi32, #tpu.memory_space<hbm>> -> memref<66048xi32, #tpu.memory_space<hbm>>
        tpu.wait_indirect_dma semaphore(%run_scoped3A : memref<!tpu.dma_semaphore, #tpu.memory_space<semaphore_mem>>) src(%dma_wait3A : memref<16xi32, #tpu.memory_space<vmem>>) dst(%dma_wait3A_76 : memref<66048xi32, #tpu.memory_space<hbm>>)
        tpu.yield
      }) : () -> ()
      %mul3A_70 = arith.constant 16 : i32
      %mul3A_71 = arith.muli %while3A_54, %mul3A_70 : i32
      "tpu.region"() ({
        %run_scoped3A = tpu.sem_alloc : memref<!tpu.dma_semaphore, #tpu.memory_space<semaphore_mem>>
        %dma_start3A = tpu.memref_slice %arg9[%mul3A_71] : memref<32768xi32, #tpu.memory_space<vmem>> -> memref<16xi32, #tpu.memory_space<vmem>>
        %dma_start3A_73 = arith.constant 0 : i32
        %dma_start3A_74 = tpu.memref_slice %arg7[%dma_start3A_73] : memref<66048xi32, #tpu.memory_space<hbm>> -> memref<66048xi32, #tpu.memory_space<hbm>>
        tpu.enqueue_indirect_dma source(%dma_start3A : memref<16xi32, #tpu.memory_space<vmem>>) target(%dma_start3A_74 : memref<66048xi32, #tpu.memory_space<hbm>>) offsets(%select_n3A_67 : vector<16xi32>) semaphore(%run_scoped3A : memref<!tpu.dma_semaphore, #tpu.memory_space<semaphore_mem>>)
        %dma_wait3A = tpu.memref_slice %arg9[%mul3A_71] : memref<32768xi32, #tpu.memory_space<vmem>> -> memref<16xi32, #tpu.memory_space<vmem>>
        %dma_wait3A_75 = arith.constant 0 : i32
        %dma_wait3A_76 = tpu.memref_slice %arg7[%dma_wait3A_75] : memref<66048xi32, #tpu.memory_space<hbm>> -> memref<66048xi32, #tpu.memory_space<hbm>>
        tpu.wait_indirect_dma semaphore(%run_scoped3A : memref<!tpu.dma_semaphore, #tpu.memory_space<semaphore_mem>>) src(%dma_wait3A : memref<16xi32, #tpu.memory_space<vmem>>) dst(%dma_wait3A_76 : memref<66048xi32, #tpu.memory_space<hbm>>)
        tpu.yield
      }) : () -> ()
      %while3A_72 = arith.constant 0 : i32
      scf.yield %while3A_72 : i32
    }
    %while3A_52 = arith.constant 1 : i32
    %while3A_53 = scf.for %while3A_54 = %while3A_49 to %while3A_45 step %while3A_52 iter_args(%while3A_55 = %while3A_51) -> (i32)  : i32 {
      %mul3A_56 = arith.constant 16 : i32
      %mul3A_57 = arith.muli %while3A_54, %mul3A_56 : i32
      %add3A_58 = vector.broadcast %mul3A_57 : i32 to vector<16xi32>
      %add3A_59 = arith.addi %add3A_58, %iota3A : vector<16xi32>
      %add3A_60 = vector.broadcast %reduce_max3A_8 : i32 to vector<16xi32>
      %add3A_61 = arith.addi %add3A_60, %add3A_59 : vector<16xi32>
      %lt3A = vector.broadcast %reduce_max3A_18 : i32 to vector<16xi32>
      %lt3A_62 = arith.cmpi slt, %add3A_59, %lt3A : vector<16xi32>
      %lt3A_63 = arith.constant 65536 : i32
      %lt3A_64 = vector.broadcast %lt3A_63 : i32 to vector<16xi32>
      %lt3A_65 = arith.cmpi slt, %add3A_61, %lt3A_64 : vector<16xi32>
      %and3A_66 = arith.andi %lt3A_62, %lt3A_65 : vector<16xi1>
      %select_n3A_67 = arith.select %and3A_66, %add3A_61, %add3A_24 : vector<16xi1>, vector<16xi32>
      %mul3A_68 = arith.constant 16 : i32
      %mul3A_69 = arith.muli %while3A_54, %mul3A_68 : i32
      "tpu.region"() ({
        %run_scoped3A = tpu.sem_alloc : memref<!tpu.dma_semaphore, #tpu.memory_space<semaphore_mem>>
        %dma_start3A = tpu.memref_slice %arg8[%mul3A_69] : memref<32768xi32, #tpu.memory_space<vmem>> -> memref<16xi32, #tpu.memory_space<vmem>>
        %dma_start3A_73 = arith.constant 0 : i32
        %dma_start3A_74 = tpu.memref_slice %arg6[%dma_start3A_73] : memref<66048xi32, #tpu.memory_space<hbm>> -> memref<66048xi32, #tpu.memory_space<hbm>>
        tpu.enqueue_indirect_dma source(%dma_start3A : memref<16xi32, #tpu.memory_space<vmem>>) target(%dma_start3A_74 : memref<66048xi32, #tpu.memory_space<hbm>>) offsets(%select_n3A_67 : vector<16xi32>) semaphore(%run_scoped3A : memref<!tpu.dma_semaphore, #tpu.memory_space<semaphore_mem>>)
        %dma_wait3A = tpu.memref_slice %arg8[%mul3A_69] : memref<32768xi32, #tpu.memory_space<vmem>> -> memref<16xi32, #tpu.memory_space<vmem>>
        %dma_wait3A_75 = arith.constant 0 : i32
        %dma_wait3A_76 = tpu.memref_slice %arg6[%dma_wait3A_75] : memref<66048xi32, #tpu.memory_space<hbm>> -> memref<66048xi32, #tpu.memory_space<hbm>>
        tpu.wait_indirect_dma semaphore(%run_scoped3A : memref<!tpu.dma_semaphore, #tpu.memory_space<semaphore_mem>>) src(%dma_wait3A : memref<16xi32, #tpu.memory_space<vmem>>) dst(%dma_wait3A_76 : memref<66048xi32, #tpu.memory_space<hbm>>)
        tpu.yield
      }) : () -> ()
      %mul3A_70 = arith.constant 16 : i32
      %mul3A_71 = arith.muli %while3A_54, %mul3A_70 : i32
      "tpu.region"() ({
        %run_scoped3A = tpu.sem_alloc : memref<!tpu.dma_semaphore, #tpu.memory_space<semaphore_mem>>
        %dma_start3A = tpu.memref_slice %arg9[%mul3A_71] : memref<32768xi32, #tpu.memory_space<vmem>> -> memref<16xi32, #tpu.memory_space<vmem>>
        %dma_start3A_73 = arith.constant 0 : i32
        %dma_start3A_74 = tpu.memref_slice %arg7[%dma_start3A_73] : memref<66048xi32, #tpu.memory_space<hbm>> -> memref<66048xi32, #tpu.memory_space<hbm>>
        tpu.enqueue_indirect_dma source(%dma_start3A : memref<16xi32, #tpu.memory_space<vmem>>) target(%dma_start3A_74 : memref<66048xi32, #tpu.memory_space<hbm>>) offsets(%select_n3A_67 : vector<16xi32>) semaphore(%run_scoped3A : memref<!tpu.dma_semaphore, #tpu.memory_space<semaphore_mem>>)
        %dma_wait3A = tpu.memref_slice %arg9[%mul3A_71] : memref<32768xi32, #tpu.memory_space<vmem>> -> memref<16xi32, #tpu.memory_space<vmem>>
        %dma_wait3A_75 = arith.constant 0 : i32
        %dma_wait3A_76 = tpu.memref_slice %arg7[%dma_wait3A_75] : memref<66048xi32, #tpu.memory_space<hbm>> -> memref<66048xi32, #tpu.memory_space<hbm>>
        tpu.wait_indirect_dma semaphore(%run_scoped3A : memref<!tpu.dma_semaphore, #tpu.memory_space<semaphore_mem>>) src(%dma_wait3A : memref<16xi32, #tpu.memory_space<vmem>>) dst(%dma_wait3A_76 : memref<66048xi32, #tpu.memory_space<hbm>>)
        tpu.yield
      }) : () -> ()
      %while3A_72 = arith.constant 0 : i32
      scf.yield %while3A_72 : i32
    }
    return
  }
}

module attributes {stable_mosaic.version = 14 : i64} {
  func.func @_logits_kernel(%arg0: i32, %arg1: memref<512x64xf32, #tpu.memory_space<vmem>>, %arg2: memref<5120x64xf32, #tpu.memory_space<vmem>>, %arg3: memref<512x5120xi32, #tpu.memory_space<vmem>>, %arg4: memref<512x40xi32, #tpu.memory_space<vmem>>) attributes {dimension_semantics = [#tpu.dimension_semantics<arbitrary>], iteration_bounds = array<i64: 10>, scalar_prefetch = 0 : i64, scratch_operands = 0 : i64, tpu.core_type = #tpu.core_type<tc>, window_params = [{transform_indices = @transform_0, window_bounds = array<i64: 512, 64>}, {pipeline_mode = #tpu.pipeline_mode<synchronous>, transform_indices = @transform_1, window_bounds = array<i64: 5120, 64>}, {transform_indices = @transform_2, window_bounds = array<i64: 512, 5120>}, {transform_indices = @transform_3, window_bounds = array<i64: 512, 40>}]} {
    %get3A = arith.constant 0 : index
    %get3A_0 = arith.constant 0 : index
    %get3A_1 = vector.load %arg1[%get3A, %get3A_0] : memref<512x64xf32, #tpu.memory_space<vmem>>, vector<512x64xf32>
    %get3A_2 = arith.constant 0 : index
    %get3A_3 = arith.constant 0 : index
    %get3A_4 = vector.load %arg2[%get3A_2, %get3A_3] : memref<5120x64xf32, #tpu.memory_space<vmem>>, vector<5120x64xf32>
    %dot_general3A = arith.constant dense<0.000000e+00> : vector<512x5120xf32>
    %dot_general3A_5 = tpu.matmul %get3A_1, %get3A_4, %dot_general3A {dimension_numbers = #tpu.dot_dimension_numbers<[1], [1], [0], [0], [0, 0, 1, 0], [], []>, transpose_lhs_hint = false} : vector<512x64xf32>, vector<5120x64xf32>, vector<512x5120xf32> -> vector<512x5120xf32>
    %iota3A = tpu.iota {dimensions = array<i32: 0>} : vector<512x5120xi32>
    %mul3A = arith.constant 512 : i32
    %mul3A_6 = arith.muli %arg0, %mul3A : i32
    %add3A = vector.broadcast %mul3A_6 : i32 to vector<512x5120xi32>
    %add3A_7 = arith.addi %iota3A, %add3A : vector<512x5120xi32>
    %iota3A_8 = tpu.iota {dimensions = array<i32: 1>} : vector<512x5120xi32>
    %eq3A = arith.cmpi eq, %add3A_7, %iota3A_8 : vector<512x5120xi32>
    %ge3A = arith.constant 5000 : i32
    %ge3A_9 = vector.broadcast %ge3A : i32 to vector<512x5120xi32>
    %ge3A_10 = arith.cmpi sge, %add3A_7, %ge3A_9 : vector<512x5120xi32>
    %or3A = arith.ori %eq3A, %ge3A_10 : vector<512x5120xi1>
    %ge3A_11 = arith.constant 5000 : i32
    %ge3A_12 = vector.broadcast %ge3A_11 : i32 to vector<512x5120xi32>
    %ge3A_13 = arith.cmpi sge, %iota3A_8, %ge3A_12 : vector<512x5120xi32>
    %or3A_14 = arith.ori %or3A, %ge3A_13 : vector<512x5120xi1>
    %jit3A = arith.constant 0xFF800000 : f32
    %broadcast_in_dim3A = vector.broadcast %jit3A : f32 to vector<512x5120xf32>
    %select_n3A = arith.select %or3A_14, %broadcast_in_dim3A, %dot_general3A_5 : vector<512x5120xi1>, vector<512x5120xf32>
    %bitcast_convert_type3A = tpu.bitcast %select_n3A : vector<512x5120xf32> -> vector<512x5120xi32>
    %ge3A_15 = arith.constant -2147483648 : i32
    %ge3A_16 = vector.broadcast %ge3A_15 : i32 to vector<512x5120xi32>
    %ge3A_17 = arith.cmpi uge, %bitcast_convert_type3A, %ge3A_16 : vector<512x5120xi32>
    %not3A = arith.constant dense<-1> : vector<512x5120xi32>
    %not3A_18 = arith.xori %bitcast_convert_type3A, %not3A : vector<512x5120xi32>
    %or3A_19 = arith.constant -2147483648 : i32
    %or3A_20 = vector.broadcast %or3A_19 : i32 to vector<512x5120xi32>
    %or3A_21 = arith.ori %bitcast_convert_type3A, %or3A_20 : vector<512x5120xi32>
    %select_n3A_22 = arith.select %ge3A_17, %not3A_18, %or3A_21 : vector<512x5120xi1>, vector<512x5120xi32>
    %swap3A = arith.constant 0 : index
    %swap3A_23 = arith.constant 0 : index
    %swap3A_24 = vector.load %arg3[%swap3A, %swap3A_23] : memref<512x5120xi32, #tpu.memory_space<vmem>>, vector<512x5120xi32>
    tpu.vector_store %arg3[%swap3A, %swap3A_23], %select_n3A_22 {strides = array<i32>} : memref<512x5120xi32, #tpu.memory_space<vmem>>, vector<512x5120xi32>,
    %slice3A = vector.extract_strided_slice %select_n3A {offsets = [0, 0], sizes = [512, 128], strides = [1, 1]} : vector<512x5120xf32> to vector<512x128xf32>
    %reduce_max3A = arith.constant dense<0xFF800000> : vector<512xf32>
    %reduce_max3A_25 = vector.multi_reduction <maximumf>, %slice3A, %reduce_max3A [1] : vector<512x128xf32> to vector<512xf32>
    %broadcast_in_dim3A_26 = vector.shape_cast %reduce_max3A_25 : vector<512xf32> to vector<512x1xf32>
    %bitcast_convert_type3A_27 = tpu.bitcast %broadcast_in_dim3A_26 : vector<512x1xf32> -> vector<512x1xi32>
    %ge3A_28 = arith.constant -2147483648 : i32
    %ge3A_29 = vector.broadcast %ge3A_28 : i32 to vector<512x1xi32>
    %ge3A_30 = arith.cmpi uge, %bitcast_convert_type3A_27, %ge3A_29 : vector<512x1xi32>
    %not3A_31 = arith.constant dense<-1> : vector<512x1xi32>
    %not3A_32 = arith.xori %bitcast_convert_type3A_27, %not3A_31 : vector<512x1xi32>
    %or3A_33 = arith.constant -2147483648 : i32
    %or3A_34 = vector.broadcast %or3A_33 : i32 to vector<512x1xi32>
    %or3A_35 = arith.ori %bitcast_convert_type3A_27, %or3A_34 : vector<512x1xi32>
    %select_n3A_36 = arith.select %ge3A_30, %not3A_32, %or3A_35 : vector<512x1xi1>, vector<512x1xi32>
    %swap3A_37 = arith.constant 0 : index
    %swap3A_38 = arith.constant 0 : index
    %swap3A_39 = vector.load %arg4[%swap3A_37, %swap3A_38] : memref<512x40xi32, #tpu.memory_space<vmem>>, vector<512x1xi32>
    tpu.vector_store %arg4[%swap3A_37, %swap3A_38], %select_n3A_36 {strides = array<i32>} : memref<512x40xi32, #tpu.memory_space<vmem>>, vector<512x1xi32>,
    %slice3A_40 = vector.extract_strided_slice %select_n3A {offsets = [0, 128], sizes = [512, 128], strides = [1, 1]} : vector<512x5120xf32> to vector<512x128xf32>
    %reduce_max3A_41 = arith.constant dense<0xFF800000> : vector<512xf32>
    %reduce_max3A_42 = vector.multi_reduction <maximumf>, %slice3A_40, %reduce_max3A_41 [1] : vector<512x128xf32> to vector<512xf32>
    %broadcast_in_dim3A_43 = vector.shape_cast %reduce_max3A_42 : vector<512xf32> to vector<512x1xf32>
    %bitcast_convert_type3A_44 = tpu.bitcast %broadcast_in_dim3A_43 : vector<512x1xf32> -> vector<512x1xi32>
    %ge3A_45 = arith.constant -2147483648 : i32
    %ge3A_46 = vector.broadcast %ge3A_45 : i32 to vector<512x1xi32>
    %ge3A_47 = arith.cmpi uge, %bitcast_convert_type3A_44, %ge3A_46 : vector<512x1xi32>
    %not3A_48 = arith.constant dense<-1> : vector<512x1xi32>
    %not3A_49 = arith.xori %bitcast_convert_type3A_44, %not3A_48 : vector<512x1xi32>
    %or3A_50 = arith.constant -2147483648 : i32
    %or3A_51 = vector.broadcast %or3A_50 : i32 to vector<512x1xi32>
    %or3A_52 = arith.ori %bitcast_convert_type3A_44, %or3A_51 : vector<512x1xi32>
    %select_n3A_53 = arith.select %ge3A_47, %not3A_49, %or3A_52 : vector<512x1xi1>, vector<512x1xi32>
    %swap3A_54 = arith.constant 0 : index
    %swap3A_55 = arith.constant 1 : index
    %swap3A_56 = vector.load %arg4[%swap3A_54, %swap3A_55] : memref<512x40xi32, #tpu.memory_space<vmem>>, vector<512x1xi32>
    tpu.vector_store %arg4[%swap3A_54, %swap3A_55], %select_n3A_53 {strides = array<i32>} : memref<512x40xi32, #tpu.memory_space<vmem>>, vector<512x1xi32>,
    %slice3A_57 = vector.extract_strided_slice %select_n3A {offsets = [0, 256], sizes = [512, 128], strides = [1, 1]} : vector<512x5120xf32> to vector<512x128xf32>
    %reduce_max3A_58 = arith.constant dense<0xFF800000> : vector<512xf32>
    %reduce_max3A_59 = vector.multi_reduction <maximumf>, %slice3A_57, %reduce_max3A_58 [1] : vector<512x128xf32> to vector<512xf32>
    %broadcast_in_dim3A_60 = vector.shape_cast %reduce_max3A_59 : vector<512xf32> to vector<512x1xf32>
    %bitcast_convert_type3A_61 = tpu.bitcast %broadcast_in_dim3A_60 : vector<512x1xf32> -> vector<512x1xi32>
    %ge3A_62 = arith.constant -2147483648 : i32
    %ge3A_63 = vector.broadcast %ge3A_62 : i32 to vector<512x1xi32>
    %ge3A_64 = arith.cmpi uge, %bitcast_convert_type3A_61, %ge3A_63 : vector<512x1xi32>
    %not3A_65 = arith.constant dense<-1> : vector<512x1xi32>
    %not3A_66 = arith.xori %bitcast_convert_type3A_61, %not3A_65 : vector<512x1xi32>
    %or3A_67 = arith.constant -2147483648 : i32
    %or3A_68 = vector.broadcast %or3A_67 : i32 to vector<512x1xi32>
    %or3A_69 = arith.ori %bitcast_convert_type3A_61, %or3A_68 : vector<512x1xi32>
    %select_n3A_70 = arith.select %ge3A_64, %not3A_66, %or3A_69 : vector<512x1xi1>, vector<512x1xi32>
    %swap3A_71 = arith.constant 0 : index
    %swap3A_72 = arith.constant 2 : index
    %swap3A_73 = vector.load %arg4[%swap3A_71, %swap3A_72] : memref<512x40xi32, #tpu.memory_space<vmem>>, vector<512x1xi32>
    tpu.vector_store %arg4[%swap3A_71, %swap3A_72], %select_n3A_70 {strides = array<i32>} : memref<512x40xi32, #tpu.memory_space<vmem>>, vector<512x1xi32>,
    %slice3A_74 = vector.extract_strided_slice %select_n3A {offsets = [0, 384], sizes = [512, 128], strides = [1, 1]} : vector<512x5120xf32> to vector<512x128xf32>
    %reduce_max3A_75 = arith.constant dense<0xFF800000> : vector<512xf32>
    %reduce_max3A_76 = vector.multi_reduction <maximumf>, %slice3A_74, %reduce_max3A_75 [1] : vector<512x128xf32> to vector<512xf32>
    %broadcast_in_dim3A_77 = vector.shape_cast %reduce_max3A_76 : vector<512xf32> to vector<512x1xf32>
    %bitcast_convert_type3A_78 = tpu.bitcast %broadcast_in_dim3A_77 : vector<512x1xf32> -> vector<512x1xi32>
    %ge3A_79 = arith.constant -2147483648 : i32
    %ge3A_80 = vector.broadcast %ge3A_79 : i32 to vector<512x1xi32>
    %ge3A_81 = arith.cmpi uge, %bitcast_convert_type3A_78, %ge3A_80 : vector<512x1xi32>
    %not3A_82 = arith.constant dense<-1> : vector<512x1xi32>
    %not3A_83 = arith.xori %bitcast_convert_type3A_78, %not3A_82 : vector<512x1xi32>
    %or3A_84 = arith.constant -2147483648 : i32
    %or3A_85 = vector.broadcast %or3A_84 : i32 to vector<512x1xi32>
    %or3A_86 = arith.ori %bitcast_convert_type3A_78, %or3A_85 : vector<512x1xi32>
    %select_n3A_87 = arith.select %ge3A_81, %not3A_83, %or3A_86 : vector<512x1xi1>, vector<512x1xi32>
    %swap3A_88 = arith.constant 0 : index
    %swap3A_89 = arith.constant 3 : index
    %swap3A_90 = vector.load %arg4[%swap3A_88, %swap3A_89] : memref<512x40xi32, #tpu.memory_space<vmem>>, vector<512x1xi32>
    tpu.vector_store %arg4[%swap3A_88, %swap3A_89], %select_n3A_87 {strides = array<i32>} : memref<512x40xi32, #tpu.memory_space<vmem>>, vector<512x1xi32>,
    %slice3A_91 = vector.extract_strided_slice %select_n3A {offsets = [0, 512], sizes = [512, 128], strides = [1, 1]} : vector<512x5120xf32> to vector<512x128xf32>
    %reduce_max3A_92 = arith.constant dense<0xFF800000> : vector<512xf32>
    %reduce_max3A_93 = vector.multi_reduction <maximumf>, %slice3A_91, %reduce_max3A_92 [1] : vector<512x128xf32> to vector<512xf32>
    %broadcast_in_dim3A_94 = vector.shape_cast %reduce_max3A_93 : vector<512xf32> to vector<512x1xf32>
    %bitcast_convert_type3A_95 = tpu.bitcast %broadcast_in_dim3A_94 : vector<512x1xf32> -> vector<512x1xi32>
    %ge3A_96 = arith.constant -2147483648 : i32
    %ge3A_97 = vector.broadcast %ge3A_96 : i32 to vector<512x1xi32>
    %ge3A_98 = arith.cmpi uge, %bitcast_convert_type3A_95, %ge3A_97 : vector<512x1xi32>
    %not3A_99 = arith.constant dense<-1> : vector<512x1xi32>
    %not3A_100 = arith.xori %bitcast_convert_type3A_95, %not3A_99 : vector<512x1xi32>
    %or3A_101 = arith.constant -2147483648 : i32
    %or3A_102 = vector.broadcast %or3A_101 : i32 to vector<512x1xi32>
    %or3A_103 = arith.ori %bitcast_convert_type3A_95, %or3A_102 : vector<512x1xi32>
    %select_n3A_104 = arith.select %ge3A_98, %not3A_100, %or3A_103 : vector<512x1xi1>, vector<512x1xi32>
    %swap3A_105 = arith.constant 0 : index
    %swap3A_106 = arith.constant 4 : index
    %swap3A_107 = vector.load %arg4[%swap3A_105, %swap3A_106] : memref<512x40xi32, #tpu.memory_space<vmem>>, vector<512x1xi32>
    tpu.vector_store %arg4[%swap3A_105, %swap3A_106], %select_n3A_104 {strides = array<i32>} : memref<512x40xi32, #tpu.memory_space<vmem>>, vector<512x1xi32>,
    %slice3A_108 = vector.extract_strided_slice %select_n3A {offsets = [0, 640], sizes = [512, 128], strides = [1, 1]} : vector<512x5120xf32> to vector<512x128xf32>
    %reduce_max3A_109 = arith.constant dense<0xFF800000> : vector<512xf32>
    %reduce_max3A_110 = vector.multi_reduction <maximumf>, %slice3A_108, %reduce_max3A_109 [1] : vector<512x128xf32> to vector<512xf32>
    %broadcast_in_dim3A_111 = vector.shape_cast %reduce_max3A_110 : vector<512xf32> to vector<512x1xf32>
    %bitcast_convert_type3A_112 = tpu.bitcast %broadcast_in_dim3A_111 : vector<512x1xf32> -> vector<512x1xi32>
    %ge3A_113 = arith.constant -2147483648 : i32
    %ge3A_114 = vector.broadcast %ge3A_113 : i32 to vector<512x1xi32>
    %ge3A_115 = arith.cmpi uge, %bitcast_convert_type3A_112, %ge3A_114 : vector<512x1xi32>
    %not3A_116 = arith.constant dense<-1> : vector<512x1xi32>
    %not3A_117 = arith.xori %bitcast_convert_type3A_112, %not3A_116 : vector<512x1xi32>
    %or3A_118 = arith.constant -2147483648 : i32
    %or3A_119 = vector.broadcast %or3A_118 : i32 to vector<512x1xi32>
    %or3A_120 = arith.ori %bitcast_convert_type3A_112, %or3A_119 : vector<512x1xi32>
    %select_n3A_121 = arith.select %ge3A_115, %not3A_117, %or3A_120 : vector<512x1xi1>, vector<512x1xi32>
    %swap3A_122 = arith.constant 0 : index
    %swap3A_123 = arith.constant 5 : index
    %swap3A_124 = vector.load %arg4[%swap3A_122, %swap3A_123] : memref<512x40xi32, #tpu.memory_space<vmem>>, vector<512x1xi32>
    tpu.vector_store %arg4[%swap3A_122, %swap3A_123], %select_n3A_121 {strides = array<i32>} : memref<512x40xi32, #tpu.memory_space<vmem>>, vector<512x1xi32>,
    %slice3A_125 = vector.extract_strided_slice %select_n3A {offsets = [0, 768], sizes = [512, 128], strides = [1, 1]} : vector<512x5120xf32> to vector<512x128xf32>
    %reduce_max3A_126 = arith.constant dense<0xFF800000> : vector<512xf32>
    %reduce_max3A_127 = vector.multi_reduction <maximumf>, %slice3A_125, %reduce_max3A_126 [1] : vector<512x128xf32> to vector<512xf32>
    %broadcast_in_dim3A_128 = vector.shape_cast %reduce_max3A_127 : vector<512xf32> to vector<512x1xf32>
    %bitcast_convert_type3A_129 = tpu.bitcast %broadcast_in_dim3A_128 : vector<512x1xf32> -> vector<512x1xi32>
    %ge3A_130 = arith.constant -2147483648 : i32
    %ge3A_131 = vector.broadcast %ge3A_130 : i32 to vector<512x1xi32>
    %ge3A_132 = arith.cmpi uge, %bitcast_convert_type3A_129, %ge3A_131 : vector<512x1xi32>
    %not3A_133 = arith.constant dense<-1> : vector<512x1xi32>
    %not3A_134 = arith.xori %bitcast_convert_type3A_129, %not3A_133 : vector<512x1xi32>
    %or3A_135 = arith.constant -2147483648 : i32
    %or3A_136 = vector.broadcast %or3A_135 : i32 to vector<512x1xi32>
    %or3A_137 = arith.ori %bitcast_convert_type3A_129, %or3A_136 : vector<512x1xi32>
    %select_n3A_138 = arith.select %ge3A_132, %not3A_134, %or3A_137 : vector<512x1xi1>, vector<512x1xi32>
    %swap3A_139 = arith.constant 0 : index
    %swap3A_140 = arith.constant 6 : index
    %swap3A_141 = vector.load %arg4[%swap3A_139, %swap3A_140] : memref<512x40xi32, #tpu.memory_space<vmem>>, vector<512x1xi32>
    tpu.vector_store %arg4[%swap3A_139, %swap3A_140], %select_n3A_138 {strides = array<i32>} : memref<512x40xi32, #tpu.memory_space<vmem>>, vector<512x1xi32>,
    %slice3A_142 = vector.extract_strided_slice %select_n3A {offsets = [0, 896], sizes = [512, 128], strides = [1, 1]} : vector<512x5120xf32> to vector<512x128xf32>
    %reduce_max3A_143 = arith.constant dense<0xFF800000> : vector<512xf32>
    %reduce_max3A_144 = vector.multi_reduction <maximumf>, %slice3A_142, %reduce_max3A_143 [1] : vector<512x128xf32> to vector<512xf32>
    %broadcast_in_dim3A_145 = vector.shape_cast %reduce_max3A_144 : vector<512xf32> to vector<512x1xf32>
    %bitcast_convert_type3A_146 = tpu.bitcast %broadcast_in_dim3A_145 : vector<512x1xf32> -> vector<512x1xi32>
    %ge3A_147 = arith.constant -2147483648 : i32
    %ge3A_148 = vector.broadcast %ge3A_147 : i32 to vector<512x1xi32>
    %ge3A_149 = arith.cmpi uge, %bitcast_convert_type3A_146, %ge3A_148 : vector<512x1xi32>
    %not3A_150 = arith.constant dense<-1> : vector<512x1xi32>
    %not3A_151 = arith.xori %bitcast_convert_type3A_146, %not3A_150 : vector<512x1xi32>
    %or3A_152 = arith.constant -2147483648 : i32
    %or3A_153 = vector.broadcast %or3A_152 : i32 to vector<512x1xi32>
    %or3A_154 = arith.ori %bitcast_convert_type3A_146, %or3A_153 : vector<512x1xi32>
    %select_n3A_155 = arith.select %ge3A_149, %not3A_151, %or3A_154 : vector<512x1xi1>, vector<512x1xi32>
    %swap3A_156 = arith.constant 0 : index
    %swap3A_157 = arith.constant 7 : index
    %swap3A_158 = vector.load %arg4[%swap3A_156, %swap3A_157] : memref<512x40xi32, #tpu.memory_space<vmem>>, vector<512x1xi32>
    tpu.vector_store %arg4[%swap3A_156, %swap3A_157], %select_n3A_155 {strides = array<i32>} : memref<512x40xi32, #tpu.memory_space<vmem>>, vector<512x1xi32>,
    %slice3A_159 = vector.extract_strided_slice %select_n3A {offsets = [0, 1024], sizes = [512, 128], strides = [1, 1]} : vector<512x5120xf32> to vector<512x128xf32>
    %reduce_max3A_160 = arith.constant dense<0xFF800000> : vector<512xf32>
    %reduce_max3A_161 = vector.multi_reduction <maximumf>, %slice3A_159, %reduce_max3A_160 [1] : vector<512x128xf32> to vector<512xf32>
    %broadcast_in_dim3A_162 = vector.shape_cast %reduce_max3A_161 : vector<512xf32> to vector<512x1xf32>
    %bitcast_convert_type3A_163 = tpu.bitcast %broadcast_in_dim3A_162 : vector<512x1xf32> -> vector<512x1xi32>
    %ge3A_164 = arith.constant -2147483648 : i32
    %ge3A_165 = vector.broadcast %ge3A_164 : i32 to vector<512x1xi32>
    %ge3A_166 = arith.cmpi uge, %bitcast_convert_type3A_163, %ge3A_165 : vector<512x1xi32>
    %not3A_167 = arith.constant dense<-1> : vector<512x1xi32>
    %not3A_168 = arith.xori %bitcast_convert_type3A_163, %not3A_167 : vector<512x1xi32>
    %or3A_169 = arith.constant -2147483648 : i32
    %or3A_170 = vector.broadcast %or3A_169 : i32 to vector<512x1xi32>
    %or3A_171 = arith.ori %bitcast_convert_type3A_163, %or3A_170 : vector<512x1xi32>
    %select_n3A_172 = arith.select %ge3A_166, %not3A_168, %or3A_171 : vector<512x1xi1>, vector<512x1xi32>
    %swap3A_173 = arith.constant 0 : index
    %swap3A_174 = arith.constant 8 : index
    %swap3A_175 = vector.load %arg4[%swap3A_173, %swap3A_174] : memref<512x40xi32, #tpu.memory_space<vmem>>, vector<512x1xi32>
    tpu.vector_store %arg4[%swap3A_173, %swap3A_174], %select_n3A_172 {strides = array<i32>} : memref<512x40xi32, #tpu.memory_space<vmem>>, vector<512x1xi32>,
    %slice3A_176 = vector.extract_strided_slice %select_n3A {offsets = [0, 1152], sizes = [512, 128], strides = [1, 1]} : vector<512x5120xf32> to vector<512x128xf32>
    %reduce_max3A_177 = arith.constant dense<0xFF800000> : vector<512xf32>
    %reduce_max3A_178 = vector.multi_reduction <maximumf>, %slice3A_176, %reduce_max3A_177 [1] : vector<512x128xf32> to vector<512xf32>
    %broadcast_in_dim3A_179 = vector.shape_cast %reduce_max3A_178 : vector<512xf32> to vector<512x1xf32>
    %bitcast_convert_type3A_180 = tpu.bitcast %broadcast_in_dim3A_179 : vector<512x1xf32> -> vector<512x1xi32>
    %ge3A_181 = arith.constant -2147483648 : i32
    %ge3A_182 = vector.broadcast %ge3A_181 : i32 to vector<512x1xi32>
    %ge3A_183 = arith.cmpi uge, %bitcast_convert_type3A_180, %ge3A_182 : vector<512x1xi32>
    %not3A_184 = arith.constant dense<-1> : vector<512x1xi32>
    %not3A_185 = arith.xori %bitcast_convert_type3A_180, %not3A_184 : vector<512x1xi32>
    %or3A_186 = arith.constant -2147483648 : i32
    %or3A_187 = vector.broadcast %or3A_186 : i32 to vector<512x1xi32>
    %or3A_188 = arith.ori %bitcast_convert_type3A_180, %or3A_187 : vector<512x1xi32>
    %select_n3A_189 = arith.select %ge3A_183, %not3A_185, %or3A_188 : vector<512x1xi1>, vector<512x1xi32>
    %swap3A_190 = arith.constant 0 : index
    %swap3A_191 = arith.constant 9 : index
    %swap3A_192 = vector.load %arg4[%swap3A_190, %swap3A_191] : memref<512x40xi32, #tpu.memory_space<vmem>>, vector<512x1xi32>
    tpu.vector_store %arg4[%swap3A_190, %swap3A_191], %select_n3A_189 {strides = array<i32>} : memref<512x40xi32, #tpu.memory_space<vmem>>, vector<512x1xi32>,
    %slice3A_193 = vector.extract_strided_slice %select_n3A {offsets = [0, 1280], sizes = [512, 128], strides = [1, 1]} : vector<512x5120xf32> to vector<512x128xf32>
    %reduce_max3A_194 = arith.constant dense<0xFF800000> : vector<512xf32>
    %reduce_max3A_195 = vector.multi_reduction <maximumf>, %slice3A_193, %reduce_max3A_194 [1] : vector<512x128xf32> to vector<512xf32>
    %broadcast_in_dim3A_196 = vector.shape_cast %reduce_max3A_195 : vector<512xf32> to vector<512x1xf32>
    %bitcast_convert_type3A_197 = tpu.bitcast %broadcast_in_dim3A_196 : vector<512x1xf32> -> vector<512x1xi32>
    %ge3A_198 = arith.constant -2147483648 : i32
    %ge3A_199 = vector.broadcast %ge3A_198 : i32 to vector<512x1xi32>
    %ge3A_200 = arith.cmpi uge, %bitcast_convert_type3A_197, %ge3A_199 : vector<512x1xi32>
    %not3A_201 = arith.constant dense<-1> : vector<512x1xi32>
    %not3A_202 = arith.xori %bitcast_convert_type3A_197, %not3A_201 : vector<512x1xi32>
    %or3A_203 = arith.constant -2147483648 : i32
    %or3A_204 = vector.broadcast %or3A_203 : i32 to vector<512x1xi32>
    %or3A_205 = arith.ori %bitcast_convert_type3A_197, %or3A_204 : vector<512x1xi32>
    %select_n3A_206 = arith.select %ge3A_200, %not3A_202, %or3A_205 : vector<512x1xi1>, vector<512x1xi32>
    %swap3A_207 = arith.constant 0 : index
    %swap3A_208 = arith.constant 10 : index
    %swap3A_209 = vector.load %arg4[%swap3A_207, %swap3A_208] : memref<512x40xi32, #tpu.memory_space<vmem>>, vector<512x1xi32>
    tpu.vector_store %arg4[%swap3A_207, %swap3A_208], %select_n3A_206 {strides = array<i32>} : memref<512x40xi32, #tpu.memory_space<vmem>>, vector<512x1xi32>,
    %slice3A_210 = vector.extract_strided_slice %select_n3A {offsets = [0, 1408], sizes = [512, 128], strides = [1, 1]} : vector<512x5120xf32> to vector<512x128xf32>
    %reduce_max3A_211 = arith.constant dense<0xFF800000> : vector<512xf32>
    %reduce_max3A_212 = vector.multi_reduction <maximumf>, %slice3A_210, %reduce_max3A_211 [1] : vector<512x128xf32> to vector<512xf32>
    %broadcast_in_dim3A_213 = vector.shape_cast %reduce_max3A_212 : vector<512xf32> to vector<512x1xf32>
    %bitcast_convert_type3A_214 = tpu.bitcast %broadcast_in_dim3A_213 : vector<512x1xf32> -> vector<512x1xi32>
    %ge3A_215 = arith.constant -2147483648 : i32
    %ge3A_216 = vector.broadcast %ge3A_215 : i32 to vector<512x1xi32>
    %ge3A_217 = arith.cmpi uge, %bitcast_convert_type3A_214, %ge3A_216 : vector<512x1xi32>
    %not3A_218 = arith.constant dense<-1> : vector<512x1xi32>
    %not3A_219 = arith.xori %bitcast_convert_type3A_214, %not3A_218 : vector<512x1xi32>
    %or3A_220 = arith.constant -2147483648 : i32
    %or3A_221 = vector.broadcast %or3A_220 : i32 to vector<512x1xi32>
    %or3A_222 = arith.ori %bitcast_convert_type3A_214, %or3A_221 : vector<512x1xi32>
    %select_n3A_223 = arith.select %ge3A_217, %not3A_219, %or3A_222 : vector<512x1xi1>, vector<512x1xi32>
    %swap3A_224 = arith.constant 0 : index
    %swap3A_225 = arith.constant 11 : index
    %swap3A_226 = vector.load %arg4[%swap3A_224, %swap3A_225] : memref<512x40xi32, #tpu.memory_space<vmem>>, vector<512x1xi32>
    tpu.vector_store %arg4[%swap3A_224, %swap3A_225], %select_n3A_223 {strides = array<i32>} : memref<512x40xi32, #tpu.memory_space<vmem>>, vector<512x1xi32>,
    %slice3A_227 = vector.extract_strided_slice %select_n3A {offsets = [0, 1536], sizes = [512, 128], strides = [1, 1]} : vector<512x5120xf32> to vector<512x128xf32>
    %reduce_max3A_228 = arith.constant dense<0xFF800000> : vector<512xf32>
    %reduce_max3A_229 = vector.multi_reduction <maximumf>, %slice3A_227, %reduce_max3A_228 [1] : vector<512x128xf32> to vector<512xf32>
    %broadcast_in_dim3A_230 = vector.shape_cast %reduce_max3A_229 : vector<512xf32> to vector<512x1xf32>
    %bitcast_convert_type3A_231 = tpu.bitcast %broadcast_in_dim3A_230 : vector<512x1xf32> -> vector<512x1xi32>
    %ge3A_232 = arith.constant -2147483648 : i32
    %ge3A_233 = vector.broadcast %ge3A_232 : i32 to vector<512x1xi32>
    %ge3A_234 = arith.cmpi uge, %bitcast_convert_type3A_231, %ge3A_233 : vector<512x1xi32>
    %not3A_235 = arith.constant dense<-1> : vector<512x1xi32>
    %not3A_236 = arith.xori %bitcast_convert_type3A_231, %not3A_235 : vector<512x1xi32>
    %or3A_237 = arith.constant -2147483648 : i32
    %or3A_238 = vector.broadcast %or3A_237 : i32 to vector<512x1xi32>
    %or3A_239 = arith.ori %bitcast_convert_type3A_231, %or3A_238 : vector<512x1xi32>
    %select_n3A_240 = arith.select %ge3A_234, %not3A_236, %or3A_239 : vector<512x1xi1>, vector<512x1xi32>
    %swap3A_241 = arith.constant 0 : index
    %swap3A_242 = arith.constant 12 : index
    %swap3A_243 = vector.load %arg4[%swap3A_241, %swap3A_242] : memref<512x40xi32, #tpu.memory_space<vmem>>, vector<512x1xi32>
    tpu.vector_store %arg4[%swap3A_241, %swap3A_242], %select_n3A_240 {strides = array<i32>} : memref<512x40xi32, #tpu.memory_space<vmem>>, vector<512x1xi32>,
    %slice3A_244 = vector.extract_strided_slice %select_n3A {offsets = [0, 1664], sizes = [512, 128], strides = [1, 1]} : vector<512x5120xf32> to vector<512x128xf32>
    %reduce_max3A_245 = arith.constant dense<0xFF800000> : vector<512xf32>
    %reduce_max3A_246 = vector.multi_reduction <maximumf>, %slice3A_244, %reduce_max3A_245 [1] : vector<512x128xf32> to vector<512xf32>
    %broadcast_in_dim3A_247 = vector.shape_cast %reduce_max3A_246 : vector<512xf32> to vector<512x1xf32>
    %bitcast_convert_type3A_248 = tpu.bitcast %broadcast_in_dim3A_247 : vector<512x1xf32> -> vector<512x1xi32>
    %ge3A_249 = arith.constant -2147483648 : i32
    %ge3A_250 = vector.broadcast %ge3A_249 : i32 to vector<512x1xi32>
    %ge3A_251 = arith.cmpi uge, %bitcast_convert_type3A_248, %ge3A_250 : vector<512x1xi32>
    %not3A_252 = arith.constant dense<-1> : vector<512x1xi32>
    %not3A_253 = arith.xori %bitcast_convert_type3A_248, %not3A_252 : vector<512x1xi32>
    %or3A_254 = arith.constant -2147483648 : i32
    %or3A_255 = vector.broadcast %or3A_254 : i32 to vector<512x1xi32>
    %or3A_256 = arith.ori %bitcast_convert_type3A_248, %or3A_255 : vector<512x1xi32>
    %select_n3A_257 = arith.select %ge3A_251, %not3A_253, %or3A_256 : vector<512x1xi1>, vector<512x1xi32>
    %swap3A_258 = arith.constant 0 : index
    %swap3A_259 = arith.constant 13 : index
    %swap3A_260 = vector.load %arg4[%swap3A_258, %swap3A_259] : memref<512x40xi32, #tpu.memory_space<vmem>>, vector<512x1xi32>
    tpu.vector_store %arg4[%swap3A_258, %swap3A_259], %select_n3A_257 {strides = array<i32>} : memref<512x40xi32, #tpu.memory_space<vmem>>, vector<512x1xi32>,
    %slice3A_261 = vector.extract_strided_slice %select_n3A {offsets = [0, 1792], sizes = [512, 128], strides = [1, 1]} : vector<512x5120xf32> to vector<512x128xf32>
    %reduce_max3A_262 = arith.constant dense<0xFF800000> : vector<512xf32>
    %reduce_max3A_263 = vector.multi_reduction <maximumf>, %slice3A_261, %reduce_max3A_262 [1] : vector<512x128xf32> to vector<512xf32>
    %broadcast_in_dim3A_264 = vector.shape_cast %reduce_max3A_263 : vector<512xf32> to vector<512x1xf32>
    %bitcast_convert_type3A_265 = tpu.bitcast %broadcast_in_dim3A_264 : vector<512x1xf32> -> vector<512x1xi32>
    %ge3A_266 = arith.constant -2147483648 : i32
    %ge3A_267 = vector.broadcast %ge3A_266 : i32 to vector<512x1xi32>
    %ge3A_268 = arith.cmpi uge, %bitcast_convert_type3A_265, %ge3A_267 : vector<512x1xi32>
    %not3A_269 = arith.constant dense<-1> : vector<512x1xi32>
    %not3A_270 = arith.xori %bitcast_convert_type3A_265, %not3A_269 : vector<512x1xi32>
    %or3A_271 = arith.constant -2147483648 : i32
    %or3A_272 = vector.broadcast %or3A_271 : i32 to vector<512x1xi32>
    %or3A_273 = arith.ori %bitcast_convert_type3A_265, %or3A_272 : vector<512x1xi32>
    %select_n3A_274 = arith.select %ge3A_268, %not3A_270, %or3A_273 : vector<512x1xi1>, vector<512x1xi32>
    %swap3A_275 = arith.constant 0 : index
    %swap3A_276 = arith.constant 14 : index
    %swap3A_277 = vector.load %arg4[%swap3A_275, %swap3A_276] : memref<512x40xi32, #tpu.memory_space<vmem>>, vector<512x1xi32>
    tpu.vector_store %arg4[%swap3A_275, %swap3A_276], %select_n3A_274 {strides = array<i32>} : memref<512x40xi32, #tpu.memory_space<vmem>>, vector<512x1xi32>,
    %slice3A_278 = vector.extract_strided_slice %select_n3A {offsets = [0, 1920], sizes = [512, 128], strides = [1, 1]} : vector<512x5120xf32> to vector<512x128xf32>
    %reduce_max3A_279 = arith.constant dense<0xFF800000> : vector<512xf32>
    %reduce_max3A_280 = vector.multi_reduction <maximumf>, %slice3A_278, %reduce_max3A_279 [1] : vector<512x128xf32> to vector<512xf32>
    %broadcast_in_dim3A_281 = vector.shape_cast %reduce_max3A_280 : vector<512xf32> to vector<512x1xf32>
    %bitcast_convert_type3A_282 = tpu.bitcast %broadcast_in_dim3A_281 : vector<512x1xf32> -> vector<512x1xi32>
    %ge3A_283 = arith.constant -2147483648 : i32
    %ge3A_284 = vector.broadcast %ge3A_283 : i32 to vector<512x1xi32>
    %ge3A_285 = arith.cmpi uge, %bitcast_convert_type3A_282, %ge3A_284 : vector<512x1xi32>
    %not3A_286 = arith.constant dense<-1> : vector<512x1xi32>
    %not3A_287 = arith.xori %bitcast_convert_type3A_282, %not3A_286 : vector<512x1xi32>
    %or3A_288 = arith.constant -2147483648 : i32
    %or3A_289 = vector.broadcast %or3A_288 : i32 to vector<512x1xi32>
    %or3A_290 = arith.ori %bitcast_convert_type3A_282, %or3A_289 : vector<512x1xi32>
    %select_n3A_291 = arith.select %ge3A_285, %not3A_287, %or3A_290 : vector<512x1xi1>, vector<512x1xi32>
    %swap3A_292 = arith.constant 0 : index
    %swap3A_293 = arith.constant 15 : index
    %swap3A_294 = vector.load %arg4[%swap3A_292, %swap3A_293] : memref<512x40xi32, #tpu.memory_space<vmem>>, vector<512x1xi32>
    tpu.vector_store %arg4[%swap3A_292, %swap3A_293], %select_n3A_291 {strides = array<i32>} : memref<512x40xi32, #tpu.memory_space<vmem>>, vector<512x1xi32>,
    %slice3A_295 = vector.extract_strided_slice %select_n3A {offsets = [0, 2048], sizes = [512, 128], strides = [1, 1]} : vector<512x5120xf32> to vector<512x128xf32>
    %reduce_max3A_296 = arith.constant dense<0xFF800000> : vector<512xf32>
    %reduce_max3A_297 = vector.multi_reduction <maximumf>, %slice3A_295, %reduce_max3A_296 [1] : vector<512x128xf32> to vector<512xf32>
    %broadcast_in_dim3A_298 = vector.shape_cast %reduce_max3A_297 : vector<512xf32> to vector<512x1xf32>
    %bitcast_convert_type3A_299 = tpu.bitcast %broadcast_in_dim3A_298 : vector<512x1xf32> -> vector<512x1xi32>
    %ge3A_300 = arith.constant -2147483648 : i32
    %ge3A_301 = vector.broadcast %ge3A_300 : i32 to vector<512x1xi32>
    %ge3A_302 = arith.cmpi uge, %bitcast_convert_type3A_299, %ge3A_301 : vector<512x1xi32>
    %not3A_303 = arith.constant dense<-1> : vector<512x1xi32>
    %not3A_304 = arith.xori %bitcast_convert_type3A_299, %not3A_303 : vector<512x1xi32>
    %or3A_305 = arith.constant -2147483648 : i32
    %or3A_306 = vector.broadcast %or3A_305 : i32 to vector<512x1xi32>
    %or3A_307 = arith.ori %bitcast_convert_type3A_299, %or3A_306 : vector<512x1xi32>
    %select_n3A_308 = arith.select %ge3A_302, %not3A_304, %or3A_307 : vector<512x1xi1>, vector<512x1xi32>
    %swap3A_309 = arith.constant 0 : index
    %swap3A_310 = arith.constant 16 : index
    %swap3A_311 = vector.load %arg4[%swap3A_309, %swap3A_310] : memref<512x40xi32, #tpu.memory_space<vmem>>, vector<512x1xi32>
    tpu.vector_store %arg4[%swap3A_309, %swap3A_310], %select_n3A_308 {strides = array<i32>} : memref<512x40xi32, #tpu.memory_space<vmem>>, vector<512x1xi32>,
    %slice3A_312 = vector.extract_strided_slice %select_n3A {offsets = [0, 2176], sizes = [512, 128], strides = [1, 1]} : vector<512x5120xf32> to vector<512x128xf32>
    %reduce_max3A_313 = arith.constant dense<0xFF800000> : vector<512xf32>
    %reduce_max3A_314 = vector.multi_reduction <maximumf>, %slice3A_312, %reduce_max3A_313 [1] : vector<512x128xf32> to vector<512xf32>
    %broadcast_in_dim3A_315 = vector.shape_cast %reduce_max3A_314 : vector<512xf32> to vector<512x1xf32>
    %bitcast_convert_type3A_316 = tpu.bitcast %broadcast_in_dim3A_315 : vector<512x1xf32> -> vector<512x1xi32>
    %ge3A_317 = arith.constant -2147483648 : i32
    %ge3A_318 = vector.broadcast %ge3A_317 : i32 to vector<512x1xi32>
    %ge3A_319 = arith.cmpi uge, %bitcast_convert_type3A_316, %ge3A_318 : vector<512x1xi32>
    %not3A_320 = arith.constant dense<-1> : vector<512x1xi32>
    %not3A_321 = arith.xori %bitcast_convert_type3A_316, %not3A_320 : vector<512x1xi32>
    %or3A_322 = arith.constant -2147483648 : i32
    %or3A_323 = vector.broadcast %or3A_322 : i32 to vector<512x1xi32>
    %or3A_324 = arith.ori %bitcast_convert_type3A_316, %or3A_323 : vector<512x1xi32>
    %select_n3A_325 = arith.select %ge3A_319, %not3A_321, %or3A_324 : vector<512x1xi1>, vector<512x1xi32>
    %swap3A_326 = arith.constant 0 : index
    %swap3A_327 = arith.constant 17 : index
    %swap3A_328 = vector.load %arg4[%swap3A_326, %swap3A_327] : memref<512x40xi32, #tpu.memory_space<vmem>>, vector<512x1xi32>
    tpu.vector_store %arg4[%swap3A_326, %swap3A_327], %select_n3A_325 {strides = array<i32>} : memref<512x40xi32, #tpu.memory_space<vmem>>, vector<512x1xi32>,
    %slice3A_329 = vector.extract_strided_slice %select_n3A {offsets = [0, 2304], sizes = [512, 128], strides = [1, 1]} : vector<512x5120xf32> to vector<512x128xf32>
    %reduce_max3A_330 = arith.constant dense<0xFF800000> : vector<512xf32>
    %reduce_max3A_331 = vector.multi_reduction <maximumf>, %slice3A_329, %reduce_max3A_330 [1] : vector<512x128xf32> to vector<512xf32>
    %broadcast_in_dim3A_332 = vector.shape_cast %reduce_max3A_331 : vector<512xf32> to vector<512x1xf32>
    %bitcast_convert_type3A_333 = tpu.bitcast %broadcast_in_dim3A_332 : vector<512x1xf32> -> vector<512x1xi32>
    %ge3A_334 = arith.constant -2147483648 : i32
    %ge3A_335 = vector.broadcast %ge3A_334 : i32 to vector<512x1xi32>
    %ge3A_336 = arith.cmpi uge, %bitcast_convert_type3A_333, %ge3A_335 : vector<512x1xi32>
    %not3A_337 = arith.constant dense<-1> : vector<512x1xi32>
    %not3A_338 = arith.xori %bitcast_convert_type3A_333, %not3A_337 : vector<512x1xi32>
    %or3A_339 = arith.constant -2147483648 : i32
    %or3A_340 = vector.broadcast %or3A_339 : i32 to vector<512x1xi32>
    %or3A_341 = arith.ori %bitcast_convert_type3A_333, %or3A_340 : vector<512x1xi32>
    %select_n3A_342 = arith.select %ge3A_336, %not3A_338, %or3A_341 : vector<512x1xi1>, vector<512x1xi32>
    %swap3A_343 = arith.constant 0 : index
    %swap3A_344 = arith.constant 18 : index
    %swap3A_345 = vector.load %arg4[%swap3A_343, %swap3A_344] : memref<512x40xi32, #tpu.memory_space<vmem>>, vector<512x1xi32>
    tpu.vector_store %arg4[%swap3A_343, %swap3A_344], %select_n3A_342 {strides = array<i32>} : memref<512x40xi32, #tpu.memory_space<vmem>>, vector<512x1xi32>,
    %slice3A_346 = vector.extract_strided_slice %select_n3A {offsets = [0, 2432], sizes = [512, 128], strides = [1, 1]} : vector<512x5120xf32> to vector<512x128xf32>
    %reduce_max3A_347 = arith.constant dense<0xFF800000> : vector<512xf32>
    %reduce_max3A_348 = vector.multi_reduction <maximumf>, %slice3A_346, %reduce_max3A_347 [1] : vector<512x128xf32> to vector<512xf32>
    %broadcast_in_dim3A_349 = vector.shape_cast %reduce_max3A_348 : vector<512xf32> to vector<512x1xf32>
    %bitcast_convert_type3A_350 = tpu.bitcast %broadcast_in_dim3A_349 : vector<512x1xf32> -> vector<512x1xi32>
    %ge3A_351 = arith.constant -2147483648 : i32
    %ge3A_352 = vector.broadcast %ge3A_351 : i32 to vector<512x1xi32>
    %ge3A_353 = arith.cmpi uge, %bitcast_convert_type3A_350, %ge3A_352 : vector<512x1xi32>
    %not3A_354 = arith.constant dense<-1> : vector<512x1xi32>
    %not3A_355 = arith.xori %bitcast_convert_type3A_350, %not3A_354 : vector<512x1xi32>
    %or3A_356 = arith.constant -2147483648 : i32
    %or3A_357 = vector.broadcast %or3A_356 : i32 to vector<512x1xi32>
    %or3A_358 = arith.ori %bitcast_convert_type3A_350, %or3A_357 : vector<512x1xi32>
    %select_n3A_359 = arith.select %ge3A_353, %not3A_355, %or3A_358 : vector<512x1xi1>, vector<512x1xi32>
    %swap3A_360 = arith.constant 0 : index
    %swap3A_361 = arith.constant 19 : index
    %swap3A_362 = vector.load %arg4[%swap3A_360, %swap3A_361] : memref<512x40xi32, #tpu.memory_space<vmem>>, vector<512x1xi32>
    tpu.vector_store %arg4[%swap3A_360, %swap3A_361], %select_n3A_359 {strides = array<i32>} : memref<512x40xi32, #tpu.memory_space<vmem>>, vector<512x1xi32>,
    %slice3A_363 = vector.extract_strided_slice %select_n3A {offsets = [0, 2560], sizes = [512, 128], strides = [1, 1]} : vector<512x5120xf32> to vector<512x128xf32>
    %reduce_max3A_364 = arith.constant dense<0xFF800000> : vector<512xf32>
    %reduce_max3A_365 = vector.multi_reduction <maximumf>, %slice3A_363, %reduce_max3A_364 [1] : vector<512x128xf32> to vector<512xf32>
    %broadcast_in_dim3A_366 = vector.shape_cast %reduce_max3A_365 : vector<512xf32> to vector<512x1xf32>
    %bitcast_convert_type3A_367 = tpu.bitcast %broadcast_in_dim3A_366 : vector<512x1xf32> -> vector<512x1xi32>
    %ge3A_368 = arith.constant -2147483648 : i32
    %ge3A_369 = vector.broadcast %ge3A_368 : i32 to vector<512x1xi32>
    %ge3A_370 = arith.cmpi uge, %bitcast_convert_type3A_367, %ge3A_369 : vector<512x1xi32>
    %not3A_371 = arith.constant dense<-1> : vector<512x1xi32>
    %not3A_372 = arith.xori %bitcast_convert_type3A_367, %not3A_371 : vector<512x1xi32>
    %or3A_373 = arith.constant -2147483648 : i32
    %or3A_374 = vector.broadcast %or3A_373 : i32 to vector<512x1xi32>
    %or3A_375 = arith.ori %bitcast_convert_type3A_367, %or3A_374 : vector<512x1xi32>
    %select_n3A_376 = arith.select %ge3A_370, %not3A_372, %or3A_375 : vector<512x1xi1>, vector<512x1xi32>
    %swap3A_377 = arith.constant 0 : index
    %swap3A_378 = arith.constant 20 : index
    %swap3A_379 = vector.load %arg4[%swap3A_377, %swap3A_378] : memref<512x40xi32, #tpu.memory_space<vmem>>, vector<512x1xi32>
    tpu.vector_store %arg4[%swap3A_377, %swap3A_378], %select_n3A_376 {strides = array<i32>} : memref<512x40xi32, #tpu.memory_space<vmem>>, vector<512x1xi32>,
    %slice3A_380 = vector.extract_strided_slice %select_n3A {offsets = [0, 2688], sizes = [512, 128], strides = [1, 1]} : vector<512x5120xf32> to vector<512x128xf32>
    %reduce_max3A_381 = arith.constant dense<0xFF800000> : vector<512xf32>
    %reduce_max3A_382 = vector.multi_reduction <maximumf>, %slice3A_380, %reduce_max3A_381 [1] : vector<512x128xf32> to vector<512xf32>
    %broadcast_in_dim3A_383 = vector.shape_cast %reduce_max3A_382 : vector<512xf32> to vector<512x1xf32>
    %bitcast_convert_type3A_384 = tpu.bitcast %broadcast_in_dim3A_383 : vector<512x1xf32> -> vector<512x1xi32>
    %ge3A_385 = arith.constant -2147483648 : i32
    %ge3A_386 = vector.broadcast %ge3A_385 : i32 to vector<512x1xi32>
    %ge3A_387 = arith.cmpi uge, %bitcast_convert_type3A_384, %ge3A_386 : vector<512x1xi32>
    %not3A_388 = arith.constant dense<-1> : vector<512x1xi32>
    %not3A_389 = arith.xori %bitcast_convert_type3A_384, %not3A_388 : vector<512x1xi32>
    %or3A_390 = arith.constant -2147483648 : i32
    %or3A_391 = vector.broadcast %or3A_390 : i32 to vector<512x1xi32>
    %or3A_392 = arith.ori %bitcast_convert_type3A_384, %or3A_391 : vector<512x1xi32>
    %select_n3A_393 = arith.select %ge3A_387, %not3A_389, %or3A_392 : vector<512x1xi1>, vector<512x1xi32>
    %swap3A_394 = arith.constant 0 : index
    %swap3A_395 = arith.constant 21 : index
    %swap3A_396 = vector.load %arg4[%swap3A_394, %swap3A_395] : memref<512x40xi32, #tpu.memory_space<vmem>>, vector<512x1xi32>
    tpu.vector_store %arg4[%swap3A_394, %swap3A_395], %select_n3A_393 {strides = array<i32>} : memref<512x40xi32, #tpu.memory_space<vmem>>, vector<512x1xi32>,
    %slice3A_397 = vector.extract_strided_slice %select_n3A {offsets = [0, 2816], sizes = [512, 128], strides = [1, 1]} : vector<512x5120xf32> to vector<512x128xf32>
    %reduce_max3A_398 = arith.constant dense<0xFF800000> : vector<512xf32>
    %reduce_max3A_399 = vector.multi_reduction <maximumf>, %slice3A_397, %reduce_max3A_398 [1] : vector<512x128xf32> to vector<512xf32>
    %broadcast_in_dim3A_400 = vector.shape_cast %reduce_max3A_399 : vector<512xf32> to vector<512x1xf32>
    %bitcast_convert_type3A_401 = tpu.bitcast %broadcast_in_dim3A_400 : vector<512x1xf32> -> vector<512x1xi32>
    %ge3A_402 = arith.constant -2147483648 : i32
    %ge3A_403 = vector.broadcast %ge3A_402 : i32 to vector<512x1xi32>
    %ge3A_404 = arith.cmpi uge, %bitcast_convert_type3A_401, %ge3A_403 : vector<512x1xi32>
    %not3A_405 = arith.constant dense<-1> : vector<512x1xi32>
    %not3A_406 = arith.xori %bitcast_convert_type3A_401, %not3A_405 : vector<512x1xi32>
    %or3A_407 = arith.constant -2147483648 : i32
    %or3A_408 = vector.broadcast %or3A_407 : i32 to vector<512x1xi32>
    %or3A_409 = arith.ori %bitcast_convert_type3A_401, %or3A_408 : vector<512x1xi32>
    %select_n3A_410 = arith.select %ge3A_404, %not3A_406, %or3A_409 : vector<512x1xi1>, vector<512x1xi32>
    %swap3A_411 = arith.constant 0 : index
    %swap3A_412 = arith.constant 22 : index
    %swap3A_413 = vector.load %arg4[%swap3A_411, %swap3A_412] : memref<512x40xi32, #tpu.memory_space<vmem>>, vector<512x1xi32>
    tpu.vector_store %arg4[%swap3A_411, %swap3A_412], %select_n3A_410 {strides = array<i32>} : memref<512x40xi32, #tpu.memory_space<vmem>>, vector<512x1xi32>,
    %slice3A_414 = vector.extract_strided_slice %select_n3A {offsets = [0, 2944], sizes = [512, 128], strides = [1, 1]} : vector<512x5120xf32> to vector<512x128xf32>
    %reduce_max3A_415 = arith.constant dense<0xFF800000> : vector<512xf32>
    %reduce_max3A_416 = vector.multi_reduction <maximumf>, %slice3A_414, %reduce_max3A_415 [1] : vector<512x128xf32> to vector<512xf32>
    %broadcast_in_dim3A_417 = vector.shape_cast %reduce_max3A_416 : vector<512xf32> to vector<512x1xf32>
    %bitcast_convert_type3A_418 = tpu.bitcast %broadcast_in_dim3A_417 : vector<512x1xf32> -> vector<512x1xi32>
    %ge3A_419 = arith.constant -2147483648 : i32
    %ge3A_420 = vector.broadcast %ge3A_419 : i32 to vector<512x1xi32>
    %ge3A_421 = arith.cmpi uge, %bitcast_convert_type3A_418, %ge3A_420 : vector<512x1xi32>
    %not3A_422 = arith.constant dense<-1> : vector<512x1xi32>
    %not3A_423 = arith.xori %bitcast_convert_type3A_418, %not3A_422 : vector<512x1xi32>
    %or3A_424 = arith.constant -2147483648 : i32
    %or3A_425 = vector.broadcast %or3A_424 : i32 to vector<512x1xi32>
    %or3A_426 = arith.ori %bitcast_convert_type3A_418, %or3A_425 : vector<512x1xi32>
    %select_n3A_427 = arith.select %ge3A_421, %not3A_423, %or3A_426 : vector<512x1xi1>, vector<512x1xi32>
    %swap3A_428 = arith.constant 0 : index
    %swap3A_429 = arith.constant 23 : index
    %swap3A_430 = vector.load %arg4[%swap3A_428, %swap3A_429] : memref<512x40xi32, #tpu.memory_space<vmem>>, vector<512x1xi32>
    tpu.vector_store %arg4[%swap3A_428, %swap3A_429], %select_n3A_427 {strides = array<i32>} : memref<512x40xi32, #tpu.memory_space<vmem>>, vector<512x1xi32>,
    %slice3A_431 = vector.extract_strided_slice %select_n3A {offsets = [0, 3072], sizes = [512, 128], strides = [1, 1]} : vector<512x5120xf32> to vector<512x128xf32>
    %reduce_max3A_432 = arith.constant dense<0xFF800000> : vector<512xf32>
    %reduce_max3A_433 = vector.multi_reduction <maximumf>, %slice3A_431, %reduce_max3A_432 [1] : vector<512x128xf32> to vector<512xf32>
    %broadcast_in_dim3A_434 = vector.shape_cast %reduce_max3A_433 : vector<512xf32> to vector<512x1xf32>
    %bitcast_convert_type3A_435 = tpu.bitcast %broadcast_in_dim3A_434 : vector<512x1xf32> -> vector<512x1xi32>
    %ge3A_436 = arith.constant -2147483648 : i32
    %ge3A_437 = vector.broadcast %ge3A_436 : i32 to vector<512x1xi32>
    %ge3A_438 = arith.cmpi uge, %bitcast_convert_type3A_435, %ge3A_437 : vector<512x1xi32>
    %not3A_439 = arith.constant dense<-1> : vector<512x1xi32>
    %not3A_440 = arith.xori %bitcast_convert_type3A_435, %not3A_439 : vector<512x1xi32>
    %or3A_441 = arith.constant -2147483648 : i32
    %or3A_442 = vector.broadcast %or3A_441 : i32 to vector<512x1xi32>
    %or3A_443 = arith.ori %bitcast_convert_type3A_435, %or3A_442 : vector<512x1xi32>
    %select_n3A_444 = arith.select %ge3A_438, %not3A_440, %or3A_443 : vector<512x1xi1>, vector<512x1xi32>
    %swap3A_445 = arith.constant 0 : index
    %swap3A_446 = arith.constant 24 : index
    %swap3A_447 = vector.load %arg4[%swap3A_445, %swap3A_446] : memref<512x40xi32, #tpu.memory_space<vmem>>, vector<512x1xi32>
    tpu.vector_store %arg4[%swap3A_445, %swap3A_446], %select_n3A_444 {strides = array<i32>} : memref<512x40xi32, #tpu.memory_space<vmem>>, vector<512x1xi32>,
    %slice3A_448 = vector.extract_strided_slice %select_n3A {offsets = [0, 3200], sizes = [512, 128], strides = [1, 1]} : vector<512x5120xf32> to vector<512x128xf32>
    %reduce_max3A_449 = arith.constant dense<0xFF800000> : vector<512xf32>
    %reduce_max3A_450 = vector.multi_reduction <maximumf>, %slice3A_448, %reduce_max3A_449 [1] : vector<512x128xf32> to vector<512xf32>
    %broadcast_in_dim3A_451 = vector.shape_cast %reduce_max3A_450 : vector<512xf32> to vector<512x1xf32>
    %bitcast_convert_type3A_452 = tpu.bitcast %broadcast_in_dim3A_451 : vector<512x1xf32> -> vector<512x1xi32>
    %ge3A_453 = arith.constant -2147483648 : i32
    %ge3A_454 = vector.broadcast %ge3A_453 : i32 to vector<512x1xi32>
    %ge3A_455 = arith.cmpi uge, %bitcast_convert_type3A_452, %ge3A_454 : vector<512x1xi32>
    %not3A_456 = arith.constant dense<-1> : vector<512x1xi32>
    %not3A_457 = arith.xori %bitcast_convert_type3A_452, %not3A_456 : vector<512x1xi32>
    %or3A_458 = arith.constant -2147483648 : i32
    %or3A_459 = vector.broadcast %or3A_458 : i32 to vector<512x1xi32>
    %or3A_460 = arith.ori %bitcast_convert_type3A_452, %or3A_459 : vector<512x1xi32>
    %select_n3A_461 = arith.select %ge3A_455, %not3A_457, %or3A_460 : vector<512x1xi1>, vector<512x1xi32>
    %swap3A_462 = arith.constant 0 : index
    %swap3A_463 = arith.constant 25 : index
    %swap3A_464 = vector.load %arg4[%swap3A_462, %swap3A_463] : memref<512x40xi32, #tpu.memory_space<vmem>>, vector<512x1xi32>
    tpu.vector_store %arg4[%swap3A_462, %swap3A_463], %select_n3A_461 {strides = array<i32>} : memref<512x40xi32, #tpu.memory_space<vmem>>, vector<512x1xi32>,
    %slice3A_465 = vector.extract_strided_slice %select_n3A {offsets = [0, 3328], sizes = [512, 128], strides = [1, 1]} : vector<512x5120xf32> to vector<512x128xf32>
    %reduce_max3A_466 = arith.constant dense<0xFF800000> : vector<512xf32>
    %reduce_max3A_467 = vector.multi_reduction <maximumf>, %slice3A_465, %reduce_max3A_466 [1] : vector<512x128xf32> to vector<512xf32>
    %broadcast_in_dim3A_468 = vector.shape_cast %reduce_max3A_467 : vector<512xf32> to vector<512x1xf32>
    %bitcast_convert_type3A_469 = tpu.bitcast %broadcast_in_dim3A_468 : vector<512x1xf32> -> vector<512x1xi32>
    %ge3A_470 = arith.constant -2147483648 : i32
    %ge3A_471 = vector.broadcast %ge3A_470 : i32 to vector<512x1xi32>
    %ge3A_472 = arith.cmpi uge, %bitcast_convert_type3A_469, %ge3A_471 : vector<512x1xi32>
    %not3A_473 = arith.constant dense<-1> : vector<512x1xi32>
    %not3A_474 = arith.xori %bitcast_convert_type3A_469, %not3A_473 : vector<512x1xi32>
    %or3A_475 = arith.constant -2147483648 : i32
    %or3A_476 = vector.broadcast %or3A_475 : i32 to vector<512x1xi32>
    %or3A_477 = arith.ori %bitcast_convert_type3A_469, %or3A_476 : vector<512x1xi32>
    %select_n3A_478 = arith.select %ge3A_472, %not3A_474, %or3A_477 : vector<512x1xi1>, vector<512x1xi32>
    %swap3A_479 = arith.constant 0 : index
    %swap3A_480 = arith.constant 26 : index
    %swap3A_481 = vector.load %arg4[%swap3A_479, %swap3A_480] : memref<512x40xi32, #tpu.memory_space<vmem>>, vector<512x1xi32>
    tpu.vector_store %arg4[%swap3A_479, %swap3A_480], %select_n3A_478 {strides = array<i32>} : memref<512x40xi32, #tpu.memory_space<vmem>>, vector<512x1xi32>,
    %slice3A_482 = vector.extract_strided_slice %select_n3A {offsets = [0, 3456], sizes = [512, 128], strides = [1, 1]} : vector<512x5120xf32> to vector<512x128xf32>
    %reduce_max3A_483 = arith.constant dense<0xFF800000> : vector<512xf32>
    %reduce_max3A_484 = vector.multi_reduction <maximumf>, %slice3A_482, %reduce_max3A_483 [1] : vector<512x128xf32> to vector<512xf32>
    %broadcast_in_dim3A_485 = vector.shape_cast %reduce_max3A_484 : vector<512xf32> to vector<512x1xf32>
    %bitcast_convert_type3A_486 = tpu.bitcast %broadcast_in_dim3A_485 : vector<512x1xf32> -> vector<512x1xi32>
    %ge3A_487 = arith.constant -2147483648 : i32
    %ge3A_488 = vector.broadcast %ge3A_487 : i32 to vector<512x1xi32>
    %ge3A_489 = arith.cmpi uge, %bitcast_convert_type3A_486, %ge3A_488 : vector<512x1xi32>
    %not3A_490 = arith.constant dense<-1> : vector<512x1xi32>
    %not3A_491 = arith.xori %bitcast_convert_type3A_486, %not3A_490 : vector<512x1xi32>
    %or3A_492 = arith.constant -2147483648 : i32
    %or3A_493 = vector.broadcast %or3A_492 : i32 to vector<512x1xi32>
    %or3A_494 = arith.ori %bitcast_convert_type3A_486, %or3A_493 : vector<512x1xi32>
    %select_n3A_495 = arith.select %ge3A_489, %not3A_491, %or3A_494 : vector<512x1xi1>, vector<512x1xi32>
    %swap3A_496 = arith.constant 0 : index
    %swap3A_497 = arith.constant 27 : index
    %swap3A_498 = vector.load %arg4[%swap3A_496, %swap3A_497] : memref<512x40xi32, #tpu.memory_space<vmem>>, vector<512x1xi32>
    tpu.vector_store %arg4[%swap3A_496, %swap3A_497], %select_n3A_495 {strides = array<i32>} : memref<512x40xi32, #tpu.memory_space<vmem>>, vector<512x1xi32>,
    %slice3A_499 = vector.extract_strided_slice %select_n3A {offsets = [0, 3584], sizes = [512, 128], strides = [1, 1]} : vector<512x5120xf32> to vector<512x128xf32>
    %reduce_max3A_500 = arith.constant dense<0xFF800000> : vector<512xf32>
    %reduce_max3A_501 = vector.multi_reduction <maximumf>, %slice3A_499, %reduce_max3A_500 [1] : vector<512x128xf32> to vector<512xf32>
    %broadcast_in_dim3A_502 = vector.shape_cast %reduce_max3A_501 : vector<512xf32> to vector<512x1xf32>
    %bitcast_convert_type3A_503 = tpu.bitcast %broadcast_in_dim3A_502 : vector<512x1xf32> -> vector<512x1xi32>
    %ge3A_504 = arith.constant -2147483648 : i32
    %ge3A_505 = vector.broadcast %ge3A_504 : i32 to vector<512x1xi32>
    %ge3A_506 = arith.cmpi uge, %bitcast_convert_type3A_503, %ge3A_505 : vector<512x1xi32>
    %not3A_507 = arith.constant dense<-1> : vector<512x1xi32>
    %not3A_508 = arith.xori %bitcast_convert_type3A_503, %not3A_507 : vector<512x1xi32>
    %or3A_509 = arith.constant -2147483648 : i32
    %or3A_510 = vector.broadcast %or3A_509 : i32 to vector<512x1xi32>
    %or3A_511 = arith.ori %bitcast_convert_type3A_503, %or3A_510 : vector<512x1xi32>
    %select_n3A_512 = arith.select %ge3A_506, %not3A_508, %or3A_511 : vector<512x1xi1>, vector<512x1xi32>
    %swap3A_513 = arith.constant 0 : index
    %swap3A_514 = arith.constant 28 : index
    %swap3A_515 = vector.load %arg4[%swap3A_513, %swap3A_514] : memref<512x40xi32, #tpu.memory_space<vmem>>, vector<512x1xi32>
    tpu.vector_store %arg4[%swap3A_513, %swap3A_514], %select_n3A_512 {strides = array<i32>} : memref<512x40xi32, #tpu.memory_space<vmem>>, vector<512x1xi32>,
    %slice3A_516 = vector.extract_strided_slice %select_n3A {offsets = [0, 3712], sizes = [512, 128], strides = [1, 1]} : vector<512x5120xf32> to vector<512x128xf32>
    %reduce_max3A_517 = arith.constant dense<0xFF800000> : vector<512xf32>
    %reduce_max3A_518 = vector.multi_reduction <maximumf>, %slice3A_516, %reduce_max3A_517 [1] : vector<512x128xf32> to vector<512xf32>
    %broadcast_in_dim3A_519 = vector.shape_cast %reduce_max3A_518 : vector<512xf32> to vector<512x1xf32>
    %bitcast_convert_type3A_520 = tpu.bitcast %broadcast_in_dim3A_519 : vector<512x1xf32> -> vector<512x1xi32>
    %ge3A_521 = arith.constant -2147483648 : i32
    %ge3A_522 = vector.broadcast %ge3A_521 : i32 to vector<512x1xi32>
    %ge3A_523 = arith.cmpi uge, %bitcast_convert_type3A_520, %ge3A_522 : vector<512x1xi32>
    %not3A_524 = arith.constant dense<-1> : vector<512x1xi32>
    %not3A_525 = arith.xori %bitcast_convert_type3A_520, %not3A_524 : vector<512x1xi32>
    %or3A_526 = arith.constant -2147483648 : i32
    %or3A_527 = vector.broadcast %or3A_526 : i32 to vector<512x1xi32>
    %or3A_528 = arith.ori %bitcast_convert_type3A_520, %or3A_527 : vector<512x1xi32>
    %select_n3A_529 = arith.select %ge3A_523, %not3A_525, %or3A_528 : vector<512x1xi1>, vector<512x1xi32>
    %swap3A_530 = arith.constant 0 : index
    %swap3A_531 = arith.constant 29 : index
    %swap3A_532 = vector.load %arg4[%swap3A_530, %swap3A_531] : memref<512x40xi32, #tpu.memory_space<vmem>>, vector<512x1xi32>
    tpu.vector_store %arg4[%swap3A_530, %swap3A_531], %select_n3A_529 {strides = array<i32>} : memref<512x40xi32, #tpu.memory_space<vmem>>, vector<512x1xi32>,
    %slice3A_533 = vector.extract_strided_slice %select_n3A {offsets = [0, 3840], sizes = [512, 128], strides = [1, 1]} : vector<512x5120xf32> to vector<512x128xf32>
    %reduce_max3A_534 = arith.constant dense<0xFF800000> : vector<512xf32>
    %reduce_max3A_535 = vector.multi_reduction <maximumf>, %slice3A_533, %reduce_max3A_534 [1] : vector<512x128xf32> to vector<512xf32>
    %broadcast_in_dim3A_536 = vector.shape_cast %reduce_max3A_535 : vector<512xf32> to vector<512x1xf32>
    %bitcast_convert_type3A_537 = tpu.bitcast %broadcast_in_dim3A_536 : vector<512x1xf32> -> vector<512x1xi32>
    %ge3A_538 = arith.constant -2147483648 : i32
    %ge3A_539 = vector.broadcast %ge3A_538 : i32 to vector<512x1xi32>
    %ge3A_540 = arith.cmpi uge, %bitcast_convert_type3A_537, %ge3A_539 : vector<512x1xi32>
    %not3A_541 = arith.constant dense<-1> : vector<512x1xi32>
    %not3A_542 = arith.xori %bitcast_convert_type3A_537, %not3A_541 : vector<512x1xi32>
    %or3A_543 = arith.constant -2147483648 : i32
    %or3A_544 = vector.broadcast %or3A_543 : i32 to vector<512x1xi32>
    %or3A_545 = arith.ori %bitcast_convert_type3A_537, %or3A_544 : vector<512x1xi32>
    %select_n3A_546 = arith.select %ge3A_540, %not3A_542, %or3A_545 : vector<512x1xi1>, vector<512x1xi32>
    %swap3A_547 = arith.constant 0 : index
    %swap3A_548 = arith.constant 30 : index
    %swap3A_549 = vector.load %arg4[%swap3A_547, %swap3A_548] : memref<512x40xi32, #tpu.memory_space<vmem>>, vector<512x1xi32>
    tpu.vector_store %arg4[%swap3A_547, %swap3A_548], %select_n3A_546 {strides = array<i32>} : memref<512x40xi32, #tpu.memory_space<vmem>>, vector<512x1xi32>,
    %slice3A_550 = vector.extract_strided_slice %select_n3A {offsets = [0, 3968], sizes = [512, 128], strides = [1, 1]} : vector<512x5120xf32> to vector<512x128xf32>
    %reduce_max3A_551 = arith.constant dense<0xFF800000> : vector<512xf32>
    %reduce_max3A_552 = vector.multi_reduction <maximumf>, %slice3A_550, %reduce_max3A_551 [1] : vector<512x128xf32> to vector<512xf32>
    %broadcast_in_dim3A_553 = vector.shape_cast %reduce_max3A_552 : vector<512xf32> to vector<512x1xf32>
    %bitcast_convert_type3A_554 = tpu.bitcast %broadcast_in_dim3A_553 : vector<512x1xf32> -> vector<512x1xi32>
    %ge3A_555 = arith.constant -2147483648 : i32
    %ge3A_556 = vector.broadcast %ge3A_555 : i32 to vector<512x1xi32>
    %ge3A_557 = arith.cmpi uge, %bitcast_convert_type3A_554, %ge3A_556 : vector<512x1xi32>
    %not3A_558 = arith.constant dense<-1> : vector<512x1xi32>
    %not3A_559 = arith.xori %bitcast_convert_type3A_554, %not3A_558 : vector<512x1xi32>
    %or3A_560 = arith.constant -2147483648 : i32
    %or3A_561 = vector.broadcast %or3A_560 : i32 to vector<512x1xi32>
    %or3A_562 = arith.ori %bitcast_convert_type3A_554, %or3A_561 : vector<512x1xi32>
    %select_n3A_563 = arith.select %ge3A_557, %not3A_559, %or3A_562 : vector<512x1xi1>, vector<512x1xi32>
    %swap3A_564 = arith.constant 0 : index
    %swap3A_565 = arith.constant 31 : index
    %swap3A_566 = vector.load %arg4[%swap3A_564, %swap3A_565] : memref<512x40xi32, #tpu.memory_space<vmem>>, vector<512x1xi32>
    tpu.vector_store %arg4[%swap3A_564, %swap3A_565], %select_n3A_563 {strides = array<i32>} : memref<512x40xi32, #tpu.memory_space<vmem>>, vector<512x1xi32>,
    %slice3A_567 = vector.extract_strided_slice %select_n3A {offsets = [0, 4096], sizes = [512, 128], strides = [1, 1]} : vector<512x5120xf32> to vector<512x128xf32>
    %reduce_max3A_568 = arith.constant dense<0xFF800000> : vector<512xf32>
    %reduce_max3A_569 = vector.multi_reduction <maximumf>, %slice3A_567, %reduce_max3A_568 [1] : vector<512x128xf32> to vector<512xf32>
    %broadcast_in_dim3A_570 = vector.shape_cast %reduce_max3A_569 : vector<512xf32> to vector<512x1xf32>
    %bitcast_convert_type3A_571 = tpu.bitcast %broadcast_in_dim3A_570 : vector<512x1xf32> -> vector<512x1xi32>
    %ge3A_572 = arith.constant -2147483648 : i32
    %ge3A_573 = vector.broadcast %ge3A_572 : i32 to vector<512x1xi32>
    %ge3A_574 = arith.cmpi uge, %bitcast_convert_type3A_571, %ge3A_573 : vector<512x1xi32>
    %not3A_575 = arith.constant dense<-1> : vector<512x1xi32>
    %not3A_576 = arith.xori %bitcast_convert_type3A_571, %not3A_575 : vector<512x1xi32>
    %or3A_577 = arith.constant -2147483648 : i32
    %or3A_578 = vector.broadcast %or3A_577 : i32 to vector<512x1xi32>
    %or3A_579 = arith.ori %bitcast_convert_type3A_571, %or3A_578 : vector<512x1xi32>
    %select_n3A_580 = arith.select %ge3A_574, %not3A_576, %or3A_579 : vector<512x1xi1>, vector<512x1xi32>
    %swap3A_581 = arith.constant 0 : index
    %swap3A_582 = arith.constant 32 : index
    %swap3A_583 = vector.load %arg4[%swap3A_581, %swap3A_582] : memref<512x40xi32, #tpu.memory_space<vmem>>, vector<512x1xi32>
    tpu.vector_store %arg4[%swap3A_581, %swap3A_582], %select_n3A_580 {strides = array<i32>} : memref<512x40xi32, #tpu.memory_space<vmem>>, vector<512x1xi32>,
    %slice3A_584 = vector.extract_strided_slice %select_n3A {offsets = [0, 4224], sizes = [512, 128], strides = [1, 1]} : vector<512x5120xf32> to vector<512x128xf32>
    %reduce_max3A_585 = arith.constant dense<0xFF800000> : vector<512xf32>
    %reduce_max3A_586 = vector.multi_reduction <maximumf>, %slice3A_584, %reduce_max3A_585 [1] : vector<512x128xf32> to vector<512xf32>
    %broadcast_in_dim3A_587 = vector.shape_cast %reduce_max3A_586 : vector<512xf32> to vector<512x1xf32>
    %bitcast_convert_type3A_588 = tpu.bitcast %broadcast_in_dim3A_587 : vector<512x1xf32> -> vector<512x1xi32>
    %ge3A_589 = arith.constant -2147483648 : i32
    %ge3A_590 = vector.broadcast %ge3A_589 : i32 to vector<512x1xi32>
    %ge3A_591 = arith.cmpi uge, %bitcast_convert_type3A_588, %ge3A_590 : vector<512x1xi32>
    %not3A_592 = arith.constant dense<-1> : vector<512x1xi32>
    %not3A_593 = arith.xori %bitcast_convert_type3A_588, %not3A_592 : vector<512x1xi32>
    %or3A_594 = arith.constant -2147483648 : i32
    %or3A_595 = vector.broadcast %or3A_594 : i32 to vector<512x1xi32>
    %or3A_596 = arith.ori %bitcast_convert_type3A_588, %or3A_595 : vector<512x1xi32>
    %select_n3A_597 = arith.select %ge3A_591, %not3A_593, %or3A_596 : vector<512x1xi1>, vector<512x1xi32>
    %swap3A_598 = arith.constant 0 : index
    %swap3A_599 = arith.constant 33 : index
    %swap3A_600 = vector.load %arg4[%swap3A_598, %swap3A_599] : memref<512x40xi32, #tpu.memory_space<vmem>>, vector<512x1xi32>
    tpu.vector_store %arg4[%swap3A_598, %swap3A_599], %select_n3A_597 {strides = array<i32>} : memref<512x40xi32, #tpu.memory_space<vmem>>, vector<512x1xi32>,
    %slice3A_601 = vector.extract_strided_slice %select_n3A {offsets = [0, 4352], sizes = [512, 128], strides = [1, 1]} : vector<512x5120xf32> to vector<512x128xf32>
    %reduce_max3A_602 = arith.constant dense<0xFF800000> : vector<512xf32>
    %reduce_max3A_603 = vector.multi_reduction <maximumf>, %slice3A_601, %reduce_max3A_602 [1] : vector<512x128xf32> to vector<512xf32>
    %broadcast_in_dim3A_604 = vector.shape_cast %reduce_max3A_603 : vector<512xf32> to vector<512x1xf32>
    %bitcast_convert_type3A_605 = tpu.bitcast %broadcast_in_dim3A_604 : vector<512x1xf32> -> vector<512x1xi32>
    %ge3A_606 = arith.constant -2147483648 : i32
    %ge3A_607 = vector.broadcast %ge3A_606 : i32 to vector<512x1xi32>
    %ge3A_608 = arith.cmpi uge, %bitcast_convert_type3A_605, %ge3A_607 : vector<512x1xi32>
    %not3A_609 = arith.constant dense<-1> : vector<512x1xi32>
    %not3A_610 = arith.xori %bitcast_convert_type3A_605, %not3A_609 : vector<512x1xi32>
    %or3A_611 = arith.constant -2147483648 : i32
    %or3A_612 = vector.broadcast %or3A_611 : i32 to vector<512x1xi32>
    %or3A_613 = arith.ori %bitcast_convert_type3A_605, %or3A_612 : vector<512x1xi32>
    %select_n3A_614 = arith.select %ge3A_608, %not3A_610, %or3A_613 : vector<512x1xi1>, vector<512x1xi32>
    %swap3A_615 = arith.constant 0 : index
    %swap3A_616 = arith.constant 34 : index
    %swap3A_617 = vector.load %arg4[%swap3A_615, %swap3A_616] : memref<512x40xi32, #tpu.memory_space<vmem>>, vector<512x1xi32>
    tpu.vector_store %arg4[%swap3A_615, %swap3A_616], %select_n3A_614 {strides = array<i32>} : memref<512x40xi32, #tpu.memory_space<vmem>>, vector<512x1xi32>,
    %slice3A_618 = vector.extract_strided_slice %select_n3A {offsets = [0, 4480], sizes = [512, 128], strides = [1, 1]} : vector<512x5120xf32> to vector<512x128xf32>
    %reduce_max3A_619 = arith.constant dense<0xFF800000> : vector<512xf32>
    %reduce_max3A_620 = vector.multi_reduction <maximumf>, %slice3A_618, %reduce_max3A_619 [1] : vector<512x128xf32> to vector<512xf32>
    %broadcast_in_dim3A_621 = vector.shape_cast %reduce_max3A_620 : vector<512xf32> to vector<512x1xf32>
    %bitcast_convert_type3A_622 = tpu.bitcast %broadcast_in_dim3A_621 : vector<512x1xf32> -> vector<512x1xi32>
    %ge3A_623 = arith.constant -2147483648 : i32
    %ge3A_624 = vector.broadcast %ge3A_623 : i32 to vector<512x1xi32>
    %ge3A_625 = arith.cmpi uge, %bitcast_convert_type3A_622, %ge3A_624 : vector<512x1xi32>
    %not3A_626 = arith.constant dense<-1> : vector<512x1xi32>
    %not3A_627 = arith.xori %bitcast_convert_type3A_622, %not3A_626 : vector<512x1xi32>
    %or3A_628 = arith.constant -2147483648 : i32
    %or3A_629 = vector.broadcast %or3A_628 : i32 to vector<512x1xi32>
    %or3A_630 = arith.ori %bitcast_convert_type3A_622, %or3A_629 : vector<512x1xi32>
    %select_n3A_631 = arith.select %ge3A_625, %not3A_627, %or3A_630 : vector<512x1xi1>, vector<512x1xi32>
    %swap3A_632 = arith.constant 0 : index
    %swap3A_633 = arith.constant 35 : index
    %swap3A_634 = vector.load %arg4[%swap3A_632, %swap3A_633] : memref<512x40xi32, #tpu.memory_space<vmem>>, vector<512x1xi32>
    tpu.vector_store %arg4[%swap3A_632, %swap3A_633], %select_n3A_631 {strides = array<i32>} : memref<512x40xi32, #tpu.memory_space<vmem>>, vector<512x1xi32>,
    %slice3A_635 = vector.extract_strided_slice %select_n3A {offsets = [0, 4608], sizes = [512, 128], strides = [1, 1]} : vector<512x5120xf32> to vector<512x128xf32>
    %reduce_max3A_636 = arith.constant dense<0xFF800000> : vector<512xf32>
    %reduce_max3A_637 = vector.multi_reduction <maximumf>, %slice3A_635, %reduce_max3A_636 [1] : vector<512x128xf32> to vector<512xf32>
    %broadcast_in_dim3A_638 = vector.shape_cast %reduce_max3A_637 : vector<512xf32> to vector<512x1xf32>
    %bitcast_convert_type3A_639 = tpu.bitcast %broadcast_in_dim3A_638 : vector<512x1xf32> -> vector<512x1xi32>
    %ge3A_640 = arith.constant -2147483648 : i32
    %ge3A_641 = vector.broadcast %ge3A_640 : i32 to vector<512x1xi32>
    %ge3A_642 = arith.cmpi uge, %bitcast_convert_type3A_639, %ge3A_641 : vector<512x1xi32>
    %not3A_643 = arith.constant dense<-1> : vector<512x1xi32>
    %not3A_644 = arith.xori %bitcast_convert_type3A_639, %not3A_643 : vector<512x1xi32>
    %or3A_645 = arith.constant -2147483648 : i32
    %or3A_646 = vector.broadcast %or3A_645 : i32 to vector<512x1xi32>
    %or3A_647 = arith.ori %bitcast_convert_type3A_639, %or3A_646 : vector<512x1xi32>
    %select_n3A_648 = arith.select %ge3A_642, %not3A_644, %or3A_647 : vector<512x1xi1>, vector<512x1xi32>
    %swap3A_649 = arith.constant 0 : index
    %swap3A_650 = arith.constant 36 : index
    %swap3A_651 = vector.load %arg4[%swap3A_649, %swap3A_650] : memref<512x40xi32, #tpu.memory_space<vmem>>, vector<512x1xi32>
    tpu.vector_store %arg4[%swap3A_649, %swap3A_650], %select_n3A_648 {strides = array<i32>} : memref<512x40xi32, #tpu.memory_space<vmem>>, vector<512x1xi32>,
    %slice3A_652 = vector.extract_strided_slice %select_n3A {offsets = [0, 4736], sizes = [512, 128], strides = [1, 1]} : vector<512x5120xf32> to vector<512x128xf32>
    %reduce_max3A_653 = arith.constant dense<0xFF800000> : vector<512xf32>
    %reduce_max3A_654 = vector.multi_reduction <maximumf>, %slice3A_652, %reduce_max3A_653 [1] : vector<512x128xf32> to vector<512xf32>
    %broadcast_in_dim3A_655 = vector.shape_cast %reduce_max3A_654 : vector<512xf32> to vector<512x1xf32>
    %bitcast_convert_type3A_656 = tpu.bitcast %broadcast_in_dim3A_655 : vector<512x1xf32> -> vector<512x1xi32>
    %ge3A_657 = arith.constant -2147483648 : i32
    %ge3A_658 = vector.broadcast %ge3A_657 : i32 to vector<512x1xi32>
    %ge3A_659 = arith.cmpi uge, %bitcast_convert_type3A_656, %ge3A_658 : vector<512x1xi32>
    %not3A_660 = arith.constant dense<-1> : vector<512x1xi32>
    %not3A_661 = arith.xori %bitcast_convert_type3A_656, %not3A_660 : vector<512x1xi32>
    %or3A_662 = arith.constant -2147483648 : i32
    %or3A_663 = vector.broadcast %or3A_662 : i32 to vector<512x1xi32>
    %or3A_664 = arith.ori %bitcast_convert_type3A_656, %or3A_663 : vector<512x1xi32>
    %select_n3A_665 = arith.select %ge3A_659, %not3A_661, %or3A_664 : vector<512x1xi1>, vector<512x1xi32>
    %swap3A_666 = arith.constant 0 : index
    %swap3A_667 = arith.constant 37 : index
    %swap3A_668 = vector.load %arg4[%swap3A_666, %swap3A_667] : memref<512x40xi32, #tpu.memory_space<vmem>>, vector<512x1xi32>
    tpu.vector_store %arg4[%swap3A_666, %swap3A_667], %select_n3A_665 {strides = array<i32>} : memref<512x40xi32, #tpu.memory_space<vmem>>, vector<512x1xi32>,
    %slice3A_669 = vector.extract_strided_slice %select_n3A {offsets = [0, 4864], sizes = [512, 128], strides = [1, 1]} : vector<512x5120xf32> to vector<512x128xf32>
    %reduce_max3A_670 = arith.constant dense<0xFF800000> : vector<512xf32>
    %reduce_max3A_671 = vector.multi_reduction <maximumf>, %slice3A_669, %reduce_max3A_670 [1] : vector<512x128xf32> to vector<512xf32>
    %broadcast_in_dim3A_672 = vector.shape_cast %reduce_max3A_671 : vector<512xf32> to vector<512x1xf32>
    %bitcast_convert_type3A_673 = tpu.bitcast %broadcast_in_dim3A_672 : vector<512x1xf32> -> vector<512x1xi32>
    %ge3A_674 = arith.constant -2147483648 : i32
    %ge3A_675 = vector.broadcast %ge3A_674 : i32 to vector<512x1xi32>
    %ge3A_676 = arith.cmpi uge, %bitcast_convert_type3A_673, %ge3A_675 : vector<512x1xi32>
    %not3A_677 = arith.constant dense<-1> : vector<512x1xi32>
    %not3A_678 = arith.xori %bitcast_convert_type3A_673, %not3A_677 : vector<512x1xi32>
    %or3A_679 = arith.constant -2147483648 : i32
    %or3A_680 = vector.broadcast %or3A_679 : i32 to vector<512x1xi32>
    %or3A_681 = arith.ori %bitcast_convert_type3A_673, %or3A_680 : vector<512x1xi32>
    %select_n3A_682 = arith.select %ge3A_676, %not3A_678, %or3A_681 : vector<512x1xi1>, vector<512x1xi32>
    %swap3A_683 = arith.constant 0 : index
    %swap3A_684 = arith.constant 38 : index
    %swap3A_685 = vector.load %arg4[%swap3A_683, %swap3A_684] : memref<512x40xi32, #tpu.memory_space<vmem>>, vector<512x1xi32>
    tpu.vector_store %arg4[%swap3A_683, %swap3A_684], %select_n3A_682 {strides = array<i32>} : memref<512x40xi32, #tpu.memory_space<vmem>>, vector<512x1xi32>,
    %slice3A_686 = vector.extract_strided_slice %select_n3A {offsets = [0, 4992], sizes = [512, 128], strides = [1, 1]} : vector<512x5120xf32> to vector<512x128xf32>
    %reduce_max3A_687 = arith.constant dense<0xFF800000> : vector<512xf32>
    %reduce_max3A_688 = vector.multi_reduction <maximumf>, %slice3A_686, %reduce_max3A_687 [1] : vector<512x128xf32> to vector<512xf32>
    %broadcast_in_dim3A_689 = vector.shape_cast %reduce_max3A_688 : vector<512xf32> to vector<512x1xf32>
    %bitcast_convert_type3A_690 = tpu.bitcast %broadcast_in_dim3A_689 : vector<512x1xf32> -> vector<512x1xi32>
    %ge3A_691 = arith.constant -2147483648 : i32
    %ge3A_692 = vector.broadcast %ge3A_691 : i32 to vector<512x1xi32>
    %ge3A_693 = arith.cmpi uge, %bitcast_convert_type3A_690, %ge3A_692 : vector<512x1xi32>
    %not3A_694 = arith.constant dense<-1> : vector<512x1xi32>
    %not3A_695 = arith.xori %bitcast_convert_type3A_690, %not3A_694 : vector<512x1xi32>
    %or3A_696 = arith.constant -2147483648 : i32
    %or3A_697 = vector.broadcast %or3A_696 : i32 to vector<512x1xi32>
    %or3A_698 = arith.ori %bitcast_convert_type3A_690, %or3A_697 : vector<512x1xi32>
    %select_n3A_699 = arith.select %ge3A_693, %not3A_695, %or3A_698 : vector<512x1xi1>, vector<512x1xi32>
    %swap3A_700 = arith.constant 0 : index
    %swap3A_701 = arith.constant 39 : index
    %swap3A_702 = vector.load %arg4[%swap3A_700, %swap3A_701] : memref<512x40xi32, #tpu.memory_space<vmem>>, vector<512x1xi32>
    tpu.vector_store %arg4[%swap3A_700, %swap3A_701], %select_n3A_699 {strides = array<i32>} : memref<512x40xi32, #tpu.memory_space<vmem>>, vector<512x1xi32>,
    return
  }
  func.func @transform_0(%arg0: i32) -> (i32, i32) {
    %c0_i32 = arith.constant 0 : i32
    %c0_i32_0 = arith.constant 0 : i32
    return %arg0, %c0_i32 : i32, i32
  }
  func.func @transform_1(%arg0: i32) -> (i32, i32) {
    %c0_i32 = arith.constant 0 : i32
    %c0_i32_0 = arith.constant 0 : i32
    %c0_i32_1 = arith.constant 0 : i32
    return %c0_i32, %c0_i32_0 : i32, i32
  }
  func.func @transform_2(%arg0: i32) -> (i32, i32) {
    %c0_i32 = arith.constant 0 : i32
    %c0_i32_0 = arith.constant 0 : i32
    return %arg0, %c0_i32 : i32, i32
  }
  func.func @transform_3(%arg0: i32) -> (i32, i32) {
    %c0_i32 = arith.constant 0 : i32
    %c0_i32_0 = arith.constant 0 : i32
    return %arg0, %c0_i32 : i32, i32
  }
}

module attributes {stable_mosaic.version = 14 : i64} {
  func.func @_mlp_kernel(%arg0: memref<5000x255xf32, #tpu.memory_space<vmem>>, %arg1: memref<255x64xf32, #tpu.memory_space<vmem>>, %arg2: memref<64xf32, #tpu.memory_space<vmem>>, %arg3: memref<64x64xf32, #tpu.memory_space<vmem>>, %arg4: memref<64xf32, #tpu.memory_space<vmem>>, %arg5: memref<255x64xf32, #tpu.memory_space<vmem>>, %arg6: memref<64xf32, #tpu.memory_space<vmem>>, %arg7: memref<64x64xf32, #tpu.memory_space<vmem>>, %arg8: memref<64xf32, #tpu.memory_space<vmem>>, %arg9: memref<5000x64xf32, #tpu.memory_space<vmem>>, %arg10: memref<5000x64xf32, #tpu.memory_space<vmem>>) attributes {dimension_semantics = [], scalar_prefetch = 0 : i64, scratch_operands = 0 : i64, tpu.core_type = #tpu.core_type<tc>} {
    %get3A = arith.constant 0 : index
    %get3A_0 = arith.constant 0 : index
    %get3A_1 = vector.load %arg0[%get3A, %get3A_0] : memref<5000x255xf32, #tpu.memory_space<vmem>>, vector<5000x255xf32>
    %get3A_2 = arith.constant 0 : index
    %get3A_3 = arith.constant 0 : index
    %get3A_4 = vector.load %arg1[%get3A_2, %get3A_3] : memref<255x64xf32, #tpu.memory_space<vmem>>, vector<255x64xf32>
    %dot_general3A = arith.constant dense<0.000000e+00> : vector<5000x64xf32>
    %dot_general3A_5 = tpu.matmul %get3A_1, %get3A_4, %dot_general3A {dimension_numbers = #tpu.dot_dimension_numbers<[1], [0], [0], [1], [0, 0, 1, 1], [], []>, transpose_lhs_hint = false} : vector<5000x255xf32>, vector<255x64xf32>, vector<5000x64xf32> -> vector<5000x64xf32>
    %get3A_6 = arith.constant 0 : index
    %get3A_7 = vector.load %arg2[%get3A_6] : memref<64xf32, #tpu.memory_space<vmem>>, vector<64xf32>
    %broadcast_in_dim3A = vector.shape_cast %get3A_7 : vector<64xf32> to vector<1x64xf32>
    %add3A = vector.broadcast %broadcast_in_dim3A : vector<1x64xf32> to vector<5000x64xf32>
    %add3A_8 = arith.addf %dot_general3A_5, %add3A : vector<5000x64xf32>
    %max3A = arith.constant 0.000000e+00 : f32
    %max3A_9 = vector.broadcast %max3A : f32 to vector<5000x64xf32>
    %max3A_10 = arith.maximumf %add3A_8, %max3A_9 : vector<5000x64xf32>
    %get3A_11 = arith.constant 0 : index
    %get3A_12 = arith.constant 0 : index
    %get3A_13 = vector.load %arg3[%get3A_11, %get3A_12] : memref<64x64xf32, #tpu.memory_space<vmem>>, vector<64x64xf32>
    %dot_general3A_14 = arith.constant dense<0.000000e+00> : vector<5000x64xf32>
    %dot_general3A_15 = tpu.matmul %max3A_10, %get3A_13, %dot_general3A_14 {dimension_numbers = #tpu.dot_dimension_numbers<[1], [0], [0], [1], [0, 0, 1, 1], [], []>, transpose_lhs_hint = false} : vector<5000x64xf32>, vector<64x64xf32>, vector<5000x64xf32> -> vector<5000x64xf32>
    %get3A_16 = arith.constant 0 : index
    %get3A_17 = vector.load %arg4[%get3A_16] : memref<64xf32, #tpu.memory_space<vmem>>, vector<64xf32>
    %broadcast_in_dim3A_18 = vector.shape_cast %get3A_17 : vector<64xf32> to vector<1x64xf32>
    %add3A_19 = vector.broadcast %broadcast_in_dim3A_18 : vector<1x64xf32> to vector<5000x64xf32>
    %add3A_20 = arith.addf %dot_general3A_15, %add3A_19 : vector<5000x64xf32>
    %swap3A = arith.constant 0 : index
    %swap3A_21 = arith.constant 0 : index
    %swap3A_22 = vector.load %arg9[%swap3A, %swap3A_21] : memref<5000x64xf32, #tpu.memory_space<vmem>>, vector<5000x64xf32>
    tpu.vector_store %arg9[%swap3A, %swap3A_21], %add3A_20 {strides = array<i32>} : memref<5000x64xf32, #tpu.memory_space<vmem>>, vector<5000x64xf32>,
    %get3A_23 = arith.constant 0 : index
    %get3A_24 = arith.constant 0 : index
    %get3A_25 = vector.load %arg5[%get3A_23, %get3A_24] : memref<255x64xf32, #tpu.memory_space<vmem>>, vector<255x64xf32>
    %dot_general3A_26 = arith.constant dense<0.000000e+00> : vector<5000x64xf32>
    %dot_general3A_27 = tpu.matmul %get3A_1, %get3A_25, %dot_general3A_26 {dimension_numbers = #tpu.dot_dimension_numbers<[1], [0], [0], [1], [0, 0, 1, 1], [], []>, transpose_lhs_hint = false} : vector<5000x255xf32>, vector<255x64xf32>, vector<5000x64xf32> -> vector<5000x64xf32>
    %get3A_28 = arith.constant 0 : index
    %get3A_29 = vector.load %arg6[%get3A_28] : memref<64xf32, #tpu.memory_space<vmem>>, vector<64xf32>
    %broadcast_in_dim3A_30 = vector.shape_cast %get3A_29 : vector<64xf32> to vector<1x64xf32>
    %add3A_31 = vector.broadcast %broadcast_in_dim3A_30 : vector<1x64xf32> to vector<5000x64xf32>
    %add3A_32 = arith.addf %dot_general3A_27, %add3A_31 : vector<5000x64xf32>
    %max3A_33 = arith.constant 0.000000e+00 : f32
    %max3A_34 = vector.broadcast %max3A_33 : f32 to vector<5000x64xf32>
    %max3A_35 = arith.maximumf %add3A_32, %max3A_34 : vector<5000x64xf32>
    %get3A_36 = arith.constant 0 : index
    %get3A_37 = arith.constant 0 : index
    %get3A_38 = vector.load %arg7[%get3A_36, %get3A_37] : memref<64x64xf32, #tpu.memory_space<vmem>>, vector<64x64xf32>
    %dot_general3A_39 = arith.constant dense<0.000000e+00> : vector<5000x64xf32>
    %dot_general3A_40 = tpu.matmul %max3A_35, %get3A_38, %dot_general3A_39 {dimension_numbers = #tpu.dot_dimension_numbers<[1], [0], [0], [1], [0, 0, 1, 1], [], []>, transpose_lhs_hint = false} : vector<5000x64xf32>, vector<64x64xf32>, vector<5000x64xf32> -> vector<5000x64xf32>
    %get3A_41 = arith.constant 0 : index
    %get3A_42 = vector.load %arg8[%get3A_41] : memref<64xf32, #tpu.memory_space<vmem>>, vector<64xf32>
    %broadcast_in_dim3A_43 = vector.shape_cast %get3A_42 : vector<64xf32> to vector<1x64xf32>
    %add3A_44 = vector.broadcast %broadcast_in_dim3A_43 : vector<1x64xf32> to vector<5000x64xf32>
    %add3A_45 = arith.addf %dot_general3A_40, %add3A_44 : vector<5000x64xf32>
    %swap3A_46 = arith.constant 0 : index
    %swap3A_47 = arith.constant 0 : index
    %swap3A_48 = vector.load %arg10[%swap3A_46, %swap3A_47] : memref<5000x64xf32, #tpu.memory_space<vmem>>, vector<5000x64xf32>
    tpu.vector_store %arg10[%swap3A_46, %swap3A_47], %add3A_45 {strides = array<i32>} : memref<5000x64xf32, #tpu.memory_space<vmem>>, vector<5000x64xf32>,
    return
  }
}

module attributes {stable_mosaic.version = 14 : i64} {
  func.func @_nms_kernel(%arg0: memref<6144x4xf32, #tpu.memory_space<vmem>>, %arg1: memref<4x6144xf32, #tpu.memory_space<vmem>>, %arg2: memref<6144x1xf32, #tpu.memory_space<vmem>>) attributes {dimension_semantics = [], scalar_prefetch = 0 : i64, scratch_operands = 0 : i64, tpu.core_type = #tpu.core_type<tc>} {
    %get3A = arith.constant 0 : index
    %get3A_0 = arith.constant 0 : index
    %get3A_1 = vector.load %arg1[%get3A, %get3A_0] : memref<4x6144xf32, #tpu.memory_space<vmem>>, vector<1x6144xf32>
    %get3A_2 = arith.constant 1 : index
    %get3A_3 = arith.constant 0 : index
    %get3A_4 = vector.load %arg1[%get3A_2, %get3A_3] : memref<4x6144xf32, #tpu.memory_space<vmem>>, vector<1x6144xf32>
    %get3A_5 = arith.constant 2 : index
    %get3A_6 = arith.constant 0 : index
    %get3A_7 = vector.load %arg1[%get3A_5, %get3A_6] : memref<4x6144xf32, #tpu.memory_space<vmem>>, vector<1x6144xf32>
    %get3A_8 = arith.constant 3 : index
    %get3A_9 = arith.constant 0 : index
    %get3A_10 = vector.load %arg1[%get3A_8, %get3A_9] : memref<4x6144xf32, #tpu.memory_space<vmem>>, vector<1x6144xf32>
    %sub3A = arith.subf %get3A_7, %get3A_1 : vector<1x6144xf32>
    %max3A = arith.constant 0.000000e+00 : f32
    %max3A_11 = vector.broadcast %max3A : f32 to vector<1x6144xf32>
    %max3A_12 = arith.maximumf %sub3A, %max3A_11 : vector<1x6144xf32>
    %sub3A_13 = arith.subf %get3A_10, %get3A_4 : vector<1x6144xf32>
    %max3A_14 = arith.constant 0.000000e+00 : f32
    %max3A_15 = vector.broadcast %max3A_14 : f32 to vector<1x6144xf32>
    %max3A_16 = arith.maximumf %sub3A_13, %max3A_15 : vector<1x6144xf32>
    %mul3A = arith.mulf %max3A_12, %max3A_16 : vector<1x6144xf32>
    %broadcast_in_dim3A = arith.constant 0.000000e+00 : f32
    %broadcast_in_dim3A_17 = vector.broadcast %broadcast_in_dim3A : f32 to vector<6144x1xf32>
    %swap3A = arith.constant 0 : index
    %swap3A_18 = arith.constant 0 : index
    %swap3A_19 = vector.load %arg2[%swap3A, %swap3A_18] : memref<6144x1xf32, #tpu.memory_space<vmem>>, vector<6144x1xf32>
    tpu.vector_store %arg2[%swap3A, %swap3A_18], %broadcast_in_dim3A_17 {strides = array<i32>} : memref<6144x1xf32, #tpu.memory_space<vmem>>, vector<6144x1xf32>,
    %scan3A = arith.constant 0 : i32
    %scan3A_20 = arith.constant 24 : i32
    %scan3A_21 = arith.addi %scan3A, %scan3A_20 : i32
    %scan3A_22 = arith.constant 1 : i32
    scf.for %scan3A_24 = %scan3A to %scan3A_21 step %scan3A_22  : i32 {
      %mul3A_25 = arith.constant 256 : i32
      %mul3A_26 = arith.muli %scan3A_24, %mul3A_25 : i32
      %get3A_27 = arith.index_cast %mul3A_26 : i32 to index
      %get3A_28 = arith.constant 0 : index
      %get3A_29 = vector.load %arg0[%get3A_27, %get3A_28] : memref<6144x4xf32, #tpu.memory_space<vmem>>, vector<256x4xf32>
      %slice3A = vector.extract_strided_slice %get3A_29 {offsets = [0, 0], sizes = [256, 1], strides = [1, 1]} : vector<256x4xf32> to vector<256x1xf32>
      %slice3A_30 = vector.extract_strided_slice %get3A_29 {offsets = [0, 1], sizes = [256, 1], strides = [1, 1]} : vector<256x4xf32> to vector<256x1xf32>
      %slice3A_31 = vector.extract_strided_slice %get3A_29 {offsets = [0, 2], sizes = [256, 1], strides = [1, 1]} : vector<256x4xf32> to vector<256x1xf32>
      %slice3A_32 = vector.extract_strided_slice %get3A_29 {offsets = [0, 3], sizes = [256, 1], strides = [1, 1]} : vector<256x4xf32> to vector<256x1xf32>
      %sub3A_33 = arith.subf %slice3A_31, %slice3A : vector<256x1xf32>
      %max3A_34 = arith.constant 0.000000e+00 : f32
      %max3A_35 = vector.broadcast %max3A_34 : f32 to vector<256x1xf32>
      %max3A_36 = arith.maximumf %sub3A_33, %max3A_35 : vector<256x1xf32>
      %sub3A_37 = arith.subf %slice3A_32, %slice3A_30 : vector<256x1xf32>
      %max3A_38 = arith.constant 0.000000e+00 : f32
      %max3A_39 = vector.broadcast %max3A_38 : f32 to vector<256x1xf32>
      %max3A_40 = arith.maximumf %sub3A_37, %max3A_39 : vector<256x1xf32>
      %mul3A_41 = arith.mulf %max3A_36, %max3A_40 : vector<256x1xf32>
      %max3A_42 = vector.broadcast %get3A_1 : vector<1x6144xf32> to vector<256x6144xf32>
      %max3A_43 = vector.broadcast %slice3A : vector<256x1xf32> to vector<256x6144xf32>
      %max3A_44 = arith.maximumf %max3A_42, %max3A_43 : vector<256x6144xf32>
      %max3A_45 = vector.broadcast %get3A_4 : vector<1x6144xf32> to vector<256x6144xf32>
      %max3A_46 = vector.broadcast %slice3A_30 : vector<256x1xf32> to vector<256x6144xf32>
      %max3A_47 = arith.maximumf %max3A_45, %max3A_46 : vector<256x6144xf32>
      %min3A = vector.broadcast %get3A_7 : vector<1x6144xf32> to vector<256x6144xf32>
      %min3A_48 = vector.broadcast %slice3A_31 : vector<256x1xf32> to vector<256x6144xf32>
      %min3A_49 = arith.minimumf %min3A, %min3A_48 : vector<256x6144xf32>
      %min3A_50 = vector.broadcast %get3A_10 : vector<1x6144xf32> to vector<256x6144xf32>
      %min3A_51 = vector.broadcast %slice3A_32 : vector<256x1xf32> to vector<256x6144xf32>
      %min3A_52 = arith.minimumf %min3A_50, %min3A_51 : vector<256x6144xf32>
      %sub3A_53 = arith.subf %min3A_49, %max3A_44 : vector<256x6144xf32>
      %max3A_54 = arith.constant 0.000000e+00 : f32
      %max3A_55 = vector.broadcast %max3A_54 : f32 to vector<256x6144xf32>
      %max3A_56 = arith.maximumf %sub3A_53, %max3A_55 : vector<256x6144xf32>
      %sub3A_57 = arith.subf %min3A_52, %max3A_47 : vector<256x6144xf32>
      %max3A_58 = arith.constant 0.000000e+00 : f32
      %max3A_59 = vector.broadcast %max3A_58 : f32 to vector<256x6144xf32>
      %max3A_60 = arith.maximumf %sub3A_57, %max3A_59 : vector<256x6144xf32>
      %mul3A_61 = arith.mulf %max3A_56, %max3A_60 : vector<256x6144xf32>
      %add3A = vector.broadcast %mul3A : vector<1x6144xf32> to vector<256x6144xf32>
      %add3A_62 = vector.broadcast %mul3A_41 : vector<256x1xf32> to vector<256x6144xf32>
      %add3A_63 = arith.addf %add3A, %add3A_62 : vector<256x6144xf32>
      %sub3A_64 = arith.subf %add3A_63, %mul3A_61 : vector<256x6144xf32>
      %add3A_65 = arith.constant 9.99999993E-9 : f32
      %add3A_66 = vector.broadcast %add3A_65 : f32 to vector<256x6144xf32>
      %add3A_67 = arith.addf %sub3A_64, %add3A_66 : vector<256x6144xf32>
      %div3A = arith.divf %mul3A_61, %add3A_67 : vector<256x6144xf32>
      %gt3A = arith.constant 0.699999988 : f32
      %gt3A_68 = vector.broadcast %gt3A : f32 to vector<256x6144xf32>
      %gt3A_69 = arith.cmpf ogt, %div3A, %gt3A_68 : vector<256x6144xf32>
      %convert_element_type3A = arith.extui %gt3A_69 : vector<256x6144xi1> to vector<256x6144xi32>
      %convert_element_type3A_70 = arith.sitofp %convert_element_type3A : vector<256x6144xi32> to vector<256x6144xf32>
      %get3A_71 = arith.constant 0 : index
      %get3A_72 = arith.constant 0 : index
      %get3A_73 = vector.load %arg2[%get3A_71, %get3A_72] : memref<6144x1xf32, #tpu.memory_space<vmem>>, vector<6144x1xf32>
      %dot_general3A = arith.constant dense<0.000000e+00> : vector<256x1xf32>
      %dot_general3A_74 = tpu.matmul %convert_element_type3A_70, %get3A_73, %dot_general3A {dimension_numbers = #tpu.dot_dimension_numbers<[1], [0], [0], [1], [0, 0, 1, 1], [], []>, transpose_lhs_hint = false} : vector<256x6144xf32>, vector<6144x1xf32>, vector<256x1xf32> -> vector<256x1xf32>
      %gt3A_75 = arith.constant 0.000000e+00 : f32
      %gt3A_76 = vector.broadcast %gt3A_75 : f32 to vector<256x1xf32>
      %gt3A_77 = arith.cmpf ogt, %dot_general3A_74, %gt3A_76 : vector<256x1xf32>
      %mul3A_78 = arith.constant 256 : i32
      %mul3A_79 = arith.muli %scan3A_24, %mul3A_78 : i32
      %get3A_80 = arith.constant 0 : index
      %get3A_81 = arith.index_cast %mul3A_79 : i32 to index
      %get3A_82 = vector.load %arg1[%get3A_80, %get3A_81] : memref<4x6144xf32, #tpu.memory_space<vmem>>, vector<1x256xf32>
      %mul3A_83 = arith.constant 256 : i32
      %mul3A_84 = arith.muli %scan3A_24, %mul3A_83 : i32
      %get3A_85 = arith.constant 1 : index
      %get3A_86 = arith.index_cast %mul3A_84 : i32 to index
      %get3A_87 = vector.load %arg1[%get3A_85, %get3A_86] : memref<4x6144xf32, #tpu.memory_space<vmem>>, vector<1x256xf32>
      %mul3A_88 = arith.constant 256 : i32
      %mul3A_89 = arith.muli %scan3A_24, %mul3A_88 : i32
      %get3A_90 = arith.constant 2 : index
      %get3A_91 = arith.index_cast %mul3A_89 : i32 to index
      %get3A_92 = vector.load %arg1[%get3A_90, %get3A_91] : memref<4x6144xf32, #tpu.memory_space<vmem>>, vector<1x256xf32>
      %mul3A_93 = arith.constant 256 : i32
      %mul3A_94 = arith.muli %scan3A_24, %mul3A_93 : i32
      %get3A_95 = arith.constant 3 : index
      %get3A_96 = arith.index_cast %mul3A_94 : i32 to index
      %get3A_97 = vector.load %arg1[%get3A_95, %get3A_96] : memref<4x6144xf32, #tpu.memory_space<vmem>>, vector<1x256xf32>
      %sub3A_98 = arith.subf %get3A_92, %get3A_82 : vector<1x256xf32>
      %max3A_99 = arith.constant 0.000000e+00 : f32
      %max3A_100 = vector.broadcast %max3A_99 : f32 to vector<1x256xf32>
      %max3A_101 = arith.maximumf %sub3A_98, %max3A_100 : vector<1x256xf32>
      %sub3A_102 = arith.subf %get3A_97, %get3A_87 : vector<1x256xf32>
      %max3A_103 = arith.constant 0.000000e+00 : f32
      %max3A_104 = vector.broadcast %max3A_103 : f32 to vector<1x256xf32>
      %max3A_105 = arith.maximumf %sub3A_102, %max3A_104 : vector<1x256xf32>
      %mul3A_106 = arith.mulf %max3A_101, %max3A_105 : vector<1x256xf32>
      %max3A_107 = vector.broadcast %get3A_82 : vector<1x256xf32> to vector<256x256xf32>
      %max3A_108 = vector.broadcast %slice3A : vector<256x1xf32> to vector<256x256xf32>
      %max3A_109 = arith.maximumf %max3A_107, %max3A_108 : vector<256x256xf32>
      %max3A_110 = vector.broadcast %get3A_87 : vector<1x256xf32> to vector<256x256xf32>
      %max3A_111 = vector.broadcast %slice3A_30 : vector<256x1xf32> to vector<256x256xf32>
      %max3A_112 = arith.maximumf %max3A_110, %max3A_111 : vector<256x256xf32>
      %min3A_113 = vector.broadcast %get3A_92 : vector<1x256xf32> to vector<256x256xf32>
      %min3A_114 = vector.broadcast %slice3A_31 : vector<256x1xf32> to vector<256x256xf32>
      %min3A_115 = arith.minimumf %min3A_113, %min3A_114 : vector<256x256xf32>
      %min3A_116 = vector.broadcast %get3A_97 : vector<1x256xf32> to vector<256x256xf32>
      %min3A_117 = vector.broadcast %slice3A_32 : vector<256x1xf32> to vector<256x256xf32>
      %min3A_118 = arith.minimumf %min3A_116, %min3A_117 : vector<256x256xf32>
      %sub3A_119 = arith.subf %min3A_115, %max3A_109 : vector<256x256xf32>
      %max3A_120 = arith.constant 0.000000e+00 : f32
      %max3A_121 = vector.broadcast %max3A_120 : f32 to vector<256x256xf32>
      %max3A_122 = arith.maximumf %sub3A_119, %max3A_121 : vector<256x256xf32>
      %sub3A_123 = arith.subf %min3A_118, %max3A_112 : vector<256x256xf32>
      %max3A_124 = arith.constant 0.000000e+00 : f32
      %max3A_125 = vector.broadcast %max3A_124 : f32 to vector<256x256xf32>
      %max3A_126 = arith.maximumf %sub3A_123, %max3A_125 : vector<256x256xf32>
      %mul3A_127 = arith.mulf %max3A_122, %max3A_126 : vector<256x256xf32>
      %add3A_128 = vector.broadcast %mul3A_106 : vector<1x256xf32> to vector<256x256xf32>
      %add3A_129 = vector.broadcast %mul3A_41 : vector<256x1xf32> to vector<256x256xf32>
      %add3A_130 = arith.addf %add3A_128, %add3A_129 : vector<256x256xf32>
      %sub3A_131 = arith.subf %add3A_130, %mul3A_127 : vector<256x256xf32>
      %add3A_132 = arith.constant 9.99999993E-9 : f32
      %add3A_133 = vector.broadcast %add3A_132 : f32 to vector<256x256xf32>
      %add3A_134 = arith.addf %sub3A_131, %add3A_133 : vector<256x256xf32>
      %div3A_135 = arith.divf %mul3A_127, %add3A_134 : vector<256x256xf32>
      %gt3A_136 = arith.constant 0.699999988 : f32
      %gt3A_137 = vector.broadcast %gt3A_136 : f32 to vector<256x256xf32>
      %gt3A_138 = arith.cmpf ogt, %div3A_135, %gt3A_137 : vector<256x256xf32>
      %convert_element_type3A_139 = arith.extui %gt3A_138 : vector<256x256xi1> to vector<256x256xi32>
      %convert_element_type3A_140 = arith.sitofp %convert_element_type3A_139 : vector<256x256xi32> to vector<256x256xf32>
      %iota3A = tpu.iota {dimensions = array<i32: 0>} : vector<256x256xi32>
      %iota3A_141 = tpu.iota {dimensions = array<i32: 1>} : vector<256x256xi32>
      %lt3A = arith.cmpi slt, %iota3A_141, %iota3A : vector<256x256xi32>
      %jit3A = arith.constant 0.000000e+00 : f32
      %broadcast_in_dim3A_142 = vector.broadcast %jit3A : f32 to vector<256x256xf32>
      %select_n3A = arith.select %lt3A, %convert_element_type3A_140, %broadcast_in_dim3A_142 : vector<256x256xi1>, vector<256x256xf32>
      %jit3A_143 = arith.constant 0.000000e+00 : f32
      %jit3A_144 = arith.constant 1.000000e+00 : f32
      %broadcast_in_dim3A_145 = vector.broadcast %jit3A_143 : f32 to vector<256x1xf32>
      %broadcast_in_dim3A_146 = vector.broadcast %jit3A_144 : f32 to vector<256x1xf32>
      %select_n3A_147 = arith.select %gt3A_77, %broadcast_in_dim3A_145, %broadcast_in_dim3A_146 : vector<256x1xi1>, vector<256x1xf32>
      %while3A = arith.constant true
      %while3A_148:2 = scf.while (%while3A_154 = %select_n3A_147, %while3A_155 = %while3A) : (vector<256x1xf32>, i1) -> (vector<256x1xf32>, i1) {
        scf.condition(%while3A_155) %while3A_154, %while3A_155 : vector<256x1xf32>, i1
      } do {
      ^bb0(%while3A_154: vector<256x1xf32>, %while3A_155: i1):
        %dot_general3A_156 = arith.constant dense<0.000000e+00> : vector<256x1xf32>
        %dot_general3A_157 = tpu.matmul %select_n3A, %while3A_154, %dot_general3A_156 {dimension_numbers = #tpu.dot_dimension_numbers<[1], [0], [0], [1], [0, 0, 1, 1], [], []>, transpose_lhs_hint = false} : vector<256x256xf32>, vector<256x1xf32>, vector<256x1xf32> -> vector<256x1xf32>
        %gt3A_158 = arith.constant 0.000000e+00 : f32
        %gt3A_159 = vector.broadcast %gt3A_158 : f32 to vector<256x1xf32>
        %gt3A_160 = arith.cmpf ogt, %dot_general3A_157, %gt3A_159 : vector<256x1xf32>
        %jit3A_161 = arith.constant 0.000000e+00 : f32
        %broadcast_in_dim3A_162 = vector.broadcast %jit3A_161 : f32 to vector<256x1xf32>
        %select_n3A_163 = arith.select %gt3A_160, %broadcast_in_dim3A_162, %select_n3A_147 : vector<256x1xi1>, vector<256x1xf32>
        %ne3A = arith.cmpf one, %select_n3A_163, %while3A_154 : vector<256x1xf32>
        %reduce_or3A = arith.constant 1.000000e+00 : f32
        %reduce_or3A_164 = arith.constant 0.000000e+00 : f32
        %reduce_or3A_165 = vector.broadcast %reduce_or3A : f32 to vector<256x1xf32>
        %reduce_or3A_166 = vector.broadcast %reduce_or3A_164 : f32 to vector<256x1xf32>
        %reduce_or3A_167 = arith.select %ne3A, %reduce_or3A_165, %reduce_or3A_166 : vector<256x1xi1>, vector<256x1xf32>
        %reduce_or3A_168 = vector.shape_cast %reduce_or3A_167 : vector<256x1xf32> to vector<1x256x1xf32>
        %reduce_or3A_169 = arith.constant dense<0xFF800000> : vector<1xf32>
        %reduce_or3A_170 = vector.multi_reduction <maximumf>, %reduce_or3A_168, %reduce_or3A_169 [1, 2] : vector<1x256x1xf32> to vector<1xf32>
        %reduce_or3A_171 = vector.shape_cast %reduce_or3A_170 : vector<1xf32> to vector<1x1x1xf32>
        %reduce_or3A_172 = vector.extract %reduce_or3A_171[0, 0, 0] : f32 from vector<1x1x1xf32>
        %reduce_or3A_173 = arith.constant 0.000000e+00 : f32
        %reduce_or3A_174 = arith.cmpf ogt, %reduce_or3A_172, %reduce_or3A_173 : f32
        scf.yield %select_n3A_163, %reduce_or3A_174 : vector<256x1xf32>, i1
      }
      %mul3A_149 = arith.constant 256 : i32
      %mul3A_150 = arith.muli %scan3A_24, %mul3A_149 : i32
      %swap3A_151 = arith.index_cast %mul3A_150 : i32 to index
      %swap3A_152 = arith.constant 0 : index
      %swap3A_153 = vector.load %arg2[%swap3A_151, %swap3A_152] : memref<6144x1xf32, #tpu.memory_space<vmem>>, vector<256x1xf32>
      tpu.vector_store %arg2[%swap3A_151, %swap3A_152], %while3A_148#0 {strides = array<i32>} : memref<6144x1xf32, #tpu.memory_space<vmem>>, vector<256x1xf32>,
    }
    %scan3A_23 = arith.constant 24 : i32
    return
  }
}

</mosaic_0001>

<sc_bundles>
// kernel: gather_offload_async_start.1
scs
__scs_entry_jumppad:
0x0: {  	(pc) =	sbr.rel $0x88, $3  }
0x1: {  	(tag) =	ssettag $0x0;
	lr =	simm.s32 $0x1  }
0x2: {  	[smem:$0x3F97] =	sst lr;
	_ =	strace $0xD0000000  }
0x3: {  	_ = 	snop  }
0x4: {  	_ = 	snop  }
0x5: {  	_ = 	snop  }
0x6: {  	_ = 	snop  }
0x7: {  	_ = 	snop  }
__scs_overlays_trampoline_lowered:
0x8: {  	[smem:$0x3FA6] =	sst s0  }
0x9: {  	[smem:$0x3FA7] =	sst s1  }
0xa: {  	[smem:$0x3FA8] =	sst s2  }
0xb: {  	[smem:$0x3FA9] =	sst s3  }
0xc: {  	[smem:$0x3FAA] =	sst s4  }
0xd: {  	[smem:$0x3FAB] =	sst s5  }
0xe: {  	[smem:$0x3FAC] =	sst s6  }
0xf: {  	[smem:$0x3FAD] =	sst s7  }
0x10: {  	[smem:$0x3FAE] =	sst s8  }
0x11: {  	[smem:$0x3FAF] =	sst s9;
	s0 =	simm.s32 @!p0 $0x0  }
0x12: {  	s1 =	sld [smem:$0x3F95];
	s0 =	simm.s32 @p0 $0x1  }
0x13: {  	[smem:$0x3FB0] =	sst s0;
	s0 =	simm.s32 @!p1 $0x0  }
0x14: {  	s2 =	sld [smem:$0x3F94];
	s0 =	simm.s32 @p1 $0x1  }
0x15: {  	[smem:$0x3FB1] =	sst s0;
	s0 =	simm.s32 @!p2 $0x0  }
0x16: {  	s3 =	sld [smem:$0x3FDB];
	s0 =	simm.s32 @p2 $0x1  }
0x17: {  	s4 =	simm.s32 $0x1BF5;
	[smem:$0x3FB3] =	sst s0  }
0x18: {  	s0 =	sld [smem:$0x3F96];
	_ =	swait.ge [sflag:s4], $0x0  }
0x19: {  	s7 =	sld [smem:$0x3F97]  }
0x1a: {  	s8 =	sadd.s32 $0xFFFFE003, lr  }
0x1b: {  	s9 =	sadd.s32 $0xFFFFFEF7, lr;
	s5 =	simm.s32 $0xFFFFFFFF;
	p2 =	slt.u32 s8, $0xFFFFF086  }
0x1c: {  	p1 =	slt.u32 s9, $0xF7A;
	s5 =	simm.s32 @!p2 $0x0  }
0x1d: {  	s5 =	simm.s32 @p1 $0x1;
	p0 =	seq.s32 s7, s2  }
0x1e: {  	s7 =	smul.u32 @!p0 $0xF7A, s2;
	p2 =	seq.s32 @!p0 s5, $0x0  }
0x1f: {  	s9 =	smul.u32 $0xF7A, s1;
	s8 =	simm.s32 @!p0 $0x1BF5;
	p2 =	por !p2, p0  }
0x20: {  	[sflag:s8] =	ssyncset.s32 @!p0 $0xFFFFF086;
	s6 =	sadd.s32 @!p0 s3, s7;
	s7 =	simm.s32 @!p0 $0x108  }
0x21: {  	s3 =	sadd.s32 s3, s9;
	s6 =	sadd.s32 @!p0 $0x88, s6;
	s7 =	simm.s32 @p2 $0x1082  }
0x22: {  	[simem:s7], [sflag:s8] =	dma.local @!p0 [hbm:s6], $0xF7A  }
0x23: {  	s9 =	sor.u32 $0xD0000000, s2;
	s6 =	simm.s32 $0x108;
	_ =	swait.ge @!p0 [sflag:s8], $0x0  }
0x24: {  	s3 =	sadd.s32 $0x88, s3;
	s6 =	simm.s32 @!p1 $0x1082;
	[sflag:s4] =	ssyncset.s32 $0xFFFFF086  }
0x25: {  	[simem:s6], [sflag:s4] =	dma.local [hbm:s3], $0xF7A  }
0x26: {  	[smem:$0x3F97] =	sst s1;
	(tag) =	ssettag s2;
	_ =	strace s9  }
0x27: {  	s1 =	sld [smem:$0x3FA7]  }
0x28: {  	s2 =	sld [smem:$0x3FA8]  }
0x29: {  	s4 =	sld [smem:$0x3FAA]  }
0x2a: {  	p0 =	seq.s32 s5, $0x0;
	s5 =	sld [smem:$0x3FAB]  }
0x2b: {  	s6 =	sld [smem:$0x3FAC]  }
0x2c: {  	s7 =	sld [smem:$0x3FAD]  }
0x2d: {  	s3 =	simm.s32 $0x108;
	s8 =	sld [smem:$0x3FAE]  }
0x2e: {  	s3 =	simm.s32 @!p0 $0x1082;
	s9 =	sld [smem:$0x3FAF]  }
0x2f: {  	lr =	sadd.s32 s0, s3;
	s0 =	sld [smem:$0x3FA6]  }
0x30: {  	s3 =	sld [smem:$0x3FA9]  }
0x31: {  	[smem:$0x3FB2] =	sst s10  }
0x32: {  	s10 =	sld [smem:$0x3FB0];
	_ =	sdelay $0x3  }
0x33: {  	p0 =	seq.s32 s10, $0x1;
	s10 =	sld [smem:$0x3FB2];
	_ =	sdelay $0x3  }
0x34: {  	[smem:$0x3FB2] =	sst s10  }
0x35: {  	s10 =	sld [smem:$0x3FB1];
	_ =	sdelay $0x3  }
0x36: {  	p1 =	seq.s32 s10, $0x1;
	s10 =	sld [smem:$0x3FB2];
	_ =	sdelay $0x3  }
0x37: {  	[smem:$0x3FB2] =	sst s10  }
0x38: {  	s10 =	sld [smem:$0x3FB3]  }
0x39: {  	_ = 	snop;
	(pc) =	sbr.ind lr, $3  }
0x3a: {  	_ = 	snop  }
0x3b: {  	_ = 	snop  }
0x3c: {  	p2 =	seq.s32 s10, $0x1;
	s10 =	sld [smem:$0x3FB2]  }
0x3d: {  	_ =	shalt  }
0x3e: {  	_ =	shalt  }
0x3f: {  	_ =	shalt  }
0x40: {  	_ =	shalt  }
0x41: {  	_ =	shalt  }
0x42: {  	_ =	shalt  }
0x43: {  	_ =	shalt  }
0x44: {  	_ =	shalt  }
0x45: {  	_ =	shalt  }
0x46: {  	_ =	shalt  }
0x47: {  	_ =	shalt  }
0x48: {  	_ =	shalt  }
0x49: {  	_ =	shalt  }
0x4a: {  	_ =	shalt  }
0x4b: {  	_ =	shalt  }
0x4c: {  	_ =	shalt  }
0x4d: {  	_ =	shalt  }
0x4e: {  	_ =	shalt  }
0x4f: {  	_ =	shalt  }
0x50: {  	_ =	shalt  }
0x51: {  	_ =	shalt  }
0x52: {  	_ =	shalt  }
0x53: {  	_ =	shalt  }
0x54: {  	_ =	shalt  }
0x55: {  	_ =	shalt  }
0x56: {  	_ =	shalt  }
0x57: {  	_ =	shalt  }
0x58: {  	_ =	shalt  }
0x59: {  	_ =	shalt  }
0x5a: {  	_ =	shalt  }
0x5b: {  	_ =	shalt  }
0x5c: {  	_ =	shalt  }
0x5d: {  	_ =	shalt  }
0x5e: {  	_ =	shalt  }
0x5f: {  	_ =	shalt  }
0x60: {  	_ =	shalt  }
0x61: {  	_ =	shalt  }
0x62: {  	_ =	shalt  }
0x63: {  	_ =	shalt  }
0x64: {  	_ =	shalt  }
0x65: {  	_ =	shalt  }
0x66: {  	_ =	shalt  }
0x67: {  	_ =	shalt  }
0x68: {  	_ =	shalt  }
0x69: {  	_ =	shalt  }
0x6a: {  	_ =	shalt  }
0x6b: {  	_ =	shalt  }
0x6c: {  	_ =	shalt  }
0x6d: {  	_ =	shalt  }
0x6e: {  	_ =	shalt  }
0x6f: {  	_ =	shalt  }
0x70: {  	_ =	shalt  }
0x71: {  	_ =	shalt  }
0x72: {  	_ =	shalt  }
0x73: {  	_ =	shalt  }
0x74: {  	_ =	shalt  }
0x75: {  	_ =	shalt  }
0x76: {  	_ =	shalt  }
0x77: {  	_ =	shalt  }
0x78: {  	_ =	shalt  }
0x79: {  	_ =	shalt  }
0x7a: {  	_ =	shalt  }
0x7b: {  	_ =	shalt  }
0x7c: {  	_ =	shalt  }
0x7d: {  	_ =	shalt  }
0x7e: {  	_ =	shalt  }
0x7f: {  	_ =	shalt  }
0x80: {  	_ =	shalt  }
0x81: {  	_ =	shalt  }
0x82: {  	_ =	shalt  }
0x83: {  	_ =	shalt  }
0x84: {  	_ =	shalt  }
0x85: {  	_ =	shalt  }
0x86: {  	_ =	shalt  }
0x87: {  	_ =	shalt  }
.Lfunc_end0:
.L_simem_size_0:
called_computation.1_lowered:
.L_overlay_start_0:
0x88: {  	s0 =	sld [smem:$0x3FD9]  }
0x89: {  	s1 =	sld [smem:$0x3FFE];
	_ =	sdelay $0x3  }
0x8a: {  	s0 =	sadd.s32 s1, s0  }
0x8b: {  	[smem:$0x3FBE] =	sst s0  }
0x8c: {  	_ = 	snop  }
0x8d: {  	s0 =	sld [smem:$0x3FC9];
	(tm) =	ssettm $0x1  }
0x8e: {  	s16 =	sld [smem:$0x3FFB];
	_ =	sdelay $0x3  }
0x8f: {  	_ =	strace s16  }
0x90: {  	s1 =	sld [smem:$0x3FFC];
	_ =	sdelay $0x3  }
0x91: {  	_ =	strace s1  }
0x92: {  	s1 =	sld [smem:$0x3FFD];
	_ =	sdelay $0x3  }
0x93: {  	_ =	strace s1  }
0x94: {  	_ =	strace $0x8FFFFFFF  }
0x95: {  	s17 =	sld [smem:$0x3FDB];
	_ =	sdelay $0x1  }
0x96: {  	s2 =	simm.s32 $_scs_section_size  }
0x97: {  	s3 =	simm.s32 $_size__tile_overlayer_lowered;
	s4 =	simm.s32 $_tile_overlayer_lowered  }
0x98: {  	s20 =	simm.s32 $0x1BFF;
	s19 =	sshll.u32 s4, $0x1;
	s1 =	sadd.s32 s2, s17  }
0x99: {  	s5 =	simm.s32 $0x0;
	s18 =	sshll.u32 s3, $0x1;
	s3 =	sadd.s32 s19, s1  }
0x9a: {  	[timem:s5], [sflag:s20] =	dma.local [hbm:s3], s18  }
0x9b: {  	_ =	swait.ge [sflag:s20], s18  }
0x9c: {  	s2 =	ssub.s32 $0x0, s18;
	[sflag:s20] =	ssyncset.done $0x0  }
0x9d: {  	[sflag:s20] =	ssyncadd.s32 s2;
	_ =	sdelay $0x1  }
0x9e: {  	s21 =	simm.s32 $0x1B8B  }
0x9f: {  	_ =	swait.ge [sflag:s21], $0x1  }
0xa0: {  	[sflag:s21] =	ssyncset.done $0x0  }
0xa1: {  	s23 =	simm.s32 $0x1B8E;
	s22 =	sld [smem:$0x3FFE];
	[sflag:s21] =	ssyncadd.s32 $0xFFFFFFFF  }
0xa2: {  	s24 =	simm.s32 $execute0_lowered;
	[smem:$0x3FD2] =	sst s23  }
0xa3: {  	s3 =	sshll.u32 s24, $0x1;
	_ =	strace $0x80000052;
	[dreg:$0x1] =	wrdreg $0xFFFFFFFF  }
0xa4: {  	s25 =	simm.s32 $_size_execute0_lowered;
	s1 =	sadd.s32 s1, s3;
	[dreg:$0x0] =	wrdreg $0x0  }
0xa5: {  	s3 =	sshll.u32 s25, $0x1;
	[dreg:$0x2] =	wrdreg s1  }
0xa6: {  	[dreg:$0x3] =	wrdreg s3  }
0xa7: {  	[dreg:$0x4] =	wrdreg $0xC0  }
0xa8: {  	_ =	task [dreg:s5], $0x5FFFF  }
0xa9: {  	[dreg:$0x1] =	wrdreg $0xFFFFFFFF  }
0xaa: {  	[dreg:$0x0] =	wrdreg $0x60  }
0xab: {  	[dreg:$0x2] =	wrdreg s0  }
0xac: {  	[dreg:$0x3] =	wrdreg s22  }
0xad: {  	[dreg:$0x4] =	wrdreg $0x9  }
0xae: {  	_ =	task.clear_ibuf [dreg:s5], $0x5FFFF;
	_ =	strace $0x90000052  }
0xaf: {  	s26 =	simm.s32 $0x9;
	_ =	strace $0x80000054  }
0xb0: {  	_ =	swait.ge [sflag:s26], $0x1  }
0xb1: {  	[sflag:s26] =	ssyncadd.s32 $0xFFFFFFFF  }
0xb2: {  	_ =	strace $0x90000054  }
0xb3: {  	_ =	sfence  }
0xb4: {  	s28 =	sld [smem:$0x0];
	_ =	sdelay $0x1  }
0xb5: {  	s29 =	srdreg.scid  }
0xb6: {  	s30 =	sshll.u32 s29, $0xD;
	s31 =	sshrl.u32 s29, $0x2  }
0xb7: {  	s2 =	sand.u32 $0x4000, s30;
	s1 =	sand.u32 $0x1, s29;
	s0 =	sadd.s32 s31, s28  }
0xb8: {  	s1 =	sor.u32 s2, s1;
	s0 =	sshll.u32 s0, $0x11  }
0xb9: {  	s0 =	sor.u32 s0, s1  }
0xba: {  	s0 =	sadd.s32 $0x8F2B, s0  }
0xbb: {  	[sflag:s0] =	ssyncadd.remote.s32 $0x1  }
0xbc: {  	_ =	sfence.sel $0xFFFF  }
0xbd: {  	[dreg:$0x0] =	wrdreg $0xFFFFFFFF;
	(pc) =	sbr.abs _section_cstart, $3  }
0xbe: {  	[dreg:$0x1] =	wrdreg $0xFFFFFFFF  }
0xbf: {  	_ =	task.clear_ibuf [dreg:s5], $0x2FFFF;
	_ =	strace $0x9FFFFFFF  }
0xc0: {  	(tm) =	ssettm $0x7FFFFFFF  }
0xc1: {  	_ =	shalt  }
tec
execute0_lowered:
.L_overlay_start_1:
0x0: {  	(tag) =	ssettag $0x1  }
0x1: {  	s2 =	rddreg [dreg:$0x0]  }
0x2: {  	s8 =	rddreg [dreg:$0x1]  }
0x3: {  	s0 =	rddreg [dreg:$0x2]  }
0x4: {  	_ =	strace $0x80000053;
	s4 =	simm.s32 $0x1;
	s1 =	stileid.u32  }
0x5: {  	s7 =	simm.s32 $0x1;
	s9 =	simm.s32 $0x1;
	s6 =	simm.s32 $0x2  }
0x6: {  	s10 =	simm.s32 $0x3;
	s13 =	simm.s32 $0x0;
	s12 =	simm.s32 $0x0  }
.Ltmp0:
0x7: {  	s3 =	sadd.s32 $0x2800, s8;
	p0 =	slt.u32 s1, $0xA;
	(pc) =	sbr.rel .LBB2_1-.Ltmp0, $4  }
0x8: {  	[sflag:s4] =	ssyncpa.u1 $0x0;
	s7 =	simm.s32 @!p0 $0x0;
	p0 =	sne.s32 s1, $0x9  }
0x9: {  	s5 =	smul.u32 $0xF0, s1;
	[sflag:s6] =	ssyncpa.u1 $0x0;
	s9 =	simm.s32 @!p0 $0x0  }
0xa: {  	s8 =	sadd.s32 $0x4000, s8;
	[sflag:s10] =	ssyncpa.u1 $0x0;
	s7 =	sadd.s32 s9, s7  }
0xb: {  	vm0 =	vmmov $0xffff;
	s10 =	simm.s32 $0x0;
	s11 =	smov.u32 s5;
	s9 =	sadd.s32 $0x1, s7  }
.LBB2_4:
0xc: {  	vm2 =	veq.s32 v2, $0x80000000;
	v4 =	vand.u32 $0x7, v4;
	v5 =	vor.u32 v6, v5  }
0xd: {  	v1 =	vand.u32 $0x1FFF, v1;
	v7 =	vshrl.u32 v2, $0xD;
	v56 =	vand.u32 $0x1FFF, v2  }
0xe: {  	v4 =	vsel vm1, $0xFFFFFFFF, v4;
	v3 =	vor.u32 v3, v5;
	v1 =	vsel vm1, $0xFFFFFFFF, v1  }
0xf: {  	vm1 =	vmmov vm2;
	v7 =	vand.u32 $0x7, v7;
	v54 =	vshrl.u32 v4, $0x3  }
0x10: {  	v4 =	vshll.u32 v4, $0x7;
	v55 =	vshll.u32 v1, $0x3;
	v57 =	vsel vm1, $0xFFFFFFFF, v7  }
0x11: {  	v2 =	vsel vm1, $0xFFFFFFFF, v56;
	v1 =	vand.u32 $0x7F, v1;
	v5 =	vmul.u32 $0xA000, v54  }
0x12: {  	v6 =	vand.u32 $0xFFFFFC00, v55;
	v4 =	vand.u32 $0x380, v4;
	v7 =	vshrl.u32 v57, $0x3  }
0x13: {  	v59 =	vshll.u32 v2, $0x3;
	v58 =	vmul.u32 $0xA000, v7;
	v5 =	vadd.s32 v6, v5  }
0x14: {  	v7 =	vand.u32 $0xFFFFFC00, v59;
	v6 =	vshll.u32 v57, $0x7;
	v4 =	vor.u32 v4, v5  }
0x15: {  	v60 =	vadd.s32 v7, v58;
	v61 =	vand.u32 $0x380, v6;
	v1 =	vor.u32 v1, v4  }
0x16: {  	[tilespmem:s16], [sflag:$0x1] =	stream.indirect_vreg.gather [hbm4b:s2+s10], $0x1, v0, vm0, $0x4038;
	v62 =	vand.u32 $0x7F, v2;
	v63 =	vor.u32 v61, v60;
	[tilespmem:$0x3C0] =	vst v63  }
0x17: {  	(ifvalue) =	ssetifvalue $0x7FFFFFFF;
	v0 =	vor.u32 v62, v63  }
0x18: {  	[tilespmem:s15], [sflag:$0x1] =	stream.indirect_vreg.gather [hbm4b:s2+s10], $0x1, v3, vm0, $0x4038;
	[tilespmem:$0x3C0] =	vst v63  }
0x19: {  	s29 =	sadd.s32 $0x10, s15;
	(ifvalue) =	ssetifvalue $0x7FFFFFFF  }
0x1a: {  	[tilespmem:s29], [sflag:$0x1] =	stream.indirect_vreg.gather [hbm4b:s2+s10], $0x1, v1, vm0, $0x4038;
	[tilespmem:$0x3C0] =	vst v63  }
0x1b: {  	s15 =	sadd.s32 $0x10, s29;
	(ifvalue) =	ssetifvalue $0x7FFFFFFF  }
0x1c: {  	[tilespmem:s15], [sflag:$0x1] =	stream.indirect_vreg.gather [hbm4b:s2+s10], $0x1, v0, vm0, $0x4038;
	[tilespmem:$0x3C0] =	vst v63  }
0x1d: {  	_ =	swait.ge [sflag:s4], $0xF0  }
0x1e: {  	s30 =	sshrl.u32 s13, $0x3;
	[sflag:s4] =	ssyncset.done $0x0  }
0x1f: {  	s31 =	sand.u32 $0x7, s13;
	s15 =	sadd.s32 s8, s30;
	[sflag:s4] =	ssyncadd.s32 $0xFFFFFF10  }
0x20: {  	[hbm4b:s15+s31] =	stream.linear.scatter [tilespmem:s14], [sflag:$0x3], $0xF0, $0x38;
	[tilespmem:$0x3C0] =	vst v63  }
.LBB2_5:
0x21: {  	s15 =	sadd.s32 $0xF00, s11  }
0x22: {  	p1 =	sgt.s32 s15, $0x176F  }
0x23: {  	s15 =	smov.u32 @p1 s5;
	p1 =	sne.s32 s12, s9  }
.Ltmp1:
0x24: {  	p0 =	slt.u32 s12, $0x2;
	(pc) =	sbr.rel @!p1 .LBB2_6-.Ltmp1, $4  }
0x25: {  	s14 =	simm.s32 @!p0 $0x3  }
0x26: {  	_ =	swait.ge @!p0 [sflag:s14], $0xF0  }
0x27: {  	s16 =	sadd.s32 $0x1, s12;
	s13 =	smov.u32 s11;
	[sflag:s14] =	ssyncset.done @!p0 $0x0  }
0x28: {  	s12 =	smov.u32 s16;
	s11 =	smov.u32 s15;
	[sflag:s14] =	ssyncadd.s32 @!p0 $0xFFFFFF10  }
.LBB2_1:
0x29: {  	p0 =	sge.u32 s12, s7  }
0x2a: {  	s14 =	sxor.u32 @!p0 $0x1, s12  }
0x2b: {  	s14 =	smul.u32 @!p0 $0x3C0, s14  }
0x2c: {  	s31 =	sadd.s32 $0xFFFFFFFF, s12;
	s15 =	sshrl.u32 @!p0 s11, $0x3  }
0x2d: {  	s16 =	sand.u32 @!p0 $0x7, s11;
	s15 =	sadd.s32 @!p0 s3, s15;
	s14 =	sshra.s32 @!p0 s14, $0x2  }
0x2e: {  	[tilespmem:s14], [sflag:$0x2] =	stream.linear.gather @!p0 [hbm4b:s15+s16], $0xF0, $0x38;
	[tilespmem:$0x3C0] =	vst v63  }
0x2f: {  	p0 =	sge.u32 s31, s7  }
.Ltmp2:
0x30: {  	_ = 	snop;
	(pc) =	sbr.rel @p0 .LBB2_5-.Ltmp2, $1  }
0x31: {  	_ =	sdelay $0x3  }
0x32: {  	s14 =	sand.u32 $0x1, s12  }
0x33: {  	_ =	swait.ge [sflag:s6], $0xF0;
	p0 =	seq.s32 s14, $0x1;
	s14 =	simm.s32 $0xF0  }
0x34: {  	[sflag:s6] =	ssyncset.done $0x0;
	s14 =	simm.s32 @!p0 $0x0  }
0x35: {  	[sflag:s6] =	ssyncadd.s32 $0xFFFFFF10;
	(ifvalue) =	ssetifvalue $0x7FFFFFFF;
	v0 =	vld.msk [tilespmem:s14+$0x0 ss:$0x1], $0xffff;
	_ =	sdelay $0x2  }
0x36: {  	s15 =	sadd.s32 $0x10, s14  }
0x37: {  	v2 =	vld.msk [tilespmem:s15+$0x0 ss:$0x1], $0xffff  }
0x38: {  	vm1 =	veq.s32 v0, $0x80000000;
	v1 =	vshrl.u32 v0, $0xD  }
0x39: {  	vm1 =	vmmov vm1;
	v3 =	vand.u32 $0x7, v1  }
0x3a: {  	v0 =	vand.u32 $0x1FFF, v0;
	v3 =	vsel vm1, $0xFFFFFFFF, v3  }
0x3b: {  	s15 =	sadd.s32 $0x10, s15;
	v0 =	vsel vm1, $0xFFFFFFFF, v0;
	v4 =	vshrl.u32 v3, $0x3  }
0x3c: {  	v1 =	vld.msk [tilespmem:s15+$0x0 ss:$0x1], $0xffff;
	v6 =	vshrl.u32 v2, $0xD;
	v5 =	vshll.u32 v0, $0x3;
	v4 =	vmul.u32 $0xA000, v4  }
0x3d: {  	vm1 =	veq.s32 v2, $0x80000000;
	v3 =	vshll.u32 v3, $0x7;
	v5 =	vand.u32 $0xFFFFFC00, v5  }
0x3e: {  	v0 =	vand.u32 $0x7F, v0;
	v3 =	vand.u32 $0x380, v3;
	v4 =	vadd.s32 v5, v4  }
0x3f: {  	vm1 =	vmmov vm1;
	v5 =	vand.u32 $0x7, v6;
	v3 =	vor.u32 v3, v4  }
0x40: {  	v2 =	vand.u32 $0x1FFF, v2;
	v4 =	vsel vm1, $0xFFFFFFFF, v5;
	v0 =	vor.u32 v0, v3  }
0x41: {  	s15 =	sadd.s32 $0x10, s15;
	vm2 =	veq.s32 v1, $0x80000000;
	v3 =	vsel vm1, $0xFFFFFFFF, v2;
	v2 =	vshrl.u32 v4, $0x3  }
0x42: {  	s14 =	sadd.s32 $0x1E0, s14;
	v6 =	vshll.u32 v4, $0x7;
	v5 =	vmul.u32 $0xA000, v2;
	v4 =	vshll.u32 v3, $0x3;
	v2 =	vld.msk [tilespmem:s15+$0x0 ss:$0x1], $0xffff  }
0x43: {  	s17 =	simm.s32 $0x30;
	s16 =	smov.u32 s14;
	vm1 =	vmmov vm2;
	v3 =	vand.u32 $0x7F, v3;
	v7 =	vand.u32 $0xFFFFFC00, v4  }
0x44: {  	s18 =	sadd.s32 $0x10, s15;
	v6 =	vand.u32 $0x380, v6;
	(ifvalue) =	ssetifvalue $0x7FFFFFFF;
	s15 =	sadd.s32 $0x10, s14;
	v4 =	vshrl.u32 v1, $0xD;
	v5 =	vadd.s32 v7, v5  }
.LBB2_3:
0x45: {  	[tilespmem:s16], [sflag:$0x1] =	stream.indirect_vreg.gather [hbm4b:s2+s10], $0x1, v0, vm0, $0x4038;
	[tilespmem:$0x3C0] =	vst v63  }
0x46: {  	s17 =	sadd.s32 $0x10, s17  }
0x47: {  	vm2 =	veq.s32 v2, $0x80000000;
	v4 =	vand.u32 $0x7, v4;
	v5 =	vor.u32 v6, v5;
	v6 =	vmovc v2;
	v2 =	vld.msk [tilespmem:s18+$0x0 ss:$0x1], $0xffff;
	p0 =	slt.u32 s17, $0xE0  }
.Ltmp3:
0x48: {  	v7 =	vand.u32 $0x1FFF, v1;
	s16 =	smov.u32 s15;
	v4 =	vsel vm1, $0xFFFFFFFF, v4;
	v0 =	vor.u32 v3, v5;
	v1 =	vmovc v6;
	(pc) =	sbr.rel @p0 .LBB2_3-.Ltmp3, $4  }
0x49: {  	v5 =	vsel vm1, $0xFFFFFFFF, v7;
	v6 =	vshrl.u32 v4, $0x3;
	v7 =	vshll.u32 v4, $0x7  }
0x4a: {  	v3 =	vand.u32 $0x7F, v5;
	v4 =	vshll.u32 v5, $0x3;
	v6 =	vmul.u32 $0xA000, v6  }
0x4b: {  	vm1 =	vmmov vm2;
	v5 =	vand.u32 $0xFFFFFC00, v4  }
0x4c: {  	s18 =	sadd.s32 $0x10, s18;
	s15 =	sadd.s32 $0x10, s15;
	v4 =	vshrl.u32 v1, $0xD;
	v5 =	vadd.s32 v5, v6;
	v6 =	vand.u32 $0x380, v7;
	(ifvalue) =	ssetifvalue $0x7FFFFFFF  }
.Ltmp4:
0x4d: {  	_ = 	snop;
	(pc) =	sbr.rel .LBB2_4-.Ltmp4, $1  }
0x4e: {  	_ =	sdelay $0x3  }
.LBB2_6:
0x4f: {  	_ =	sfence.sel $0x180000  }
0x50: {  	s2 =	simm.s32 $0x2;
	[bflag:$0x0] =	sbarrier.arrive $0xFFFF  }
0x51: {  	s30 =	simm.s32 $0x3;
	[sflag:s2] =	ssyncpa.u1 $0x1  }
0x52: {  	s31 =	simm.s32 $0x1;
	[sflag:s30] =	ssyncpa.u1 $0x1  }
0x53: {  	[sflag:s31] =	ssyncpa.u1 $0x1  }
0x54: {  	p0 =	sne.s32 s1, $0x0;
	_ =	strace $0x90000053  }
0x55: {  	s0 =	sadd.s32 @!p0 $0x100000, s0;
	[bflag:$0x2] =	sbarrier.arrive $0xFFFF  }
0x56: {  	[sflag:s0] =	ssyncadd.tile.s32 @!p0 $0x1;
	_ =	shalt  }
.Lfunc_end2:
_tile_overlayer_lowered:
.L_overlay_start_2:
0x57: {  	(tag) =	ssettag $0x2  }
0x58: {  	s0 =	rddreg [dreg:$0x0];
	s2 =	stileid.u32  }
0x59: {  	s1 =	rddreg [dreg:$0x1];
	p0 =	sne.s32 s2, $0x0  }
0x5a: {  	s3 =	rddreg [dreg:$0x2];
	[bflag:$0x3] =	sbarrier.arrive $0xFFFF;
	s2 =	simm.s32 @!p0 $0x1C01  }
0x5b: {  	[timem:s3], [sflag:s2] =	dma.local @!p0 [hbm:s0], s1  }
0x5c: {  	s0 =	simm.s32 @!p0 $0x1  }
0x5d: {  	_ =	swait.ge @!p0 [sflag:s0], s1  }
0x5e: {  	s1 =	ssub.s32 @!p0 $0x0, s1;
	[sflag:s0] =	ssyncset.done @!p0 $0x0  }
0x5f: {  	[sflag:s0] =	ssyncadd.s32 @!p0 s1  }
0x60: {  	[bflag:$0x3] =	sbarrier.arrive $0xFFFF  }
0x61: {  	_ =	shalt  }

// kernel: gather_offload_async_start.2
scs
__scs_entry_jumppad:
0x0: {  	(pc) =	sbr.rel $0x88, $3  }
0x1: {  	(tag) =	ssettag $0x0;
	lr =	simm.s32 $0x1  }
0x2: {  	[smem:$0x3F97] =	sst lr;
	_ =	strace $0xD0000000  }
0x3: {  	_ = 	snop  }
0x4: {  	_ = 	snop  }
0x5: {  	_ = 	snop  }
0x6: {  	_ = 	snop  }
0x7: {  	_ = 	snop  }
__scs_overlays_trampoline_lowered:
0x8: {  	[smem:$0x3FA6] =	sst s0  }
0x9: {  	[smem:$0x3FA7] =	sst s1  }
0xa: {  	[smem:$0x3FA8] =	sst s2  }
0xb: {  	[smem:$0x3FA9] =	sst s3  }
0xc: {  	[smem:$0x3FAA] =	sst s4  }
0xd: {  	[smem:$0x3FAB] =	sst s5  }
0xe: {  	[smem:$0x3FAC] =	sst s6  }
0xf: {  	[smem:$0x3FAD] =	sst s7  }
0x10: {  	[smem:$0x3FAE] =	sst s8  }
0x11: {  	[smem:$0x3FAF] =	sst s9;
	s0 =	simm.s32 @!p0 $0x0  }
0x12: {  	s1 =	sld [smem:$0x3F95];
	s0 =	simm.s32 @p0 $0x1  }
0x13: {  	[smem:$0x3FB0] =	sst s0;
	s0 =	simm.s32 @!p1 $0x0  }
0x14: {  	s2 =	sld [smem:$0x3F94];
	s0 =	simm.s32 @p1 $0x1  }
0x15: {  	[smem:$0x3FB1] =	sst s0;
	s0 =	simm.s32 @!p2 $0x0  }
0x16: {  	s3 =	sld [smem:$0x3FDB];
	s0 =	simm.s32 @p2 $0x1  }
0x17: {  	s4 =	simm.s32 $0x1BF5;
	[smem:$0x3FB3] =	sst s0  }
0x18: {  	s0 =	sld [smem:$0x3F96];
	_ =	swait.ge [sflag:s4], $0x0  }
0x19: {  	s7 =	sld [smem:$0x3F97]  }
0x1a: {  	s8 =	sadd.s32 $0xFFFFE003, lr  }
0x1b: {  	s9 =	sadd.s32 $0xFFFFFEF7, lr;
	s5 =	simm.s32 $0xFFFFFFFF;
	p2 =	slt.u32 s8, $0xFFFFF086  }
0x1c: {  	p1 =	slt.u32 s9, $0xF7A;
	s5 =	simm.s32 @!p2 $0x0  }
0x1d: {  	s5 =	simm.s32 @p1 $0x1;
	p0 =	seq.s32 s7, s2  }
0x1e: {  	s7 =	smul.u32 @!p0 $0xF7A, s2;
	p2 =	seq.s32 @!p0 s5, $0x0  }
0x1f: {  	s9 =	smul.u32 $0xF7A, s1;
	s8 =	simm.s32 @!p0 $0x1BF5;
	p2 =	por !p2, p0  }
0x20: {  	[sflag:s8] =	ssyncset.s32 @!p0 $0xFFFFF086;
	s6 =	sadd.s32 @!p0 s3, s7;
	s7 =	simm.s32 @!p0 $0x108  }
0x21: {  	s3 =	sadd.s32 s3, s9;
	s6 =	sadd.s32 @!p0 $0x88, s6;
	s7 =	simm.s32 @p2 $0x1082  }
0x22: {  	[simem:s7], [sflag:s8] =	dma.local @!p0 [hbm:s6], $0xF7A  }
0x23: {  	s9 =	sor.u32 $0xD0000000, s2;
	s6 =	simm.s32 $0x108;
	_ =	swait.ge @!p0 [sflag:s8], $0x0  }
0x24: {  	s3 =	sadd.s32 $0x88, s3;
	s6 =	simm.s32 @!p1 $0x1082;
	[sflag:s4] =	ssyncset.s32 $0xFFFFF086  }
0x25: {  	[simem:s6], [sflag:s4] =	dma.local [hbm:s3], $0xF7A  }
0x26: {  	[smem:$0x3F97] =	sst s1;
	(tag) =	ssettag s2;
	_ =	strace s9  }
0x27: {  	s1 =	sld [smem:$0x3FA7]  }
0x28: {  	s2 =	sld [smem:$0x3FA8]  }
0x29: {  	s4 =	sld [smem:$0x3FAA]  }
0x2a: {  	p0 =	seq.s32 s5, $0x0;
	s5 =	sld [smem:$0x3FAB]  }
0x2b: {  	s6 =	sld [smem:$0x3FAC]  }
0x2c: {  	s7 =	sld [smem:$0x3FAD]  }
0x2d: {  	s3 =	simm.s32 $0x108;
	s8 =	sld [smem:$0x3FAE]  }
0x2e: {  	s3 =	simm.s32 @!p0 $0x1082;
	s9 =	sld [smem:$0x3FAF]  }
0x2f: {  	lr =	sadd.s32 s0, s3;
	s0 =	sld [smem:$0x3FA6]  }
0x30: {  	s3 =	sld [smem:$0x3FA9]  }
0x31: {  	[smem:$0x3FB2] =	sst s10  }
0x32: {  	s10 =	sld [smem:$0x3FB0];
	_ =	sdelay $0x3  }
0x33: {  	p0 =	seq.s32 s10, $0x1;
	s10 =	sld [smem:$0x3FB2];
	_ =	sdelay $0x3  }
0x34: {  	[smem:$0x3FB2] =	sst s10  }
0x35: {  	s10 =	sld [smem:$0x3FB1];
	_ =	sdelay $0x3  }
0x36: {  	p1 =	seq.s32 s10, $0x1;
	s10 =	sld [smem:$0x3FB2];
	_ =	sdelay $0x3  }
0x37: {  	[smem:$0x3FB2] =	sst s10  }
0x38: {  	s10 =	sld [smem:$0x3FB3]  }
0x39: {  	_ = 	snop;
	(pc) =	sbr.ind lr, $3  }
0x3a: {  	_ = 	snop  }
0x3b: {  	_ = 	snop  }
0x3c: {  	p2 =	seq.s32 s10, $0x1;
	s10 =	sld [smem:$0x3FB2]  }
0x3d: {  	_ =	shalt  }
0x3e: {  	_ =	shalt  }
0x3f: {  	_ =	shalt  }
0x40: {  	_ =	shalt  }
0x41: {  	_ =	shalt  }
0x42: {  	_ =	shalt  }
0x43: {  	_ =	shalt  }
0x44: {  	_ =	shalt  }
0x45: {  	_ =	shalt  }
0x46: {  	_ =	shalt  }
0x47: {  	_ =	shalt  }
0x48: {  	_ =	shalt  }
0x49: {  	_ =	shalt  }
0x4a: {  	_ =	shalt  }
0x4b: {  	_ =	shalt  }
0x4c: {  	_ =	shalt  }
0x4d: {  	_ =	shalt  }
0x4e: {  	_ =	shalt  }
0x4f: {  	_ =	shalt  }
0x50: {  	_ =	shalt  }
0x51: {  	_ =	shalt  }
0x52: {  	_ =	shalt  }
0x53: {  	_ =	shalt  }
0x54: {  	_ =	shalt  }
0x55: {  	_ =	shalt  }
0x56: {  	_ =	shalt  }
0x57: {  	_ =	shalt  }
0x58: {  	_ =	shalt  }
0x59: {  	_ =	shalt  }
0x5a: {  	_ =	shalt  }
0x5b: {  	_ =	shalt  }
0x5c: {  	_ =	shalt  }
0x5d: {  	_ =	shalt  }
0x5e: {  	_ =	shalt  }
0x5f: {  	_ =	shalt  }
0x60: {  	_ =	shalt  }
0x61: {  	_ =	shalt  }
0x62: {  	_ =	shalt  }
0x63: {  	_ =	shalt  }
0x64: {  	_ =	shalt  }
0x65: {  	_ =	shalt  }
0x66: {  	_ =	shalt  }
0x67: {  	_ =	shalt  }
0x68: {  	_ =	shalt  }
0x69: {  	_ =	shalt  }
0x6a: {  	_ =	shalt  }
0x6b: {  	_ =	shalt  }
0x6c: {  	_ =	shalt  }
0x6d: {  	_ =	shalt  }
0x6e: {  	_ =	shalt  }
0x6f: {  	_ =	shalt  }
0x70: {  	_ =	shalt  }
0x71: {  	_ =	shalt  }
0x72: {  	_ =	shalt  }
0x73: {  	_ =	shalt  }
0x74: {  	_ =	shalt  }
0x75: {  	_ =	shalt  }
0x76: {  	_ =	shalt  }
0x77: {  	_ =	shalt  }
0x78: {  	_ =	shalt  }
0x79: {  	_ =	shalt  }
0x7a: {  	_ =	shalt  }
0x7b: {  	_ =	shalt  }
0x7c: {  	_ =	shalt  }
0x7d: {  	_ =	shalt  }
0x7e: {  	_ =	shalt  }
0x7f: {  	_ =	shalt  }
0x80: {  	_ =	shalt  }
0x81: {  	_ =	shalt  }
0x82: {  	_ =	shalt  }
0x83: {  	_ =	shalt  }
0x84: {  	_ =	shalt  }
0x85: {  	_ =	shalt  }
0x86: {  	_ =	shalt  }
0x87: {  	_ =	shalt  }
.Lfunc_end0:
.L_simem_size_0:
called_computation.2_lowered:
.L_overlay_start_0:
0x88: {  	s0 =	sld [smem:$0x3FD9]  }
0x89: {  	s1 =	sld [smem:$0x3FFE];
	_ =	sdelay $0x3  }
0x8a: {  	s0 =	sadd.s32 s1, s0  }
0x8b: {  	[smem:$0x3FBE] =	sst s0  }
0x8c: {  	_ = 	snop  }
0x8d: {  	s0 =	sld [smem:$0x3FC9];
	(tm) =	ssettm $0x1  }
0x8e: {  	s16 =	sld [smem:$0x3FFB];
	_ =	sdelay $0x3  }
0x8f: {  	_ =	strace s16  }
0x90: {  	s1 =	sld [smem:$0x3FFC];
	_ =	sdelay $0x3  }
0x91: {  	_ =	strace s1  }
0x92: {  	s1 =	sld [smem:$0x3FFD];
	_ =	sdelay $0x3  }
0x93: {  	_ =	strace s1  }
0x94: {  	_ =	strace $0x8FFFFFFF  }
0x95: {  	s17 =	sld [smem:$0x3FDB];
	_ =	sdelay $0x1  }
0x96: {  	s2 =	simm.s32 $_scs_section_size  }
0x97: {  	s3 =	simm.s32 $_size__tile_overlayer_lowered;
	s4 =	simm.s32 $_tile_overlayer_lowered  }
0x98: {  	s20 =	simm.s32 $0x1BFF;
	s19 =	sshll.u32 s4, $0x1;
	s1 =	sadd.s32 s2, s17  }
0x99: {  	s5 =	simm.s32 $0x0;
	s18 =	sshll.u32 s3, $0x1;
	s3 =	sadd.s32 s19, s1  }
0x9a: {  	[timem:s5], [sflag:s20] =	dma.local [hbm:s3], s18  }
0x9b: {  	_ =	swait.ge [sflag:s20], s18  }
0x9c: {  	s2 =	ssub.s32 $0x0, s18;
	[sflag:s20] =	ssyncset.done $0x0  }
0x9d: {  	[sflag:s20] =	ssyncadd.s32 s2;
	_ =	sdelay $0x1  }
0x9e: {  	s21 =	simm.s32 $0x1B8B  }
0x9f: {  	_ =	swait.ge [sflag:s21], $0x1  }
0xa0: {  	[sflag:s21] =	ssyncset.done $0x0  }
0xa1: {  	s23 =	simm.s32 $0x1B8E;
	s22 =	sld [smem:$0x3FFE];
	[sflag:s21] =	ssyncadd.s32 $0xFFFFFFFF  }
0xa2: {  	s24 =	simm.s32 $execute0_lowered;
	[smem:$0x3FD2] =	sst s23  }
0xa3: {  	s3 =	sshll.u32 s24, $0x1;
	_ =	strace $0x80000058;
	[dreg:$0x1] =	wrdreg $0xFFFFFFFF  }
0xa4: {  	s25 =	simm.s32 $_size_execute0_lowered;
	s1 =	sadd.s32 s1, s3;
	[dreg:$0x0] =	wrdreg $0x0  }
0xa5: {  	s3 =	sshll.u32 s25, $0x1;
	[dreg:$0x2] =	wrdreg s1  }
0xa6: {  	[dreg:$0x3] =	wrdreg s3  }
0xa7: {  	[dreg:$0x4] =	wrdreg $0xC0  }
0xa8: {  	_ =	task [dreg:s5], $0x5FFFF  }
0xa9: {  	[dreg:$0x1] =	wrdreg $0xFFFFFFFF  }
0xaa: {  	[dreg:$0x0] =	wrdreg $0x60  }
0xab: {  	[dreg:$0x2] =	wrdreg s0  }
0xac: {  	[dreg:$0x3] =	wrdreg s22  }
0xad: {  	[dreg:$0x4] =	wrdreg $0x9  }
0xae: {  	_ =	task.clear_ibuf [dreg:s5], $0x5FFFF;
	_ =	strace $0x90000058  }
0xaf: {  	s26 =	simm.s32 $0x9;
	_ =	strace $0x8000005A  }
0xb0: {  	_ =	swait.ge [sflag:s26], $0x1  }
0xb1: {  	[sflag:s26] =	ssyncadd.s32 $0xFFFFFFFF  }
0xb2: {  	_ =	strace $0x9000005A  }
0xb3: {  	_ =	sfence  }
0xb4: {  	s28 =	sld [smem:$0x0];
	_ =	sdelay $0x1  }
0xb5: {  	s29 =	srdreg.scid  }
0xb6: {  	s30 =	sshll.u32 s29, $0xD;
	s31 =	sshrl.u32 s29, $0x2  }
0xb7: {  	s2 =	sand.u32 $0x4000, s30;
	s1 =	sand.u32 $0x1, s29;
	s0 =	sadd.s32 s31, s28  }
0xb8: {  	s1 =	sor.u32 s2, s1;
	s0 =	sshll.u32 s0, $0x11  }
0xb9: {  	s0 =	sor.u32 s0, s1  }
0xba: {  	s0 =	sadd.s32 $0x8F2B, s0  }
0xbb: {  	[sflag:s0] =	ssyncadd.remote.s32 $0x1  }
0xbc: {  	_ =	sfence.sel $0xFFFF  }
0xbd: {  	[dreg:$0x0] =	wrdreg $0xFFFFFFFF;
	(pc) =	sbr.abs _section_cstart, $3  }
0xbe: {  	[dreg:$0x1] =	wrdreg $0xFFFFFFFF  }
0xbf: {  	_ =	task.clear_ibuf [dreg:s5], $0x2FFFF;
	_ =	strace $0x9FFFFFFF  }
0xc0: {  	(tm) =	ssettm $0x7FFFFFFF  }
0xc1: {  	_ =	shalt  }
tec
execute0_lowered:
.L_overlay_start_1:
0x0: {  	(tag) =	ssettag $0x1  }
0x1: {  	s2 =	rddreg [dreg:$0x0]  }
0x2: {  	s8 =	rddreg [dreg:$0x1]  }
0x3: {  	s0 =	rddreg [dreg:$0x2]  }
0x4: {  	_ =	strace $0x80000059;
	s4 =	simm.s32 $0x1;
	s1 =	stileid.u32  }
0x5: {  	s7 =	simm.s32 $0x1;
	s9 =	simm.s32 $0x1;
	s6 =	simm.s32 $0x2  }
0x6: {  	s10 =	simm.s32 $0x3;
	s13 =	simm.s32 $0x0;
	s12 =	simm.s32 $0x0  }
.Ltmp0:
0x7: {  	s3 =	sadd.s32 $0x3000, s8;
	p0 =	slt.u32 s1, $0xA;
	(pc) =	sbr.rel .LBB2_1-.Ltmp0, $4  }
0x8: {  	[sflag:s4] =	ssyncpa.u1 $0x0;
	s7 =	simm.s32 @!p0 $0x0;
	p0 =	sne.s32 s1, $0x9  }
0x9: {  	s5 =	smul.u32 $0xF0, s1;
	[sflag:s6] =	ssyncpa.u1 $0x0;
	s9 =	simm.s32 @!p0 $0x0  }
0xa: {  	s8 =	sadd.s32 $0x2800, s8;
	[sflag:s10] =	ssyncpa.u1 $0x0;
	s7 =	sadd.s32 s9, s7  }
0xb: {  	vm0 =	vmmov $0xffff;
	s10 =	simm.s32 $0x0;
	s11 =	smov.u32 s5;
	s9 =	sadd.s32 $0x1, s7  }
.LBB2_4:
0xc: {  	vm2 =	veq.s32 v2, $0x80000000;
	v4 =	vand.u32 $0x7, v4;
	v5 =	vor.u32 v6, v5  }
0xd: {  	v1 =	vand.u32 $0x1FFF, v1;
	v7 =	vshrl.u32 v2, $0xD;
	v56 =	vand.u32 $0x1FFF, v2  }
0xe: {  	v4 =	vsel vm1, $0xFFFFFFFF, v4;
	v3 =	vor.u32 v3, v5;
	v1 =	vsel vm1, $0xFFFFFFFF, v1  }
0xf: {  	vm1 =	vmmov vm2;
	v7 =	vand.u32 $0x7, v7;
	v54 =	vshrl.u32 v4, $0x3  }
0x10: {  	v4 =	vshll.u32 v4, $0x7;
	v55 =	vshll.u32 v1, $0x3;
	v57 =	vsel vm1, $0xFFFFFFFF, v7  }
0x11: {  	v2 =	vsel vm1, $0xFFFFFFFF, v56;
	v1 =	vand.u32 $0x7F, v1;
	v5 =	vmul.u32 $0xA000, v54  }
0x12: {  	v6 =	vand.u32 $0xFFFFFC00, v55;
	v4 =	vand.u32 $0x380, v4;
	v7 =	vshrl.u32 v57, $0x3  }
0x13: {  	v59 =	vshll.u32 v2, $0x3;
	v58 =	vmul.u32 $0xA000, v7;
	v5 =	vadd.s32 v6, v5  }
0x14: {  	v7 =	vand.u32 $0xFFFFFC00, v59;
	v6 =	vshll.u32 v57, $0x7;
	v4 =	vor.u32 v4, v5  }
0x15: {  	v60 =	vadd.s32 v7, v58;
	v61 =	vand.u32 $0x380, v6;
	v1 =	vor.u32 v1, v4  }
0x16: {  	[tilespmem:s16], [sflag:$0x1] =	stream.indirect_vreg.gather [hbm4b:s2+s10], $0x1, v0, vm0, $0x4038;
	v62 =	vand.u32 $0x7F, v2;
	v63 =	vor.u32 v61, v60;
	[tilespmem:$0x3C0] =	vst v63  }
0x17: {  	(ifvalue) =	ssetifvalue $0x7FFFFFFF;
	v0 =	vor.u32 v62, v63  }
0x18: {  	[tilespmem:s15], [sflag:$0x1] =	stream.indirect_vreg.gather [hbm4b:s2+s10], $0x1, v3, vm0, $0x4038;
	[tilespmem:$0x3C0] =	vst v63  }
0x19: {  	s29 =	sadd.s32 $0x10, s15;
	(ifvalue) =	ssetifvalue $0x7FFFFFFF  }
0x1a: {  	[tilespmem:s29], [sflag:$0x1] =	stream.indirect_vreg.gather [hbm4b:s2+s10], $0x1, v1, vm0, $0x4038;
	[tilespmem:$0x3C0] =	vst v63  }
0x1b: {  	s15 =	sadd.s32 $0x10, s29;
	(ifvalue) =	ssetifvalue $0x7FFFFFFF  }
0x1c: {  	[tilespmem:s15], [sflag:$0x1] =	stream.indirect_vreg.gather [hbm4b:s2+s10], $0x1, v0, vm0, $0x4038;
	[tilespmem:$0x3C0] =	vst v63  }
0x1d: {  	_ =	swait.ge [sflag:s4], $0xF0  }
0x1e: {  	s30 =	sshrl.u32 s13, $0x3;
	[sflag:s4] =	ssyncset.done $0x0  }
0x1f: {  	s31 =	sand.u32 $0x7, s13;
	s15 =	sadd.s32 s8, s30;
	[sflag:s4] =	ssyncadd.s32 $0xFFFFFF10  }
0x20: {  	[hbm4b:s15+s31] =	stream.linear.scatter [tilespmem:s14], [sflag:$0x3], $0xF0, $0x38;
	[tilespmem:$0x3C0] =	vst v63  }
.LBB2_5:
0x21: {  	s15 =	sadd.s32 $0xF00, s11  }
0x22: {  	p1 =	sgt.s32 s15, $0x176F  }
0x23: {  	s15 =	smov.u32 @p1 s5;
	p1 =	sne.s32 s12, s9  }
.Ltmp1:
0x24: {  	p0 =	slt.u32 s12, $0x2;
	(pc) =	sbr.rel @!p1 .LBB2_6-.Ltmp1, $4  }
0x25: {  	s14 =	simm.s32 @!p0 $0x3  }
0x26: {  	_ =	swait.ge @!p0 [sflag:s14], $0xF0  }
0x27: {  	s16 =	sadd.s32 $0x1, s12;
	s13 =	smov.u32 s11;
	[sflag:s14] =	ssyncset.done @!p0 $0x0  }
0x28: {  	s12 =	smov.u32 s16;
	s11 =	smov.u32 s15;
	[sflag:s14] =	ssyncadd.s32 @!p0 $0xFFFFFF10  }
.LBB2_1:
0x29: {  	p0 =	sge.u32 s12, s7  }
0x2a: {  	s14 =	sxor.u32 @!p0 $0x1, s12  }
0x2b: {  	s14 =	smul.u32 @!p0 $0x3C0, s14  }
0x2c: {  	s31 =	sadd.s32 $0xFFFFFFFF, s12;
	s15 =	sshrl.u32 @!p0 s11, $0x3  }
0x2d: {  	s16 =	sand.u32 @!p0 $0x7, s11;
	s15 =	sadd.s32 @!p0 s3, s15;
	s14 =	sshra.s32 @!p0 s14, $0x2  }
0x2e: {  	[tilespmem:s14], [sflag:$0x2] =	stream.linear.gather @!p0 [hbm4b:s15+s16], $0xF0, $0x38;
	[tilespmem:$0x3C0] =	vst v63  }
0x2f: {  	p0 =	sge.u32 s31, s7  }
.Ltmp2:
0x30: {  	_ = 	snop;
	(pc) =	sbr.rel @p0 .LBB2_5-.Ltmp2, $1  }
0x31: {  	_ =	sdelay $0x3  }
0x32: {  	s14 =	sand.u32 $0x1, s12  }
0x33: {  	_ =	swait.ge [sflag:s6], $0xF0;
	p0 =	seq.s32 s14, $0x1;
	s14 =	simm.s32 $0xF0  }
0x34: {  	[sflag:s6] =	ssyncset.done $0x0;
	s14 =	simm.s32 @!p0 $0x0  }
0x35: {  	[sflag:s6] =	ssyncadd.s32 $0xFFFFFF10;
	(ifvalue) =	ssetifvalue $0x7FFFFFFF;
	v0 =	vld.msk [tilespmem:s14+$0x0 ss:$0x1], $0xffff;
	_ =	sdelay $0x2  }
0x36: {  	s15 =	sadd.s32 $0x10, s14  }
0x37: {  	v2 =	vld.msk [tilespmem:s15+$0x0 ss:$0x1], $0xffff  }
0x38: {  	vm1 =	veq.s32 v0, $0x80000000;
	v1 =	vshrl.u32 v0, $0xD  }
0x39: {  	vm1 =	vmmov vm1;
	v3 =	vand.u32 $0x7, v1  }
0x3a: {  	v0 =	vand.u32 $0x1FFF, v0;
	v3 =	vsel vm1, $0xFFFFFFFF, v3  }
0x3b: {  	s15 =	sadd.s32 $0x10, s15;
	v0 =	vsel vm1, $0xFFFFFFFF, v0;
	v4 =	vshrl.u32 v3, $0x3  }
0x3c: {  	v1 =	vld.msk [tilespmem:s15+$0x0 ss:$0x1], $0xffff;
	v6 =	vshrl.u32 v2, $0xD;
	v5 =	vshll.u32 v0, $0x3;
	v4 =	vmul.u32 $0xA000, v4  }
0x3d: {  	vm1 =	veq.s32 v2, $0x80000000;
	v3 =	vshll.u32 v3, $0x7;
	v5 =	vand.u32 $0xFFFFFC00, v5  }
0x3e: {  	v0 =	vand.u32 $0x7F, v0;
	v3 =	vand.u32 $0x380, v3;
	v4 =	vadd.s32 v5, v4  }
0x3f: {  	vm1 =	vmmov vm1;
	v5 =	vand.u32 $0x7, v6;
	v3 =	vor.u32 v3, v4  }
0x40: {  	v2 =	vand.u32 $0x1FFF, v2;
	v4 =	vsel vm1, $0xFFFFFFFF, v5;
	v0 =	vor.u32 v0, v3  }
0x41: {  	s15 =	sadd.s32 $0x10, s15;
	vm2 =	veq.s32 v1, $0x80000000;
	v3 =	vsel vm1, $0xFFFFFFFF, v2;
	v2 =	vshrl.u32 v4, $0x3  }
0x42: {  	s14 =	sadd.s32 $0x1E0, s14;
	v6 =	vshll.u32 v4, $0x7;
	v5 =	vmul.u32 $0xA000, v2;
	v4 =	vshll.u32 v3, $0x3;
	v2 =	vld.msk [tilespmem:s15+$0x0 ss:$0x1], $0xffff  }
0x43: {  	s17 =	simm.s32 $0x30;
	s16 =	smov.u32 s14;
	vm1 =	vmmov vm2;
	v3 =	vand.u32 $0x7F, v3;
	v7 =	vand.u32 $0xFFFFFC00, v4  }
0x44: {  	s18 =	sadd.s32 $0x10, s15;
	v6 =	vand.u32 $0x380, v6;
	(ifvalue) =	ssetifvalue $0x7FFFFFFF;
	s15 =	sadd.s32 $0x10, s14;
	v4 =	vshrl.u32 v1, $0xD;
	v5 =	vadd.s32 v7, v5  }
.LBB2_3:
0x45: {  	[tilespmem:s16], [sflag:$0x1] =	stream.indirect_vreg.gather [hbm4b:s2+s10], $0x1, v0, vm0, $0x4038;
	[tilespmem:$0x3C0] =	vst v63  }
0x46: {  	s17 =	sadd.s32 $0x10, s17  }
0x47: {  	vm2 =	veq.s32 v2, $0x80000000;
	v4 =	vand.u32 $0x7, v4;
	v5 =	vor.u32 v6, v5;
	v6 =	vmovc v2;
	v2 =	vld.msk [tilespmem:s18+$0x0 ss:$0x1], $0xffff;
	p0 =	slt.u32 s17, $0xE0  }
.Ltmp3:
0x48: {  	v7 =	vand.u32 $0x1FFF, v1;
	s16 =	smov.u32 s15;
	v4 =	vsel vm1, $0xFFFFFFFF, v4;
	v0 =	vor.u32 v3, v5;
	v1 =	vmovc v6;
	(pc) =	sbr.rel @p0 .LBB2_3-.Ltmp3, $4  }
0x49: {  	v5 =	vsel vm1, $0xFFFFFFFF, v7;
	v6 =	vshrl.u32 v4, $0x3;
	v7 =	vshll.u32 v4, $0x7  }
0x4a: {  	v3 =	vand.u32 $0x7F, v5;
	v4 =	vshll.u32 v5, $0x3;
	v6 =	vmul.u32 $0xA000, v6  }
0x4b: {  	vm1 =	vmmov vm2;
	v5 =	vand.u32 $0xFFFFFC00, v4  }
0x4c: {  	s18 =	sadd.s32 $0x10, s18;
	s15 =	sadd.s32 $0x10, s15;
	v4 =	vshrl.u32 v1, $0xD;
	v5 =	vadd.s32 v5, v6;
	v6 =	vand.u32 $0x380, v7;
	(ifvalue) =	ssetifvalue $0x7FFFFFFF  }
.Ltmp4:
0x4d: {  	_ = 	snop;
	(pc) =	sbr.rel .LBB2_4-.Ltmp4, $1  }
0x4e: {  	_ =	sdelay $0x3  }
.LBB2_6:
0x4f: {  	_ =	sfence.sel $0x180000  }
0x50: {  	s2 =	simm.s32 $0x2;
	[bflag:$0x0] =	sbarrier.arrive $0xFFFF  }
0x51: {  	s30 =	simm.s32 $0x3;
	[sflag:s2] =	ssyncpa.u1 $0x1  }
0x52: {  	s31 =	simm.s32 $0x1;
	[sflag:s30] =	ssyncpa.u1 $0x1  }
0x53: {  	[sflag:s31] =	ssyncpa.u1 $0x1  }
0x54: {  	p0 =	sne.s32 s1, $0x0;
	_ =	strace $0x90000059  }
0x55: {  	s0 =	sadd.s32 @!p0 $0x100000, s0;
	[bflag:$0x2] =	sbarrier.arrive $0xFFFF  }
0x56: {  	[sflag:s0] =	ssyncadd.tile.s32 @!p0 $0x1;
	_ =	shalt  }
.Lfunc_end2:
_tile_overlayer_lowered:
.L_overlay_start_2:
0x57: {  	(tag) =	ssettag $0x2  }
0x58: {  	s0 =	rddreg [dreg:$0x0];
	s2 =	stileid.u32  }
0x59: {  	s1 =	rddreg [dreg:$0x1];
	p0 =	sne.s32 s2, $0x0  }
0x5a: {  	s3 =	rddreg [dreg:$0x2];
	[bflag:$0x3] =	sbarrier.arrive $0xFFFF;
	s2 =	simm.s32 @!p0 $0x1C01  }
0x5b: {  	[timem:s3], [sflag:s2] =	dma.local @!p0 [hbm:s0], s1  }
0x5c: {  	s0 =	simm.s32 @!p0 $0x1  }
0x5d: {  	_ =	swait.ge @!p0 [sflag:s0], s1  }
0x5e: {  	s1 =	ssub.s32 @!p0 $0x0, s1;
	[sflag:s0] =	ssyncset.done @!p0 $0x0  }
0x5f: {  	[sflag:s0] =	ssyncadd.s32 @!p0 s1  }
0x60: {  	[bflag:$0x3] =	sbarrier.arrive $0xFFFF  }
0x61: {  	_ =	shalt  }

// kernel: gather_offload_async_start.3
scs
__scs_entry_jumppad:
0x0: {  	(pc) =	sbr.rel $0x88, $3  }
0x1: {  	(tag) =	ssettag $0x0;
	lr =	simm.s32 $0x1  }
0x2: {  	[smem:$0x3F97] =	sst lr;
	_ =	strace $0xD0000000  }
0x3: {  	_ = 	snop  }
0x4: {  	_ = 	snop  }
0x5: {  	_ = 	snop  }
0x6: {  	_ = 	snop  }
0x7: {  	_ = 	snop  }
__scs_overlays_trampoline_lowered:
0x8: {  	[smem:$0x3FA6] =	sst s0  }
0x9: {  	[smem:$0x3FA7] =	sst s1  }
0xa: {  	[smem:$0x3FA8] =	sst s2  }
0xb: {  	[smem:$0x3FA9] =	sst s3  }
0xc: {  	[smem:$0x3FAA] =	sst s4  }
0xd: {  	[smem:$0x3FAB] =	sst s5  }
0xe: {  	[smem:$0x3FAC] =	sst s6  }
0xf: {  	[smem:$0x3FAD] =	sst s7  }
0x10: {  	[smem:$0x3FAE] =	sst s8  }
0x11: {  	[smem:$0x3FAF] =	sst s9;
	s0 =	simm.s32 @!p0 $0x0  }
0x12: {  	s1 =	sld [smem:$0x3F95];
	s0 =	simm.s32 @p0 $0x1  }
0x13: {  	[smem:$0x3FB0] =	sst s0;
	s0 =	simm.s32 @!p1 $0x0  }
0x14: {  	s2 =	sld [smem:$0x3F94];
	s0 =	simm.s32 @p1 $0x1  }
0x15: {  	[smem:$0x3FB1] =	sst s0;
	s0 =	simm.s32 @!p2 $0x0  }
0x16: {  	s3 =	sld [smem:$0x3FDB];
	s0 =	simm.s32 @p2 $0x1  }
0x17: {  	s4 =	simm.s32 $0x1BF5;
	[smem:$0x3FB3] =	sst s0  }
0x18: {  	s0 =	sld [smem:$0x3F96];
	_ =	swait.ge [sflag:s4], $0x0  }
0x19: {  	s7 =	sld [smem:$0x3F97]  }
0x1a: {  	s8 =	sadd.s32 $0xFFFFE003, lr  }
0x1b: {  	s9 =	sadd.s32 $0xFFFFFEF7, lr;
	s5 =	simm.s32 $0xFFFFFFFF;
	p2 =	slt.u32 s8, $0xFFFFF086  }
0x1c: {  	p1 =	slt.u32 s9, $0xF7A;
	s5 =	simm.s32 @!p2 $0x0  }
0x1d: {  	s5 =	simm.s32 @p1 $0x1;
	p0 =	seq.s32 s7, s2  }
0x1e: {  	s7 =	smul.u32 @!p0 $0xF7A, s2;
	p2 =	seq.s32 @!p0 s5, $0x0  }
0x1f: {  	s9 =	smul.u32 $0xF7A, s1;
	s8 =	simm.s32 @!p0 $0x1BF5;
	p2 =	por !p2, p0  }
0x20: {  	[sflag:s8] =	ssyncset.s32 @!p0 $0xFFFFF086;
	s6 =	sadd.s32 @!p0 s3, s7;
	s7 =	simm.s32 @!p0 $0x108  }
0x21: {  	s3 =	sadd.s32 s3, s9;
	s6 =	sadd.s32 @!p0 $0x88, s6;
	s7 =	simm.s32 @p2 $0x1082  }
0x22: {  	[simem:s7], [sflag:s8] =	dma.local @!p0 [hbm:s6], $0xF7A  }
0x23: {  	s9 =	sor.u32 $0xD0000000, s2;
	s6 =	simm.s32 $0x108;
	_ =	swait.ge @!p0 [sflag:s8], $0x0  }
0x24: {  	s3 =	sadd.s32 $0x88, s3;
	s6 =	simm.s32 @!p1 $0x1082;
	[sflag:s4] =	ssyncset.s32 $0xFFFFF086  }
0x25: {  	[simem:s6], [sflag:s4] =	dma.local [hbm:s3], $0xF7A  }
0x26: {  	[smem:$0x3F97] =	sst s1;
	(tag) =	ssettag s2;
	_ =	strace s9  }
0x27: {  	s1 =	sld [smem:$0x3FA7]  }
0x28: {  	s2 =	sld [smem:$0x3FA8]  }
0x29: {  	s4 =	sld [smem:$0x3FAA]  }
0x2a: {  	p0 =	seq.s32 s5, $0x0;
	s5 =	sld [smem:$0x3FAB]  }
0x2b: {  	s6 =	sld [smem:$0x3FAC]  }
0x2c: {  	s7 =	sld [smem:$0x3FAD]  }
0x2d: {  	s3 =	simm.s32 $0x108;
	s8 =	sld [smem:$0x3FAE]  }
0x2e: {  	s3 =	simm.s32 @!p0 $0x1082;
	s9 =	sld [smem:$0x3FAF]  }
0x2f: {  	lr =	sadd.s32 s0, s3;
	s0 =	sld [smem:$0x3FA6]  }
0x30: {  	s3 =	sld [smem:$0x3FA9]  }
0x31: {  	[smem:$0x3FB2] =	sst s10  }
0x32: {  	s10 =	sld [smem:$0x3FB0];
	_ =	sdelay $0x3  }
0x33: {  	p0 =	seq.s32 s10, $0x1;
	s10 =	sld [smem:$0x3FB2];
	_ =	sdelay $0x3  }
0x34: {  	[smem:$0x3FB2] =	sst s10  }
0x35: {  	s10 =	sld [smem:$0x3FB1];
	_ =	sdelay $0x3  }
0x36: {  	p1 =	seq.s32 s10, $0x1;
	s10 =	sld [smem:$0x3FB2];
	_ =	sdelay $0x3  }
0x37: {  	[smem:$0x3FB2] =	sst s10  }
0x38: {  	s10 =	sld [smem:$0x3FB3]  }
0x39: {  	_ = 	snop;
	(pc) =	sbr.ind lr, $3  }
0x3a: {  	_ = 	snop  }
0x3b: {  	_ = 	snop  }
0x3c: {  	p2 =	seq.s32 s10, $0x1;
	s10 =	sld [smem:$0x3FB2]  }
0x3d: {  	_ =	shalt  }
0x3e: {  	_ =	shalt  }
0x3f: {  	_ =	shalt  }
0x40: {  	_ =	shalt  }
0x41: {  	_ =	shalt  }
0x42: {  	_ =	shalt  }
0x43: {  	_ =	shalt  }
0x44: {  	_ =	shalt  }
0x45: {  	_ =	shalt  }
0x46: {  	_ =	shalt  }
0x47: {  	_ =	shalt  }
0x48: {  	_ =	shalt  }
0x49: {  	_ =	shalt  }
0x4a: {  	_ =	shalt  }
0x4b: {  	_ =	shalt  }
0x4c: {  	_ =	shalt  }
0x4d: {  	_ =	shalt  }
0x4e: {  	_ =	shalt  }
0x4f: {  	_ =	shalt  }
0x50: {  	_ =	shalt  }
0x51: {  	_ =	shalt  }
0x52: {  	_ =	shalt  }
0x53: {  	_ =	shalt  }
0x54: {  	_ =	shalt  }
0x55: {  	_ =	shalt  }
0x56: {  	_ =	shalt  }
0x57: {  	_ =	shalt  }
0x58: {  	_ =	shalt  }
0x59: {  	_ =	shalt  }
0x5a: {  	_ =	shalt  }
0x5b: {  	_ =	shalt  }
0x5c: {  	_ =	shalt  }
0x5d: {  	_ =	shalt  }
0x5e: {  	_ =	shalt  }
0x5f: {  	_ =	shalt  }
0x60: {  	_ =	shalt  }
0x61: {  	_ =	shalt  }
0x62: {  	_ =	shalt  }
0x63: {  	_ =	shalt  }
0x64: {  	_ =	shalt  }
0x65: {  	_ =	shalt  }
0x66: {  	_ =	shalt  }
0x67: {  	_ =	shalt  }
0x68: {  	_ =	shalt  }
0x69: {  	_ =	shalt  }
0x6a: {  	_ =	shalt  }
0x6b: {  	_ =	shalt  }
0x6c: {  	_ =	shalt  }
0x6d: {  	_ =	shalt  }
0x6e: {  	_ =	shalt  }
0x6f: {  	_ =	shalt  }
0x70: {  	_ =	shalt  }
0x71: {  	_ =	shalt  }
0x72: {  	_ =	shalt  }
0x73: {  	_ =	shalt  }
0x74: {  	_ =	shalt  }
0x75: {  	_ =	shalt  }
0x76: {  	_ =	shalt  }
0x77: {  	_ =	shalt  }
0x78: {  	_ =	shalt  }
0x79: {  	_ =	shalt  }
0x7a: {  	_ =	shalt  }
0x7b: {  	_ =	shalt  }
0x7c: {  	_ =	shalt  }
0x7d: {  	_ =	shalt  }
0x7e: {  	_ =	shalt  }
0x7f: {  	_ =	shalt  }
0x80: {  	_ =	shalt  }
0x81: {  	_ =	shalt  }
0x82: {  	_ =	shalt  }
0x83: {  	_ =	shalt  }
0x84: {  	_ =	shalt  }
0x85: {  	_ =	shalt  }
0x86: {  	_ =	shalt  }
0x87: {  	_ =	shalt  }
.Lfunc_end0:
.L_simem_size_0:
called_computation.3_lowered:
.L_overlay_start_0:
0x88: {  	s0 =	sld [smem:$0x3FD9]  }
0x89: {  	s1 =	sld [smem:$0x3FFE];
	_ =	sdelay $0x3  }
0x8a: {  	s0 =	sadd.s32 s1, s0  }
0x8b: {  	[smem:$0x3FBE] =	sst s0  }
0x8c: {  	_ = 	snop  }
0x8d: {  	s0 =	sld [smem:$0x3FC9];
	(tm) =	ssettm $0x1  }
0x8e: {  	s16 =	sld [smem:$0x3FFB];
	_ =	sdelay $0x3  }
0x8f: {  	_ =	strace s16  }
0x90: {  	s1 =	sld [smem:$0x3FFC];
	_ =	sdelay $0x3  }
0x91: {  	_ =	strace s1  }
0x92: {  	s1 =	sld [smem:$0x3FFD];
	_ =	sdelay $0x3  }
0x93: {  	_ =	strace s1  }
0x94: {  	_ =	strace $0x8FFFFFFF  }
0x95: {  	s17 =	sld [smem:$0x3FDB];
	_ =	sdelay $0x1  }
0x96: {  	s2 =	simm.s32 $_scs_section_size  }
0x97: {  	s3 =	simm.s32 $_size__tile_overlayer_lowered;
	s4 =	simm.s32 $_tile_overlayer_lowered  }
0x98: {  	s20 =	simm.s32 $0x1BFF;
	s19 =	sshll.u32 s4, $0x1;
	s1 =	sadd.s32 s2, s17  }
0x99: {  	s5 =	simm.s32 $0x0;
	s18 =	sshll.u32 s3, $0x1;
	s3 =	sadd.s32 s19, s1  }
0x9a: {  	[timem:s5], [sflag:s20] =	dma.local [hbm:s3], s18  }
0x9b: {  	_ =	swait.ge [sflag:s20], s18  }
0x9c: {  	s2 =	ssub.s32 $0x0, s18;
	[sflag:s20] =	ssyncset.done $0x0  }
0x9d: {  	[sflag:s20] =	ssyncadd.s32 s2;
	_ =	sdelay $0x1  }
0x9e: {  	s21 =	simm.s32 $0x1B8B  }
0x9f: {  	_ =	swait.ge [sflag:s21], $0x1  }
0xa0: {  	[sflag:s21] =	ssyncset.done $0x0  }
0xa1: {  	s23 =	simm.s32 $0x1B8E;
	s22 =	sld [smem:$0x3FFE];
	[sflag:s21] =	ssyncadd.s32 $0xFFFFFFFF  }
0xa2: {  	s24 =	simm.s32 $execute0_lowered;
	[smem:$0x3FD2] =	sst s23  }
0xa3: {  	s3 =	sshll.u32 s24, $0x1;
	_ =	strace $0x80000061;
	[dreg:$0x1] =	wrdreg $0xFFFFFFFF  }
0xa4: {  	s25 =	simm.s32 $_size_execute0_lowered;
	s1 =	sadd.s32 s1, s3;
	[dreg:$0x0] =	wrdreg $0x0  }
0xa5: {  	s3 =	sshll.u32 s25, $0x1;
	[dreg:$0x2] =	wrdreg s1  }
0xa6: {  	[dreg:$0x3] =	wrdreg s3  }
0xa7: {  	[dreg:$0x4] =	wrdreg $0xC0  }
0xa8: {  	_ =	task [dreg:s5], $0x5FFFF  }
0xa9: {  	[dreg:$0x1] =	wrdreg $0xFFFFFFFF  }
0xaa: {  	[dreg:$0x0] =	wrdreg $0x60  }
0xab: {  	[dreg:$0x2] =	wrdreg s0  }
0xac: {  	[dreg:$0x3] =	wrdreg s22  }
0xad: {  	[dreg:$0x4] =	wrdreg $0x9  }
0xae: {  	_ =	task.clear_ibuf [dreg:s5], $0x5FFFF;
	_ =	strace $0x90000061  }
0xaf: {  	s26 =	simm.s32 $0x9;
	_ =	strace $0x80000063  }
0xb0: {  	_ =	swait.ge [sflag:s26], $0x1  }
0xb1: {  	[sflag:s26] =	ssyncadd.s32 $0xFFFFFFFF  }
0xb2: {  	_ =	strace $0x90000063  }
0xb3: {  	_ =	sfence  }
0xb4: {  	s28 =	sld [smem:$0x0];
	_ =	sdelay $0x1  }
0xb5: {  	s29 =	srdreg.scid  }
0xb6: {  	s30 =	sshll.u32 s29, $0xD;
	s31 =	sshrl.u32 s29, $0x2  }
0xb7: {  	s2 =	sand.u32 $0x4000, s30;
	s1 =	sand.u32 $0x1, s29;
	s0 =	sadd.s32 s31, s28  }
0xb8: {  	s1 =	sor.u32 s2, s1;
	s0 =	sshll.u32 s0, $0x11  }
0xb9: {  	s0 =	sor.u32 s0, s1  }
0xba: {  	s0 =	sadd.s32 $0x8F2B, s0  }
0xbb: {  	[sflag:s0] =	ssyncadd.remote.s32 $0x1  }
0xbc: {  	_ =	sfence.sel $0xFFFF  }
0xbd: {  	[dreg:$0x0] =	wrdreg $0xFFFFFFFF;
	(pc) =	sbr.abs _section_cstart, $3  }
0xbe: {  	[dreg:$0x1] =	wrdreg $0xFFFFFFFF  }
0xbf: {  	_ =	task.clear_ibuf [dreg:s5], $0x2FFFF;
	_ =	strace $0x9FFFFFFF  }
0xc0: {  	(tm) =	ssettm $0x7FFFFFFF  }
0xc1: {  	_ =	shalt  }
tec
execute0_lowered:
.L_overlay_start_1:
0x0: {  	(tag) =	ssettag $0x1  }
0x1: {  	s2 =	rddreg [dreg:$0x0]  }
0x2: {  	s8 =	rddreg [dreg:$0x1]  }
0x3: {  	s0 =	rddreg [dreg:$0x2]  }
0x4: {  	_ =	strace $0x80000062;
	s4 =	simm.s32 $0x1;
	s1 =	stileid.u32  }
0x5: {  	s7 =	simm.s32 $0x1;
	s9 =	simm.s32 $0x1;
	s6 =	simm.s32 $0x2  }
0x6: {  	s10 =	simm.s32 $0x3;
	s13 =	simm.s32 $0x0;
	s12 =	simm.s32 $0x0  }
.Ltmp0:
0x7: {  	s3 =	sadd.s32 $0x4000, s8;
	p0 =	slt.u32 s1, $0xA;
	(pc) =	sbr.rel .LBB2_1-.Ltmp0, $4  }
0x8: {  	[sflag:s4] =	ssyncpa.u1 $0x0;
	s7 =	simm.s32 @!p0 $0x0;
	p0 =	sne.s32 s1, $0x9  }
0x9: {  	s5 =	smul.u32 $0xF0, s1;
	[sflag:s6] =	ssyncpa.u1 $0x0;
	s9 =	simm.s32 @!p0 $0x0  }
0xa: {  	s8 =	sadd.s32 $0x4800, s8;
	[sflag:s10] =	ssyncpa.u1 $0x0;
	s7 =	sadd.s32 s9, s7  }
0xb: {  	vm0 =	vmmov $0xffff;
	s10 =	simm.s32 $0x0;
	s11 =	smov.u32 s5;
	s9 =	sadd.s32 $0x1, s7  }
.LBB2_4:
0xc: {  	vm2 =	veq.s32 v2, $0x80000000;
	v4 =	vand.u32 $0x7, v4;
	v5 =	vor.u32 v6, v5  }
0xd: {  	v1 =	vand.u32 $0x1FFF, v1;
	v7 =	vshrl.u32 v2, $0xD;
	v56 =	vand.u32 $0x1FFF, v2  }
0xe: {  	v4 =	vsel vm1, $0xFFFFFFFF, v4;
	v3 =	vor.u32 v3, v5;
	v1 =	vsel vm1, $0xFFFFFFFF, v1  }
0xf: {  	vm1 =	vmmov vm2;
	v7 =	vand.u32 $0x7, v7;
	v54 =	vshrl.u32 v4, $0x3  }
0x10: {  	v4 =	vshll.u32 v4, $0x7;
	v55 =	vshll.u32 v1, $0x3;
	v57 =	vsel vm1, $0xFFFFFFFF, v7  }
0x11: {  	v2 =	vsel vm1, $0xFFFFFFFF, v56;
	v1 =	vand.u32 $0x7F, v1;
	v5 =	vmul.u32 $0xA000, v54  }
0x12: {  	v6 =	vand.u32 $0xFFFFFC00, v55;
	v4 =	vand.u32 $0x380, v4;
	v7 =	vshrl.u32 v57, $0x3  }
0x13: {  	v59 =	vshll.u32 v2, $0x3;
	v58 =	vmul.u32 $0xA000, v7;
	v5 =	vadd.s32 v6, v5  }
0x14: {  	v7 =	vand.u32 $0xFFFFFC00, v59;
	v6 =	vshll.u32 v57, $0x7;
	v4 =	vor.u32 v4, v5  }
0x15: {  	v60 =	vadd.s32 v7, v58;
	v61 =	vand.u32 $0x380, v6;
	v1 =	vor.u32 v1, v4  }
0x16: {  	[tilespmem:s16], [sflag:$0x1] =	stream.indirect_vreg.gather [hbm4b:s2+s10], $0x1, v0, vm0, $0x4038;
	v62 =	vand.u32 $0x7F, v2;
	v63 =	vor.u32 v61, v60;
	[tilespmem:$0x3C0] =	vst v63  }
0x17: {  	(ifvalue) =	ssetifvalue $0x7FFFFFFF;
	v0 =	vor.u32 v62, v63  }
0x18: {  	[tilespmem:s15], [sflag:$0x1] =	stream.indirect_vreg.gather [hbm4b:s2+s10], $0x1, v3, vm0, $0x4038;
	[tilespmem:$0x3C0] =	vst v63  }
0x19: {  	s29 =	sadd.s32 $0x10, s15;
	(ifvalue) =	ssetifvalue $0x7FFFFFFF  }
0x1a: {  	[tilespmem:s29], [sflag:$0x1] =	stream.indirect_vreg.gather [hbm4b:s2+s10], $0x1, v1, vm0, $0x4038;
	[tilespmem:$0x3C0] =	vst v63  }
0x1b: {  	s15 =	sadd.s32 $0x10, s29;
	(ifvalue) =	ssetifvalue $0x7FFFFFFF  }
0x1c: {  	[tilespmem:s15], [sflag:$0x1] =	stream.indirect_vreg.gather [hbm4b:s2+s10], $0x1, v0, vm0, $0x4038;
	[tilespmem:$0x3C0] =	vst v63  }
0x1d: {  	_ =	swait.ge [sflag:s4], $0xF0  }
0x1e: {  	s30 =	sshrl.u32 s13, $0x3;
	[sflag:s4] =	ssyncset.done $0x0  }
0x1f: {  	s31 =	sand.u32 $0x7, s13;
	s15 =	sadd.s32 s8, s30;
	[sflag:s4] =	ssyncadd.s32 $0xFFFFFF10  }
0x20: {  	[hbm4b:s15+s31] =	stream.linear.scatter [tilespmem:s14], [sflag:$0x3], $0xF0, $0x38;
	[tilespmem:$0x3C0] =	vst v63  }
.LBB2_5:
0x21: {  	s15 =	sadd.s32 $0xF00, s11  }
0x22: {  	p1 =	sgt.s32 s15, $0x176F  }
0x23: {  	s15 =	smov.u32 @p1 s5;
	p1 =	sne.s32 s12, s9  }
.Ltmp1:
0x24: {  	p0 =	slt.u32 s12, $0x2;
	(pc) =	sbr.rel @!p1 .LBB2_6-.Ltmp1, $4  }
0x25: {  	s14 =	simm.s32 @!p0 $0x3  }
0x26: {  	_ =	swait.ge @!p0 [sflag:s14], $0xF0  }
0x27: {  	s16 =	sadd.s32 $0x1, s12;
	s13 =	smov.u32 s11;
	[sflag:s14] =	ssyncset.done @!p0 $0x0  }
0x28: {  	s12 =	smov.u32 s16;
	s11 =	smov.u32 s15;
	[sflag:s14] =	ssyncadd.s32 @!p0 $0xFFFFFF10  }
.LBB2_1:
0x29: {  	p0 =	sge.u32 s12, s7  }
0x2a: {  	s14 =	sxor.u32 @!p0 $0x1, s12  }
0x2b: {  	s14 =	smul.u32 @!p0 $0x3C0, s14  }
0x2c: {  	s31 =	sadd.s32 $0xFFFFFFFF, s12;
	s15 =	sshrl.u32 @!p0 s11, $0x3  }
0x2d: {  	s16 =	sand.u32 @!p0 $0x7, s11;
	s15 =	sadd.s32 @!p0 s3, s15;
	s14 =	sshra.s32 @!p0 s14, $0x2  }
0x2e: {  	[tilespmem:s14], [sflag:$0x2] =	stream.linear.gather @!p0 [hbm4b:s15+s16], $0xF0, $0x38;
	[tilespmem:$0x3C0] =	vst v63  }
0x2f: {  	p0 =	sge.u32 s31, s7  }
.Ltmp2:
0x30: {  	_ = 	snop;
	(pc) =	sbr.rel @p0 .LBB2_5-.Ltmp2, $1  }
0x31: {  	_ =	sdelay $0x3  }
0x32: {  	s14 =	sand.u32 $0x1, s12  }
0x33: {  	_ =	swait.ge [sflag:s6], $0xF0;
	p0 =	seq.s32 s14, $0x1;
	s14 =	simm.s32 $0xF0  }
0x34: {  	[sflag:s6] =	ssyncset.done $0x0;
	s14 =	simm.s32 @!p0 $0x0  }
0x35: {  	[sflag:s6] =	ssyncadd.s32 $0xFFFFFF10;
	(ifvalue) =	ssetifvalue $0x7FFFFFFF;
	v0 =	vld.msk [tilespmem:s14+$0x0 ss:$0x1], $0xffff;
	_ =	sdelay $0x2  }
0x36: {  	s15 =	sadd.s32 $0x10, s14  }
0x37: {  	v2 =	vld.msk [tilespmem:s15+$0x0 ss:$0x1], $0xffff  }
0x38: {  	vm1 =	veq.s32 v0, $0x80000000;
	v1 =	vshrl.u32 v0, $0xD  }
0x39: {  	vm1 =	vmmov vm1;
	v3 =	vand.u32 $0x7, v1  }
0x3a: {  	v0 =	vand.u32 $0x1FFF, v0;
	v3 =	vsel vm1, $0xFFFFFFFF, v3  }
0x3b: {  	s15 =	sadd.s32 $0x10, s15;
	v0 =	vsel vm1, $0xFFFFFFFF, v0;
	v4 =	vshrl.u32 v3, $0x3  }
0x3c: {  	v1 =	vld.msk [tilespmem:s15+$0x0 ss:$0x1], $0xffff;
	v6 =	vshrl.u32 v2, $0xD;
	v5 =	vshll.u32 v0, $0x3;
	v4 =	vmul.u32 $0xA000, v4  }
0x3d: {  	vm1 =	veq.s32 v2, $0x80000000;
	v3 =	vshll.u32 v3, $0x7;
	v5 =	vand.u32 $0xFFFFFC00, v5  }
0x3e: {  	v0 =	vand.u32 $0x7F, v0;
	v3 =	vand.u32 $0x380, v3;
	v4 =	vadd.s32 v5, v4  }
0x3f: {  	vm1 =	vmmov vm1;
	v5 =	vand.u32 $0x7, v6;
	v3 =	vor.u32 v3, v4  }
0x40: {  	v2 =	vand.u32 $0x1FFF, v2;
	v4 =	vsel vm1, $0xFFFFFFFF, v5;
	v0 =	vor.u32 v0, v3  }
0x41: {  	s15 =	sadd.s32 $0x10, s15;
	vm2 =	veq.s32 v1, $0x80000000;
	v3 =	vsel vm1, $0xFFFFFFFF, v2;
	v2 =	vshrl.u32 v4, $0x3  }
0x42: {  	s14 =	sadd.s32 $0x1E0, s14;
	v6 =	vshll.u32 v4, $0x7;
	v5 =	vmul.u32 $0xA000, v2;
	v4 =	vshll.u32 v3, $0x3;
	v2 =	vld.msk [tilespmem:s15+$0x0 ss:$0x1], $0xffff  }
0x43: {  	s17 =	simm.s32 $0x30;
	s16 =	smov.u32 s14;
	vm1 =	vmmov vm2;
	v3 =	vand.u32 $0x7F, v3;
	v7 =	vand.u32 $0xFFFFFC00, v4  }
0x44: {  	s18 =	sadd.s32 $0x10, s15;
	v6 =	vand.u32 $0x380, v6;
	(ifvalue) =	ssetifvalue $0x7FFFFFFF;
	s15 =	sadd.s32 $0x10, s14;
	v4 =	vshrl.u32 v1, $0xD;
	v5 =	vadd.s32 v7, v5  }
.LBB2_3:
0x45: {  	[tilespmem:s16], [sflag:$0x1] =	stream.indirect_vreg.gather [hbm4b:s2+s10], $0x1, v0, vm0, $0x4038;
	[tilespmem:$0x3C0] =	vst v63  }
0x46: {  	s17 =	sadd.s32 $0x10, s17  }
0x47: {  	vm2 =	veq.s32 v2, $0x80000000;
	v4 =	vand.u32 $0x7, v4;
	v5 =	vor.u32 v6, v5;
	v6 =	vmovc v2;
	v2 =	vld.msk [tilespmem:s18+$0x0 ss:$0x1], $0xffff;
	p0 =	slt.u32 s17, $0xE0  }
.Ltmp3:
0x48: {  	v7 =	vand.u32 $0x1FFF, v1;
	s16 =	smov.u32 s15;
	v4 =	vsel vm1, $0xFFFFFFFF, v4;
	v0 =	vor.u32 v3, v5;
	v1 =	vmovc v6;
	(pc) =	sbr.rel @p0 .LBB2_3-.Ltmp3, $4  }
0x49: {  	v5 =	vsel vm1, $0xFFFFFFFF, v7;
	v6 =	vshrl.u32 v4, $0x3;
	v7 =	vshll.u32 v4, $0x7  }
0x4a: {  	v3 =	vand.u32 $0x7F, v5;
	v4 =	vshll.u32 v5, $0x3;
	v6 =	vmul.u32 $0xA000, v6  }
0x4b: {  	vm1 =	vmmov vm2;
	v5 =	vand.u32 $0xFFFFFC00, v4  }
0x4c: {  	s18 =	sadd.s32 $0x10, s18;
	s15 =	sadd.s32 $0x10, s15;
	v4 =	vshrl.u32 v1, $0xD;
	v5 =	vadd.s32 v5, v6;
	v6 =	vand.u32 $0x380, v7;
	(ifvalue) =	ssetifvalue $0x7FFFFFFF  }
.Ltmp4:
0x4d: {  	_ = 	snop;
	(pc) =	sbr.rel .LBB2_4-.Ltmp4, $1  }
0x4e: {  	_ =	sdelay $0x3  }
.LBB2_6:
0x4f: {  	_ =	sfence.sel $0x180000  }
0x50: {  	s2 =	simm.s32 $0x2;
	[bflag:$0x0] =	sbarrier.arrive $0xFFFF  }
0x51: {  	s30 =	simm.s32 $0x3;
	[sflag:s2] =	ssyncpa.u1 $0x1  }
0x52: {  	s31 =	simm.s32 $0x1;
	[sflag:s30] =	ssyncpa.u1 $0x1  }
0x53: {  	[sflag:s31] =	ssyncpa.u1 $0x1  }
0x54: {  	p0 =	sne.s32 s1, $0x0;
	_ =	strace $0x90000062  }
0x55: {  	s0 =	sadd.s32 @!p0 $0x100000, s0;
	[bflag:$0x2] =	sbarrier.arrive $0xFFFF  }
0x56: {  	[sflag:s0] =	ssyncadd.tile.s32 @!p0 $0x1;
	_ =	shalt  }
.Lfunc_end2:
_tile_overlayer_lowered:
.L_overlay_start_2:
0x57: {  	(tag) =	ssettag $0x2  }
0x58: {  	s0 =	rddreg [dreg:$0x0];
	s2 =	stileid.u32  }
0x59: {  	s1 =	rddreg [dreg:$0x1];
	p0 =	sne.s32 s2, $0x0  }
0x5a: {  	s3 =	rddreg [dreg:$0x2];
	[bflag:$0x3] =	sbarrier.arrive $0xFFFF;
	s2 =	simm.s32 @!p0 $0x1C01  }
0x5b: {  	[timem:s3], [sflag:s2] =	dma.local @!p0 [hbm:s0], s1  }
0x5c: {  	s0 =	simm.s32 @!p0 $0x1  }
0x5d: {  	_ =	swait.ge @!p0 [sflag:s0], s1  }
0x5e: {  	s1 =	ssub.s32 @!p0 $0x0, s1;
	[sflag:s0] =	ssyncset.done @!p0 $0x0  }
0x5f: {  	[sflag:s0] =	ssyncadd.s32 @!p0 s1  }
0x60: {  	[bflag:$0x3] =	sbarrier.arrive $0xFFFF  }
0x61: {  	_ =	shalt  }

// kernel: gather_offload_async_start.4
scs
__scs_entry_jumppad:
0x0: {  	(pc) =	sbr.rel $0x88, $3  }
0x1: {  	(tag) =	ssettag $0x0;
	lr =	simm.s32 $0x1  }
0x2: {  	[smem:$0x3F97] =	sst lr;
	_ =	strace $0xD0000000  }
0x3: {  	_ = 	snop  }
0x4: {  	_ = 	snop  }
0x5: {  	_ = 	snop  }
0x6: {  	_ = 	snop  }
0x7: {  	_ = 	snop  }
__scs_overlays_trampoline_lowered:
0x8: {  	[smem:$0x3FA6] =	sst s0  }
0x9: {  	[smem:$0x3FA7] =	sst s1  }
0xa: {  	[smem:$0x3FA8] =	sst s2  }
0xb: {  	[smem:$0x3FA9] =	sst s3  }
0xc: {  	[smem:$0x3FAA] =	sst s4  }
0xd: {  	[smem:$0x3FAB] =	sst s5  }
0xe: {  	[smem:$0x3FAC] =	sst s6  }
0xf: {  	[smem:$0x3FAD] =	sst s7  }
0x10: {  	[smem:$0x3FAE] =	sst s8  }
0x11: {  	[smem:$0x3FAF] =	sst s9;
	s0 =	simm.s32 @!p0 $0x0  }
0x12: {  	s1 =	sld [smem:$0x3F95];
	s0 =	simm.s32 @p0 $0x1  }
0x13: {  	[smem:$0x3FB0] =	sst s0;
	s0 =	simm.s32 @!p1 $0x0  }
0x14: {  	s2 =	sld [smem:$0x3F94];
	s0 =	simm.s32 @p1 $0x1  }
0x15: {  	[smem:$0x3FB1] =	sst s0;
	s0 =	simm.s32 @!p2 $0x0  }
0x16: {  	s3 =	sld [smem:$0x3FDB];
	s0 =	simm.s32 @p2 $0x1  }
0x17: {  	s4 =	simm.s32 $0x1BF5;
	[smem:$0x3FB3] =	sst s0  }
0x18: {  	s0 =	sld [smem:$0x3F96];
	_ =	swait.ge [sflag:s4], $0x0  }
0x19: {  	s7 =	sld [smem:$0x3F97]  }
0x1a: {  	s8 =	sadd.s32 $0xFFFFE003, lr  }
0x1b: {  	s9 =	sadd.s32 $0xFFFFFEF7, lr;
	s5 =	simm.s32 $0xFFFFFFFF;
	p2 =	slt.u32 s8, $0xFFFFF086  }
0x1c: {  	p1 =	slt.u32 s9, $0xF7A;
	s5 =	simm.s32 @!p2 $0x0  }
0x1d: {  	s5 =	simm.s32 @p1 $0x1;
	p0 =	seq.s32 s7, s2  }
0x1e: {  	s7 =	smul.u32 @!p0 $0xF7A, s2;
	p2 =	seq.s32 @!p0 s5, $0x0  }
0x1f: {  	s9 =	smul.u32 $0xF7A, s1;
	s8 =	simm.s32 @!p0 $0x1BF5;
	p2 =	por !p2, p0  }
0x20: {  	[sflag:s8] =	ssyncset.s32 @!p0 $0xFFFFF086;
	s6 =	sadd.s32 @!p0 s3, s7;
	s7 =	simm.s32 @!p0 $0x108  }
0x21: {  	s3 =	sadd.s32 s3, s9;
	s6 =	sadd.s32 @!p0 $0x88, s6;
	s7 =	simm.s32 @p2 $0x1082  }
0x22: {  	[simem:s7], [sflag:s8] =	dma.local @!p0 [hbm:s6], $0xF7A  }
0x23: {  	s9 =	sor.u32 $0xD0000000, s2;
	s6 =	simm.s32 $0x108;
	_ =	swait.ge @!p0 [sflag:s8], $0x0  }
0x24: {  	s3 =	sadd.s32 $0x88, s3;
	s6 =	simm.s32 @!p1 $0x1082;
	[sflag:s4] =	ssyncset.s32 $0xFFFFF086  }
0x25: {  	[simem:s6], [sflag:s4] =	dma.local [hbm:s3], $0xF7A  }
0x26: {  	[smem:$0x3F97] =	sst s1;
	(tag) =	ssettag s2;
	_ =	strace s9  }
0x27: {  	s1 =	sld [smem:$0x3FA7]  }
0x28: {  	s2 =	sld [smem:$0x3FA8]  }
0x29: {  	s4 =	sld [smem:$0x3FAA]  }
0x2a: {  	p0 =	seq.s32 s5, $0x0;
	s5 =	sld [smem:$0x3FAB]  }
0x2b: {  	s6 =	sld [smem:$0x3FAC]  }
0x2c: {  	s7 =	sld [smem:$0x3FAD]  }
0x2d: {  	s3 =	simm.s32 $0x108;
	s8 =	sld [smem:$0x3FAE]  }
0x2e: {  	s3 =	simm.s32 @!p0 $0x1082;
	s9 =	sld [smem:$0x3FAF]  }
0x2f: {  	lr =	sadd.s32 s0, s3;
	s0 =	sld [smem:$0x3FA6]  }
0x30: {  	s3 =	sld [smem:$0x3FA9]  }
0x31: {  	[smem:$0x3FB2] =	sst s10  }
0x32: {  	s10 =	sld [smem:$0x3FB0];
	_ =	sdelay $0x3  }
0x33: {  	p0 =	seq.s32 s10, $0x1;
	s10 =	sld [smem:$0x3FB2];
	_ =	sdelay $0x3  }
0x34: {  	[smem:$0x3FB2] =	sst s10  }
0x35: {  	s10 =	sld [smem:$0x3FB1];
	_ =	sdelay $0x3  }
0x36: {  	p1 =	seq.s32 s10, $0x1;
	s10 =	sld [smem:$0x3FB2];
	_ =	sdelay $0x3  }
0x37: {  	[smem:$0x3FB2] =	sst s10  }
0x38: {  	s10 =	sld [smem:$0x3FB3]  }
0x39: {  	_ = 	snop;
	(pc) =	sbr.ind lr, $3  }
0x3a: {  	_ = 	snop  }
0x3b: {  	_ = 	snop  }
0x3c: {  	p2 =	seq.s32 s10, $0x1;
	s10 =	sld [smem:$0x3FB2]  }
0x3d: {  	_ =	shalt  }
0x3e: {  	_ =	shalt  }
0x3f: {  	_ =	shalt  }
0x40: {  	_ =	shalt  }
0x41: {  	_ =	shalt  }
0x42: {  	_ =	shalt  }
0x43: {  	_ =	shalt  }
0x44: {  	_ =	shalt  }
0x45: {  	_ =	shalt  }
0x46: {  	_ =	shalt  }
0x47: {  	_ =	shalt  }
0x48: {  	_ =	shalt  }
0x49: {  	_ =	shalt  }
0x4a: {  	_ =	shalt  }
0x4b: {  	_ =	shalt  }
0x4c: {  	_ =	shalt  }
0x4d: {  	_ =	shalt  }
0x4e: {  	_ =	shalt  }
0x4f: {  	_ =	shalt  }
0x50: {  	_ =	shalt  }
0x51: {  	_ =	shalt  }
0x52: {  	_ =	shalt  }
0x53: {  	_ =	shalt  }
0x54: {  	_ =	shalt  }
0x55: {  	_ =	shalt  }
0x56: {  	_ =	shalt  }
0x57: {  	_ =	shalt  }
0x58: {  	_ =	shalt  }
0x59: {  	_ =	shalt  }
0x5a: {  	_ =	shalt  }
0x5b: {  	_ =	shalt  }
0x5c: {  	_ =	shalt  }
0x5d: {  	_ =	shalt  }
0x5e: {  	_ =	shalt  }
0x5f: {  	_ =	shalt  }
0x60: {  	_ =	shalt  }
0x61: {  	_ =	shalt  }
0x62: {  	_ =	shalt  }
0x63: {  	_ =	shalt  }
0x64: {  	_ =	shalt  }
0x65: {  	_ =	shalt  }
0x66: {  	_ =	shalt  }
0x67: {  	_ =	shalt  }
0x68: {  	_ =	shalt  }
0x69: {  	_ =	shalt  }
0x6a: {  	_ =	shalt  }
0x6b: {  	_ =	shalt  }
0x6c: {  	_ =	shalt  }
0x6d: {  	_ =	shalt  }
0x6e: {  	_ =	shalt  }
0x6f: {  	_ =	shalt  }
0x70: {  	_ =	shalt  }
0x71: {  	_ =	shalt  }
0x72: {  	_ =	shalt  }
0x73: {  	_ =	shalt  }
0x74: {  	_ =	shalt  }
0x75: {  	_ =	shalt  }
0x76: {  	_ =	shalt  }
0x77: {  	_ =	shalt  }
0x78: {  	_ =	shalt  }
0x79: {  	_ =	shalt  }
0x7a: {  	_ =	shalt  }
0x7b: {  	_ =	shalt  }
0x7c: {  	_ =	shalt  }
0x7d: {  	_ =	shalt  }
0x7e: {  	_ =	shalt  }
0x7f: {  	_ =	shalt  }
0x80: {  	_ =	shalt  }
0x81: {  	_ =	shalt  }
0x82: {  	_ =	shalt  }
0x83: {  	_ =	shalt  }
0x84: {  	_ =	shalt  }
0x85: {  	_ =	shalt  }
0x86: {  	_ =	shalt  }
0x87: {  	_ =	shalt  }
.Lfunc_end0:
.L_simem_size_0:
called_computation.4_lowered:
.L_overlay_start_0:
0x88: {  	s0 =	sld [smem:$0x3FD9]  }
0x89: {  	s1 =	sld [smem:$0x3FFE];
	_ =	sdelay $0x3  }
0x8a: {  	s0 =	sadd.s32 s1, s0  }
0x8b: {  	[smem:$0x3FBE] =	sst s0  }
0x8c: {  	_ = 	snop  }
0x8d: {  	s0 =	sld [smem:$0x3FC9];
	(tm) =	ssettm $0x1  }
0x8e: {  	s16 =	sld [smem:$0x3FFB];
	_ =	sdelay $0x3  }
0x8f: {  	_ =	strace s16  }
0x90: {  	s1 =	sld [smem:$0x3FFC];
	_ =	sdelay $0x3  }
0x91: {  	_ =	strace s1  }
0x92: {  	s1 =	sld [smem:$0x3FFD];
	_ =	sdelay $0x3  }
0x93: {  	_ =	strace s1  }
0x94: {  	_ =	strace $0x8FFFFFFF  }
0x95: {  	s17 =	sld [smem:$0x3FDB];
	_ =	sdelay $0x1  }
0x96: {  	s2 =	simm.s32 $_scs_section_size  }
0x97: {  	s3 =	simm.s32 $_size__tile_overlayer_lowered;
	s4 =	simm.s32 $_tile_overlayer_lowered  }
0x98: {  	s20 =	simm.s32 $0x1BFF;
	s19 =	sshll.u32 s4, $0x1;
	s1 =	sadd.s32 s2, s17  }
0x99: {  	s5 =	simm.s32 $0x0;
	s18 =	sshll.u32 s3, $0x1;
	s3 =	sadd.s32 s19, s1  }
0x9a: {  	[timem:s5], [sflag:s20] =	dma.local [hbm:s3], s18  }
0x9b: {  	_ =	swait.ge [sflag:s20], s18  }
0x9c: {  	s2 =	ssub.s32 $0x0, s18;
	[sflag:s20] =	ssyncset.done $0x0  }
0x9d: {  	[sflag:s20] =	ssyncadd.s32 s2;
	_ =	sdelay $0x1  }
0x9e: {  	s21 =	simm.s32 $0x1B8B  }
0x9f: {  	_ =	swait.ge [sflag:s21], $0x1  }
0xa0: {  	[sflag:s21] =	ssyncset.done $0x0  }
0xa1: {  	s23 =	simm.s32 $0x1B8E;
	s22 =	sld [smem:$0x3FFE];
	[sflag:s21] =	ssyncadd.s32 $0xFFFFFFFF  }
0xa2: {  	s24 =	simm.s32 $execute0_lowered;
	[smem:$0x3FD2] =	sst s23  }
0xa3: {  	s3 =	sshll.u32 s24, $0x1;
	_ =	strace $0x8000005B;
	[dreg:$0x1] =	wrdreg $0xFFFFFFFF  }
0xa4: {  	s25 =	simm.s32 $_size_execute0_lowered;
	s1 =	sadd.s32 s1, s3;
	[dreg:$0x0] =	wrdreg $0x0  }
0xa5: {  	s3 =	sshll.u32 s25, $0x1;
	[dreg:$0x2] =	wrdreg s1  }
0xa6: {  	[dreg:$0x3] =	wrdreg s3  }
0xa7: {  	[dreg:$0x4] =	wrdreg $0xC0  }
0xa8: {  	_ =	task [dreg:s5], $0x5FFFF  }
0xa9: {  	[dreg:$0x1] =	wrdreg $0xFFFFFFFF  }
0xaa: {  	[dreg:$0x0] =	wrdreg $0x60  }
0xab: {  	[dreg:$0x2] =	wrdreg s0  }
0xac: {  	[dreg:$0x3] =	wrdreg s22  }
0xad: {  	[dreg:$0x4] =	wrdreg $0xA  }
0xae: {  	_ =	task.clear_ibuf [dreg:s5], $0x5FFFF;
	_ =	strace $0x9000005B  }
0xaf: {  	s26 =	simm.s32 $0xA;
	_ =	strace $0x8000005D  }
0xb0: {  	_ =	swait.ge [sflag:s26], $0x1  }
0xb1: {  	[sflag:s26] =	ssyncadd.s32 $0xFFFFFFFF  }
0xb2: {  	_ =	strace $0x9000005D  }
0xb3: {  	_ =	sfence  }
0xb4: {  	s28 =	sld [smem:$0x0];
	_ =	sdelay $0x1  }
0xb5: {  	s29 =	srdreg.scid  }
0xb6: {  	s30 =	sshll.u32 s29, $0xD;
	s31 =	sshrl.u32 s29, $0x2  }
0xb7: {  	s2 =	sand.u32 $0x4000, s30;
	s1 =	sand.u32 $0x1, s29;
	s0 =	sadd.s32 s31, s28  }
0xb8: {  	s1 =	sor.u32 s2, s1;
	s0 =	sshll.u32 s0, $0x11  }
0xb9: {  	s0 =	sor.u32 s0, s1  }
0xba: {  	s0 =	sadd.s32 $0x8F2B, s0  }
0xbb: {  	[sflag:s0] =	ssyncadd.remote.s32 $0x1  }
0xbc: {  	_ =	sfence.sel $0xFFFF  }
0xbd: {  	[dreg:$0x0] =	wrdreg $0xFFFFFFFF;
	(pc) =	sbr.abs _section_cstart, $3  }
0xbe: {  	[dreg:$0x1] =	wrdreg $0xFFFFFFFF  }
0xbf: {  	_ =	task.clear_ibuf [dreg:s5], $0x2FFFF;
	_ =	strace $0x9FFFFFFF  }
0xc0: {  	(tm) =	ssettm $0x7FFFFFFF  }
0xc1: {  	_ =	shalt  }
tec
execute0_lowered:
.L_overlay_start_1:
0x0: {  	(tag) =	ssettag $0x1  }
0x1: {  	s2 =	rddreg [dreg:$0x0]  }
0x2: {  	s8 =	rddreg [dreg:$0x1]  }
0x3: {  	s0 =	rddreg [dreg:$0x2]  }
0x4: {  	_ =	strace $0x8000005C;
	s4 =	simm.s32 $0x1;
	s1 =	stileid.u32  }
0x5: {  	s7 =	simm.s32 $0x1;
	s9 =	simm.s32 $0x1;
	s6 =	simm.s32 $0x2  }
0x6: {  	s10 =	simm.s32 $0x3;
	s13 =	simm.s32 $0x0;
	s12 =	simm.s32 $0x0  }
.Ltmp0:
0x7: {  	s3 =	sadd.s32 $0x3400, s8;
	p0 =	slt.u32 s1, $0xA;
	(pc) =	sbr.rel .LBB2_1-.Ltmp0, $4  }
0x8: {  	[sflag:s4] =	ssyncpa.u1 $0x0;
	s7 =	simm.s32 @!p0 $0x0;
	p0 =	sne.s32 s1, $0x9  }
0x9: {  	s5 =	smul.u32 $0xF0, s1;
	[sflag:s6] =	ssyncpa.u1 $0x0;
	s9 =	simm.s32 @!p0 $0x0  }
0xa: {  	s8 =	sadd.s32 $0x2C00, s8;
	[sflag:s10] =	ssyncpa.u1 $0x0;
	s7 =	sadd.s32 s9, s7  }
0xb: {  	vm0 =	vmmov $0xffff;
	s10 =	simm.s32 $0x0;
	s11 =	smov.u32 s5;
	s9 =	sadd.s32 $0x1, s7  }
.LBB2_4:
0xc: {  	vm2 =	veq.s32 v2, $0x80000000;
	v4 =	vand.u32 $0x7, v4;
	v5 =	vor.u32 v6, v5  }
0xd: {  	v1 =	vand.u32 $0x1FFF, v1;
	v7 =	vshrl.u32 v2, $0xD;
	v56 =	vand.u32 $0x1FFF, v2  }
0xe: {  	v4 =	vsel vm1, $0xFFFFFFFF, v4;
	v3 =	vor.u32 v3, v5;
	v1 =	vsel vm1, $0xFFFFFFFF, v1  }
0xf: {  	vm1 =	vmmov vm2;
	v7 =	vand.u32 $0x7, v7;
	v54 =	vshrl.u32 v4, $0x3  }
0x10: {  	v4 =	vshll.u32 v4, $0x7;
	v55 =	vshll.u32 v1, $0x3;
	v57 =	vsel vm1, $0xFFFFFFFF, v7  }
0x11: {  	v2 =	vsel vm1, $0xFFFFFFFF, v56;
	v1 =	vand.u32 $0x7F, v1;
	v5 =	vmul.u32 $0xA000, v54  }
0x12: {  	v6 =	vand.u32 $0xFFFFFC00, v55;
	v4 =	vand.u32 $0x380, v4;
	v7 =	vshrl.u32 v57, $0x3  }
0x13: {  	v59 =	vshll.u32 v2, $0x3;
	v58 =	vmul.u32 $0xA000, v7;
	v5 =	vadd.s32 v6, v5  }
0x14: {  	v7 =	vand.u32 $0xFFFFFC00, v59;
	v6 =	vshll.u32 v57, $0x7;
	v4 =	vor.u32 v4, v5  }
0x15: {  	v60 =	vadd.s32 v7, v58;
	v61 =	vand.u32 $0x380, v6;
	v1 =	vor.u32 v1, v4  }
0x16: {  	[tilespmem:s16], [sflag:$0x1] =	stream.indirect_vreg.gather [hbm4b:s2+s10], $0x1, v0, vm0, $0x4038;
	v62 =	vand.u32 $0x7F, v2;
	v63 =	vor.u32 v61, v60;
	[tilespmem:$0x3C0] =	vst v63  }
0x17: {  	(ifvalue) =	ssetifvalue $0x7FFFFFFF;
	v0 =	vor.u32 v62, v63  }
0x18: {  	[tilespmem:s15], [sflag:$0x1] =	stream.indirect_vreg.gather [hbm4b:s2+s10], $0x1, v3, vm0, $0x4038;
	[tilespmem:$0x3C0] =	vst v63  }
0x19: {  	s29 =	sadd.s32 $0x10, s15;
	(ifvalue) =	ssetifvalue $0x7FFFFFFF  }
0x1a: {  	[tilespmem:s29], [sflag:$0x1] =	stream.indirect_vreg.gather [hbm4b:s2+s10], $0x1, v1, vm0, $0x4038;
	[tilespmem:$0x3C0] =	vst v63  }
0x1b: {  	s15 =	sadd.s32 $0x10, s29;
	(ifvalue) =	ssetifvalue $0x7FFFFFFF  }
0x1c: {  	[tilespmem:s15], [sflag:$0x1] =	stream.indirect_vreg.gather [hbm4b:s2+s10], $0x1, v0, vm0, $0x4038;
	[tilespmem:$0x3C0] =	vst v63  }
0x1d: {  	_ =	swait.ge [sflag:s4], $0xF0  }
0x1e: {  	s30 =	sshrl.u32 s13, $0x3;
	[sflag:s4] =	ssyncset.done $0x0  }
0x1f: {  	s31 =	sand.u32 $0x7, s13;
	s15 =	sadd.s32 s8, s30;
	[sflag:s4] =	ssyncadd.s32 $0xFFFFFF10  }
0x20: {  	[hbm4b:s15+s31] =	stream.linear.scatter [tilespmem:s14], [sflag:$0x3], $0xF0, $0x38;
	[tilespmem:$0x3C0] =	vst v63  }
.LBB2_5:
0x21: {  	s15 =	sadd.s32 $0xF00, s11  }
0x22: {  	p1 =	sgt.s32 s15, $0x176F  }
0x23: {  	s15 =	smov.u32 @p1 s5;
	p1 =	sne.s32 s12, s9  }
.Ltmp1:
0x24: {  	p0 =	slt.u32 s12, $0x2;
	(pc) =	sbr.rel @!p1 .LBB2_6-.Ltmp1, $4  }
0x25: {  	s14 =	simm.s32 @!p0 $0x3  }
0x26: {  	_ =	swait.ge @!p0 [sflag:s14], $0xF0  }
0x27: {  	s16 =	sadd.s32 $0x1, s12;
	s13 =	smov.u32 s11;
	[sflag:s14] =	ssyncset.done @!p0 $0x0  }
0x28: {  	s12 =	smov.u32 s16;
	s11 =	smov.u32 s15;
	[sflag:s14] =	ssyncadd.s32 @!p0 $0xFFFFFF10  }
.LBB2_1:
0x29: {  	p0 =	sge.u32 s12, s7  }
0x2a: {  	s14 =	sxor.u32 @!p0 $0x1, s12  }
0x2b: {  	s14 =	smul.u32 @!p0 $0x3C0, s14  }
0x2c: {  	s31 =	sadd.s32 $0xFFFFFFFF, s12;
	s15 =	sshrl.u32 @!p0 s11, $0x3  }
0x2d: {  	s16 =	sand.u32 @!p0 $0x7, s11;
	s15 =	sadd.s32 @!p0 s3, s15;
	s14 =	sshra.s32 @!p0 s14, $0x2  }
0x2e: {  	[tilespmem:s14], [sflag:$0x2] =	stream.linear.gather @!p0 [hbm4b:s15+s16], $0xF0, $0x38;
	[tilespmem:$0x3C0] =	vst v63  }
0x2f: {  	p0 =	sge.u32 s31, s7  }
.Ltmp2:
0x30: {  	_ = 	snop;
	(pc) =	sbr.rel @p0 .LBB2_5-.Ltmp2, $1  }
0x31: {  	_ =	sdelay $0x3  }
0x32: {  	s14 =	sand.u32 $0x1, s12  }
0x33: {  	_ =	swait.ge [sflag:s6], $0xF0;
	p0 =	seq.s32 s14, $0x1;
	s14 =	simm.s32 $0xF0  }
0x34: {  	[sflag:s6] =	ssyncset.done $0x0;
	s14 =	simm.s32 @!p0 $0x0  }
0x35: {  	[sflag:s6] =	ssyncadd.s32 $0xFFFFFF10;
	(ifvalue) =	ssetifvalue $0x7FFFFFFF;
	v0 =	vld.msk [tilespmem:s14+$0x0 ss:$0x1], $0xffff;
	_ =	sdelay $0x2  }
0x36: {  	s15 =	sadd.s32 $0x10, s14  }
0x37: {  	v2 =	vld.msk [tilespmem:s15+$0x0 ss:$0x1], $0xffff  }
0x38: {  	vm1 =	veq.s32 v0, $0x80000000;
	v1 =	vshrl.u32 v0, $0xD  }
0x39: {  	vm1 =	vmmov vm1;
	v3 =	vand.u32 $0x7, v1  }
0x3a: {  	v0 =	vand.u32 $0x1FFF, v0;
	v3 =	vsel vm1, $0xFFFFFFFF, v3  }
0x3b: {  	s15 =	sadd.s32 $0x10, s15;
	v0 =	vsel vm1, $0xFFFFFFFF, v0;
	v4 =	vshrl.u32 v3, $0x3  }
0x3c: {  	v1 =	vld.msk [tilespmem:s15+$0x0 ss:$0x1], $0xffff;
	v6 =	vshrl.u32 v2, $0xD;
	v5 =	vshll.u32 v0, $0x3;
	v4 =	vmul.u32 $0xA000, v4  }
0x3d: {  	vm1 =	veq.s32 v2, $0x80000000;
	v3 =	vshll.u32 v3, $0x7;
	v5 =	vand.u32 $0xFFFFFC00, v5  }
0x3e: {  	v0 =	vand.u32 $0x7F, v0;
	v3 =	vand.u32 $0x380, v3;
	v4 =	vadd.s32 v5, v4  }
0x3f: {  	vm1 =	vmmov vm1;
	v5 =	vand.u32 $0x7, v6;
	v3 =	vor.u32 v3, v4  }
0x40: {  	v2 =	vand.u32 $0x1FFF, v2;
	v4 =	vsel vm1, $0xFFFFFFFF, v5;
	v0 =	vor.u32 v0, v3  }
0x41: {  	s15 =	sadd.s32 $0x10, s15;
	vm2 =	veq.s32 v1, $0x80000000;
	v3 =	vsel vm1, $0xFFFFFFFF, v2;
	v2 =	vshrl.u32 v4, $0x3  }
0x42: {  	s14 =	sadd.s32 $0x1E0, s14;
	v6 =	vshll.u32 v4, $0x7;
	v5 =	vmul.u32 $0xA000, v2;
	v4 =	vshll.u32 v3, $0x3;
	v2 =	vld.msk [tilespmem:s15+$0x0 ss:$0x1], $0xffff  }
0x43: {  	s17 =	simm.s32 $0x30;
	s16 =	smov.u32 s14;
	vm1 =	vmmov vm2;
	v3 =	vand.u32 $0x7F, v3;
	v7 =	vand.u32 $0xFFFFFC00, v4  }
0x44: {  	s18 =	sadd.s32 $0x10, s15;
	v6 =	vand.u32 $0x380, v6;
	(ifvalue) =	ssetifvalue $0x7FFFFFFF;
	s15 =	sadd.s32 $0x10, s14;
	v4 =	vshrl.u32 v1, $0xD;
	v5 =	vadd.s32 v7, v5  }
.LBB2_3:
0x45: {  	[tilespmem:s16], [sflag:$0x1] =	stream.indirect_vreg.gather [hbm4b:s2+s10], $0x1, v0, vm0, $0x4038;
	[tilespmem:$0x3C0] =	vst v63  }
0x46: {  	s17 =	sadd.s32 $0x10, s17  }
0x47: {  	vm2 =	veq.s32 v2, $0x80000000;
	v4 =	vand.u32 $0x7, v4;
	v5 =	vor.u32 v6, v5;
	v6 =	vmovc v2;
	v2 =	vld.msk [tilespmem:s18+$0x0 ss:$0x1], $0xffff;
	p0 =	slt.u32 s17, $0xE0  }
.Ltmp3:
0x48: {  	v7 =	vand.u32 $0x1FFF, v1;
	s16 =	smov.u32 s15;
	v4 =	vsel vm1, $0xFFFFFFFF, v4;
	v0 =	vor.u32 v3, v5;
	v1 =	vmovc v6;
	(pc) =	sbr.rel @p0 .LBB2_3-.Ltmp3, $4  }
0x49: {  	v5 =	vsel vm1, $0xFFFFFFFF, v7;
	v6 =	vshrl.u32 v4, $0x3;
	v7 =	vshll.u32 v4, $0x7  }
0x4a: {  	v3 =	vand.u32 $0x7F, v5;
	v4 =	vshll.u32 v5, $0x3;
	v6 =	vmul.u32 $0xA000, v6  }
0x4b: {  	vm1 =	vmmov vm2;
	v5 =	vand.u32 $0xFFFFFC00, v4  }
0x4c: {  	s18 =	sadd.s32 $0x10, s18;
	s15 =	sadd.s32 $0x10, s15;
	v4 =	vshrl.u32 v1, $0xD;
	v5 =	vadd.s32 v5, v6;
	v6 =	vand.u32 $0x380, v7;
	(ifvalue) =	ssetifvalue $0x7FFFFFFF  }
.Ltmp4:
0x4d: {  	_ = 	snop;
	(pc) =	sbr.rel .LBB2_4-.Ltmp4, $1  }
0x4e: {  	_ =	sdelay $0x3  }
.LBB2_6:
0x4f: {  	_ =	sfence.sel $0x180000  }
0x50: {  	s2 =	simm.s32 $0x2;
	[bflag:$0x0] =	sbarrier.arrive $0xFFFF  }
0x51: {  	s30 =	simm.s32 $0x3;
	[sflag:s2] =	ssyncpa.u1 $0x1  }
0x52: {  	s31 =	simm.s32 $0x1;
	[sflag:s30] =	ssyncpa.u1 $0x1  }
0x53: {  	[sflag:s31] =	ssyncpa.u1 $0x1  }
0x54: {  	p0 =	sne.s32 s1, $0x0;
	_ =	strace $0x9000005C  }
0x55: {  	s0 =	sadd.s32 @!p0 $0x100000, s0;
	[bflag:$0x2] =	sbarrier.arrive $0xFFFF  }
0x56: {  	[sflag:s0] =	ssyncadd.tile.s32 @!p0 $0x1;
	_ =	shalt  }
.Lfunc_end2:
_tile_overlayer_lowered:
.L_overlay_start_2:
0x57: {  	(tag) =	ssettag $0x2  }
0x58: {  	s0 =	rddreg [dreg:$0x0];
	s2 =	stileid.u32  }
0x59: {  	s1 =	rddreg [dreg:$0x1];
	p0 =	sne.s32 s2, $0x0  }
0x5a: {  	s3 =	rddreg [dreg:$0x2];
	[bflag:$0x3] =	sbarrier.arrive $0xFFFF;
	s2 =	simm.s32 @!p0 $0x1C01  }
0x5b: {  	[timem:s3], [sflag:s2] =	dma.local @!p0 [hbm:s0], s1  }
0x5c: {  	s0 =	simm.s32 @!p0 $0x1  }
0x5d: {  	_ =	swait.ge @!p0 [sflag:s0], s1  }
0x5e: {  	s1 =	ssub.s32 @!p0 $0x0, s1;
	[sflag:s0] =	ssyncset.done @!p0 $0x0  }
0x5f: {  	[sflag:s0] =	ssyncadd.s32 @!p0 s1  }
0x60: {  	[bflag:$0x3] =	sbarrier.arrive $0xFFFF  }
0x61: {  	_ =	shalt  }

// kernel: gather_offload_async_start.5
scs
__scs_entry_jumppad:
0x0: {  	(pc) =	sbr.rel $0x88, $3  }
0x1: {  	(tag) =	ssettag $0x0;
	lr =	simm.s32 $0x1  }
0x2: {  	[smem:$0x3F97] =	sst lr;
	_ =	strace $0xD0000000  }
0x3: {  	_ = 	snop  }
0x4: {  	_ = 	snop  }
0x5: {  	_ = 	snop  }
0x6: {  	_ = 	snop  }
0x7: {  	_ = 	snop  }
__scs_overlays_trampoline_lowered:
0x8: {  	[smem:$0x3FA6] =	sst s0  }
0x9: {  	[smem:$0x3FA7] =	sst s1  }
0xa: {  	[smem:$0x3FA8] =	sst s2  }
0xb: {  	[smem:$0x3FA9] =	sst s3  }
0xc: {  	[smem:$0x3FAA] =	sst s4  }
0xd: {  	[smem:$0x3FAB] =	sst s5  }
0xe: {  	[smem:$0x3FAC] =	sst s6  }
0xf: {  	[smem:$0x3FAD] =	sst s7  }
0x10: {  	[smem:$0x3FAE] =	sst s8  }
0x11: {  	[smem:$0x3FAF] =	sst s9;
	s0 =	simm.s32 @!p0 $0x0  }
0x12: {  	s1 =	sld [smem:$0x3F95];
	s0 =	simm.s32 @p0 $0x1  }
0x13: {  	[smem:$0x3FB0] =	sst s0;
	s0 =	simm.s32 @!p1 $0x0  }
0x14: {  	s2 =	sld [smem:$0x3F94];
	s0 =	simm.s32 @p1 $0x1  }
0x15: {  	[smem:$0x3FB1] =	sst s0;
	s0 =	simm.s32 @!p2 $0x0  }
0x16: {  	s3 =	sld [smem:$0x3FDB];
	s0 =	simm.s32 @p2 $0x1  }
0x17: {  	s4 =	simm.s32 $0x1BF5;
	[smem:$0x3FB3] =	sst s0  }
0x18: {  	s0 =	sld [smem:$0x3F96];
	_ =	swait.ge [sflag:s4], $0x0  }
0x19: {  	s7 =	sld [smem:$0x3F97]  }
0x1a: {  	s8 =	sadd.s32 $0xFFFFE003, lr  }
0x1b: {  	s9 =	sadd.s32 $0xFFFFFEF7, lr;
	s5 =	simm.s32 $0xFFFFFFFF;
	p2 =	slt.u32 s8, $0xFFFFF086  }
0x1c: {  	p1 =	slt.u32 s9, $0xF7A;
	s5 =	simm.s32 @!p2 $0x0  }
0x1d: {  	s5 =	simm.s32 @p1 $0x1;
	p0 =	seq.s32 s7, s2  }
0x1e: {  	s7 =	smul.u32 @!p0 $0xF7A, s2;
	p2 =	seq.s32 @!p0 s5, $0x0  }
0x1f: {  	s9 =	smul.u32 $0xF7A, s1;
	s8 =	simm.s32 @!p0 $0x1BF5;
	p2 =	por !p2, p0  }
0x20: {  	[sflag:s8] =	ssyncset.s32 @!p0 $0xFFFFF086;
	s6 =	sadd.s32 @!p0 s3, s7;
	s7 =	simm.s32 @!p0 $0x108  }
0x21: {  	s3 =	sadd.s32 s3, s9;
	s6 =	sadd.s32 @!p0 $0x88, s6;
	s7 =	simm.s32 @p2 $0x1082  }
0x22: {  	[simem:s7], [sflag:s8] =	dma.local @!p0 [hbm:s6], $0xF7A  }
0x23: {  	s9 =	sor.u32 $0xD0000000, s2;
	s6 =	simm.s32 $0x108;
	_ =	swait.ge @!p0 [sflag:s8], $0x0  }
0x24: {  	s3 =	sadd.s32 $0x88, s3;
	s6 =	simm.s32 @!p1 $0x1082;
	[sflag:s4] =	ssyncset.s32 $0xFFFFF086  }
0x25: {  	[simem:s6], [sflag:s4] =	dma.local [hbm:s3], $0xF7A  }
0x26: {  	[smem:$0x3F97] =	sst s1;
	(tag) =	ssettag s2;
	_ =	strace s9  }
0x27: {  	s1 =	sld [smem:$0x3FA7]  }
0x28: {  	s2 =	sld [smem:$0x3FA8]  }
0x29: {  	s4 =	sld [smem:$0x3FAA]  }
0x2a: {  	p0 =	seq.s32 s5, $0x0;
	s5 =	sld [smem:$0x3FAB]  }
0x2b: {  	s6 =	sld [smem:$0x3FAC]  }
0x2c: {  	s7 =	sld [smem:$0x3FAD]  }
0x2d: {  	s3 =	simm.s32 $0x108;
	s8 =	sld [smem:$0x3FAE]  }
0x2e: {  	s3 =	simm.s32 @!p0 $0x1082;
	s9 =	sld [smem:$0x3FAF]  }
0x2f: {  	lr =	sadd.s32 s0, s3;
	s0 =	sld [smem:$0x3FA6]  }
0x30: {  	s3 =	sld [smem:$0x3FA9]  }
0x31: {  	[smem:$0x3FB2] =	sst s10  }
0x32: {  	s10 =	sld [smem:$0x3FB0];
	_ =	sdelay $0x3  }
0x33: {  	p0 =	seq.s32 s10, $0x1;
	s10 =	sld [smem:$0x3FB2];
	_ =	sdelay $0x3  }
0x34: {  	[smem:$0x3FB2] =	sst s10  }
0x35: {  	s10 =	sld [smem:$0x3FB1];
	_ =	sdelay $0x3  }
0x36: {  	p1 =	seq.s32 s10, $0x1;
	s10 =	sld [smem:$0x3FB2];
	_ =	sdelay $0x3  }
0x37: {  	[smem:$0x3FB2] =	sst s10  }
0x38: {  	s10 =	sld [smem:$0x3FB3]  }
0x39: {  	_ = 	snop;
	(pc) =	sbr.ind lr, $3  }
0x3a: {  	_ = 	snop  }
0x3b: {  	_ = 	snop  }
0x3c: {  	p2 =	seq.s32 s10, $0x1;
	s10 =	sld [smem:$0x3FB2]  }
0x3d: {  	_ =	shalt  }
0x3e: {  	_ =	shalt  }
0x3f: {  	_ =	shalt  }
0x40: {  	_ =	shalt  }
0x41: {  	_ =	shalt  }
0x42: {  	_ =	shalt  }
0x43: {  	_ =	shalt  }
0x44: {  	_ =	shalt  }
0x45: {  	_ =	shalt  }
0x46: {  	_ =	shalt  }
0x47: {  	_ =	shalt  }
0x48: {  	_ =	shalt  }
0x49: {  	_ =	shalt  }
0x4a: {  	_ =	shalt  }
0x4b: {  	_ =	shalt  }
0x4c: {  	_ =	shalt  }
0x4d: {  	_ =	shalt  }
0x4e: {  	_ =	shalt  }
0x4f: {  	_ =	shalt  }
0x50: {  	_ =	shalt  }
0x51: {  	_ =	shalt  }
0x52: {  	_ =	shalt  }
0x53: {  	_ =	shalt  }
0x54: {  	_ =	shalt  }
0x55: {  	_ =	shalt  }
0x56: {  	_ =	shalt  }
0x57: {  	_ =	shalt  }
0x58: {  	_ =	shalt  }
0x59: {  	_ =	shalt  }
0x5a: {  	_ =	shalt  }
0x5b: {  	_ =	shalt  }
0x5c: {  	_ =	shalt  }
0x5d: {  	_ =	shalt  }
0x5e: {  	_ =	shalt  }
0x5f: {  	_ =	shalt  }
0x60: {  	_ =	shalt  }
0x61: {  	_ =	shalt  }
0x62: {  	_ =	shalt  }
0x63: {  	_ =	shalt  }
0x64: {  	_ =	shalt  }
0x65: {  	_ =	shalt  }
0x66: {  	_ =	shalt  }
0x67: {  	_ =	shalt  }
0x68: {  	_ =	shalt  }
0x69: {  	_ =	shalt  }
0x6a: {  	_ =	shalt  }
0x6b: {  	_ =	shalt  }
0x6c: {  	_ =	shalt  }
0x6d: {  	_ =	shalt  }
0x6e: {  	_ =	shalt  }
0x6f: {  	_ =	shalt  }
0x70: {  	_ =	shalt  }
0x71: {  	_ =	shalt  }
0x72: {  	_ =	shalt  }
0x73: {  	_ =	shalt  }
0x74: {  	_ =	shalt  }
0x75: {  	_ =	shalt  }
0x76: {  	_ =	shalt  }
0x77: {  	_ =	shalt  }
0x78: {  	_ =	shalt  }
0x79: {  	_ =	shalt  }
0x7a: {  	_ =	shalt  }
0x7b: {  	_ =	shalt  }
0x7c: {  	_ =	shalt  }
0x7d: {  	_ =	shalt  }
0x7e: {  	_ =	shalt  }
0x7f: {  	_ =	shalt  }
0x80: {  	_ =	shalt  }
0x81: {  	_ =	shalt  }
0x82: {  	_ =	shalt  }
0x83: {  	_ =	shalt  }
0x84: {  	_ =	shalt  }
0x85: {  	_ =	shalt  }
0x86: {  	_ =	shalt  }
0x87: {  	_ =	shalt  }
.Lfunc_end0:
.L_simem_size_0:
called_computation.5_lowered:
.L_overlay_start_0:
0x88: {  	s0 =	sld [smem:$0x3FD9]  }
0x89: {  	s1 =	sld [smem:$0x3FFE];
	_ =	sdelay $0x3  }
0x8a: {  	s0 =	sadd.s32 s1, s0  }
0x8b: {  	[smem:$0x3FBE] =	sst s0  }
0x8c: {  	_ = 	snop  }
0x8d: {  	s0 =	sld [smem:$0x3FC9];
	(tm) =	ssettm $0x1  }
0x8e: {  	s16 =	sld [smem:$0x3FFB];
	_ =	sdelay $0x3  }
0x8f: {  	_ =	strace s16  }
0x90: {  	s1 =	sld [smem:$0x3FFC];
	_ =	sdelay $0x3  }
0x91: {  	_ =	strace s1  }
0x92: {  	s1 =	sld [smem:$0x3FFD];
	_ =	sdelay $0x3  }
0x93: {  	_ =	strace s1  }
0x94: {  	_ =	strace $0x8FFFFFFF  }
0x95: {  	s17 =	sld [smem:$0x3FDB];
	_ =	sdelay $0x1  }
0x96: {  	s2 =	simm.s32 $_scs_section_size  }
0x97: {  	s3 =	simm.s32 $_size__tile_overlayer_lowered;
	s4 =	simm.s32 $_tile_overlayer_lowered  }
0x98: {  	s20 =	simm.s32 $0x1BFF;
	s19 =	sshll.u32 s4, $0x1;
	s1 =	sadd.s32 s2, s17  }
0x99: {  	s5 =	simm.s32 $0x0;
	s18 =	sshll.u32 s3, $0x1;
	s3 =	sadd.s32 s19, s1  }
0x9a: {  	[timem:s5], [sflag:s20] =	dma.local [hbm:s3], s18  }
0x9b: {  	_ =	swait.ge [sflag:s20], s18  }
0x9c: {  	s2 =	ssub.s32 $0x0, s18;
	[sflag:s20] =	ssyncset.done $0x0  }
0x9d: {  	[sflag:s20] =	ssyncadd.s32 s2;
	_ =	sdelay $0x1  }
0x9e: {  	s21 =	simm.s32 $0x1B8B  }
0x9f: {  	_ =	swait.ge [sflag:s21], $0x1  }
0xa0: {  	[sflag:s21] =	ssyncset.done $0x0  }
0xa1: {  	s23 =	simm.s32 $0x1B8E;
	s22 =	sld [smem:$0x3FFE];
	[sflag:s21] =	ssyncadd.s32 $0xFFFFFFFF  }
0xa2: {  	s24 =	simm.s32 $execute0_lowered;
	[smem:$0x3FD2] =	sst s23  }
0xa3: {  	s3 =	sshll.u32 s24, $0x1;
	_ =	strace $0x80000055;
	[dreg:$0x1] =	wrdreg $0xFFFFFFFF  }
0xa4: {  	s25 =	simm.s32 $_size_execute0_lowered;
	s1 =	sadd.s32 s1, s3;
	[dreg:$0x0] =	wrdreg $0x0  }
0xa5: {  	s3 =	sshll.u32 s25, $0x1;
	[dreg:$0x2] =	wrdreg s1  }
0xa6: {  	[dreg:$0x3] =	wrdreg s3  }
0xa7: {  	[dreg:$0x4] =	wrdreg $0xC0  }
0xa8: {  	_ =	task [dreg:s5], $0x5FFFF  }
0xa9: {  	[dreg:$0x1] =	wrdreg $0xFFFFFFFF  }
0xaa: {  	[dreg:$0x0] =	wrdreg $0x60  }
0xab: {  	[dreg:$0x2] =	wrdreg s0  }
0xac: {  	[dreg:$0x3] =	wrdreg s22  }
0xad: {  	[dreg:$0x4] =	wrdreg $0xA  }
0xae: {  	_ =	task.clear_ibuf [dreg:s5], $0x5FFFF;
	_ =	strace $0x90000055  }
0xaf: {  	s26 =	simm.s32 $0xA;
	_ =	strace $0x80000057  }
0xb0: {  	_ =	swait.ge [sflag:s26], $0x1  }
0xb1: {  	[sflag:s26] =	ssyncadd.s32 $0xFFFFFFFF  }
0xb2: {  	_ =	strace $0x90000057  }
0xb3: {  	_ =	sfence  }
0xb4: {  	s28 =	sld [smem:$0x0];
	_ =	sdelay $0x1  }
0xb5: {  	s29 =	srdreg.scid  }
0xb6: {  	s30 =	sshll.u32 s29, $0xD;
	s31 =	sshrl.u32 s29, $0x2  }
0xb7: {  	s2 =	sand.u32 $0x4000, s30;
	s1 =	sand.u32 $0x1, s29;
	s0 =	sadd.s32 s31, s28  }
0xb8: {  	s1 =	sor.u32 s2, s1;
	s0 =	sshll.u32 s0, $0x11  }
0xb9: {  	s0 =	sor.u32 s0, s1  }
0xba: {  	s0 =	sadd.s32 $0x8F2B, s0  }
0xbb: {  	[sflag:s0] =	ssyncadd.remote.s32 $0x1  }
0xbc: {  	_ =	sfence.sel $0xFFFF  }
0xbd: {  	[dreg:$0x0] =	wrdreg $0xFFFFFFFF;
	(pc) =	sbr.abs _section_cstart, $3  }
0xbe: {  	[dreg:$0x1] =	wrdreg $0xFFFFFFFF  }
0xbf: {  	_ =	task.clear_ibuf [dreg:s5], $0x2FFFF;
	_ =	strace $0x9FFFFFFF  }
0xc0: {  	(tm) =	ssettm $0x7FFFFFFF  }
0xc1: {  	_ =	shalt  }
tec
execute0_lowered:
.L_overlay_start_1:
0x0: {  	(tag) =	ssettag $0x1  }
0x1: {  	s2 =	rddreg [dreg:$0x0]  }
0x2: {  	s8 =	rddreg [dreg:$0x1]  }
0x3: {  	s0 =	rddreg [dreg:$0x2]  }
0x4: {  	_ =	strace $0x80000056;
	s4 =	simm.s32 $0x1;
	s1 =	stileid.u32  }
0x5: {  	s7 =	simm.s32 $0x1;
	s9 =	simm.s32 $0x1;
	s6 =	simm.s32 $0x2  }
0x6: {  	s10 =	simm.s32 $0x3;
	s13 =	simm.s32 $0x0;
	s12 =	simm.s32 $0x0  }
.Ltmp0:
0x7: {  	s3 =	sadd.s32 $0x2C00, s8;
	p0 =	slt.u32 s1, $0xA;
	(pc) =	sbr.rel .LBB2_1-.Ltmp0, $4  }
0x8: {  	[sflag:s4] =	ssyncpa.u1 $0x0;
	s7 =	simm.s32 @!p0 $0x0;
	p0 =	sne.s32 s1, $0x9  }
0x9: {  	s5 =	smul.u32 $0xF0, s1;
	[sflag:s6] =	ssyncpa.u1 $0x0;
	s9 =	simm.s32 @!p0 $0x0  }
0xa: {  	s8 =	sadd.s32 $0x4400, s8;
	[sflag:s10] =	ssyncpa.u1 $0x0;
	s7 =	sadd.s32 s9, s7  }
0xb: {  	vm0 =	vmmov $0xffff;
	s10 =	simm.s32 $0x0;
	s11 =	smov.u32 s5;
	s9 =	sadd.s32 $0x1, s7  }
.LBB2_4:
0xc: {  	vm2 =	veq.s32 v2, $0x80000000;
	v4 =	vand.u32 $0x7, v4;
	v5 =	vor.u32 v6, v5  }
0xd: {  	v1 =	vand.u32 $0x1FFF, v1;
	v7 =	vshrl.u32 v2, $0xD;
	v56 =	vand.u32 $0x1FFF, v2  }
0xe: {  	v4 =	vsel vm1, $0xFFFFFFFF, v4;
	v3 =	vor.u32 v3, v5;
	v1 =	vsel vm1, $0xFFFFFFFF, v1  }
0xf: {  	vm1 =	vmmov vm2;
	v7 =	vand.u32 $0x7, v7;
	v54 =	vshrl.u32 v4, $0x3  }
0x10: {  	v4 =	vshll.u32 v4, $0x7;
	v55 =	vshll.u32 v1, $0x3;
	v57 =	vsel vm1, $0xFFFFFFFF, v7  }
0x11: {  	v2 =	vsel vm1, $0xFFFFFFFF, v56;
	v1 =	vand.u32 $0x7F, v1;
	v5 =	vmul.u32 $0xA000, v54  }
0x12: {  	v6 =	vand.u32 $0xFFFFFC00, v55;
	v4 =	vand.u32 $0x380, v4;
	v7 =	vshrl.u32 v57, $0x3  }
0x13: {  	v59 =	vshll.u32 v2, $0x3;
	v58 =	vmul.u32 $0xA000, v7;
	v5 =	vadd.s32 v6, v5  }
0x14: {  	v7 =	vand.u32 $0xFFFFFC00, v59;
	v6 =	vshll.u32 v57, $0x7;
	v4 =	vor.u32 v4, v5  }
0x15: {  	v60 =	vadd.s32 v7, v58;
	v61 =	vand.u32 $0x380, v6;
	v1 =	vor.u32 v1, v4  }
0x16: {  	[tilespmem:s16], [sflag:$0x1] =	stream.indirect_vreg.gather [hbm4b:s2+s10], $0x1, v0, vm0, $0x4038;
	v62 =	vand.u32 $0x7F, v2;
	v63 =	vor.u32 v61, v60;
	[tilespmem:$0x3C0] =	vst v63  }
0x17: {  	(ifvalue) =	ssetifvalue $0x7FFFFFFF;
	v0 =	vor.u32 v62, v63  }
0x18: {  	[tilespmem:s15], [sflag:$0x1] =	stream.indirect_vreg.gather [hbm4b:s2+s10], $0x1, v3, vm0, $0x4038;
	[tilespmem:$0x3C0] =	vst v63  }
0x19: {  	s29 =	sadd.s32 $0x10, s15;
	(ifvalue) =	ssetifvalue $0x7FFFFFFF  }
0x1a: {  	[tilespmem:s29], [sflag:$0x1] =	stream.indirect_vreg.gather [hbm4b:s2+s10], $0x1, v1, vm0, $0x4038;
	[tilespmem:$0x3C0] =	vst v63  }
0x1b: {  	s15 =	sadd.s32 $0x10, s29;
	(ifvalue) =	ssetifvalue $0x7FFFFFFF  }
0x1c: {  	[tilespmem:s15], [sflag:$0x1] =	stream.indirect_vreg.gather [hbm4b:s2+s10], $0x1, v0, vm0, $0x4038;
	[tilespmem:$0x3C0] =	vst v63  }
0x1d: {  	_ =	swait.ge [sflag:s4], $0xF0  }
0x1e: {  	s30 =	sshrl.u32 s13, $0x3;
	[sflag:s4] =	ssyncset.done $0x0  }
0x1f: {  	s31 =	sand.u32 $0x7, s13;
	s15 =	sadd.s32 s8, s30;
	[sflag:s4] =	ssyncadd.s32 $0xFFFFFF10  }
0x20: {  	[hbm4b:s15+s31] =	stream.linear.scatter [tilespmem:s14], [sflag:$0x3], $0xF0, $0x38;
	[tilespmem:$0x3C0] =	vst v63  }
.LBB2_5:
0x21: {  	s15 =	sadd.s32 $0xF00, s11  }
0x22: {  	p1 =	sgt.s32 s15, $0x176F  }
0x23: {  	s15 =	smov.u32 @p1 s5;
	p1 =	sne.s32 s12, s9  }
.Ltmp1:
0x24: {  	p0 =	slt.u32 s12, $0x2;
	(pc) =	sbr.rel @!p1 .LBB2_6-.Ltmp1, $4  }
0x25: {  	s14 =	simm.s32 @!p0 $0x3  }
0x26: {  	_ =	swait.ge @!p0 [sflag:s14], $0xF0  }
0x27: {  	s16 =	sadd.s32 $0x1, s12;
	s13 =	smov.u32 s11;
	[sflag:s14] =	ssyncset.done @!p0 $0x0  }
0x28: {  	s12 =	smov.u32 s16;
	s11 =	smov.u32 s15;
	[sflag:s14] =	ssyncadd.s32 @!p0 $0xFFFFFF10  }
.LBB2_1:
0x29: {  	p0 =	sge.u32 s12, s7  }
0x2a: {  	s14 =	sxor.u32 @!p0 $0x1, s12  }
0x2b: {  	s14 =	smul.u32 @!p0 $0x3C0, s14  }
0x2c: {  	s31 =	sadd.s32 $0xFFFFFFFF, s12;
	s15 =	sshrl.u32 @!p0 s11, $0x3  }
0x2d: {  	s16 =	sand.u32 @!p0 $0x7, s11;
	s15 =	sadd.s32 @!p0 s3, s15;
	s14 =	sshra.s32 @!p0 s14, $0x2  }
0x2e: {  	[tilespmem:s14], [sflag:$0x2] =	stream.linear.gather @!p0 [hbm4b:s15+s16], $0xF0, $0x38;
	[tilespmem:$0x3C0] =	vst v63  }
0x2f: {  	p0 =	sge.u32 s31, s7  }
.Ltmp2:
0x30: {  	_ = 	snop;
	(pc) =	sbr.rel @p0 .LBB2_5-.Ltmp2, $1  }
0x31: {  	_ =	sdelay $0x3  }
0x32: {  	s14 =	sand.u32 $0x1, s12  }
0x33: {  	_ =	swait.ge [sflag:s6], $0xF0;
	p0 =	seq.s32 s14, $0x1;
	s14 =	simm.s32 $0xF0  }
0x34: {  	[sflag:s6] =	ssyncset.done $0x0;
	s14 =	simm.s32 @!p0 $0x0  }
0x35: {  	[sflag:s6] =	ssyncadd.s32 $0xFFFFFF10;
	(ifvalue) =	ssetifvalue $0x7FFFFFFF;
	v0 =	vld.msk [tilespmem:s14+$0x0 ss:$0x1], $0xffff;
	_ =	sdelay $0x2  }
0x36: {  	s15 =	sadd.s32 $0x10, s14  }
0x37: {  	v2 =	vld.msk [tilespmem:s15+$0x0 ss:$0x1], $0xffff  }
0x38: {  	vm1 =	veq.s32 v0, $0x80000000;
	v1 =	vshrl.u32 v0, $0xD  }
0x39: {  	vm1 =	vmmov vm1;
	v3 =	vand.u32 $0x7, v1  }
0x3a: {  	v0 =	vand.u32 $0x1FFF, v0;
	v3 =	vsel vm1, $0xFFFFFFFF, v3  }
0x3b: {  	s15 =	sadd.s32 $0x10, s15;
	v0 =	vsel vm1, $0xFFFFFFFF, v0;
	v4 =	vshrl.u32 v3, $0x3  }
0x3c: {  	v1 =	vld.msk [tilespmem:s15+$0x0 ss:$0x1], $0xffff;
	v6 =	vshrl.u32 v2, $0xD;
	v5 =	vshll.u32 v0, $0x3;
	v4 =	vmul.u32 $0xA000, v4  }
0x3d: {  	vm1 =	veq.s32 v2, $0x80000000;
	v3 =	vshll.u32 v3, $0x7;
	v5 =	vand.u32 $0xFFFFFC00, v5  }
0x3e: {  	v0 =	vand.u32 $0x7F, v0;
	v3 =	vand.u32 $0x380, v3;
	v4 =	vadd.s32 v5, v4  }
0x3f: {  	vm1 =	vmmov vm1;
	v5 =	vand.u32 $0x7, v6;
	v3 =	vor.u32 v3, v4  }
0x40: {  	v2 =	vand.u32 $0x1FFF, v2;
	v4 =	vsel vm1, $0xFFFFFFFF, v5;
	v0 =	vor.u32 v0, v3  }
0x41: {  	s15 =	sadd.s32 $0x10, s15;
	vm2 =	veq.s32 v1, $0x80000000;
	v3 =	vsel vm1, $0xFFFFFFFF, v2;
	v2 =	vshrl.u32 v4, $0x3  }
0x42: {  	s14 =	sadd.s32 $0x1E0, s14;
	v6 =	vshll.u32 v4, $0x7;
	v5 =	vmul.u32 $0xA000, v2;
	v4 =	vshll.u32 v3, $0x3;
	v2 =	vld.msk [tilespmem:s15+$0x0 ss:$0x1], $0xffff  }
0x43: {  	s17 =	simm.s32 $0x30;
	s16 =	smov.u32 s14;
	vm1 =	vmmov vm2;
	v3 =	vand.u32 $0x7F, v3;
	v7 =	vand.u32 $0xFFFFFC00, v4  }
0x44: {  	s18 =	sadd.s32 $0x10, s15;
	v6 =	vand.u32 $0x380, v6;
	(ifvalue) =	ssetifvalue $0x7FFFFFFF;
	s15 =	sadd.s32 $0x10, s14;
	v4 =	vshrl.u32 v1, $0xD;
	v5 =	vadd.s32 v7, v5  }
.LBB2_3:
0x45: {  	[tilespmem:s16], [sflag:$0x1] =	stream.indirect_vreg.gather [hbm4b:s2+s10], $0x1, v0, vm0, $0x4038;
	[tilespmem:$0x3C0] =	vst v63  }
0x46: {  	s17 =	sadd.s32 $0x10, s17  }
0x47: {  	vm2 =	veq.s32 v2, $0x80000000;
	v4 =	vand.u32 $0x7, v4;
	v5 =	vor.u32 v6, v5;
	v6 =	vmovc v2;
	v2 =	vld.msk [tilespmem:s18+$0x0 ss:$0x1], $0xffff;
	p0 =	slt.u32 s17, $0xE0  }
.Ltmp3:
0x48: {  	v7 =	vand.u32 $0x1FFF, v1;
	s16 =	smov.u32 s15;
	v4 =	vsel vm1, $0xFFFFFFFF, v4;
	v0 =	vor.u32 v3, v5;
	v1 =	vmovc v6;
	(pc) =	sbr.rel @p0 .LBB2_3-.Ltmp3, $4  }
0x49: {  	v5 =	vsel vm1, $0xFFFFFFFF, v7;
	v6 =	vshrl.u32 v4, $0x3;
	v7 =	vshll.u32 v4, $0x7  }
0x4a: {  	v3 =	vand.u32 $0x7F, v5;
	v4 =	vshll.u32 v5, $0x3;
	v6 =	vmul.u32 $0xA000, v6  }
0x4b: {  	vm1 =	vmmov vm2;
	v5 =	vand.u32 $0xFFFFFC00, v4  }
0x4c: {  	s18 =	sadd.s32 $0x10, s18;
	s15 =	sadd.s32 $0x10, s15;
	v4 =	vshrl.u32 v1, $0xD;
	v5 =	vadd.s32 v5, v6;
	v6 =	vand.u32 $0x380, v7;
	(ifvalue) =	ssetifvalue $0x7FFFFFFF  }
.Ltmp4:
0x4d: {  	_ = 	snop;
	(pc) =	sbr.rel .LBB2_4-.Ltmp4, $1  }
0x4e: {  	_ =	sdelay $0x3  }
.LBB2_6:
0x4f: {  	_ =	sfence.sel $0x180000  }
0x50: {  	s2 =	simm.s32 $0x2;
	[bflag:$0x0] =	sbarrier.arrive $0xFFFF  }
0x51: {  	s30 =	simm.s32 $0x3;
	[sflag:s2] =	ssyncpa.u1 $0x1  }
0x52: {  	s31 =	simm.s32 $0x1;
	[sflag:s30] =	ssyncpa.u1 $0x1  }
0x53: {  	[sflag:s31] =	ssyncpa.u1 $0x1  }
0x54: {  	p0 =	sne.s32 s1, $0x0;
	_ =	strace $0x90000056  }
0x55: {  	s0 =	sadd.s32 @!p0 $0x100000, s0;
	[bflag:$0x2] =	sbarrier.arrive $0xFFFF  }
0x56: {  	[sflag:s0] =	ssyncadd.tile.s32 @!p0 $0x1;
	_ =	shalt  }
.Lfunc_end2:
_tile_overlayer_lowered:
.L_overlay_start_2:
0x57: {  	(tag) =	ssettag $0x2  }
0x58: {  	s0 =	rddreg [dreg:$0x0];
	s2 =	stileid.u32  }
0x59: {  	s1 =	rddreg [dreg:$0x1];
	p0 =	sne.s32 s2, $0x0  }
0x5a: {  	s3 =	rddreg [dreg:$0x2];
	[bflag:$0x3] =	sbarrier.arrive $0xFFFF;
	s2 =	simm.s32 @!p0 $0x1C01  }
0x5b: {  	[timem:s3], [sflag:s2] =	dma.local @!p0 [hbm:s0], s1  }
0x5c: {  	s0 =	simm.s32 @!p0 $0x1  }
0x5d: {  	_ =	swait.ge @!p0 [sflag:s0], s1  }
0x5e: {  	s1 =	ssub.s32 @!p0 $0x0, s1;
	[sflag:s0] =	ssyncset.done @!p0 $0x0  }
0x5f: {  	[sflag:s0] =	ssyncadd.s32 @!p0 s1  }
0x60: {  	[bflag:$0x3] =	sbarrier.arrive $0xFFFF  }
0x61: {  	_ =	shalt  }

// kernel: gather_offload_async_start.6
scs
__scs_entry_jumppad:
0x0: {  	(pc) =	sbr.rel $0x88, $3  }
0x1: {  	(tag) =	ssettag $0x0;
	lr =	simm.s32 $0x1  }
0x2: {  	[smem:$0x3F97] =	sst lr;
	_ =	strace $0xD0000000  }
0x3: {  	_ = 	snop  }
0x4: {  	_ = 	snop  }
0x5: {  	_ = 	snop  }
0x6: {  	_ = 	snop  }
0x7: {  	_ = 	snop  }
__scs_overlays_trampoline_lowered:
0x8: {  	[smem:$0x3FA6] =	sst s0  }
0x9: {  	[smem:$0x3FA7] =	sst s1  }
0xa: {  	[smem:$0x3FA8] =	sst s2  }
0xb: {  	[smem:$0x3FA9] =	sst s3  }
0xc: {  	[smem:$0x3FAA] =	sst s4  }
0xd: {  	[smem:$0x3FAB] =	sst s5  }
0xe: {  	[smem:$0x3FAC] =	sst s6  }
0xf: {  	[smem:$0x3FAD] =	sst s7  }
0x10: {  	[smem:$0x3FAE] =	sst s8  }
0x11: {  	[smem:$0x3FAF] =	sst s9;
	s0 =	simm.s32 @!p0 $0x0  }
0x12: {  	s1 =	sld [smem:$0x3F95];
	s0 =	simm.s32 @p0 $0x1  }
0x13: {  	[smem:$0x3FB0] =	sst s0;
	s0 =	simm.s32 @!p1 $0x0  }
0x14: {  	s2 =	sld [smem:$0x3F94];
	s0 =	simm.s32 @p1 $0x1  }
0x15: {  	[smem:$0x3FB1] =	sst s0;
	s0 =	simm.s32 @!p2 $0x0  }
0x16: {  	s3 =	sld [smem:$0x3FDB];
	s0 =	simm.s32 @p2 $0x1  }
0x17: {  	s4 =	simm.s32 $0x1BF5;
	[smem:$0x3FB3] =	sst s0  }
0x18: {  	s0 =	sld [smem:$0x3F96];
	_ =	swait.ge [sflag:s4], $0x0  }
0x19: {  	s7 =	sld [smem:$0x3F97]  }
0x1a: {  	s8 =	sadd.s32 $0xFFFFE003, lr  }
0x1b: {  	s9 =	sadd.s32 $0xFFFFFEF7, lr;
	s5 =	simm.s32 $0xFFFFFFFF;
	p2 =	slt.u32 s8, $0xFFFFF086  }
0x1c: {  	p1 =	slt.u32 s9, $0xF7A;
	s5 =	simm.s32 @!p2 $0x0  }
0x1d: {  	s5 =	simm.s32 @p1 $0x1;
	p0 =	seq.s32 s7, s2  }
0x1e: {  	s7 =	smul.u32 @!p0 $0xF7A, s2;
	p2 =	seq.s32 @!p0 s5, $0x0  }
0x1f: {  	s9 =	smul.u32 $0xF7A, s1;
	s8 =	simm.s32 @!p0 $0x1BF5;
	p2 =	por !p2, p0  }
0x20: {  	[sflag:s8] =	ssyncset.s32 @!p0 $0xFFFFF086;
	s6 =	sadd.s32 @!p0 s3, s7;
	s7 =	simm.s32 @!p0 $0x108  }
0x21: {  	s3 =	sadd.s32 s3, s9;
	s6 =	sadd.s32 @!p0 $0x88, s6;
	s7 =	simm.s32 @p2 $0x1082  }
0x22: {  	[simem:s7], [sflag:s8] =	dma.local @!p0 [hbm:s6], $0xF7A  }
0x23: {  	s9 =	sor.u32 $0xD0000000, s2;
	s6 =	simm.s32 $0x108;
	_ =	swait.ge @!p0 [sflag:s8], $0x0  }
0x24: {  	s3 =	sadd.s32 $0x88, s3;
	s6 =	simm.s32 @!p1 $0x1082;
	[sflag:s4] =	ssyncset.s32 $0xFFFFF086  }
0x25: {  	[simem:s6], [sflag:s4] =	dma.local [hbm:s3], $0xF7A  }
0x26: {  	[smem:$0x3F97] =	sst s1;
	(tag) =	ssettag s2;
	_ =	strace s9  }
0x27: {  	s1 =	sld [smem:$0x3FA7]  }
0x28: {  	s2 =	sld [smem:$0x3FA8]  }
0x29: {  	s4 =	sld [smem:$0x3FAA]  }
0x2a: {  	p0 =	seq.s32 s5, $0x0;
	s5 =	sld [smem:$0x3FAB]  }
0x2b: {  	s6 =	sld [smem:$0x3FAC]  }
0x2c: {  	s7 =	sld [smem:$0x3FAD]  }
0x2d: {  	s3 =	simm.s32 $0x108;
	s8 =	sld [smem:$0x3FAE]  }
0x2e: {  	s3 =	simm.s32 @!p0 $0x1082;
	s9 =	sld [smem:$0x3FAF]  }
0x2f: {  	lr =	sadd.s32 s0, s3;
	s0 =	sld [smem:$0x3FA6]  }
0x30: {  	s3 =	sld [smem:$0x3FA9]  }
0x31: {  	[smem:$0x3FB2] =	sst s10  }
0x32: {  	s10 =	sld [smem:$0x3FB0];
	_ =	sdelay $0x3  }
0x33: {  	p0 =	seq.s32 s10, $0x1;
	s10 =	sld [smem:$0x3FB2];
	_ =	sdelay $0x3  }
0x34: {  	[smem:$0x3FB2] =	sst s10  }
0x35: {  	s10 =	sld [smem:$0x3FB1];
	_ =	sdelay $0x3  }
0x36: {  	p1 =	seq.s32 s10, $0x1;
	s10 =	sld [smem:$0x3FB2];
	_ =	sdelay $0x3  }
0x37: {  	[smem:$0x3FB2] =	sst s10  }
0x38: {  	s10 =	sld [smem:$0x3FB3]  }
0x39: {  	_ = 	snop;
	(pc) =	sbr.ind lr, $3  }
0x3a: {  	_ = 	snop  }
0x3b: {  	_ = 	snop  }
0x3c: {  	p2 =	seq.s32 s10, $0x1;
	s10 =	sld [smem:$0x3FB2]  }
0x3d: {  	_ =	shalt  }
0x3e: {  	_ =	shalt  }
0x3f: {  	_ =	shalt  }
0x40: {  	_ =	shalt  }
0x41: {  	_ =	shalt  }
0x42: {  	_ =	shalt  }
0x43: {  	_ =	shalt  }
0x44: {  	_ =	shalt  }
0x45: {  	_ =	shalt  }
0x46: {  	_ =	shalt  }
0x47: {  	_ =	shalt  }
0x48: {  	_ =	shalt  }
0x49: {  	_ =	shalt  }
0x4a: {  	_ =	shalt  }
0x4b: {  	_ =	shalt  }
0x4c: {  	_ =	shalt  }
0x4d: {  	_ =	shalt  }
0x4e: {  	_ =	shalt  }
0x4f: {  	_ =	shalt  }
0x50: {  	_ =	shalt  }
0x51: {  	_ =	shalt  }
0x52: {  	_ =	shalt  }
0x53: {  	_ =	shalt  }
0x54: {  	_ =	shalt  }
0x55: {  	_ =	shalt  }
0x56: {  	_ =	shalt  }
0x57: {  	_ =	shalt  }
0x58: {  	_ =	shalt  }
0x59: {  	_ =	shalt  }
0x5a: {  	_ =	shalt  }
0x5b: {  	_ =	shalt  }
0x5c: {  	_ =	shalt  }
0x5d: {  	_ =	shalt  }
0x5e: {  	_ =	shalt  }
0x5f: {  	_ =	shalt  }
0x60: {  	_ =	shalt  }
0x61: {  	_ =	shalt  }
0x62: {  	_ =	shalt  }
0x63: {  	_ =	shalt  }
0x64: {  	_ =	shalt  }
0x65: {  	_ =	shalt  }
0x66: {  	_ =	shalt  }
0x67: {  	_ =	shalt  }
0x68: {  	_ =	shalt  }
0x69: {  	_ =	shalt  }
0x6a: {  	_ =	shalt  }
0x6b: {  	_ =	shalt  }
0x6c: {  	_ =	shalt  }
0x6d: {  	_ =	shalt  }
0x6e: {  	_ =	shalt  }
0x6f: {  	_ =	shalt  }
0x70: {  	_ =	shalt  }
0x71: {  	_ =	shalt  }
0x72: {  	_ =	shalt  }
0x73: {  	_ =	shalt  }
0x74: {  	_ =	shalt  }
0x75: {  	_ =	shalt  }
0x76: {  	_ =	shalt  }
0x77: {  	_ =	shalt  }
0x78: {  	_ =	shalt  }
0x79: {  	_ =	shalt  }
0x7a: {  	_ =	shalt  }
0x7b: {  	_ =	shalt  }
0x7c: {  	_ =	shalt  }
0x7d: {  	_ =	shalt  }
0x7e: {  	_ =	shalt  }
0x7f: {  	_ =	shalt  }
0x80: {  	_ =	shalt  }
0x81: {  	_ =	shalt  }
0x82: {  	_ =	shalt  }
0x83: {  	_ =	shalt  }
0x84: {  	_ =	shalt  }
0x85: {  	_ =	shalt  }
0x86: {  	_ =	shalt  }
0x87: {  	_ =	shalt  }
.Lfunc_end0:
.L_simem_size_0:
called_computation.6_lowered:
.L_overlay_start_0:
0x88: {  	s0 =	sld [smem:$0x3FD9]  }
0x89: {  	s1 =	sld [smem:$0x3FFE];
	_ =	sdelay $0x3  }
0x8a: {  	s0 =	sadd.s32 s1, s0  }
0x8b: {  	[smem:$0x3FBE] =	sst s0  }
0x8c: {  	_ = 	snop  }
0x8d: {  	s0 =	sld [smem:$0x3FC9];
	(tm) =	ssettm $0x1  }
0x8e: {  	s16 =	sld [smem:$0x3FFB];
	_ =	sdelay $0x3  }
0x8f: {  	_ =	strace s16  }
0x90: {  	s1 =	sld [smem:$0x3FFC];
	_ =	sdelay $0x3  }
0x91: {  	_ =	strace s1  }
0x92: {  	s1 =	sld [smem:$0x3FFD];
	_ =	sdelay $0x3  }
0x93: {  	_ =	strace s1  }
0x94: {  	_ =	strace $0x8FFFFFFF  }
0x95: {  	s17 =	sld [smem:$0x3FDB];
	_ =	sdelay $0x1  }
0x96: {  	s2 =	simm.s32 $_scs_section_size  }
0x97: {  	s3 =	simm.s32 $_size__tile_overlayer_lowered;
	s4 =	simm.s32 $_tile_overlayer_lowered  }
0x98: {  	s20 =	simm.s32 $0x1BFF;
	s19 =	sshll.u32 s4, $0x1;
	s1 =	sadd.s32 s2, s17  }
0x99: {  	s5 =	simm.s32 $0x0;
	s18 =	sshll.u32 s3, $0x1;
	s3 =	sadd.s32 s19, s1  }
0x9a: {  	[timem:s5], [sflag:s20] =	dma.local [hbm:s3], s18  }
0x9b: {  	_ =	swait.ge [sflag:s20], s18  }
0x9c: {  	s2 =	ssub.s32 $0x0, s18;
	[sflag:s20] =	ssyncset.done $0x0  }
0x9d: {  	[sflag:s20] =	ssyncadd.s32 s2;
	_ =	sdelay $0x1  }
0x9e: {  	s21 =	simm.s32 $0x1B8B  }
0x9f: {  	_ =	swait.ge [sflag:s21], $0x1  }
0xa0: {  	[sflag:s21] =	ssyncset.done $0x0  }
0xa1: {  	s23 =	simm.s32 $0x1B8E;
	s22 =	sld [smem:$0x3FFE];
	[sflag:s21] =	ssyncadd.s32 $0xFFFFFFFF  }
0xa2: {  	s24 =	simm.s32 $execute0_lowered;
	[smem:$0x3FD2] =	sst s23  }
0xa3: {  	s3 =	sshll.u32 s24, $0x1;
	_ =	strace $0x8000005E;
	[dreg:$0x1] =	wrdreg $0xFFFFFFFF  }
0xa4: {  	s25 =	simm.s32 $_size_execute0_lowered;
	s1 =	sadd.s32 s1, s3;
	[dreg:$0x0] =	wrdreg $0x0  }
0xa5: {  	s3 =	sshll.u32 s25, $0x1;
	[dreg:$0x2] =	wrdreg s1  }
0xa6: {  	[dreg:$0x3] =	wrdreg s3  }
0xa7: {  	[dreg:$0x4] =	wrdreg $0xC0  }
0xa8: {  	_ =	task [dreg:s5], $0x5FFFF  }
0xa9: {  	[dreg:$0x1] =	wrdreg $0xFFFFFFFF  }
0xaa: {  	[dreg:$0x0] =	wrdreg $0x60  }
0xab: {  	[dreg:$0x2] =	wrdreg s0  }
0xac: {  	[dreg:$0x3] =	wrdreg s22  }
0xad: {  	[dreg:$0x4] =	wrdreg $0x9  }
0xae: {  	_ =	task.clear_ibuf [dreg:s5], $0x5FFFF;
	_ =	strace $0x9000005E  }
0xaf: {  	s26 =	simm.s32 $0x9;
	_ =	strace $0x80000060  }
0xb0: {  	_ =	swait.ge [sflag:s26], $0x1  }
0xb1: {  	[sflag:s26] =	ssyncadd.s32 $0xFFFFFFFF  }
0xb2: {  	_ =	strace $0x90000060  }
0xb3: {  	_ =	sfence  }
0xb4: {  	s28 =	sld [smem:$0x0];
	_ =	sdelay $0x1  }
0xb5: {  	s29 =	srdreg.scid  }
0xb6: {  	s30 =	sshll.u32 s29, $0xD;
	s31 =	sshrl.u32 s29, $0x2  }
0xb7: {  	s2 =	sand.u32 $0x4000, s30;
	s1 =	sand.u32 $0x1, s29;
	s0 =	sadd.s32 s31, s28  }
0xb8: {  	s1 =	sor.u32 s2, s1;
	s0 =	sshll.u32 s0, $0x11  }
0xb9: {  	s0 =	sor.u32 s0, s1  }
0xba: {  	s0 =	sadd.s32 $0x8F2B, s0  }
0xbb: {  	[sflag:s0] =	ssyncadd.remote.s32 $0x1  }
0xbc: {  	_ =	sfence.sel $0xFFFF  }
0xbd: {  	[dreg:$0x0] =	wrdreg $0xFFFFFFFF;
	(pc) =	sbr.abs _section_cstart, $3  }
0xbe: {  	[dreg:$0x1] =	wrdreg $0xFFFFFFFF  }
0xbf: {  	_ =	task.clear_ibuf [dreg:s5], $0x2FFFF;
	_ =	strace $0x9FFFFFFF  }
0xc0: {  	(tm) =	ssettm $0x7FFFFFFF  }
0xc1: {  	_ =	shalt  }
tec
execute0_lowered:
.L_overlay_start_1:
0x0: {  	(tag) =	ssettag $0x1  }
0x1: {  	s2 =	rddreg [dreg:$0x0]  }
0x2: {  	s8 =	rddreg [dreg:$0x1]  }
0x3: {  	s0 =	rddreg [dreg:$0x2]  }
0x4: {  	_ =	strace $0x8000005F;
	s4 =	simm.s32 $0x1;
	s1 =	stileid.u32  }
0x5: {  	s7 =	simm.s32 $0x1;
	s9 =	simm.s32 $0x1;
	s6 =	simm.s32 $0x2  }
0x6: {  	s10 =	simm.s32 $0x3;
	s13 =	simm.s32 $0x0;
	s12 =	simm.s32 $0x0  }
.Ltmp0:
0x7: {  	s3 =	sadd.s32 $0x3800, s8;
	p0 =	slt.u32 s1, $0xA;
	(pc) =	sbr.rel .LBB2_1-.Ltmp0, $4  }
0x8: {  	[sflag:s4] =	ssyncpa.u1 $0x0;
	s7 =	simm.s32 @!p0 $0x0;
	p0 =	sne.s32 s1, $0x9  }
0x9: {  	s5 =	smul.u32 $0xF0, s1;
	[sflag:s6] =	ssyncpa.u1 $0x0;
	s9 =	simm.s32 @!p0 $0x0  }
0xa: {  	s8 =	sadd.s32 $0x2800, s8;
	[sflag:s10] =	ssyncpa.u1 $0x0;
	s7 =	sadd.s32 s9, s7  }
0xb: {  	vm0 =	vmmov $0xffff;
	s10 =	simm.s32 $0x0;
	s11 =	smov.u32 s5;
	s9 =	sadd.s32 $0x1, s7  }
.LBB2_4:
0xc: {  	vm2 =	veq.s32 v2, $0x80000000;
	v4 =	vand.u32 $0x7, v4;
	v5 =	vor.u32 v6, v5  }
0xd: {  	v1 =	vand.u32 $0x1FFF, v1;
	v7 =	vshrl.u32 v2, $0xD;
	v56 =	vand.u32 $0x1FFF, v2  }
0xe: {  	v4 =	vsel vm1, $0xFFFFFFFF, v4;
	v3 =	vor.u32 v3, v5;
	v1 =	vsel vm1, $0xFFFFFFFF, v1  }
0xf: {  	vm1 =	vmmov vm2;
	v7 =	vand.u32 $0x7, v7;
	v54 =	vshrl.u32 v4, $0x3  }
0x10: {  	v4 =	vshll.u32 v4, $0x7;
	v55 =	vshll.u32 v1, $0x3;
	v57 =	vsel vm1, $0xFFFFFFFF, v7  }
0x11: {  	v2 =	vsel vm1, $0xFFFFFFFF, v56;
	v1 =	vand.u32 $0x7F, v1;
	v5 =	vmul.u32 $0xA000, v54  }
0x12: {  	v6 =	vand.u32 $0xFFFFFC00, v55;
	v4 =	vand.u32 $0x380, v4;
	v7 =	vshrl.u32 v57, $0x3  }
0x13: {  	v59 =	vshll.u32 v2, $0x3;
	v58 =	vmul.u32 $0xA000, v7;
	v5 =	vadd.s32 v6, v5  }
0x14: {  	v7 =	vand.u32 $0xFFFFFC00, v59;
	v6 =	vshll.u32 v57, $0x7;
	v4 =	vor.u32 v4, v5  }
0x15: {  	v60 =	vadd.s32 v7, v58;
	v61 =	vand.u32 $0x380, v6;
	v1 =	vor.u32 v1, v4  }
0x16: {  	[tilespmem:s16], [sflag:$0x1] =	stream.indirect_vreg.gather [hbm4b:s2+s10], $0x1, v0, vm0, $0x4038;
	v62 =	vand.u32 $0x7F, v2;
	v63 =	vor.u32 v61, v60;
	[tilespmem:$0x3C0] =	vst v63  }
0x17: {  	(ifvalue) =	ssetifvalue $0x7FFFFFFF;
	v0 =	vor.u32 v62, v63  }
0x18: {  	[tilespmem:s15], [sflag:$0x1] =	stream.indirect_vreg.gather [hbm4b:s2+s10], $0x1, v3, vm0, $0x4038;
	[tilespmem:$0x3C0] =	vst v63  }
0x19: {  	s29 =	sadd.s32 $0x10, s15;
	(ifvalue) =	ssetifvalue $0x7FFFFFFF  }
0x1a: {  	[tilespmem:s29], [sflag:$0x1] =	stream.indirect_vreg.gather [hbm4b:s2+s10], $0x1, v1, vm0, $0x4038;
	[tilespmem:$0x3C0] =	vst v63  }
0x1b: {  	s15 =	sadd.s32 $0x10, s29;
	(ifvalue) =	ssetifvalue $0x7FFFFFFF  }
0x1c: {  	[tilespmem:s15], [sflag:$0x1] =	stream.indirect_vreg.gather [hbm4b:s2+s10], $0x1, v0, vm0, $0x4038;
	[tilespmem:$0x3C0] =	vst v63  }
0x1d: {  	_ =	swait.ge [sflag:s4], $0xF0  }
0x1e: {  	s30 =	sshrl.u32 s13, $0x3;
	[sflag:s4] =	ssyncset.done $0x0  }
0x1f: {  	s31 =	sand.u32 $0x7, s13;
	s15 =	sadd.s32 s8, s30;
	[sflag:s4] =	ssyncadd.s32 $0xFFFFFF10  }
0x20: {  	[hbm4b:s15+s31] =	stream.linear.scatter [tilespmem:s14], [sflag:$0x3], $0xF0, $0x38;
	[tilespmem:$0x3C0] =	vst v63  }
.LBB2_5:
0x21: {  	s15 =	sadd.s32 $0xF00, s11  }
0x22: {  	p1 =	sgt.s32 s15, $0x176F  }
0x23: {  	s15 =	smov.u32 @p1 s5;
	p1 =	sne.s32 s12, s9  }
.Ltmp1:
0x24: {  	p0 =	slt.u32 s12, $0x2;
	(pc) =	sbr.rel @!p1 .LBB2_6-.Ltmp1, $4  }
0x25: {  	s14 =	simm.s32 @!p0 $0x3  }
0x26: {  	_ =	swait.ge @!p0 [sflag:s14], $0xF0  }
0x27: {  	s16 =	sadd.s32 $0x1, s12;
	s13 =	smov.u32 s11;
	[sflag:s14] =	ssyncset.done @!p0 $0x0  }
0x28: {  	s12 =	smov.u32 s16;
	s11 =	smov.u32 s15;
	[sflag:s14] =	ssyncadd.s32 @!p0 $0xFFFFFF10  }
.LBB2_1:
0x29: {  	p0 =	sge.u32 s12, s7  }
0x2a: {  	s14 =	sxor.u32 @!p0 $0x1, s12  }
0x2b: {  	s14 =	smul.u32 @!p0 $0x3C0, s14  }
0x2c: {  	s31 =	sadd.s32 $0xFFFFFFFF, s12;
	s15 =	sshrl.u32 @!p0 s11, $0x3  }
0x2d: {  	s16 =	sand.u32 @!p0 $0x7, s11;
	s15 =	sadd.s32 @!p0 s3, s15;
	s14 =	sshra.s32 @!p0 s14, $0x2  }
0x2e: {  	[tilespmem:s14], [sflag:$0x2] =	stream.linear.gather @!p0 [hbm4b:s15+s16], $0xF0, $0x38;
	[tilespmem:$0x3C0] =	vst v63  }
0x2f: {  	p0 =	sge.u32 s31, s7  }
.Ltmp2:
0x30: {  	_ = 	snop;
	(pc) =	sbr.rel @p0 .LBB2_5-.Ltmp2, $1  }
0x31: {  	_ =	sdelay $0x3  }
0x32: {  	s14 =	sand.u32 $0x1, s12  }
0x33: {  	_ =	swait.ge [sflag:s6], $0xF0;
	p0 =	seq.s32 s14, $0x1;
	s14 =	simm.s32 $0xF0  }
0x34: {  	[sflag:s6] =	ssyncset.done $0x0;
	s14 =	simm.s32 @!p0 $0x0  }
0x35: {  	[sflag:s6] =	ssyncadd.s32 $0xFFFFFF10;
	(ifvalue) =	ssetifvalue $0x7FFFFFFF;
	v0 =	vld.msk [tilespmem:s14+$0x0 ss:$0x1], $0xffff;
	_ =	sdelay $0x2  }
0x36: {  	s15 =	sadd.s32 $0x10, s14  }
0x37: {  	v2 =	vld.msk [tilespmem:s15+$0x0 ss:$0x1], $0xffff  }
0x38: {  	vm1 =	veq.s32 v0, $0x80000000;
	v1 =	vshrl.u32 v0, $0xD  }
0x39: {  	vm1 =	vmmov vm1;
	v3 =	vand.u32 $0x7, v1  }
0x3a: {  	v0 =	vand.u32 $0x1FFF, v0;
	v3 =	vsel vm1, $0xFFFFFFFF, v3  }
0x3b: {  	s15 =	sadd.s32 $0x10, s15;
	v0 =	vsel vm1, $0xFFFFFFFF, v0;
	v4 =	vshrl.u32 v3, $0x3  }
0x3c: {  	v1 =	vld.msk [tilespmem:s15+$0x0 ss:$0x1], $0xffff;
	v6 =	vshrl.u32 v2, $0xD;
	v5 =	vshll.u32 v0, $0x3;
	v4 =	vmul.u32 $0xA000, v4  }
0x3d: {  	vm1 =	veq.s32 v2, $0x80000000;
	v3 =	vshll.u32 v3, $0x7;
	v5 =	vand.u32 $0xFFFFFC00, v5  }
0x3e: {  	v0 =	vand.u32 $0x7F, v0;
	v3 =	vand.u32 $0x380, v3;
	v4 =	vadd.s32 v5, v4  }
0x3f: {  	vm1 =	vmmov vm1;
	v5 =	vand.u32 $0x7, v6;
	v3 =	vor.u32 v3, v4  }
0x40: {  	v2 =	vand.u32 $0x1FFF, v2;
	v4 =	vsel vm1, $0xFFFFFFFF, v5;
	v0 =	vor.u32 v0, v3  }
0x41: {  	s15 =	sadd.s32 $0x10, s15;
	vm2 =	veq.s32 v1, $0x80000000;
	v3 =	vsel vm1, $0xFFFFFFFF, v2;
	v2 =	vshrl.u32 v4, $0x3  }
0x42: {  	s14 =	sadd.s32 $0x1E0, s14;
	v6 =	vshll.u32 v4, $0x7;
	v5 =	vmul.u32 $0xA000, v2;
	v4 =	vshll.u32 v3, $0x3;
	v2 =	vld.msk [tilespmem:s15+$0x0 ss:$0x1], $0xffff  }
0x43: {  	s17 =	simm.s32 $0x30;
	s16 =	smov.u32 s14;
	vm1 =	vmmov vm2;
	v3 =	vand.u32 $0x7F, v3;
	v7 =	vand.u32 $0xFFFFFC00, v4  }
0x44: {  	s18 =	sadd.s32 $0x10, s15;
	v6 =	vand.u32 $0x380, v6;
	(ifvalue) =	ssetifvalue $0x7FFFFFFF;
	s15 =	sadd.s32 $0x10, s14;
	v4 =	vshrl.u32 v1, $0xD;
	v5 =	vadd.s32 v7, v5  }
.LBB2_3:
0x45: {  	[tilespmem:s16], [sflag:$0x1] =	stream.indirect_vreg.gather [hbm4b:s2+s10], $0x1, v0, vm0, $0x4038;
	[tilespmem:$0x3C0] =	vst v63  }
0x46: {  	s17 =	sadd.s32 $0x10, s17  }
0x47: {  	vm2 =	veq.s32 v2, $0x80000000;
	v4 =	vand.u32 $0x7, v4;
	v5 =	vor.u32 v6, v5;
	v6 =	vmovc v2;
	v2 =	vld.msk [tilespmem:s18+$0x0 ss:$0x1], $0xffff;
	p0 =	slt.u32 s17, $0xE0  }
.Ltmp3:
0x48: {  	v7 =	vand.u32 $0x1FFF, v1;
	s16 =	smov.u32 s15;
	v4 =	vsel vm1, $0xFFFFFFFF, v4;
	v0 =	vor.u32 v3, v5;
	v1 =	vmovc v6;
	(pc) =	sbr.rel @p0 .LBB2_3-.Ltmp3, $4  }
0x49: {  	v5 =	vsel vm1, $0xFFFFFFFF, v7;
	v6 =	vshrl.u32 v4, $0x3;
	v7 =	vshll.u32 v4, $0x7  }
0x4a: {  	v3 =	vand.u32 $0x7F, v5;
	v4 =	vshll.u32 v5, $0x3;
	v6 =	vmul.u32 $0xA000, v6  }
0x4b: {  	vm1 =	vmmov vm2;
	v5 =	vand.u32 $0xFFFFFC00, v4  }
0x4c: {  	s18 =	sadd.s32 $0x10, s18;
	s15 =	sadd.s32 $0x10, s15;
	v4 =	vshrl.u32 v1, $0xD;
	v5 =	vadd.s32 v5, v6;
	v6 =	vand.u32 $0x380, v7;
	(ifvalue) =	ssetifvalue $0x7FFFFFFF  }
.Ltmp4:
0x4d: {  	_ = 	snop;
	(pc) =	sbr.rel .LBB2_4-.Ltmp4, $1  }
0x4e: {  	_ =	sdelay $0x3  }
.LBB2_6:
0x4f: {  	_ =	sfence.sel $0x180000  }
0x50: {  	s2 =	simm.s32 $0x2;
	[bflag:$0x0] =	sbarrier.arrive $0xFFFF  }
0x51: {  	s30 =	simm.s32 $0x3;
	[sflag:s2] =	ssyncpa.u1 $0x1  }
0x52: {  	s31 =	simm.s32 $0x1;
	[sflag:s30] =	ssyncpa.u1 $0x1  }
0x53: {  	[sflag:s31] =	ssyncpa.u1 $0x1  }
0x54: {  	p0 =	sne.s32 s1, $0x0;
	_ =	strace $0x9000005F  }
0x55: {  	s0 =	sadd.s32 @!p0 $0x100000, s0;
	[bflag:$0x2] =	sbarrier.arrive $0xFFFF  }
0x56: {  	[sflag:s0] =	ssyncadd.tile.s32 @!p0 $0x1;
	_ =	shalt  }
.Lfunc_end2:
_tile_overlayer_lowered:
.L_overlay_start_2:
0x57: {  	(tag) =	ssettag $0x2  }
0x58: {  	s0 =	rddreg [dreg:$0x0];
	s2 =	stileid.u32  }
0x59: {  	s1 =	rddreg [dreg:$0x1];
	p0 =	sne.s32 s2, $0x0  }
0x5a: {  	s3 =	rddreg [dreg:$0x2];
	[bflag:$0x3] =	sbarrier.arrive $0xFFFF;
	s2 =	simm.s32 @!p0 $0x1C01  }
0x5b: {  	[timem:s3], [sflag:s2] =	dma.local @!p0 [hbm:s0], s1  }
0x5c: {  	s0 =	simm.s32 @!p0 $0x1  }
0x5d: {  	_ =	swait.ge @!p0 [sflag:s0], s1  }
0x5e: {  	s1 =	ssub.s32 @!p0 $0x0, s1;
	[sflag:s0] =	ssyncset.done @!p0 $0x0  }
0x5f: {  	[sflag:s0] =	ssyncadd.s32 @!p0 s1  }
0x60: {  	[bflag:$0x3] =	sbarrier.arrive $0xFFFF  }
0x61: {  	_ =	shalt  }

// kernel: gather_offload_async_start.7
scs
__scs_entry_jumppad:
0x0: {  	(pc) =	sbr.rel $0x88, $3  }
0x1: {  	(tag) =	ssettag $0x0;
	lr =	simm.s32 $0x1  }
0x2: {  	[smem:$0x3F97] =	sst lr;
	_ =	strace $0xD0000000  }
0x3: {  	_ = 	snop  }
0x4: {  	_ = 	snop  }
0x5: {  	_ = 	snop  }
0x6: {  	_ = 	snop  }
0x7: {  	_ = 	snop  }
__scs_overlays_trampoline_lowered:
0x8: {  	[smem:$0x3FA6] =	sst s0  }
0x9: {  	[smem:$0x3FA7] =	sst s1  }
0xa: {  	[smem:$0x3FA8] =	sst s2  }
0xb: {  	[smem:$0x3FA9] =	sst s3  }
0xc: {  	[smem:$0x3FAA] =	sst s4  }
0xd: {  	[smem:$0x3FAB] =	sst s5  }
0xe: {  	[smem:$0x3FAC] =	sst s6  }
0xf: {  	[smem:$0x3FAD] =	sst s7  }
0x10: {  	[smem:$0x3FAE] =	sst s8  }
0x11: {  	[smem:$0x3FAF] =	sst s9;
	s0 =	simm.s32 @!p0 $0x0  }
0x12: {  	s1 =	sld [smem:$0x3F95];
	s0 =	simm.s32 @p0 $0x1  }
0x13: {  	[smem:$0x3FB0] =	sst s0;
	s0 =	simm.s32 @!p1 $0x0  }
0x14: {  	s2 =	sld [smem:$0x3F94];
	s0 =	simm.s32 @p1 $0x1  }
0x15: {  	[smem:$0x3FB1] =	sst s0;
	s0 =	simm.s32 @!p2 $0x0  }
0x16: {  	s3 =	sld [smem:$0x3FDB];
	s0 =	simm.s32 @p2 $0x1  }
0x17: {  	s4 =	simm.s32 $0x1BF5;
	[smem:$0x3FB3] =	sst s0  }
0x18: {  	s0 =	sld [smem:$0x3F96];
	_ =	swait.ge [sflag:s4], $0x0  }
0x19: {  	s7 =	sld [smem:$0x3F97]  }
0x1a: {  	s8 =	sadd.s32 $0xFFFFE003, lr  }
0x1b: {  	s9 =	sadd.s32 $0xFFFFFEF7, lr;
	s5 =	simm.s32 $0xFFFFFFFF;
	p2 =	slt.u32 s8, $0xFFFFF086  }
0x1c: {  	p1 =	slt.u32 s9, $0xF7A;
	s5 =	simm.s32 @!p2 $0x0  }
0x1d: {  	s5 =	simm.s32 @p1 $0x1;
	p0 =	seq.s32 s7, s2  }
0x1e: {  	s7 =	smul.u32 @!p0 $0xF7A, s2;
	p2 =	seq.s32 @!p0 s5, $0x0  }
0x1f: {  	s9 =	smul.u32 $0xF7A, s1;
	s8 =	simm.s32 @!p0 $0x1BF5;
	p2 =	por !p2, p0  }
0x20: {  	[sflag:s8] =	ssyncset.s32 @!p0 $0xFFFFF086;
	s6 =	sadd.s32 @!p0 s3, s7;
	s7 =	simm.s32 @!p0 $0x108  }
0x21: {  	s3 =	sadd.s32 s3, s9;
	s6 =	sadd.s32 @!p0 $0x88, s6;
	s7 =	simm.s32 @p2 $0x1082  }
0x22: {  	[simem:s7], [sflag:s8] =	dma.local @!p0 [hbm:s6], $0xF7A  }
0x23: {  	s9 =	sor.u32 $0xD0000000, s2;
	s6 =	simm.s32 $0x108;
	_ =	swait.ge @!p0 [sflag:s8], $0x0  }
0x24: {  	s3 =	sadd.s32 $0x88, s3;
	s6 =	simm.s32 @!p1 $0x1082;
	[sflag:s4] =	ssyncset.s32 $0xFFFFF086  }
0x25: {  	[simem:s6], [sflag:s4] =	dma.local [hbm:s3], $0xF7A  }
0x26: {  	[smem:$0x3F97] =	sst s1;
	(tag) =	ssettag s2;
	_ =	strace s9  }
0x27: {  	s1 =	sld [smem:$0x3FA7]  }
0x28: {  	s2 =	sld [smem:$0x3FA8]  }
0x29: {  	s4 =	sld [smem:$0x3FAA]  }
0x2a: {  	p0 =	seq.s32 s5, $0x0;
	s5 =	sld [smem:$0x3FAB]  }
0x2b: {  	s6 =	sld [smem:$0x3FAC]  }
0x2c: {  	s7 =	sld [smem:$0x3FAD]  }
0x2d: {  	s3 =	simm.s32 $0x108;
	s8 =	sld [smem:$0x3FAE]  }
0x2e: {  	s3 =	simm.s32 @!p0 $0x1082;
	s9 =	sld [smem:$0x3FAF]  }
0x2f: {  	lr =	sadd.s32 s0, s3;
	s0 =	sld [smem:$0x3FA6]  }
0x30: {  	s3 =	sld [smem:$0x3FA9]  }
0x31: {  	[smem:$0x3FB2] =	sst s10  }
0x32: {  	s10 =	sld [smem:$0x3FB0];
	_ =	sdelay $0x3  }
0x33: {  	p0 =	seq.s32 s10, $0x1;
	s10 =	sld [smem:$0x3FB2];
	_ =	sdelay $0x3  }
0x34: {  	[smem:$0x3FB2] =	sst s10  }
0x35: {  	s10 =	sld [smem:$0x3FB1];
	_ =	sdelay $0x3  }
0x36: {  	p1 =	seq.s32 s10, $0x1;
	s10 =	sld [smem:$0x3FB2];
	_ =	sdelay $0x3  }
0x37: {  	[smem:$0x3FB2] =	sst s10  }
0x38: {  	s10 =	sld [smem:$0x3FB3]  }
0x39: {  	_ = 	snop;
	(pc) =	sbr.ind lr, $3  }
0x3a: {  	_ = 	snop  }
0x3b: {  	_ = 	snop  }
0x3c: {  	p2 =	seq.s32 s10, $0x1;
	s10 =	sld [smem:$0x3FB2]  }
0x3d: {  	_ =	shalt  }
0x3e: {  	_ =	shalt  }
0x3f: {  	_ =	shalt  }
0x40: {  	_ =	shalt  }
0x41: {  	_ =	shalt  }
0x42: {  	_ =	shalt  }
0x43: {  	_ =	shalt  }
0x44: {  	_ =	shalt  }
0x45: {  	_ =	shalt  }
0x46: {  	_ =	shalt  }
0x47: {  	_ =	shalt  }
0x48: {  	_ =	shalt  }
0x49: {  	_ =	shalt  }
0x4a: {  	_ =	shalt  }
0x4b: {  	_ =	shalt  }
0x4c: {  	_ =	shalt  }
0x4d: {  	_ =	shalt  }
0x4e: {  	_ =	shalt  }
0x4f: {  	_ =	shalt  }
0x50: {  	_ =	shalt  }
0x51: {  	_ =	shalt  }
0x52: {  	_ =	shalt  }
0x53: {  	_ =	shalt  }
0x54: {  	_ =	shalt  }
0x55: {  	_ =	shalt  }
0x56: {  	_ =	shalt  }
0x57: {  	_ =	shalt  }
0x58: {  	_ =	shalt  }
0x59: {  	_ =	shalt  }
0x5a: {  	_ =	shalt  }
0x5b: {  	_ =	shalt  }
0x5c: {  	_ =	shalt  }
0x5d: {  	_ =	shalt  }
0x5e: {  	_ =	shalt  }
0x5f: {  	_ =	shalt  }
0x60: {  	_ =	shalt  }
0x61: {  	_ =	shalt  }
0x62: {  	_ =	shalt  }
0x63: {  	_ =	shalt  }
0x64: {  	_ =	shalt  }
0x65: {  	_ =	shalt  }
0x66: {  	_ =	shalt  }
0x67: {  	_ =	shalt  }
0x68: {  	_ =	shalt  }
0x69: {  	_ =	shalt  }
0x6a: {  	_ =	shalt  }
0x6b: {  	_ =	shalt  }
0x6c: {  	_ =	shalt  }
0x6d: {  	_ =	shalt  }
0x6e: {  	_ =	shalt  }
0x6f: {  	_ =	shalt  }
0x70: {  	_ =	shalt  }
0x71: {  	_ =	shalt  }
0x72: {  	_ =	shalt  }
0x73: {  	_ =	shalt  }
0x74: {  	_ =	shalt  }
0x75: {  	_ =	shalt  }
0x76: {  	_ =	shalt  }
0x77: {  	_ =	shalt  }
0x78: {  	_ =	shalt  }
0x79: {  	_ =	shalt  }
0x7a: {  	_ =	shalt  }
0x7b: {  	_ =	shalt  }
0x7c: {  	_ =	shalt  }
0x7d: {  	_ =	shalt  }
0x7e: {  	_ =	shalt  }
0x7f: {  	_ =	shalt  }
0x80: {  	_ =	shalt  }
0x81: {  	_ =	shalt  }
0x82: {  	_ =	shalt  }
0x83: {  	_ =	shalt  }
0x84: {  	_ =	shalt  }
0x85: {  	_ =	shalt  }
0x86: {  	_ =	shalt  }
0x87: {  	_ =	shalt  }
.Lfunc_end0:
.L_simem_size_0:
called_computation.7_lowered:
.L_overlay_start_0:
0x88: {  	s0 =	sld [smem:$0x3FD9]  }
0x89: {  	s1 =	sld [smem:$0x3FFE];
	_ =	sdelay $0x3  }
0x8a: {  	s0 =	sadd.s32 s1, s0  }
0x8b: {  	[smem:$0x3FBE] =	sst s0  }
0x8c: {  	_ = 	snop  }
0x8d: {  	s0 =	sld [smem:$0x3FC9];
	(tm) =	ssettm $0x1  }
0x8e: {  	s16 =	sld [smem:$0x3FFB];
	_ =	sdelay $0x3  }
0x8f: {  	_ =	strace s16  }
0x90: {  	s1 =	sld [smem:$0x3FFC];
	_ =	sdelay $0x3  }
0x91: {  	_ =	strace s1  }
0x92: {  	s1 =	sld [smem:$0x3FFD];
	_ =	sdelay $0x3  }
0x93: {  	_ =	strace s1  }
0x94: {  	_ =	strace $0x8FFFFFFF  }
0x95: {  	s17 =	sld [smem:$0x3FDB];
	_ =	sdelay $0x1  }
0x96: {  	s2 =	simm.s32 $_scs_section_size  }
0x97: {  	s3 =	simm.s32 $_size__tile_overlayer_lowered;
	s4 =	simm.s32 $_tile_overlayer_lowered  }
0x98: {  	s20 =	simm.s32 $0x1BFF;
	s19 =	sshll.u32 s4, $0x1;
	s1 =	sadd.s32 s2, s17  }
0x99: {  	s5 =	simm.s32 $0x0;
	s18 =	sshll.u32 s3, $0x1;
	s3 =	sadd.s32 s19, s1  }
0x9a: {  	[timem:s5], [sflag:s20] =	dma.local [hbm:s3], s18  }
0x9b: {  	_ =	swait.ge [sflag:s20], s18  }
0x9c: {  	s2 =	ssub.s32 $0x0, s18;
	[sflag:s20] =	ssyncset.done $0x0  }
0x9d: {  	[sflag:s20] =	ssyncadd.s32 s2;
	_ =	sdelay $0x1  }
0x9e: {  	s21 =	simm.s32 $0x1B8B  }
0x9f: {  	_ =	swait.ge [sflag:s21], $0x1  }
0xa0: {  	[sflag:s21] =	ssyncset.done $0x0  }
0xa1: {  	s23 =	simm.s32 $0x1B8E;
	s22 =	sld [smem:$0x3FFE];
	[sflag:s21] =	ssyncadd.s32 $0xFFFFFFFF  }
0xa2: {  	s24 =	simm.s32 $execute0_lowered;
	[smem:$0x3FD2] =	sst s23  }
0xa3: {  	s3 =	sshll.u32 s24, $0x1;
	_ =	strace $0x80000067;
	[dreg:$0x1] =	wrdreg $0xFFFFFFFF  }
0xa4: {  	s25 =	simm.s32 $_size_execute0_lowered;
	s1 =	sadd.s32 s1, s3;
	[dreg:$0x0] =	wrdreg $0x0  }
0xa5: {  	s3 =	sshll.u32 s25, $0x1;
	[dreg:$0x2] =	wrdreg s1  }
0xa6: {  	[dreg:$0x3] =	wrdreg s3  }
0xa7: {  	[dreg:$0x4] =	wrdreg $0xC0  }
0xa8: {  	_ =	task [dreg:s5], $0x5FFFF  }
0xa9: {  	[dreg:$0x1] =	wrdreg $0xFFFFFFFF  }
0xaa: {  	[dreg:$0x0] =	wrdreg $0x60  }
0xab: {  	[dreg:$0x2] =	wrdreg s0  }
0xac: {  	[dreg:$0x3] =	wrdreg s22  }
0xad: {  	[dreg:$0x4] =	wrdreg $0xA  }
0xae: {  	_ =	task.clear_ibuf [dreg:s5], $0x5FFFF;
	_ =	strace $0x90000067  }
0xaf: {  	s26 =	simm.s32 $0xA;
	_ =	strace $0x80000069  }
0xb0: {  	_ =	swait.ge [sflag:s26], $0x1  }
0xb1: {  	[sflag:s26] =	ssyncadd.s32 $0xFFFFFFFF  }
0xb2: {  	_ =	strace $0x90000069  }
0xb3: {  	_ =	sfence  }
0xb4: {  	s28 =	sld [smem:$0x0];
	_ =	sdelay $0x1  }
0xb5: {  	s29 =	srdreg.scid  }
0xb6: {  	s30 =	sshll.u32 s29, $0xD;
	s31 =	sshrl.u32 s29, $0x2  }
0xb7: {  	s2 =	sand.u32 $0x4000, s30;
	s1 =	sand.u32 $0x1, s29;
	s0 =	sadd.s32 s31, s28  }
0xb8: {  	s1 =	sor.u32 s2, s1;
	s0 =	sshll.u32 s0, $0x11  }
0xb9: {  	s0 =	sor.u32 s0, s1  }
0xba: {  	s0 =	sadd.s32 $0x8F2B, s0  }
0xbb: {  	[sflag:s0] =	ssyncadd.remote.s32 $0x1  }
0xbc: {  	_ =	sfence.sel $0xFFFF  }
0xbd: {  	[dreg:$0x0] =	wrdreg $0xFFFFFFFF;
	(pc) =	sbr.abs _section_cstart, $3  }
0xbe: {  	[dreg:$0x1] =	wrdreg $0xFFFFFFFF  }
0xbf: {  	_ =	task.clear_ibuf [dreg:s5], $0x2FFFF;
	_ =	strace $0x9FFFFFFF  }
0xc0: {  	(tm) =	ssettm $0x7FFFFFFF  }
0xc1: {  	_ =	shalt  }
tec
execute0_lowered:
.L_overlay_start_1:
0x0: {  	(tag) =	ssettag $0x1  }
0x1: {  	s2 =	rddreg [dreg:$0x0]  }
0x2: {  	s8 =	rddreg [dreg:$0x1]  }
0x3: {  	s0 =	rddreg [dreg:$0x2]  }
0x4: {  	_ =	strace $0x80000068;
	s4 =	simm.s32 $0x1;
	s1 =	stileid.u32  }
0x5: {  	s7 =	simm.s32 $0x1;
	s9 =	simm.s32 $0x1;
	s6 =	simm.s32 $0x2  }
0x6: {  	s10 =	simm.s32 $0x3;
	s13 =	simm.s32 $0x0;
	s12 =	simm.s32 $0x0  }
.Ltmp0:
0x7: {  	s3 =	sadd.s32 $0x4400, s8;
	p0 =	slt.u32 s1, $0xA;
	(pc) =	sbr.rel .LBB2_1-.Ltmp0, $4  }
0x8: {  	[sflag:s4] =	ssyncpa.u1 $0x0;
	s7 =	simm.s32 @!p0 $0x0;
	p0 =	sne.s32 s1, $0x9  }
0x9: {  	s5 =	smul.u32 $0xF0, s1;
	[sflag:s6] =	ssyncpa.u1 $0x0;
	s9 =	simm.s32 @!p0 $0x0  }
0xa: {  	s8 =	sadd.s32 $0x4C00, s8;
	[sflag:s10] =	ssyncpa.u1 $0x0;
	s7 =	sadd.s32 s9, s7  }
0xb: {  	vm0 =	vmmov $0xffff;
	s10 =	simm.s32 $0x0;
	s11 =	smov.u32 s5;
	s9 =	sadd.s32 $0x1, s7  }
.LBB2_4:
0xc: {  	vm2 =	veq.s32 v2, $0x80000000;
	v4 =	vand.u32 $0x7, v4;
	v5 =	vor.u32 v6, v5  }
0xd: {  	v1 =	vand.u32 $0x1FFF, v1;
	v7 =	vshrl.u32 v2, $0xD;
	v56 =	vand.u32 $0x1FFF, v2  }
0xe: {  	v4 =	vsel vm1, $0xFFFFFFFF, v4;
	v3 =	vor.u32 v3, v5;
	v1 =	vsel vm1, $0xFFFFFFFF, v1  }
0xf: {  	vm1 =	vmmov vm2;
	v7 =	vand.u32 $0x7, v7;
	v54 =	vshrl.u32 v4, $0x3  }
0x10: {  	v4 =	vshll.u32 v4, $0x7;
	v55 =	vshll.u32 v1, $0x3;
	v57 =	vsel vm1, $0xFFFFFFFF, v7  }
0x11: {  	v2 =	vsel vm1, $0xFFFFFFFF, v56;
	v1 =	vand.u32 $0x7F, v1;
	v5 =	vmul.u32 $0xA000, v54  }
0x12: {  	v6 =	vand.u32 $0xFFFFFC00, v55;
	v4 =	vand.u32 $0x380, v4;
	v7 =	vshrl.u32 v57, $0x3  }
0x13: {  	v59 =	vshll.u32 v2, $0x3;
	v58 =	vmul.u32 $0xA000, v7;
	v5 =	vadd.s32 v6, v5  }
0x14: {  	v7 =	vand.u32 $0xFFFFFC00, v59;
	v6 =	vshll.u32 v57, $0x7;
	v4 =	vor.u32 v4, v5  }
0x15: {  	v60 =	vadd.s32 v7, v58;
	v61 =	vand.u32 $0x380, v6;
	v1 =	vor.u32 v1, v4  }
0x16: {  	[tilespmem:s16], [sflag:$0x1] =	stream.indirect_vreg.gather [hbm4b:s2+s10], $0x1, v0, vm0, $0x4038;
	v62 =	vand.u32 $0x7F, v2;
	v63 =	vor.u32 v61, v60;
	[tilespmem:$0x3C0] =	vst v63  }
0x17: {  	(ifvalue) =	ssetifvalue $0x7FFFFFFF;
	v0 =	vor.u32 v62, v63  }
0x18: {  	[tilespmem:s15], [sflag:$0x1] =	stream.indirect_vreg.gather [hbm4b:s2+s10], $0x1, v3, vm0, $0x4038;
	[tilespmem:$0x3C0] =	vst v63  }
0x19: {  	s29 =	sadd.s32 $0x10, s15;
	(ifvalue) =	ssetifvalue $0x7FFFFFFF  }
0x1a: {  	[tilespmem:s29], [sflag:$0x1] =	stream.indirect_vreg.gather [hbm4b:s2+s10], $0x1, v1, vm0, $0x4038;
	[tilespmem:$0x3C0] =	vst v63  }
0x1b: {  	s15 =	sadd.s32 $0x10, s29;
	(ifvalue) =	ssetifvalue $0x7FFFFFFF  }
0x1c: {  	[tilespmem:s15], [sflag:$0x1] =	stream.indirect_vreg.gather [hbm4b:s2+s10], $0x1, v0, vm0, $0x4038;
	[tilespmem:$0x3C0] =	vst v63  }
0x1d: {  	_ =	swait.ge [sflag:s4], $0xF0  }
0x1e: {  	s30 =	sshrl.u32 s13, $0x3;
	[sflag:s4] =	ssyncset.done $0x0  }
0x1f: {  	s31 =	sand.u32 $0x7, s13;
	s15 =	sadd.s32 s8, s30;
	[sflag:s4] =	ssyncadd.s32 $0xFFFFFF10  }
0x20: {  	[hbm4b:s15+s31] =	stream.linear.scatter [tilespmem:s14], [sflag:$0x3], $0xF0, $0x38;
	[tilespmem:$0x3C0] =	vst v63  }
.LBB2_5:
0x21: {  	s15 =	sadd.s32 $0xF00, s11  }
0x22: {  	p1 =	sgt.s32 s15, $0x176F  }
0x23: {  	s15 =	smov.u32 @p1 s5;
	p1 =	sne.s32 s12, s9  }
.Ltmp1:
0x24: {  	p0 =	slt.u32 s12, $0x2;
	(pc) =	sbr.rel @!p1 .LBB2_6-.Ltmp1, $4  }
0x25: {  	s14 =	simm.s32 @!p0 $0x3  }
0x26: {  	_ =	swait.ge @!p0 [sflag:s14], $0xF0  }
0x27: {  	s16 =	sadd.s32 $0x1, s12;
	s13 =	smov.u32 s11;
	[sflag:s14] =	ssyncset.done @!p0 $0x0  }
0x28: {  	s12 =	smov.u32 s16;
	s11 =	smov.u32 s15;
	[sflag:s14] =	ssyncadd.s32 @!p0 $0xFFFFFF10  }
.LBB2_1:
0x29: {  	p0 =	sge.u32 s12, s7  }
0x2a: {  	s14 =	sxor.u32 @!p0 $0x1, s12  }
0x2b: {  	s14 =	smul.u32 @!p0 $0x3C0, s14  }
0x2c: {  	s31 =	sadd.s32 $0xFFFFFFFF, s12;
	s15 =	sshrl.u32 @!p0 s11, $0x3  }
0x2d: {  	s16 =	sand.u32 @!p0 $0x7, s11;
	s15 =	sadd.s32 @!p0 s3, s15;
	s14 =	sshra.s32 @!p0 s14, $0x2  }
0x2e: {  	[tilespmem:s14], [sflag:$0x2] =	stream.linear.gather @!p0 [hbm4b:s15+s16], $0xF0, $0x38;
	[tilespmem:$0x3C0] =	vst v63  }
0x2f: {  	p0 =	sge.u32 s31, s7  }
.Ltmp2:
0x30: {  	_ = 	snop;
	(pc) =	sbr.rel @p0 .LBB2_5-.Ltmp2, $1  }
0x31: {  	_ =	sdelay $0x3  }
0x32: {  	s14 =	sand.u32 $0x1, s12  }
0x33: {  	_ =	swait.ge [sflag:s6], $0xF0;
	p0 =	seq.s32 s14, $0x1;
	s14 =	simm.s32 $0xF0  }
0x34: {  	[sflag:s6] =	ssyncset.done $0x0;
	s14 =	simm.s32 @!p0 $0x0  }
0x35: {  	[sflag:s6] =	ssyncadd.s32 $0xFFFFFF10;
	(ifvalue) =	ssetifvalue $0x7FFFFFFF;
	v0 =	vld.msk [tilespmem:s14+$0x0 ss:$0x1], $0xffff;
	_ =	sdelay $0x2  }
0x36: {  	s15 =	sadd.s32 $0x10, s14  }
0x37: {  	v2 =	vld.msk [tilespmem:s15+$0x0 ss:$0x1], $0xffff  }
0x38: {  	vm1 =	veq.s32 v0, $0x80000000;
	v1 =	vshrl.u32 v0, $0xD  }
0x39: {  	vm1 =	vmmov vm1;
	v3 =	vand.u32 $0x7, v1  }
0x3a: {  	v0 =	vand.u32 $0x1FFF, v0;
	v3 =	vsel vm1, $0xFFFFFFFF, v3  }
0x3b: {  	s15 =	sadd.s32 $0x10, s15;
	v0 =	vsel vm1, $0xFFFFFFFF, v0;
	v4 =	vshrl.u32 v3, $0x3  }
0x3c: {  	v1 =	vld.msk [tilespmem:s15+$0x0 ss:$0x1], $0xffff;
	v6 =	vshrl.u32 v2, $0xD;
	v5 =	vshll.u32 v0, $0x3;
	v4 =	vmul.u32 $0xA000, v4  }
0x3d: {  	vm1 =	veq.s32 v2, $0x80000000;
	v3 =	vshll.u32 v3, $0x7;
	v5 =	vand.u32 $0xFFFFFC00, v5  }
0x3e: {  	v0 =	vand.u32 $0x7F, v0;
	v3 =	vand.u32 $0x380, v3;
	v4 =	vadd.s32 v5, v4  }
0x3f: {  	vm1 =	vmmov vm1;
	v5 =	vand.u32 $0x7, v6;
	v3 =	vor.u32 v3, v4  }
0x40: {  	v2 =	vand.u32 $0x1FFF, v2;
	v4 =	vsel vm1, $0xFFFFFFFF, v5;
	v0 =	vor.u32 v0, v3  }
0x41: {  	s15 =	sadd.s32 $0x10, s15;
	vm2 =	veq.s32 v1, $0x80000000;
	v3 =	vsel vm1, $0xFFFFFFFF, v2;
	v2 =	vshrl.u32 v4, $0x3  }
0x42: {  	s14 =	sadd.s32 $0x1E0, s14;
	v6 =	vshll.u32 v4, $0x7;
	v5 =	vmul.u32 $0xA000, v2;
	v4 =	vshll.u32 v3, $0x3;
	v2 =	vld.msk [tilespmem:s15+$0x0 ss:$0x1], $0xffff  }
0x43: {  	s17 =	simm.s32 $0x30;
	s16 =	smov.u32 s14;
	vm1 =	vmmov vm2;
	v3 =	vand.u32 $0x7F, v3;
	v7 =	vand.u32 $0xFFFFFC00, v4  }
0x44: {  	s18 =	sadd.s32 $0x10, s15;
	v6 =	vand.u32 $0x380, v6;
	(ifvalue) =	ssetifvalue $0x7FFFFFFF;
	s15 =	sadd.s32 $0x10, s14;
	v4 =	vshrl.u32 v1, $0xD;
	v5 =	vadd.s32 v7, v5  }
.LBB2_3:
0x45: {  	[tilespmem:s16], [sflag:$0x1] =	stream.indirect_vreg.gather [hbm4b:s2+s10], $0x1, v0, vm0, $0x4038;
	[tilespmem:$0x3C0] =	vst v63  }
0x46: {  	s17 =	sadd.s32 $0x10, s17  }
0x47: {  	vm2 =	veq.s32 v2, $0x80000000;
	v4 =	vand.u32 $0x7, v4;
	v5 =	vor.u32 v6, v5;
	v6 =	vmovc v2;
	v2 =	vld.msk [tilespmem:s18+$0x0 ss:$0x1], $0xffff;
	p0 =	slt.u32 s17, $0xE0  }
.Ltmp3:
0x48: {  	v7 =	vand.u32 $0x1FFF, v1;
	s16 =	smov.u32 s15;
	v4 =	vsel vm1, $0xFFFFFFFF, v4;
	v0 =	vor.u32 v3, v5;
	v1 =	vmovc v6;
	(pc) =	sbr.rel @p0 .LBB2_3-.Ltmp3, $4  }
0x49: {  	v5 =	vsel vm1, $0xFFFFFFFF, v7;
	v6 =	vshrl.u32 v4, $0x3;
	v7 =	vshll.u32 v4, $0x7  }
0x4a: {  	v3 =	vand.u32 $0x7F, v5;
	v4 =	vshll.u32 v5, $0x3;
	v6 =	vmul.u32 $0xA000, v6  }
0x4b: {  	vm1 =	vmmov vm2;
	v5 =	vand.u32 $0xFFFFFC00, v4  }
0x4c: {  	s18 =	sadd.s32 $0x10, s18;
	s15 =	sadd.s32 $0x10, s15;
	v4 =	vshrl.u32 v1, $0xD;
	v5 =	vadd.s32 v5, v6;
	v6 =	vand.u32 $0x380, v7;
	(ifvalue) =	ssetifvalue $0x7FFFFFFF  }
.Ltmp4:
0x4d: {  	_ = 	snop;
	(pc) =	sbr.rel .LBB2_4-.Ltmp4, $1  }
0x4e: {  	_ =	sdelay $0x3  }
.LBB2_6:
0x4f: {  	_ =	sfence.sel $0x180000  }
0x50: {  	s2 =	simm.s32 $0x2;
	[bflag:$0x0] =	sbarrier.arrive $0xFFFF  }
0x51: {  	s30 =	simm.s32 $0x3;
	[sflag:s2] =	ssyncpa.u1 $0x1  }
0x52: {  	s31 =	simm.s32 $0x1;
	[sflag:s30] =	ssyncpa.u1 $0x1  }
0x53: {  	[sflag:s31] =	ssyncpa.u1 $0x1  }
0x54: {  	p0 =	sne.s32 s1, $0x0;
	_ =	strace $0x90000068  }
0x55: {  	s0 =	sadd.s32 @!p0 $0x100000, s0;
	[bflag:$0x2] =	sbarrier.arrive $0xFFFF  }
0x56: {  	[sflag:s0] =	ssyncadd.tile.s32 @!p0 $0x1;
	_ =	shalt  }
.Lfunc_end2:
_tile_overlayer_lowered:
.L_overlay_start_2:
0x57: {  	(tag) =	ssettag $0x2  }
0x58: {  	s0 =	rddreg [dreg:$0x0];
	s2 =	stileid.u32  }
0x59: {  	s1 =	rddreg [dreg:$0x1];
	p0 =	sne.s32 s2, $0x0  }
0x5a: {  	s3 =	rddreg [dreg:$0x2];
	[bflag:$0x3] =	sbarrier.arrive $0xFFFF;
	s2 =	simm.s32 @!p0 $0x1C01  }
0x5b: {  	[timem:s3], [sflag:s2] =	dma.local @!p0 [hbm:s0], s1  }
0x5c: {  	s0 =	simm.s32 @!p0 $0x1  }
0x5d: {  	_ =	swait.ge @!p0 [sflag:s0], s1  }
0x5e: {  	s1 =	ssub.s32 @!p0 $0x0, s1;
	[sflag:s0] =	ssyncset.done @!p0 $0x0  }
0x5f: {  	[sflag:s0] =	ssyncadd.s32 @!p0 s1  }
0x60: {  	[bflag:$0x3] =	sbarrier.arrive $0xFFFF  }
0x61: {  	_ =	shalt  }

// kernel: gather_offload_async_start.8
scs
__scs_entry_jumppad:
0x0: {  	(pc) =	sbr.rel $0x88, $3  }
0x1: {  	(tag) =	ssettag $0x0;
	lr =	simm.s32 $0x1  }
0x2: {  	[smem:$0x3F97] =	sst lr;
	_ =	strace $0xD0000000  }
0x3: {  	_ = 	snop  }
0x4: {  	_ = 	snop  }
0x5: {  	_ = 	snop  }
0x6: {  	_ = 	snop  }
0x7: {  	_ = 	snop  }
__scs_overlays_trampoline_lowered:
0x8: {  	[smem:$0x3FA6] =	sst s0  }
0x9: {  	[smem:$0x3FA7] =	sst s1  }
0xa: {  	[smem:$0x3FA8] =	sst s2  }
0xb: {  	[smem:$0x3FA9] =	sst s3  }
0xc: {  	[smem:$0x3FAA] =	sst s4  }
0xd: {  	[smem:$0x3FAB] =	sst s5  }
0xe: {  	[smem:$0x3FAC] =	sst s6  }
0xf: {  	[smem:$0x3FAD] =	sst s7  }
0x10: {  	[smem:$0x3FAE] =	sst s8  }
0x11: {  	[smem:$0x3FAF] =	sst s9;
	s0 =	simm.s32 @!p0 $0x0  }
0x12: {  	s1 =	sld [smem:$0x3F95];
	s0 =	simm.s32 @p0 $0x1  }
0x13: {  	[smem:$0x3FB0] =	sst s0;
	s0 =	simm.s32 @!p1 $0x0  }
0x14: {  	s2 =	sld [smem:$0x3F94];
	s0 =	simm.s32 @p1 $0x1  }
0x15: {  	[smem:$0x3FB1] =	sst s0;
	s0 =	simm.s32 @!p2 $0x0  }
0x16: {  	s3 =	sld [smem:$0x3FDB];
	s0 =	simm.s32 @p2 $0x1  }
0x17: {  	s4 =	simm.s32 $0x1BF5;
	[smem:$0x3FB3] =	sst s0  }
0x18: {  	s0 =	sld [smem:$0x3F96];
	_ =	swait.ge [sflag:s4], $0x0  }
0x19: {  	s7 =	sld [smem:$0x3F97]  }
0x1a: {  	s8 =	sadd.s32 $0xFFFFE003, lr  }
0x1b: {  	s9 =	sadd.s32 $0xFFFFFEF7, lr;
	s5 =	simm.s32 $0xFFFFFFFF;
	p2 =	slt.u32 s8, $0xFFFFF086  }
0x1c: {  	p1 =	slt.u32 s9, $0xF7A;
	s5 =	simm.s32 @!p2 $0x0  }
0x1d: {  	s5 =	simm.s32 @p1 $0x1;
	p0 =	seq.s32 s7, s2  }
0x1e: {  	s7 =	smul.u32 @!p0 $0xF7A, s2;
	p2 =	seq.s32 @!p0 s5, $0x0  }
0x1f: {  	s9 =	smul.u32 $0xF7A, s1;
	s8 =	simm.s32 @!p0 $0x1BF5;
	p2 =	por !p2, p0  }
0x20: {  	[sflag:s8] =	ssyncset.s32 @!p0 $0xFFFFF086;
	s6 =	sadd.s32 @!p0 s3, s7;
	s7 =	simm.s32 @!p0 $0x108  }
0x21: {  	s3 =	sadd.s32 s3, s9;
	s6 =	sadd.s32 @!p0 $0x88, s6;
	s7 =	simm.s32 @p2 $0x1082  }
0x22: {  	[simem:s7], [sflag:s8] =	dma.local @!p0 [hbm:s6], $0xF7A  }
0x23: {  	s9 =	sor.u32 $0xD0000000, s2;
	s6 =	simm.s32 $0x108;
	_ =	swait.ge @!p0 [sflag:s8], $0x0  }
0x24: {  	s3 =	sadd.s32 $0x88, s3;
	s6 =	simm.s32 @!p1 $0x1082;
	[sflag:s4] =	ssyncset.s32 $0xFFFFF086  }
0x25: {  	[simem:s6], [sflag:s4] =	dma.local [hbm:s3], $0xF7A  }
0x26: {  	[smem:$0x3F97] =	sst s1;
	(tag) =	ssettag s2;
	_ =	strace s9  }
0x27: {  	s1 =	sld [smem:$0x3FA7]  }
0x28: {  	s2 =	sld [smem:$0x3FA8]  }
0x29: {  	s4 =	sld [smem:$0x3FAA]  }
0x2a: {  	p0 =	seq.s32 s5, $0x0;
	s5 =	sld [smem:$0x3FAB]  }
0x2b: {  	s6 =	sld [smem:$0x3FAC]  }
0x2c: {  	s7 =	sld [smem:$0x3FAD]  }
0x2d: {  	s3 =	simm.s32 $0x108;
	s8 =	sld [smem:$0x3FAE]  }
0x2e: {  	s3 =	simm.s32 @!p0 $0x1082;
	s9 =	sld [smem:$0x3FAF]  }
0x2f: {  	lr =	sadd.s32 s0, s3;
	s0 =	sld [smem:$0x3FA6]  }
0x30: {  	s3 =	sld [smem:$0x3FA9]  }
0x31: {  	[smem:$0x3FB2] =	sst s10  }
0x32: {  	s10 =	sld [smem:$0x3FB0];
	_ =	sdelay $0x3  }
0x33: {  	p0 =	seq.s32 s10, $0x1;
	s10 =	sld [smem:$0x3FB2];
	_ =	sdelay $0x3  }
0x34: {  	[smem:$0x3FB2] =	sst s10  }
0x35: {  	s10 =	sld [smem:$0x3FB1];
	_ =	sdelay $0x3  }
0x36: {  	p1 =	seq.s32 s10, $0x1;
	s10 =	sld [smem:$0x3FB2];
	_ =	sdelay $0x3  }
0x37: {  	[smem:$0x3FB2] =	sst s10  }
0x38: {  	s10 =	sld [smem:$0x3FB3]  }
0x39: {  	_ = 	snop;
	(pc) =	sbr.ind lr, $3  }
0x3a: {  	_ = 	snop  }
0x3b: {  	_ = 	snop  }
0x3c: {  	p2 =	seq.s32 s10, $0x1;
	s10 =	sld [smem:$0x3FB2]  }
0x3d: {  	_ =	shalt  }
0x3e: {  	_ =	shalt  }
0x3f: {  	_ =	shalt  }
0x40: {  	_ =	shalt  }
0x41: {  	_ =	shalt  }
0x42: {  	_ =	shalt  }
0x43: {  	_ =	shalt  }
0x44: {  	_ =	shalt  }
0x45: {  	_ =	shalt  }
0x46: {  	_ =	shalt  }
0x47: {  	_ =	shalt  }
0x48: {  	_ =	shalt  }
0x49: {  	_ =	shalt  }
0x4a: {  	_ =	shalt  }
0x4b: {  	_ =	shalt  }
0x4c: {  	_ =	shalt  }
0x4d: {  	_ =	shalt  }
0x4e: {  	_ =	shalt  }
0x4f: {  	_ =	shalt  }
0x50: {  	_ =	shalt  }
0x51: {  	_ =	shalt  }
0x52: {  	_ =	shalt  }
0x53: {  	_ =	shalt  }
0x54: {  	_ =	shalt  }
0x55: {  	_ =	shalt  }
0x56: {  	_ =	shalt  }
0x57: {  	_ =	shalt  }
0x58: {  	_ =	shalt  }
0x59: {  	_ =	shalt  }
0x5a: {  	_ =	shalt  }
0x5b: {  	_ =	shalt  }
0x5c: {  	_ =	shalt  }
0x5d: {  	_ =	shalt  }
0x5e: {  	_ =	shalt  }
0x5f: {  	_ =	shalt  }
0x60: {  	_ =	shalt  }
0x61: {  	_ =	shalt  }
0x62: {  	_ =	shalt  }
0x63: {  	_ =	shalt  }
0x64: {  	_ =	shalt  }
0x65: {  	_ =	shalt  }
0x66: {  	_ =	shalt  }
0x67: {  	_ =	shalt  }
0x68: {  	_ =	shalt  }
0x69: {  	_ =	shalt  }
0x6a: {  	_ =	shalt  }
0x6b: {  	_ =	shalt  }
0x6c: {  	_ =	shalt  }
0x6d: {  	_ =	shalt  }
0x6e: {  	_ =	shalt  }
0x6f: {  	_ =	shalt  }
0x70: {  	_ =	shalt  }
0x71: {  	_ =	shalt  }
0x72: {  	_ =	shalt  }
0x73: {  	_ =	shalt  }
0x74: {  	_ =	shalt  }
0x75: {  	_ =	shalt  }
0x76: {  	_ =	shalt  }
0x77: {  	_ =	shalt  }
0x78: {  	_ =	shalt  }
0x79: {  	_ =	shalt  }
0x7a: {  	_ =	shalt  }
0x7b: {  	_ =	shalt  }
0x7c: {  	_ =	shalt  }
0x7d: {  	_ =	shalt  }
0x7e: {  	_ =	shalt  }
0x7f: {  	_ =	shalt  }
0x80: {  	_ =	shalt  }
0x81: {  	_ =	shalt  }
0x82: {  	_ =	shalt  }
0x83: {  	_ =	shalt  }
0x84: {  	_ =	shalt  }
0x85: {  	_ =	shalt  }
0x86: {  	_ =	shalt  }
0x87: {  	_ =	shalt  }
.Lfunc_end0:
.L_simem_size_0:
called_computation.8_lowered:
.L_overlay_start_0:
0x88: {  	s0 =	sld [smem:$0x3FD9]  }
0x89: {  	s1 =	sld [smem:$0x3FFE];
	_ =	sdelay $0x3  }
0x8a: {  	s0 =	sadd.s32 s1, s0  }
0x8b: {  	[smem:$0x3FBE] =	sst s0  }
0x8c: {  	_ = 	snop  }
0x8d: {  	s0 =	sld [smem:$0x3FC9];
	(tm) =	ssettm $0x1  }
0x8e: {  	s16 =	sld [smem:$0x3FFB];
	_ =	sdelay $0x3  }
0x8f: {  	_ =	strace s16  }
0x90: {  	s1 =	sld [smem:$0x3FFC];
	_ =	sdelay $0x3  }
0x91: {  	_ =	strace s1  }
0x92: {  	s1 =	sld [smem:$0x3FFD];
	_ =	sdelay $0x3  }
0x93: {  	_ =	strace s1  }
0x94: {  	_ =	strace $0x8FFFFFFF  }
0x95: {  	s17 =	sld [smem:$0x3FDB];
	_ =	sdelay $0x1  }
0x96: {  	s2 =	simm.s32 $_scs_section_size  }
0x97: {  	s3 =	simm.s32 $_size__tile_overlayer_lowered;
	s4 =	simm.s32 $_tile_overlayer_lowered  }
0x98: {  	s20 =	simm.s32 $0x1BFF;
	s19 =	sshll.u32 s4, $0x1;
	s1 =	sadd.s32 s2, s17  }
0x99: {  	s5 =	simm.s32 $0x0;
	s18 =	sshll.u32 s3, $0x1;
	s3 =	sadd.s32 s19, s1  }
0x9a: {  	[timem:s5], [sflag:s20] =	dma.local [hbm:s3], s18  }
0x9b: {  	_ =	swait.ge [sflag:s20], s18  }
0x9c: {  	s2 =	ssub.s32 $0x0, s18;
	[sflag:s20] =	ssyncset.done $0x0  }
0x9d: {  	[sflag:s20] =	ssyncadd.s32 s2;
	_ =	sdelay $0x1  }
0x9e: {  	s21 =	simm.s32 $0x1B8B  }
0x9f: {  	_ =	swait.ge [sflag:s21], $0x1  }
0xa0: {  	[sflag:s21] =	ssyncset.done $0x0  }
0xa1: {  	s23 =	simm.s32 $0x1B8E;
	s22 =	sld [smem:$0x3FFE];
	[sflag:s21] =	ssyncadd.s32 $0xFFFFFFFF  }
0xa2: {  	s24 =	simm.s32 $execute0_lowered;
	[smem:$0x3FD2] =	sst s23  }
0xa3: {  	s3 =	sshll.u32 s24, $0x1;
	_ =	strace $0x80000064;
	[dreg:$0x1] =	wrdreg $0xFFFFFFFF  }
0xa4: {  	s25 =	simm.s32 $_size_execute0_lowered;
	s1 =	sadd.s32 s1, s3;
	[dreg:$0x0] =	wrdreg $0x0  }
0xa5: {  	s3 =	sshll.u32 s25, $0x1;
	[dreg:$0x2] =	wrdreg s1  }
0xa6: {  	[dreg:$0x3] =	wrdreg s3  }
0xa7: {  	[dreg:$0x4] =	wrdreg $0xC0  }
0xa8: {  	_ =	task [dreg:s5], $0x5FFFF  }
0xa9: {  	[dreg:$0x1] =	wrdreg $0xFFFFFFFF  }
0xaa: {  	[dreg:$0x0] =	wrdreg $0x60  }
0xab: {  	[dreg:$0x2] =	wrdreg s0  }
0xac: {  	[dreg:$0x3] =	wrdreg s22  }
0xad: {  	[dreg:$0x4] =	wrdreg $0xA  }
0xae: {  	_ =	task.clear_ibuf [dreg:s5], $0x5FFFF;
	_ =	strace $0x90000064  }
0xaf: {  	s26 =	simm.s32 $0xA;
	_ =	strace $0x80000066  }
0xb0: {  	_ =	swait.ge [sflag:s26], $0x1  }
0xb1: {  	[sflag:s26] =	ssyncadd.s32 $0xFFFFFFFF  }
0xb2: {  	_ =	strace $0x90000066  }
0xb3: {  	_ =	sfence  }
0xb4: {  	s28 =	sld [smem:$0x0];
	_ =	sdelay $0x1  }
0xb5: {  	s29 =	srdreg.scid  }
0xb6: {  	s30 =	sshll.u32 s29, $0xD;
	s31 =	sshrl.u32 s29, $0x2  }
0xb7: {  	s2 =	sand.u32 $0x4000, s30;
	s1 =	sand.u32 $0x1, s29;
	s0 =	sadd.s32 s31, s28  }
0xb8: {  	s1 =	sor.u32 s2, s1;
	s0 =	sshll.u32 s0, $0x11  }
0xb9: {  	s0 =	sor.u32 s0, s1  }
0xba: {  	s0 =	sadd.s32 $0x8F2B, s0  }
0xbb: {  	[sflag:s0] =	ssyncadd.remote.s32 $0x1  }
0xbc: {  	_ =	sfence.sel $0xFFFF  }
0xbd: {  	[dreg:$0x0] =	wrdreg $0xFFFFFFFF;
	(pc) =	sbr.abs _section_cstart, $3  }
0xbe: {  	[dreg:$0x1] =	wrdreg $0xFFFFFFFF  }
0xbf: {  	_ =	task.clear_ibuf [dreg:s5], $0x2FFFF;
	_ =	strace $0x9FFFFFFF  }
0xc0: {  	(tm) =	ssettm $0x7FFFFFFF  }
0xc1: {  	_ =	shalt  }
tec
execute0_lowered:
.L_overlay_start_1:
0x0: {  	(tag) =	ssettag $0x1  }
0x1: {  	s2 =	rddreg [dreg:$0x0]  }
0x2: {  	s8 =	rddreg [dreg:$0x1]  }
0x3: {  	s0 =	rddreg [dreg:$0x2]  }
0x4: {  	_ =	strace $0x80000065;
	s4 =	simm.s32 $0x1;
	s1 =	stileid.u32  }
0x5: {  	s7 =	simm.s32 $0x1;
	s9 =	simm.s32 $0x1;
	s6 =	simm.s32 $0x2  }
0x6: {  	s10 =	simm.s32 $0x3;
	s13 =	simm.s32 $0x0;
	s12 =	simm.s32 $0x0  }
.Ltmp0:
0x7: {  	s3 =	sadd.s32 $0x3C00, s8;
	p0 =	slt.u32 s1, $0xA;
	(pc) =	sbr.rel .LBB2_1-.Ltmp0, $4  }
0x8: {  	[sflag:s4] =	ssyncpa.u1 $0x0;
	s7 =	simm.s32 @!p0 $0x0;
	p0 =	sne.s32 s1, $0x9  }
0x9: {  	s5 =	smul.u32 $0xF0, s1;
	[sflag:s6] =	ssyncpa.u1 $0x0;
	s9 =	simm.s32 @!p0 $0x0  }
0xa: {  	s8 =	sadd.s32 $0x2C00, s8;
	[sflag:s10] =	ssyncpa.u1 $0x0;
	s7 =	sadd.s32 s9, s7  }
0xb: {  	vm0 =	vmmov $0xffff;
	s10 =	simm.s32 $0x0;
	s11 =	smov.u32 s5;
	s9 =	sadd.s32 $0x1, s7  }
.LBB2_4:
0xc: {  	vm2 =	veq.s32 v2, $0x80000000;
	v4 =	vand.u32 $0x7, v4;
	v5 =	vor.u32 v6, v5  }
0xd: {  	v1 =	vand.u32 $0x1FFF, v1;
	v7 =	vshrl.u32 v2, $0xD;
	v56 =	vand.u32 $0x1FFF, v2  }
0xe: {  	v4 =	vsel vm1, $0xFFFFFFFF, v4;
	v3 =	vor.u32 v3, v5;
	v1 =	vsel vm1, $0xFFFFFFFF, v1  }
0xf: {  	vm1 =	vmmov vm2;
	v7 =	vand.u32 $0x7, v7;
	v54 =	vshrl.u32 v4, $0x3  }
0x10: {  	v4 =	vshll.u32 v4, $0x7;
	v55 =	vshll.u32 v1, $0x3;
	v57 =	vsel vm1, $0xFFFFFFFF, v7  }
0x11: {  	v2 =	vsel vm1, $0xFFFFFFFF, v56;
	v1 =	vand.u32 $0x7F, v1;
	v5 =	vmul.u32 $0xA000, v54  }
0x12: {  	v6 =	vand.u32 $0xFFFFFC00, v55;
	v4 =	vand.u32 $0x380, v4;
	v7 =	vshrl.u32 v57, $0x3  }
0x13: {  	v59 =	vshll.u32 v2, $0x3;
	v58 =	vmul.u32 $0xA000, v7;
	v5 =	vadd.s32 v6, v5  }
0x14: {  	v7 =	vand.u32 $0xFFFFFC00, v59;
	v6 =	vshll.u32 v57, $0x7;
	v4 =	vor.u32 v4, v5  }
0x15: {  	v60 =	vadd.s32 v7, v58;
	v61 =	vand.u32 $0x380, v6;
	v1 =	vor.u32 v1, v4  }
0x16: {  	[tilespmem:s16], [sflag:$0x1] =	stream.indirect_vreg.gather [hbm4b:s2+s10], $0x1, v0, vm0, $0x4038;
	v62 =	vand.u32 $0x7F, v2;
	v63 =	vor.u32 v61, v60;
	[tilespmem:$0x3C0] =	vst v63  }
0x17: {  	(ifvalue) =	ssetifvalue $0x7FFFFFFF;
	v0 =	vor.u32 v62, v63  }
0x18: {  	[tilespmem:s15], [sflag:$0x1] =	stream.indirect_vreg.gather [hbm4b:s2+s10], $0x1, v3, vm0, $0x4038;
	[tilespmem:$0x3C0] =	vst v63  }
0x19: {  	s29 =	sadd.s32 $0x10, s15;
	(ifvalue) =	ssetifvalue $0x7FFFFFFF  }
0x1a: {  	[tilespmem:s29], [sflag:$0x1] =	stream.indirect_vreg.gather [hbm4b:s2+s10], $0x1, v1, vm0, $0x4038;
	[tilespmem:$0x3C0] =	vst v63  }
0x1b: {  	s15 =	sadd.s32 $0x10, s29;
	(ifvalue) =	ssetifvalue $0x7FFFFFFF  }
0x1c: {  	[tilespmem:s15], [sflag:$0x1] =	stream.indirect_vreg.gather [hbm4b:s2+s10], $0x1, v0, vm0, $0x4038;
	[tilespmem:$0x3C0] =	vst v63  }
0x1d: {  	_ =	swait.ge [sflag:s4], $0xF0  }
0x1e: {  	s30 =	sshrl.u32 s13, $0x3;
	[sflag:s4] =	ssyncset.done $0x0  }
0x1f: {  	s31 =	sand.u32 $0x7, s13;
	s15 =	sadd.s32 s8, s30;
	[sflag:s4] =	ssyncadd.s32 $0xFFFFFF10  }
0x20: {  	[hbm4b:s15+s31] =	stream.linear.scatter [tilespmem:s14], [sflag:$0x3], $0xF0, $0x38;
	[tilespmem:$0x3C0] =	vst v63  }
.LBB2_5:
0x21: {  	s15 =	sadd.s32 $0xF00, s11  }
0x22: {  	p1 =	sgt.s32 s15, $0x176F  }
0x23: {  	s15 =	smov.u32 @p1 s5;
	p1 =	sne.s32 s12, s9  }
.Ltmp1:
0x24: {  	p0 =	slt.u32 s12, $0x2;
	(pc) =	sbr.rel @!p1 .LBB2_6-.Ltmp1, $4  }
0x25: {  	s14 =	simm.s32 @!p0 $0x3  }
0x26: {  	_ =	swait.ge @!p0 [sflag:s14], $0xF0  }
0x27: {  	s16 =	sadd.s32 $0x1, s12;
	s13 =	smov.u32 s11;
	[sflag:s14] =	ssyncset.done @!p0 $0x0  }
0x28: {  	s12 =	smov.u32 s16;
	s11 =	smov.u32 s15;
	[sflag:s14] =	ssyncadd.s32 @!p0 $0xFFFFFF10  }
.LBB2_1:
0x29: {  	p0 =	sge.u32 s12, s7  }
0x2a: {  	s14 =	sxor.u32 @!p0 $0x1, s12  }
0x2b: {  	s14 =	smul.u32 @!p0 $0x3C0, s14  }
0x2c: {  	s31 =	sadd.s32 $0xFFFFFFFF, s12;
	s15 =	sshrl.u32 @!p0 s11, $0x3  }
0x2d: {  	s16 =	sand.u32 @!p0 $0x7, s11;
	s15 =	sadd.s32 @!p0 s3, s15;
	s14 =	sshra.s32 @!p0 s14, $0x2  }
0x2e: {  	[tilespmem:s14], [sflag:$0x2] =	stream.linear.gather @!p0 [hbm4b:s15+s16], $0xF0, $0x38;
	[tilespmem:$0x3C0] =	vst v63  }
0x2f: {  	p0 =	sge.u32 s31, s7  }
.Ltmp2:
0x30: {  	_ = 	snop;
	(pc) =	sbr.rel @p0 .LBB2_5-.Ltmp2, $1  }
0x31: {  	_ =	sdelay $0x3  }
0x32: {  	s14 =	sand.u32 $0x1, s12  }
0x33: {  	_ =	swait.ge [sflag:s6], $0xF0;
	p0 =	seq.s32 s14, $0x1;
	s14 =	simm.s32 $0xF0  }
0x34: {  	[sflag:s6] =	ssyncset.done $0x0;
	s14 =	simm.s32 @!p0 $0x0  }
0x35: {  	[sflag:s6] =	ssyncadd.s32 $0xFFFFFF10;
	(ifvalue) =	ssetifvalue $0x7FFFFFFF;
	v0 =	vld.msk [tilespmem:s14+$0x0 ss:$0x1], $0xffff;
	_ =	sdelay $0x2  }
0x36: {  	s15 =	sadd.s32 $0x10, s14  }
0x37: {  	v2 =	vld.msk [tilespmem:s15+$0x0 ss:$0x1], $0xffff  }
0x38: {  	vm1 =	veq.s32 v0, $0x80000000;
	v1 =	vshrl.u32 v0, $0xD  }
0x39: {  	vm1 =	vmmov vm1;
	v3 =	vand.u32 $0x7, v1  }
0x3a: {  	v0 =	vand.u32 $0x1FFF, v0;
	v3 =	vsel vm1, $0xFFFFFFFF, v3  }
0x3b: {  	s15 =	sadd.s32 $0x10, s15;
	v0 =	vsel vm1, $0xFFFFFFFF, v0;
	v4 =	vshrl.u32 v3, $0x3  }
0x3c: {  	v1 =	vld.msk [tilespmem:s15+$0x0 ss:$0x1], $0xffff;
	v6 =	vshrl.u32 v2, $0xD;
	v5 =	vshll.u32 v0, $0x3;
	v4 =	vmul.u32 $0xA000, v4  }
0x3d: {  	vm1 =	veq.s32 v2, $0x80000000;
	v3 =	vshll.u32 v3, $0x7;
	v5 =	vand.u32 $0xFFFFFC00, v5  }
0x3e: {  	v0 =	vand.u32 $0x7F, v0;
	v3 =	vand.u32 $0x380, v3;
	v4 =	vadd.s32 v5, v4  }
0x3f: {  	vm1 =	vmmov vm1;
	v5 =	vand.u32 $0x7, v6;
	v3 =	vor.u32 v3, v4  }
0x40: {  	v2 =	vand.u32 $0x1FFF, v2;
	v4 =	vsel vm1, $0xFFFFFFFF, v5;
	v0 =	vor.u32 v0, v3  }
0x41: {  	s15 =	sadd.s32 $0x10, s15;
	vm2 =	veq.s32 v1, $0x80000000;
	v3 =	vsel vm1, $0xFFFFFFFF, v2;
	v2 =	vshrl.u32 v4, $0x3  }
0x42: {  	s14 =	sadd.s32 $0x1E0, s14;
	v6 =	vshll.u32 v4, $0x7;
	v5 =	vmul.u32 $0xA000, v2;
	v4 =	vshll.u32 v3, $0x3;
	v2 =	vld.msk [tilespmem:s15+$0x0 ss:$0x1], $0xffff  }
0x43: {  	s17 =	simm.s32 $0x30;
	s16 =	smov.u32 s14;
	vm1 =	vmmov vm2;
	v3 =	vand.u32 $0x7F, v3;
	v7 =	vand.u32 $0xFFFFFC00, v4  }
0x44: {  	s18 =	sadd.s32 $0x10, s15;
	v6 =	vand.u32 $0x380, v6;
	(ifvalue) =	ssetifvalue $0x7FFFFFFF;
	s15 =	sadd.s32 $0x10, s14;
	v4 =	vshrl.u32 v1, $0xD;
	v5 =	vadd.s32 v7, v5  }
.LBB2_3:
0x45: {  	[tilespmem:s16], [sflag:$0x1] =	stream.indirect_vreg.gather [hbm4b:s2+s10], $0x1, v0, vm0, $0x4038;
	[tilespmem:$0x3C0] =	vst v63  }
0x46: {  	s17 =	sadd.s32 $0x10, s17  }
0x47: {  	vm2 =	veq.s32 v2, $0x80000000;
	v4 =	vand.u32 $0x7, v4;
	v5 =	vor.u32 v6, v5;
	v6 =	vmovc v2;
	v2 =	vld.msk [tilespmem:s18+$0x0 ss:$0x1], $0xffff;
	p0 =	slt.u32 s17, $0xE0  }
.Ltmp3:
0x48: {  	v7 =	vand.u32 $0x1FFF, v1;
	s16 =	smov.u32 s15;
	v4 =	vsel vm1, $0xFFFFFFFF, v4;
	v0 =	vor.u32 v3, v5;
	v1 =	vmovc v6;
	(pc) =	sbr.rel @p0 .LBB2_3-.Ltmp3, $4  }
0x49: {  	v5 =	vsel vm1, $0xFFFFFFFF, v7;
	v6 =	vshrl.u32 v4, $0x3;
	v7 =	vshll.u32 v4, $0x7  }
0x4a: {  	v3 =	vand.u32 $0x7F, v5;
	v4 =	vshll.u32 v5, $0x3;
	v6 =	vmul.u32 $0xA000, v6  }
0x4b: {  	vm1 =	vmmov vm2;
	v5 =	vand.u32 $0xFFFFFC00, v4  }
0x4c: {  	s18 =	sadd.s32 $0x10, s18;
	s15 =	sadd.s32 $0x10, s15;
	v4 =	vshrl.u32 v1, $0xD;
	v5 =	vadd.s32 v5, v6;
	v6 =	vand.u32 $0x380, v7;
	(ifvalue) =	ssetifvalue $0x7FFFFFFF  }
.Ltmp4:
0x4d: {  	_ = 	snop;
	(pc) =	sbr.rel .LBB2_4-.Ltmp4, $1  }
0x4e: {  	_ =	sdelay $0x3  }
.LBB2_6:
0x4f: {  	_ =	sfence.sel $0x180000  }
0x50: {  	s2 =	simm.s32 $0x2;
	[bflag:$0x0] =	sbarrier.arrive $0xFFFF  }
0x51: {  	s30 =	simm.s32 $0x3;
	[sflag:s2] =	ssyncpa.u1 $0x1  }
0x52: {  	s31 =	simm.s32 $0x1;
	[sflag:s30] =	ssyncpa.u1 $0x1  }
0x53: {  	[sflag:s31] =	ssyncpa.u1 $0x1  }
0x54: {  	p0 =	sne.s32 s1, $0x0;
	_ =	strace $0x90000065  }
0x55: {  	s0 =	sadd.s32 @!p0 $0x100000, s0;
	[bflag:$0x2] =	sbarrier.arrive $0xFFFF  }
0x56: {  	[sflag:s0] =	ssyncadd.tile.s32 @!p0 $0x1;
	_ =	shalt  }
.Lfunc_end2:
_tile_overlayer_lowered:
.L_overlay_start_2:
0x57: {  	(tag) =	ssettag $0x2  }
0x58: {  	s0 =	rddreg [dreg:$0x0];
	s2 =	stileid.u32  }
0x59: {  	s1 =	rddreg [dreg:$0x1];
	p0 =	sne.s32 s2, $0x0  }
0x5a: {  	s3 =	rddreg [dreg:$0x2];
	[bflag:$0x3] =	sbarrier.arrive $0xFFFF;
	s2 =	simm.s32 @!p0 $0x1C01  }
0x5b: {  	[timem:s3], [sflag:s2] =	dma.local @!p0 [hbm:s0], s1  }
0x5c: {  	s0 =	simm.s32 @!p0 $0x1  }
0x5d: {  	_ =	swait.ge @!p0 [sflag:s0], s1  }
0x5e: {  	s1 =	ssub.s32 @!p0 $0x0, s1;
	[sflag:s0] =	ssyncset.done @!p0 $0x0  }
0x5f: {  	[sflag:s0] =	ssyncadd.s32 @!p0 s1  }
0x60: {  	[bflag:$0x3] =	sbarrier.arrive $0xFFFF  }
0x61: {  	_ =	shalt  }

// kernel: gather_offload_async_start
scs
__scs_entry_jumppad:
0x0: {  	(pc) =	sbr.rel $0x88, $3  }
0x1: {  	(tag) =	ssettag $0x0;
	lr =	simm.s32 $0x1  }
0x2: {  	[smem:$0x3F97] =	sst lr;
	_ =	strace $0xD0000000  }
0x3: {  	_ = 	snop  }
0x4: {  	_ = 	snop  }
0x5: {  	_ = 	snop  }
0x6: {  	_ = 	snop  }
0x7: {  	_ = 	snop  }
__scs_overlays_trampoline_lowered:
0x8: {  	[smem:$0x3FA6] =	sst s0  }
0x9: {  	[smem:$0x3FA7] =	sst s1  }
0xa: {  	[smem:$0x3FA8] =	sst s2  }
0xb: {  	[smem:$0x3FA9] =	sst s3  }
0xc: {  	[smem:$0x3FAA] =	sst s4  }
0xd: {  	[smem:$0x3FAB] =	sst s5  }
0xe: {  	[smem:$0x3FAC] =	sst s6  }
0xf: {  	[smem:$0x3FAD] =	sst s7  }
0x10: {  	[smem:$0x3FAE] =	sst s8  }
0x11: {  	[smem:$0x3FAF] =	sst s9;
	s0 =	simm.s32 @!p0 $0x0  }
0x12: {  	s1 =	sld [smem:$0x3F95];
	s0 =	simm.s32 @p0 $0x1  }
0x13: {  	[smem:$0x3FB0] =	sst s0;
	s0 =	simm.s32 @!p1 $0x0  }
0x14: {  	s2 =	sld [smem:$0x3F94];
	s0 =	simm.s32 @p1 $0x1  }
0x15: {  	[smem:$0x3FB1] =	sst s0;
	s0 =	simm.s32 @!p2 $0x0  }
0x16: {  	s3 =	sld [smem:$0x3FDB];
	s0 =	simm.s32 @p2 $0x1  }
0x17: {  	s4 =	simm.s32 $0x1BF5;
	[smem:$0x3FB3] =	sst s0  }
0x18: {  	s0 =	sld [smem:$0x3F96];
	_ =	swait.ge [sflag:s4], $0x0  }
0x19: {  	s7 =	sld [smem:$0x3F97]  }
0x1a: {  	s8 =	sadd.s32 $0xFFFFE003, lr  }
0x1b: {  	s9 =	sadd.s32 $0xFFFFFEF7, lr;
	s5 =	simm.s32 $0xFFFFFFFF;
	p2 =	slt.u32 s8, $0xFFFFF086  }
0x1c: {  	p1 =	slt.u32 s9, $0xF7A;
	s5 =	simm.s32 @!p2 $0x0  }
0x1d: {  	s5 =	simm.s32 @p1 $0x1;
	p0 =	seq.s32 s7, s2  }
0x1e: {  	s7 =	smul.u32 @!p0 $0xF7A, s2;
	p2 =	seq.s32 @!p0 s5, $0x0  }
0x1f: {  	s9 =	smul.u32 $0xF7A, s1;
	s8 =	simm.s32 @!p0 $0x1BF5;
	p2 =	por !p2, p0  }
0x20: {  	[sflag:s8] =	ssyncset.s32 @!p0 $0xFFFFF086;
	s6 =	sadd.s32 @!p0 s3, s7;
	s7 =	simm.s32 @!p0 $0x108  }
0x21: {  	s3 =	sadd.s32 s3, s9;
	s6 =	sadd.s32 @!p0 $0x88, s6;
	s7 =	simm.s32 @p2 $0x1082  }
0x22: {  	[simem:s7], [sflag:s8] =	dma.local @!p0 [hbm:s6], $0xF7A  }
0x23: {  	s9 =	sor.u32 $0xD0000000, s2;
	s6 =	simm.s32 $0x108;
	_ =	swait.ge @!p0 [sflag:s8], $0x0  }
0x24: {  	s3 =	sadd.s32 $0x88, s3;
	s6 =	simm.s32 @!p1 $0x1082;
	[sflag:s4] =	ssyncset.s32 $0xFFFFF086  }
0x25: {  	[simem:s6], [sflag:s4] =	dma.local [hbm:s3], $0xF7A  }
0x26: {  	[smem:$0x3F97] =	sst s1;
	(tag) =	ssettag s2;
	_ =	strace s9  }
0x27: {  	s1 =	sld [smem:$0x3FA7]  }
0x28: {  	s2 =	sld [smem:$0x3FA8]  }
0x29: {  	s4 =	sld [smem:$0x3FAA]  }
0x2a: {  	p0 =	seq.s32 s5, $0x0;
	s5 =	sld [smem:$0x3FAB]  }
0x2b: {  	s6 =	sld [smem:$0x3FAC]  }
0x2c: {  	s7 =	sld [smem:$0x3FAD]  }
0x2d: {  	s3 =	simm.s32 $0x108;
	s8 =	sld [smem:$0x3FAE]  }
0x2e: {  	s3 =	simm.s32 @!p0 $0x1082;
	s9 =	sld [smem:$0x3FAF]  }
0x2f: {  	lr =	sadd.s32 s0, s3;
	s0 =	sld [smem:$0x3FA6]  }
0x30: {  	s3 =	sld [smem:$0x3FA9]  }
0x31: {  	[smem:$0x3FB2] =	sst s10  }
0x32: {  	s10 =	sld [smem:$0x3FB0];
	_ =	sdelay $0x3  }
0x33: {  	p0 =	seq.s32 s10, $0x1;
	s10 =	sld [smem:$0x3FB2];
	_ =	sdelay $0x3  }
0x34: {  	[smem:$0x3FB2] =	sst s10  }
0x35: {  	s10 =	sld [smem:$0x3FB1];
	_ =	sdelay $0x3  }
0x36: {  	p1 =	seq.s32 s10, $0x1;
	s10 =	sld [smem:$0x3FB2];
	_ =	sdelay $0x3  }
0x37: {  	[smem:$0x3FB2] =	sst s10  }
0x38: {  	s10 =	sld [smem:$0x3FB3]  }
0x39: {  	_ = 	snop;
	(pc) =	sbr.ind lr, $3  }
0x3a: {  	_ = 	snop  }
0x3b: {  	_ = 	snop  }
0x3c: {  	p2 =	seq.s32 s10, $0x1;
	s10 =	sld [smem:$0x3FB2]  }
0x3d: {  	_ =	shalt  }
0x3e: {  	_ =	shalt  }
0x3f: {  	_ =	shalt  }
0x40: {  	_ =	shalt  }
0x41: {  	_ =	shalt  }
0x42: {  	_ =	shalt  }
0x43: {  	_ =	shalt  }
0x44: {  	_ =	shalt  }
0x45: {  	_ =	shalt  }
0x46: {  	_ =	shalt  }
0x47: {  	_ =	shalt  }
0x48: {  	_ =	shalt  }
0x49: {  	_ =	shalt  }
0x4a: {  	_ =	shalt  }
0x4b: {  	_ =	shalt  }
0x4c: {  	_ =	shalt  }
0x4d: {  	_ =	shalt  }
0x4e: {  	_ =	shalt  }
0x4f: {  	_ =	shalt  }
0x50: {  	_ =	shalt  }
0x51: {  	_ =	shalt  }
0x52: {  	_ =	shalt  }
0x53: {  	_ =	shalt  }
0x54: {  	_ =	shalt  }
0x55: {  	_ =	shalt  }
0x56: {  	_ =	shalt  }
0x57: {  	_ =	shalt  }
0x58: {  	_ =	shalt  }
0x59: {  	_ =	shalt  }
0x5a: {  	_ =	shalt  }
0x5b: {  	_ =	shalt  }
0x5c: {  	_ =	shalt  }
0x5d: {  	_ =	shalt  }
0x5e: {  	_ =	shalt  }
0x5f: {  	_ =	shalt  }
0x60: {  	_ =	shalt  }
0x61: {  	_ =	shalt  }
0x62: {  	_ =	shalt  }
0x63: {  	_ =	shalt  }
0x64: {  	_ =	shalt  }
0x65: {  	_ =	shalt  }
0x66: {  	_ =	shalt  }
0x67: {  	_ =	shalt  }
0x68: {  	_ =	shalt  }
0x69: {  	_ =	shalt  }
0x6a: {  	_ =	shalt  }
0x6b: {  	_ =	shalt  }
0x6c: {  	_ =	shalt  }
0x6d: {  	_ =	shalt  }
0x6e: {  	_ =	shalt  }
0x6f: {  	_ =	shalt  }
0x70: {  	_ =	shalt  }
0x71: {  	_ =	shalt  }
0x72: {  	_ =	shalt  }
0x73: {  	_ =	shalt  }
0x74: {  	_ =	shalt  }
0x75: {  	_ =	shalt  }
0x76: {  	_ =	shalt  }
0x77: {  	_ =	shalt  }
0x78: {  	_ =	shalt  }
0x79: {  	_ =	shalt  }
0x7a: {  	_ =	shalt  }
0x7b: {  	_ =	shalt  }
0x7c: {  	_ =	shalt  }
0x7d: {  	_ =	shalt  }
0x7e: {  	_ =	shalt  }
0x7f: {  	_ =	shalt  }
0x80: {  	_ =	shalt  }
0x81: {  	_ =	shalt  }
0x82: {  	_ =	shalt  }
0x83: {  	_ =	shalt  }
0x84: {  	_ =	shalt  }
0x85: {  	_ =	shalt  }
0x86: {  	_ =	shalt  }
0x87: {  	_ =	shalt  }
.Lfunc_end0:
.L_simem_size_0:
called_computation_lowered:
.L_overlay_start_0:
0x88: {  	s0 =	sld [smem:$0x3FD9]  }
0x89: {  	s1 =	sld [smem:$0x3FFE];
	_ =	sdelay $0x3  }
0x8a: {  	s0 =	sadd.s32 s1, s0  }
0x8b: {  	[smem:$0x3FBE] =	sst s0  }
0x8c: {  	_ = 	snop  }
0x8d: {  	(tm) =	ssettm $0x1  }
0x8e: {  	s15 =	sld [smem:$0x3FFB];
	_ =	sdelay $0x3  }
0x8f: {  	_ =	strace s15  }
0x90: {  	s0 =	sld [smem:$0x3FFC];
	_ =	sdelay $0x3  }
0x91: {  	_ =	strace s0  }
0x92: {  	s0 =	sld [smem:$0x3FFD];
	_ =	sdelay $0x3  }
0x93: {  	_ =	strace s0  }
0x94: {  	_ =	strace $0x8FFFFFFF  }
0x95: {  	s16 =	sld [smem:$0x3FDB];
	_ =	sdelay $0x1  }
0x96: {  	s17 =	simm.s32 $_scs_section_size  }
0x97: {  	s2 =	simm.s32 $_size__tile_overlayer_lowered;
	s3 =	simm.s32 $_tile_overlayer_lowered  }
0x98: {  	s20 =	simm.s32 $0x1BFF;
	s19 =	sshll.u32 s3, $0x1;
	s0 =	sadd.s32 s17, s16  }
0x99: {  	s4 =	simm.s32 $0x0;
	s18 =	sshll.u32 s2, $0x1;
	s2 =	sadd.s32 s19, s0  }
0x9a: {  	[timem:s4], [sflag:s20] =	dma.local [hbm:s2], s18  }
0x9b: {  	_ =	swait.ge [sflag:s20], s18  }
0x9c: {  	s1 =	ssub.s32 $0x0, s18;
	[sflag:s20] =	ssyncset.done $0x0  }
0x9d: {  	[sflag:s20] =	ssyncadd.s32 s1;
	_ =	sdelay $0x1  }
0x9e: {  	s21 =	simm.s32 $0x1B8B  }
0x9f: {  	_ =	swait.ge [sflag:s21], $0x1  }
0xa0: {  	[sflag:s21] =	ssyncset.done $0x0  }
0xa1: {  	s23 =	simm.s32 $0x1B8E;
	s22 =	sld [smem:$0x3FFE];
	[sflag:s21] =	ssyncadd.s32 $0xFFFFFFFF  }
0xa2: {  	s24 =	simm.s32 $execute0_lowered;
	[smem:$0x3FD2] =	sst s23  }
0xa3: {  	s2 =	sshll.u32 s24, $0x1;
	_ =	strace $0x8000004F;
	[dreg:$0x1] =	wrdreg $0xFFFFFFFF  }
0xa4: {  	s25 =	simm.s32 $_size_execute0_lowered;
	s0 =	sadd.s32 s0, s2;
	[dreg:$0x0] =	wrdreg $0x0  }
0xa5: {  	s2 =	sshll.u32 s25, $0x1;
	[dreg:$0x2] =	wrdreg s0  }
0xa6: {  	[dreg:$0x3] =	wrdreg s2  }
0xa7: {  	[dreg:$0x4] =	wrdreg $0xC0  }
0xa8: {  	_ =	task [dreg:s4], $0x5FFFF  }
0xa9: {  	[dreg:$0x1] =	wrdreg $0xFFFFFFFF  }
0xaa: {  	[dreg:$0x0] =	wrdreg $0x60  }
0xab: {  	[dreg:$0x2] =	wrdreg s22  }
0xac: {  	[dreg:$0x3] =	wrdreg $0x9  }
0xad: {  	_ =	task.clear_ibuf [dreg:s4], $0x4FFFF;
	_ =	strace $0x9000004F  }
0xae: {  	s26 =	simm.s32 $0x9;
	_ =	strace $0x80000051  }
0xaf: {  	_ =	swait.ge [sflag:s26], $0x1  }
0xb0: {  	[sflag:s26] =	ssyncadd.s32 $0xFFFFFFFF  }
0xb1: {  	_ =	strace $0x90000051  }
0xb2: {  	_ =	sfence  }
0xb3: {  	s28 =	sld [smem:$0x0];
	_ =	sdelay $0x1  }
0xb4: {  	s29 =	srdreg.scid  }
0xb5: {  	s30 =	sshll.u32 s29, $0xD;
	s31 =	sshrl.u32 s29, $0x2  }
0xb6: {  	s1 =	sand.u32 $0x1, s29;
	s2 =	sand.u32 $0x4000, s30;
	s0 =	sadd.s32 s31, s28  }
0xb7: {  	s1 =	sor.u32 s2, s1;
	s0 =	sshll.u32 s0, $0x11  }
0xb8: {  	s0 =	sor.u32 s0, s1  }
0xb9: {  	s0 =	sadd.s32 $0x8F2B, s0  }
0xba: {  	[sflag:s0] =	ssyncadd.remote.s32 $0x1  }
0xbb: {  	_ =	sfence.sel $0xFFFF  }
0xbc: {  	[dreg:$0x0] =	wrdreg $0xFFFFFFFF;
	(pc) =	sbr.abs _section_cstart, $3  }
0xbd: {  	[dreg:$0x1] =	wrdreg $0xFFFFFFFF  }
0xbe: {  	_ =	task.clear_ibuf [dreg:s4], $0x2FFFF;
	_ =	strace $0x9FFFFFFF  }
0xbf: {  	(tm) =	ssettm $0x7FFFFFFF  }
tec
execute0_lowered:
.L_overlay_start_1:
0x0: {  	(tag) =	ssettag $0x1  }
0x1: {  	s8 =	rddreg [dreg:$0x0]  }
0x2: {  	s0 =	rddreg [dreg:$0x1];
	_ =	strace $0x80000050  }
0x3: {  	s4 =	simm.s32 $0x1;
	s1 =	stileid.u32;
	s7 =	simm.s32 $0x1  }
0x4: {  	s9 =	simm.s32 $0x1;
	s6 =	simm.s32 $0x2;
	s10 =	simm.s32 $0x3  }
0x5: {  	s13 =	simm.s32 $0x0;
	s12 =	simm.s32 $0x0;
	s2 =	sadd.s32 $0x2400, s8  }
.Ltmp0:
0x6: {  	s3 =	sadd.s32 $0x2000, s8;
	p0 =	slt.u32 s1, $0xA;
	(pc) =	sbr.rel .LBB2_1-.Ltmp0, $4  }
0x7: {  	[sflag:s4] =	ssyncpa.u1 $0x0;
	s7 =	simm.s32 @!p0 $0x0;
	p0 =	sne.s32 s1, $0x9  }
0x8: {  	s5 =	smul.u32 $0xF0, s1;
	[sflag:s6] =	ssyncpa.u1 $0x0;
	s9 =	simm.s32 @!p0 $0x0  }
0x9: {  	s8 =	sadd.s32 $0x4400, s8;
	[sflag:s10] =	ssyncpa.u1 $0x0;
	s7 =	sadd.s32 s9, s7  }
0xa: {  	vm0 =	vmmov $0xffff;
	s10 =	simm.s32 $0x0;
	s11 =	smov.u32 s5;
	s9 =	sadd.s32 $0x1, s7  }
.LBB2_4:
0xb: {  	v2 =	vnsel vm1, $0x0, v2  }
0xc: {  	vm1 =	vgt.s32 v0, $0x0;
	v2 =	vmin.u32 v2, $0xFFFF  }
0xd: {  	v0 =	vnsel vm1, $0x0, v0  }
0xe: {  	v0 =	vmin.u32 v0, $0xFFFF  }
0xf: {  	[tilespmem:s18], [sflag:$0x1] =	stream.indirect_vreg.gather [hbm4b:s2+s10], $0x1, v1, vm0, $0x4038;
	[tilespmem:$0x3C0] =	vst v63  }
0x10: {  	(ifvalue) =	ssetifvalue $0x7FFFFFFF  }
0x11: {  	[tilespmem:s15], [sflag:$0x1] =	stream.indirect_vreg.gather [hbm4b:s2+s10], $0x1, v2, vm0, $0x4038;
	[tilespmem:$0x3C0] =	vst v63  }
0x12: {  	s29 =	sadd.s32 $0x10, s15;
	(ifvalue) =	ssetifvalue $0x7FFFFFFF  }
0x13: {  	[tilespmem:s29], [sflag:$0x1] =	stream.indirect_vreg.gather [hbm4b:s2+s10], $0x1, v0, vm0, $0x4038;
	[tilespmem:$0x3C0] =	vst v63  }
0x14: {  	_ =	swait.ge [sflag:s4], $0xF0  }
0x15: {  	s30 =	sshrl.u32 s13, $0x3;
	[sflag:s4] =	ssyncset.done $0x0  }
0x16: {  	s31 =	sand.u32 $0x7, s13;
	s15 =	sadd.s32 s8, s30;
	[sflag:s4] =	ssyncadd.s32 $0xFFFFFF10  }
0x17: {  	[hbm4b:s15+s31] =	stream.linear.scatter [tilespmem:s14], [sflag:$0x3], $0xF0, $0x38;
	[tilespmem:$0x3C0] =	vst v63  }
.LBB2_5:
0x18: {  	s15 =	sadd.s32 $0xF00, s11  }
0x19: {  	p1 =	sgt.s32 s15, $0x176F  }
0x1a: {  	s15 =	smov.u32 @p1 s5;
	p1 =	sne.s32 s12, s9  }
.Ltmp1:
0x1b: {  	p0 =	slt.u32 s12, $0x2;
	(pc) =	sbr.rel @!p1 .LBB2_6-.Ltmp1, $4  }
0x1c: {  	s14 =	simm.s32 @!p0 $0x3  }
0x1d: {  	_ =	swait.ge @!p0 [sflag:s14], $0xF0  }
0x1e: {  	s16 =	sadd.s32 $0x1, s12;
	s13 =	smov.u32 s11;
	[sflag:s14] =	ssyncset.done @!p0 $0x0  }
0x1f: {  	s12 =	smov.u32 s16;
	s11 =	smov.u32 s15;
	[sflag:s14] =	ssyncadd.s32 @!p0 $0xFFFFFF10  }
.LBB2_1:
0x20: {  	p0 =	sge.u32 s12, s7  }
0x21: {  	s14 =	sxor.u32 @!p0 $0x1, s12  }
0x22: {  	s14 =	smul.u32 @!p0 $0x3C0, s14  }
0x23: {  	s31 =	sadd.s32 $0xFFFFFFFF, s12;
	s15 =	sshrl.u32 @!p0 s11, $0x3  }
0x24: {  	s16 =	sand.u32 @!p0 $0x7, s11;
	s15 =	sadd.s32 @!p0 s3, s15;
	s14 =	sshra.s32 @!p0 s14, $0x2  }
0x25: {  	[tilespmem:s14], [sflag:$0x2] =	stream.linear.gather @!p0 [hbm4b:s15+s16], $0xF0, $0x38;
	[tilespmem:$0x3C0] =	vst v63  }
0x26: {  	p0 =	sge.u32 s31, s7  }
.Ltmp2:
0x27: {  	_ = 	snop;
	(pc) =	sbr.rel @p0 .LBB2_5-.Ltmp2, $1  }
0x28: {  	_ =	sdelay $0x3  }
0x29: {  	s14 =	sand.u32 $0x1, s12  }
0x2a: {  	_ =	swait.ge [sflag:s6], $0xF0;
	p0 =	seq.s32 s14, $0x1;
	s14 =	simm.s32 $0xF0  }
0x2b: {  	[sflag:s6] =	ssyncset.done $0x0;
	s14 =	simm.s32 @!p0 $0x0  }
0x2c: {  	[sflag:s6] =	ssyncadd.s32 $0xFFFFFF10;
	(ifvalue) =	ssetifvalue $0x7FFFFFFF;
	v0 =	vld.msk [tilespmem:s14+$0x0 ss:$0x1], $0xffff;
	_ =	sdelay $0x4  }
0x2d: {  	s15 =	sadd.s32 $0x10, s14;
	vm1 =	vgt.s32 v0, $0x0  }
0x2e: {  	v2 =	vld.msk [tilespmem:s15+$0x0 ss:$0x1], $0xffff;
	v1 =	vnsel vm1, $0x0, v0  }
0x2f: {  	v1 =	vmin.u32 v1, $0xFFFF;
	_ =	sdelay $0x2  }
0x30: {  	s17 =	simm.s32 $0x20;
	s14 =	sadd.s32 $0x1E0, s14;
	s16 =	sadd.s32 $0x10, s15  }
0x31: {  	s15 =	sadd.s32 $0x10, s14;
	s18 =	smov.u32 s14;
	v0 =	vld.msk [tilespmem:s16+$0x0 ss:$0x1], $0xffff;
	vm1 =	vgt.s32 v2, $0x0;
	(ifvalue) =	ssetifvalue $0x7FFFFFFF  }
.LBB2_3:
0x32: {  	[tilespmem:s18], [sflag:$0x1] =	stream.indirect_vreg.gather [hbm4b:s2+s10], $0x1, v1, vm0, $0x4038;
	[tilespmem:$0x3C0] =	vst v63  }
0x33: {  	s17 =	sadd.s32 $0x10, s17  }
0x34: {  	v2 =	vnsel vm1, $0x0, v2;
	p0 =	slt.u32 s17, $0xE0  }
.Ltmp3:
0x35: {  	s18 =	smov.u32 s15;
	v1 =	vmin.u32 v2, $0xFFFF;
	(pc) =	sbr.rel @p0 .LBB2_3-.Ltmp3, $3  }
0x36: {  	_ =	sdelay $0x1  }
0x37: {  	s16 =	sadd.s32 $0x10, s16  }
0x38: {  	vm1 =	vgt.s32 v0, $0x0;
	s15 =	sadd.s32 $0x10, s15;
	v2 =	vmov v0;
	(ifvalue) =	ssetifvalue $0x7FFFFFFF;
	v0 =	vld.msk [tilespmem:s16+$0x0 ss:$0x1], $0xffff  }
.Ltmp4:
0x39: {  	_ = 	snop;
	(pc) =	sbr.rel .LBB2_4-.Ltmp4, $1  }
0x3a: {  	_ =	sdelay $0x3  }
.LBB2_6:
0x3b: {  	_ =	sfence.sel $0x180000  }
0x3c: {  	s2 =	simm.s32 $0x2;
	[bflag:$0x0] =	sbarrier.arrive $0xFFFF  }
0x3d: {  	s30 =	simm.s32 $0x3;
	[sflag:s2] =	ssyncpa.u1 $0x1  }
0x3e: {  	s31 =	simm.s32 $0x1;
	[sflag:s30] =	ssyncpa.u1 $0x1  }
0x3f: {  	[sflag:s31] =	ssyncpa.u1 $0x1  }
0x40: {  	p0 =	sne.s32 s1, $0x0;
	_ =	strace $0x90000050  }
0x41: {  	s0 =	sadd.s32 @!p0 $0x100000, s0;
	[bflag:$0x2] =	sbarrier.arrive $0xFFFF  }
0x42: {  	[sflag:s0] =	ssyncadd.tile.s32 @!p0 $0x1;
	_ =	shalt  }
.Lfunc_end2:
_tile_overlayer_lowered:
.L_overlay_start_2:
0x43: {  	(tag) =	ssettag $0x2  }
0x44: {  	s0 =	rddreg [dreg:$0x0];
	s2 =	stileid.u32  }
0x45: {  	s1 =	rddreg [dreg:$0x1];
	p0 =	sne.s32 s2, $0x0  }
0x46: {  	s3 =	rddreg [dreg:$0x2];
	[bflag:$0x3] =	sbarrier.arrive $0xFFFF;
	s2 =	simm.s32 @!p0 $0x1C01  }
0x47: {  	[timem:s3], [sflag:s2] =	dma.local @!p0 [hbm:s0], s1  }
0x48: {  	s0 =	simm.s32 @!p0 $0x1  }
0x49: {  	_ =	swait.ge @!p0 [sflag:s0], s1  }
0x4a: {  	s1 =	ssub.s32 @!p0 $0x0, s1;
	[sflag:s0] =	ssyncset.done @!p0 $0x0  }
0x4b: {  	[sflag:s0] =	ssyncadd.s32 @!p0 s1  }
0x4c: {  	[bflag:$0x3] =	sbarrier.arrive $0xFFFF  }
0x4d: {  	_ =	shalt  }

// kernel: kernel.11.cloned.1.call-start
scs
__scs_entry_jumppad:
0x0: {  	(pc) =	sbr.rel $0x88, $3  }
0x1: {  	(tag) =	ssettag $0x0;
	lr =	simm.s32 $0x1  }
0x2: {  	[smem:$0x3F97] =	sst lr;
	_ =	strace $0xD0000000  }
0x3: {  	_ = 	snop  }
0x4: {  	_ = 	snop  }
0x5: {  	_ = 	snop  }
0x6: {  	_ = 	snop  }
0x7: {  	_ = 	snop  }
__scs_overlays_trampoline_lowered:
0x8: {  	[smem:$0x3FA6] =	sst s0  }
0x9: {  	[smem:$0x3FA7] =	sst s1  }
0xa: {  	[smem:$0x3FA8] =	sst s2  }
0xb: {  	[smem:$0x3FA9] =	sst s3  }
0xc: {  	[smem:$0x3FAA] =	sst s4  }
0xd: {  	[smem:$0x3FAB] =	sst s5  }
0xe: {  	[smem:$0x3FAC] =	sst s6  }
0xf: {  	[smem:$0x3FAD] =	sst s7  }
0x10: {  	[smem:$0x3FAE] =	sst s8  }
0x11: {  	[smem:$0x3FAF] =	sst s9;
	s0 =	simm.s32 @!p0 $0x0  }
0x12: {  	s1 =	sld [smem:$0x3F95];
	s0 =	simm.s32 @p0 $0x1  }
0x13: {  	[smem:$0x3FB0] =	sst s0;
	s0 =	simm.s32 @!p1 $0x0  }
0x14: {  	s2 =	sld [smem:$0x3F94];
	s0 =	simm.s32 @p1 $0x1  }
0x15: {  	[smem:$0x3FB1] =	sst s0;
	s0 =	simm.s32 @!p2 $0x0  }
0x16: {  	s3 =	sld [smem:$0x3FDB];
	s0 =	simm.s32 @p2 $0x1  }
0x17: {  	s4 =	simm.s32 $0x1BF5;
	[smem:$0x3FB3] =	sst s0  }
0x18: {  	s0 =	sld [smem:$0x3F96];
	_ =	swait.ge [sflag:s4], $0x0  }
0x19: {  	s7 =	sld [smem:$0x3F97]  }
0x1a: {  	s8 =	sadd.s32 $0xFFFFE003, lr  }
0x1b: {  	s9 =	sadd.s32 $0xFFFFFEF7, lr;
	s5 =	simm.s32 $0xFFFFFFFF;
	p2 =	slt.u32 s8, $0xFFFFF086  }
0x1c: {  	p1 =	slt.u32 s9, $0xF7A;
	s5 =	simm.s32 @!p2 $0x0  }
0x1d: {  	s5 =	simm.s32 @p1 $0x1;
	p0 =	seq.s32 s7, s2  }
0x1e: {  	s7 =	smul.u32 @!p0 $0xF7A, s2;
	p2 =	seq.s32 @!p0 s5, $0x0  }
0x1f: {  	s9 =	smul.u32 $0xF7A, s1;
	s8 =	simm.s32 @!p0 $0x1BF5;
	p2 =	por !p2, p0  }
0x20: {  	[sflag:s8] =	ssyncset.s32 @!p0 $0xFFFFF086;
	s6 =	sadd.s32 @!p0 s3, s7;
	s7 =	simm.s32 @!p0 $0x108  }
0x21: {  	s3 =	sadd.s32 s3, s9;
	s6 =	sadd.s32 @!p0 $0x88, s6;
	s7 =	simm.s32 @p2 $0x1082  }
0x22: {  	[simem:s7], [sflag:s8] =	dma.local @!p0 [hbm:s6], $0xF7A  }
0x23: {  	s9 =	sor.u32 $0xD0000000, s2;
	s6 =	simm.s32 $0x108;
	_ =	swait.ge @!p0 [sflag:s8], $0x0  }
0x24: {  	s3 =	sadd.s32 $0x88, s3;
	s6 =	simm.s32 @!p1 $0x1082;
	[sflag:s4] =	ssyncset.s32 $0xFFFFF086  }
0x25: {  	[simem:s6], [sflag:s4] =	dma.local [hbm:s3], $0xF7A  }
0x26: {  	[smem:$0x3F97] =	sst s1;
	(tag) =	ssettag s2;
	_ =	strace s9  }
0x27: {  	s1 =	sld [smem:$0x3FA7]  }
0x28: {  	s2 =	sld [smem:$0x3FA8]  }
0x29: {  	s4 =	sld [smem:$0x3FAA]  }
0x2a: {  	p0 =	seq.s32 s5, $0x0;
	s5 =	sld [smem:$0x3FAB]  }
0x2b: {  	s6 =	sld [smem:$0x3FAC]  }
0x2c: {  	s7 =	sld [smem:$0x3FAD]  }
0x2d: {  	s3 =	simm.s32 $0x108;
	s8 =	sld [smem:$0x3FAE]  }
0x2e: {  	s3 =	simm.s32 @!p0 $0x1082;
	s9 =	sld [smem:$0x3FAF]  }
0x2f: {  	lr =	sadd.s32 s0, s3;
	s0 =	sld [smem:$0x3FA6]  }
0x30: {  	s3 =	sld [smem:$0x3FA9]  }
0x31: {  	[smem:$0x3FB2] =	sst s10  }
0x32: {  	s10 =	sld [smem:$0x3FB0];
	_ =	sdelay $0x3  }
0x33: {  	p0 =	seq.s32 s10, $0x1;
	s10 =	sld [smem:$0x3FB2];
	_ =	sdelay $0x3  }
0x34: {  	[smem:$0x3FB2] =	sst s10  }
0x35: {  	s10 =	sld [smem:$0x3FB1];
	_ =	sdelay $0x3  }
0x36: {  	p1 =	seq.s32 s10, $0x1;
	s10 =	sld [smem:$0x3FB2];
	_ =	sdelay $0x3  }
0x37: {  	[smem:$0x3FB2] =	sst s10  }
0x38: {  	s10 =	sld [smem:$0x3FB3]  }
0x39: {  	_ = 	snop;
	(pc) =	sbr.ind lr, $3  }
0x3a: {  	_ = 	snop  }
0x3b: {  	_ = 	snop  }
0x3c: {  	p2 =	seq.s32 s10, $0x1;
	s10 =	sld [smem:$0x3FB2]  }
0x3d: {  	_ =	shalt  }
0x3e: {  	_ =	shalt  }
0x3f: {  	_ =	shalt  }
0x40: {  	_ =	shalt  }
0x41: {  	_ =	shalt  }
0x42: {  	_ =	shalt  }
0x43: {  	_ =	shalt  }
0x44: {  	_ =	shalt  }
0x45: {  	_ =	shalt  }
0x46: {  	_ =	shalt  }
0x47: {  	_ =	shalt  }
0x48: {  	_ =	shalt  }
0x49: {  	_ =	shalt  }
0x4a: {  	_ =	shalt  }
0x4b: {  	_ =	shalt  }
0x4c: {  	_ =	shalt  }
0x4d: {  	_ =	shalt  }
0x4e: {  	_ =	shalt  }
0x4f: {  	_ =	shalt  }
0x50: {  	_ =	shalt  }
0x51: {  	_ =	shalt  }
0x52: {  	_ =	shalt  }
0x53: {  	_ =	shalt  }
0x54: {  	_ =	shalt  }
0x55: {  	_ =	shalt  }
0x56: {  	_ =	shalt  }
0x57: {  	_ =	shalt  }
0x58: {  	_ =	shalt  }
0x59: {  	_ =	shalt  }
0x5a: {  	_ =	shalt  }
0x5b: {  	_ =	shalt  }
0x5c: {  	_ =	shalt  }
0x5d: {  	_ =	shalt  }
0x5e: {  	_ =	shalt  }
0x5f: {  	_ =	shalt  }
0x60: {  	_ =	shalt  }
0x61: {  	_ =	shalt  }
0x62: {  	_ =	shalt  }
0x63: {  	_ =	shalt  }
0x64: {  	_ =	shalt  }
0x65: {  	_ =	shalt  }
0x66: {  	_ =	shalt  }
0x67: {  	_ =	shalt  }
0x68: {  	_ =	shalt  }
0x69: {  	_ =	shalt  }
0x6a: {  	_ =	shalt  }
0x6b: {  	_ =	shalt  }
0x6c: {  	_ =	shalt  }
0x6d: {  	_ =	shalt  }
0x6e: {  	_ =	shalt  }
0x6f: {  	_ =	shalt  }
0x70: {  	_ =	shalt  }
0x71: {  	_ =	shalt  }
0x72: {  	_ =	shalt  }
0x73: {  	_ =	shalt  }
0x74: {  	_ =	shalt  }
0x75: {  	_ =	shalt  }
0x76: {  	_ =	shalt  }
0x77: {  	_ =	shalt  }
0x78: {  	_ =	shalt  }
0x79: {  	_ =	shalt  }
0x7a: {  	_ =	shalt  }
0x7b: {  	_ =	shalt  }
0x7c: {  	_ =	shalt  }
0x7d: {  	_ =	shalt  }
0x7e: {  	_ =	shalt  }
0x7f: {  	_ =	shalt  }
0x80: {  	_ =	shalt  }
0x81: {  	_ =	shalt  }
0x82: {  	_ =	shalt  }
0x83: {  	_ =	shalt  }
0x84: {  	_ =	shalt  }
0x85: {  	_ =	shalt  }
0x86: {  	_ =	shalt  }
0x87: {  	_ =	shalt  }
.Lfunc_end0:
.L_simem_size_0:
called_computation.10_lowered:
.L_overlay_start_0:
0x88: {  	s2 =	sld [smem:$0x3FD9]  }
0x89: {  	s3 =	sld [smem:$0x3FFE];
	_ =	sdelay $0x1  }
0x8a: {  	s1 =	srdreg.scid  }
0x8b: {  	s0 =	sand.u32 $0x1, s1  }
0x8c: {  	s14 =	sshll.u32 s0, $0xA;
	s2 =	sadd.s32 s3, s2  }
0x8d: {  	s2 =	sadd.s32 s2, s14  }
0x8e: {  	[smem:$0x3FBE] =	sst s2  }
0x8f: {  	_ = 	snop  }
0x90: {  	s2 =	sld [smem:$0x3FD0];
	_ =	sdelay $0x2  }
0x91: {  	s15 =	simm.s32 $0xB;
	s4 =	simm.s32 $0x10  }
0x92: {  	[smem:s4], [sflag:s15] =	dma.local [hbm:s2], $0x1  }
0x93: {  	_ =	swait.eq [sflag:s15], $0x1  }
0x94: {  	[sflag:s15] =	ssyncset.done $0x0  }
0x95: {  	[sflag:s15] =	ssyncadd.s32 $0xFFFFFFFF  }
0x96: {  	s16 =	sld [smem:$0x11];
	(tm) =	ssettm $0x1  }
0x97: {  	s17 =	sld [smem:$0x3FFB];
	_ =	sdelay $0x3  }
0x98: {  	_ =	strace s17  }
0x99: {  	s3 =	sld [smem:$0x3FFC];
	_ =	sdelay $0x3  }
0x9a: {  	_ =	strace s3  }
0x9b: {  	s3 =	sld [smem:$0x3FFD];
	_ =	sdelay $0x3  }
0x9c: {  	_ =	strace s3  }
0x9d: {  	_ =	strace $0x8FFFFFFF  }
0x9e: {  	s18 =	sld [smem:$0x3FDB];
	_ =	sdelay $0x1  }
0x9f: {  	s19 =	simm.s32 $_scs_section_size  }
0xa0: {  	s5 =	simm.s32 $_size__tile_overlayer_lowered;
	s6 =	simm.s32 $_tile_overlayer_lowered  }
0xa1: {  	s22 =	simm.s32 $0x1BFF;
	s21 =	sshll.u32 s6, $0x1;
	s3 =	sadd.s32 s19, s18  }
0xa2: {  	s7 =	simm.s32 $0x0;
	s20 =	sshll.u32 s5, $0x1;
	s5 =	sadd.s32 s21, s3  }
0xa3: {  	[timem:s7], [sflag:s22] =	dma.local [hbm:s5], s20  }
0xa4: {  	_ =	swait.ge [sflag:s22], s20  }
0xa5: {  	s4 =	ssub.s32 $0x0, s20;
	[sflag:s22] =	ssyncset.done $0x0  }
0xa6: {  	[sflag:s22] =	ssyncadd.s32 s4;
	_ =	sdelay $0x1  }
0xa7: {  	s23 =	simm.s32 $0x1B8B  }
0xa8: {  	_ =	swait.ge [sflag:s23], $0x1  }
0xa9: {  	[sflag:s23] =	ssyncset.done $0x0  }
0xaa: {  	s25 =	simm.s32 $0x1B8E;
	s24 =	sld [smem:$0x3FFE];
	[sflag:s23] =	ssyncadd.s32 $0xFFFFFFFF  }
0xab: {  	s26 =	simm.s32 $execute0_lowered;
	[smem:$0x3FD2] =	sst s25  }
0xac: {  	s5 =	sshll.u32 s26, $0x1;
	_ =	strace $0x80000049;
	[dreg:$0x1] =	wrdreg $0xFFFFFFFF  }
0xad: {  	s28 =	simm.s32 $_size_execute0_lowered;
	s3 =	sadd.s32 s3, s5;
	[dreg:$0x0] =	wrdreg $0x0  }
0xae: {  	s5 =	sshll.u32 s28, $0x1;
	[dreg:$0x2] =	wrdreg s3  }
0xaf: {  	[dreg:$0x3] =	wrdreg s5  }
0xb0: {  	[dreg:$0x4] =	wrdreg $0xC0  }
0xb1: {  	_ =	task [dreg:s7], $0x5FFFF  }
0xb2: {  	[dreg:$0x1] =	wrdreg $0xFFFFFFFF  }
0xb3: {  	[dreg:$0x0] =	wrdreg $0x60  }
0xb4: {  	[dreg:$0x2] =	wrdreg s24  }
0xb5: {  	[dreg:$0x3] =	wrdreg s16  }
0xb6: {  	[dreg:$0x4] =	wrdreg $0x9  }
0xb7: {  	_ =	task.clear_ibuf [dreg:s7], $0x5FFFF;
	_ =	strace $0x90000049  }
0xb8: {  	s29 =	simm.s32 $0x9;
	_ =	strace $0x8000004B  }
0xb9: {  	_ =	swait.ge [sflag:s29], $0x1  }
0xba: {  	[sflag:s29] =	ssyncadd.s32 $0xFFFFFFFF  }
0xbb: {  	_ =	strace $0x9000004B  }
0xbc: {  	_ =	sfence  }
0xbd: {  	s30 =	sld [smem:$0x0];
	_ =	sdelay $0x2  }
0xbe: {  	s31 =	sshll.u32 s1, $0xD;
	s1 =	sshrl.u32 s1, $0x2  }
0xbf: {  	s3 =	sand.u32 $0x4000, s31;
	s1 =	sadd.s32 s1, s30  }
0xc0: {  	s0 =	sor.u32 s3, s0;
	s1 =	sshll.u32 s1, $0x11  }
0xc1: {  	s0 =	sor.u32 s1, s0  }
0xc2: {  	s0 =	sadd.s32 $0x8F2B, s0  }
0xc3: {  	[sflag:s0] =	ssyncadd.remote.s32 $0x1  }
0xc4: {  	_ =	sfence.sel $0xFFFF  }
0xc5: {  	[dreg:$0x0] =	wrdreg $0xFFFFFFFF;
	(pc) =	sbr.abs _section_cstart, $3  }
0xc6: {  	[dreg:$0x1] =	wrdreg $0xFFFFFFFF  }
0xc7: {  	_ =	task.clear_ibuf [dreg:s7], $0x2FFFF;
	_ =	strace $0x9FFFFFFF  }
0xc8: {  	(tm) =	ssettm $0x7FFFFFFF  }
0xc9: {  	_ =	shalt  }
tec
execute0_lowered:
.L_overlay_start_1:
0x0: {  	(tag) =	ssettag $0x1  }
0x1: {  	s1 =	rddreg [dreg:$0x0];
	s3 =	srdreg.scid  }
0x2: {  	s0 =	stileid.u32;
	s2 =	rddreg [dreg:$0x1];
	s12 =	simm.s32 $0x2  }
0x3: {  	s13 =	simm.s32 $0x1;
	s14 =	simm.s32 $0x10;
	s15 =	simm.s32 $0x3A00  }
0x4: {  	s16 =	simm.s32 $0x80;
	s17 =	simm.s32 $0x400;
	s18 =	simm.s32 $0x3B00  }
0x5: {  	s19 =	simm.s32 $0xBB00;
	s20 =	simm.s32 $0x13B00;
	s21 =	simm.s32 $0x0  }
0x6: {  	s7 =	sand.u32 $0x1, s3;
	s4 =	sshll.u32 s0, $0x1;
	s3 =	simm.s32 $0x0  }
0x7: {  	s6 =	sshrl.u32 s0, $0x2;
	s30 =	smul.u32 $0x3200, s0;
	s4 =	sor.u32 s7, s4  }
0x8: {  	[smem:$0x7FF] =	sst s3;
	s9 =	sshll.u32 s6, $0xA;
	s31 =	smul.u32 $0x1900, s7  }
0x9: {  	s10 =	ssub.s32 $0x2, s7;
	s6 =	sshll.u32 s6, $0x12;
	s5 =	smul.u32 $0x1900, s4  }
0xa: {  	_ =	strace $0x8000004A;
	s4 =	sshll.u32 s4, $0x7;
	s11 =	sshrl.u32 s10, $0x1  }
0xb: {  	s8 =	sand.u32 $0x380, s4;
	s4 =	sadd.s32 $0x366400, s1;
	s10 =	ssub.s32 s10, s11  }
.Ltmp0:
0xc: {  	s11 =	simm.s32 $0x3A80;
	s6 =	sor.u32 s6, s8;
	(pc) =	sbr.rel .LBB2_1-.Ltmp0, $4  }
0xd: {  	s5 =	sshrl.u32 s5, $0x3;
	s9 =	sor.u32 s9, s8;
	s6 =	sshrl.u32 s6, $0x3  }
0xe: {  	s5 =	sadd.s32 s5, s1;
	s9 =	sshrl.u32 s9, $0x3;
	s6 =	sadd.s32 s1, s6  }
0xf: {  	s9 =	sadd.s32 s9, s1;
	s5 =	sadd.s32 $0x320000, s5;
	s7 =	sadd.s32 $0x326600, s6  }
0x10: {  	v0 =	vlaneseq.u32;
	vm0 =	vmxor vm0, vm0;
	s8 =	sadd.s32 $0x326400, s9;
	s9 =	smax.u32 s10, $0x1;
	s10 =	sadd.s32 s31, s30  }
.LBB2_4:
0x11: {  	s24 =	simm.s32 $0x0  }
.LBB2_12:
0x12: {  	v1 =	vmov s24  }
0x13: {  	[tilespmem:$0x13B00] =	vst v1  }
0x14: {  	[hbm4b:s7+s16] =	stream.strided.scatter [tilespmem:s18], [sflag:$0x2], $0x8000, s17, s16, $0x38;
	[tilespmem:$0x13B80] =	vst v63  }
0x15: {  	_ =	swait.ge [sflag:s12], $0x8000  }
0x16: {  	[sflag:s12] =	ssyncset.done $0x0  }
0x17: {  	[sflag:s12] =	ssyncadd.s32 $0xFFFF8000  }
0x18: {  	[hbm4b:s6+s16] =	stream.strided.scatter [tilespmem:s19], [sflag:$0x2], $0x8000, s17, s16, $0x38;
	[tilespmem:$0x13B80] =	vst v63  }
0x19: {  	s21 =	sadd.s32 $0x1, s21;
	_ =	swait.ge [sflag:s12], $0x8000  }
0x1a: {  	p0 =	sne.s32 s21, s9;
	[sflag:s12] =	ssyncset.done $0x0  }
.Ltmp1:
0x1b: {  	[sflag:s12] =	ssyncadd.s32 $0xFFFF8000;
	(pc) =	sbr.rel @!p0 .LBB2_13-.Ltmp1, $4  }
0x1c: {  	[hbm4b:s8+s3] =	stream.linear.scatter [tilespmem:s20], [sflag:$0x2], $0x80, $0x38;
	[tilespmem:$0x13B80] =	vst v63  }
0x1d: {  	_ =	swait.ge [sflag:s12], $0x80  }
0x1e: {  	[sflag:s12] =	ssyncset.done $0x0  }
0x1f: {  	[sflag:s12] =	ssyncadd.s32 $0xFFFFFF80  }
.LBB2_1:
0x20: {  	[tilespmem:s11], [sflag:$0x2] =	stream.linear.gather [hbm4b:s2+s3], $0x80, $0x38;
	[tilespmem:$0x13B80] =	vst v63  }
0x21: {  	_ =	swait.ge [sflag:s12], $0x80  }
0x22: {  	[sflag:s12] =	ssyncset.done $0x0  }
0x23: {  	[sflag:s12] =	ssyncadd.s32 $0xFFFFFF80  }
0x24: {  	v1 =	vld [tilespmem:$0x3A80];
	[tilespmem:s3], [sflag:$0x2] =	stream.linear.gather [hbm4b:s5+s3], $0x1900, $0x38  }
0x25: {  	_ =	swait.ge [sflag:s12], $0x1900  }
0x26: {  	[sflag:s12] =	ssyncset.done $0x0  }
0x27: {  	s1 =	simm.s32 $0x0;
	[sflag:s12] =	ssyncadd.s32 $0xFFFFE700  }
0x28: {  	v2 =	vld [tilespmem:s1+$0x0];
	_ =	sdelay $0x4  }
0x29: {  	vm1 =	vge.u32 v2, v1  }
0x2a: {  	v3 =	vmpcnt.ones.xlane vm1;
	_ =	sdelay $0x1  }
0x2b: {  	v3 =	vxor.u32 $0x80000000, v3  }
0x2c: {  	(xrf0) =	vmax.scan.msk.u32 $0xffff, v3;
	_ =	sdelay $0x5  }
0x2d: {  	v3, _, _ =	vpop (xrf0)  }
0x2e: {  	(v2sf) =	vpush v3, $0xF;
	_ =	sdelay $0xe  }
0x2f: {  	s31 =	spop (v2sf)  }
0x30: {  	s22 =	sxor.u32 $0x80000000, s31  }
0x31: {  	p1 =	slt.s32 s22, $0x1  }
0x32: {  	s24 =	simm.s32 $0x0;
	v3 =	vlaneseq.u32 @!p1  }
0x33: {  	s23 =	smov.u32 s10;
	s1 =	simm.s32 $0x40;
	s22 =	sadd.s32 $0x0, s22;
	vm1 =	vge.u32 @!p1 v2, v1;
	v2 =	vor.u32 @!p1 s10, v3  }
.LBB2_2:
0x34: {  	s25 =	sshra.s32 s1, $0x2;
	s1 =	sadd.s32 $0x40, s1;
	[tilespmem:s24+$0x1900] =	vst.msk @!p1 vm1, v2;
	s24 =	smov.u32 s22  }
0x35: {  	v2 =	vld [tilespmem:s25+$0x0];
	p0 =	sne.s32 s1, $0x6400;
	_ =	sdelay $0x4  }
0x36: {  	vm1 =	vge.u32 v2, v1  }
0x37: {  	v3 =	vmpcnt.ones.xlane vm1;
	_ =	sdelay $0x1  }
0x38: {  	v3 =	vxor.u32 $0x80000000, v3  }
0x39: {  	(xrf0) =	vmax.scan.msk.u32 $0xffff, v3;
	_ =	sdelay $0x5  }
0x3a: {  	v3, _, _ =	vpop (xrf0)  }
0x3b: {  	(v2sf) =	vpush v3, $0xF;
	_ =	sdelay $0xe  }
.Ltmp2:
0x3c: {  	s25 =	spop (v2sf);
	(pc) =	sbr.rel @p0 .LBB2_2-.Ltmp2, $4  }
0x3d: {  	s25 =	sxor.u32 $0x80000000, s25  }
0x3e: {  	p1 =	slt.s32 s25, $0x1;
	s22 =	sadd.s32 s22, s25  }
0x3f: {  	s23 =	sadd.s32 $0x10, s23;
	v3 =	vlaneseq.u32 @!p1  }
0x40: {  	vm1 =	vge.u32 @!p1 v2, v1;
	v2 =	vor.u32 @!p1 s23, v3  }
0x41: {  	s1 =	sadd.s32 $0xF, s22  }
0x42: {  	s23 =	sand.u32 $0xF, s1  }
0x43: {  	s25 =	sshra.s32 s1, $0x1F;
	p0 =	slt.s32 s1, $0x1;
	p2 =	sne.s32 s23, $0x0  }
0x44: {  	s31 =	sshrl.u32 s25, $0x1C;
	p0 =	por !p0, !p2  }
0x45: {  	s23 =	simm.s32 $0x1;
	s1 =	sadd.s32 s31, s1;
	p0 =	por !p0, !p0  }
0x46: {  	s1 =	sshra.s32 s1, $0x4;
	s23 =	simm.s32 @!p0 $0x0  }
0x47: {  	s23 =	ssub.s32 s1, s23  }
0x48: {  	p0 =	slt.s32 s23, $0x1  }
.Ltmp3:
0x49: {  	_ = 	snop;
	(pc) =	sbr.rel @p0 .LBB2_4-.Ltmp3, $2  }
0x4a: {  	_ =	sdelay $0x2  }
0x4b: {  	[tilespmem:s24+$0x1900] =	vst.msk @!p1 vm1, v2  }
0x4c: {  	v2 =	vmov s22;
	s24 =	simm.s32 $0x0;
	s25 =	simm.s32 $0x0  }
.LBB2_6:
0x4d: {  	s26 =	sshll.u32 s25, $0x4  }
0x4e: {  	v3 =	vld [tilespmem:s26+$0x1900];
	_ =	sdelay $0x4  }
0x4f: {  	vm1 =	vgt.s32 v3, $0x0  }
0x50: {  	v4 =	vor.u32 s26, v0;
	v3 =	vnsel vm1, $0x0, v3  }
0x51: {  	vm1 =	vlt.s32 v4, v2;
	v3 =	vmin.u32 v3, $0x31FFF  }
0x52: {  	v3 =	vnsel vm1, $0x0, v3  }
0x53: {  	s28 =	simm.s32 $0x3200;
	[tilespmem:$0x3A00] =	vst v3  }
0x54: {  	[tilespmem:s28], [sflag:$0x1] =	stream.indirect.gather [hbm4b:s4+s14], $0x80, s15, s14, $0xb8;
	[tilespmem:$0x13B80] =	vst v63  }
0x55: {  	_ =	swait.ge [sflag:s13], $0x800  }
0x56: {  	[sflag:s13] =	ssyncset.done $0x0  }
0x57: {  	s29 =	simm.s32 $0x0;
	v3 =	vor.u32 $0x80000000, v3;
	[sflag:s13] =	ssyncadd.s32 $0xFFFFF800  }
.LBB2_7:
0x58: {  	v4 =	vmov s28;
	_ =	sdelay $0x3  }
0x59: {  	s1 =	simm.s32 $0x0  }
0x5a: {  	v5 =	vld.idx.msk [tilespmem:v4+s1+$0x0 ss:$0x1], $0xffff;
	_ =	sdelay $0x2  }
0x5b: {  	s0 =	sor.u32 s26, s29  }
0x5c: {  	vm1 =	vmmov vm0;
	p0 =	slt.s32 s0, s22  }
0x5d: {  	vm1 =	vmneg @p0 vm1;
	vm2 =	vge.u32 v5, v1  }
0x5e: {  	v6 =	vmov s29;
	vm2 =	vmand vm1, vm2  }
0x5f: {  	vm3 =	veq.s32 v6, v0;
	v6 =	vmpcnt.ones.xlane vm2  }
0x60: {  	v7 =	vnsel vm3, $0x80000000, v3  }
0x61: {  	(xrf0) =	vmax.scan.msk.u32 $0xffff, v7;
	v6 =	vxor.u32 $0x80000000, v6  }
0x62: {  	(xrf0) =	vmax.scan.msk.u32 $0xffff, v6;
	_ =	sdelay $0x4  }
0x63: {  	v6, _, _ =	vpop (xrf0)  }
0x64: {  	(v2sf) =	vpush v6, $0xF;
	v6, _, _ =	vpop (xrf0)  }
0x65: {  	(v2sf) =	vpush v6, $0xF;
	_ =	sdelay $0xd  }
0x66: {  	s0 =	spop (v2sf)  }
0x67: {  	s30 =	spop (v2sf)  }
0x68: {  	s31 =	sxor.u32 $0x80000000, s30  }
0x69: {  	p1 =	slt.s32 s31, $0x1  }
0x6a: {  	p0 =	slt.s32 @!p1 s24, $0x7FF0  }
0x6b: {  	s30 =	sshll.u32 s0, $0x7;
	v6 =	vlaneseq.u32 @!p1;
	p0 =	por !p0, p1  }
0x6c: {  	s0 =	sadd.s32 s24, s31;
	v6 =	vor.u32 @!p1 s30, v6;
	s24 =	simm.s32 @p0 $0x7FF0  }
0x6d: {  	s1 =	simm.s32 $0x40;
	[tilespmem:s24+$0x3B00] =	vst.msk @!p1 vm2, v6;
	s31 =	smov.u32 s24;
	s24 =	smov.u32 s0  }
.LBB2_8:
0x6e: {  	s0 =	sshra.s32 s1, $0x2;
	[tilespmem:s31+$0xBB00] =	vst.msk @!p1 vm2, v5;
	s31 =	smov.u32 s24  }
0x6f: {  	s1 =	sadd.s32 $0x40, s1;
	v5 =	vld.idx.msk [tilespmem:v4+s0+$0x0 ss:$0x1], $0xffff  }
0x70: {  	p0 =	sne.s32 s1, $0x200;
	_ =	sdelay $0x4  }
0x71: {  	vm2 =	vge.u32 v5, v1  }
0x72: {  	vm2 =	vmand vm1, vm2  }
0x73: {  	v6 =	vmpcnt.ones.xlane vm2;
	_ =	sdelay $0x1  }
0x74: {  	v6 =	vxor.u32 $0x80000000, v6  }
0x75: {  	(xrf0) =	vmax.scan.msk.u32 $0xffff, v6;
	_ =	sdelay $0x5  }
0x76: {  	v6, _, _ =	vpop (xrf0)  }
0x77: {  	(v2sf) =	vpush v6, $0xF;
	_ =	sdelay $0xe  }
0x78: {  	s0 =	spop (v2sf)  }
0x79: {  	s0 =	sxor.u32 $0x80000000, s0  }
.Ltmp4:
0x7a: {  	p1 =	slt.s32 s0, $0x1;
	s24 =	sadd.s32 s24, s0;
	(pc) =	sbr.rel @p0 .LBB2_8-.Ltmp4, $4  }
0x7b: {  	p2 =	slt.s32 @!p1 s31, $0x7FF0  }
0x7c: {  	s30 =	sadd.s32 $0x10, s30;
	v6 =	vlaneseq.u32 @!p1;
	p2 =	por !p2, p1  }
0x7d: {  	v6 =	vor.u32 @!p1 s30, v6;
	s31 =	simm.s32 @p2 $0x7FF0  }
0x7e: {  	[tilespmem:s31+$0x3B00] =	vst.msk @!p1 vm2, v6  }
0x7f: {  	s29 =	sadd.s32 $0x1, s29  }
0x80: {  	p0 =	sne.s32 s29, $0x10  }
.Ltmp5:
0x81: {  	_ = 	snop;
	(pc) =	sbr.rel @p0 .LBB2_7-.Ltmp5, $2  }
0x82: {  	_ =	sdelay $0x2  }
0x83: {  	[tilespmem:s31+$0xBB00] =	vst.msk @!p1 vm2, v5;
	s28 =	sadd.s32 $0x80, s28  }
0x84: {  	s25 =	sadd.s32 $0x1, s25  }
0x85: {  	p0 =	sne.s32 s25, s23  }
.Ltmp6:
0x86: {  	_ = 	snop;
	(pc) =	sbr.rel @p0 .LBB2_6-.Ltmp6, $1  }
0x87: {  	_ =	sdelay $0x3  }
.Ltmp7:
0x88: {  	(pc) =	sbr.rel .LBB2_12-.Ltmp7, $3  }
0x89: {  	_ =	sdelay $0x1  }
0x8a: {  	p0 =	slt.s32 s24, $0x8000  }
0x8b: {  	s24 =	simm.s32 @!p0 $0x8000  }
.LBB2_13:
0x8c: {  	_ =	sfence.sel $0x180000  }
0x8d: {  	[bflag:$0x0] =	sbarrier.arrive $0xFFFF  }
0x8e: {  	_ =	strace $0x9000004A  }
0x8f: {  	s0 =	stileid.u32;
	[bflag:$0x2] =	sbarrier.arrive $0xFFFF  }
0x90: {  	p0 =	sne.s32 s0, $0x0;
	s0 =	rddreg [dreg:$0x2]  }
0x91: {  	s0 =	sadd.s32 @!p0 $0x100000, s0  }
0x92: {  	[sflag:s0] =	ssyncadd.tile.s32 @!p0 $0x1;
	_ =	shalt  }
.Lfunc_end2:
_tile_overlayer_lowered:
.L_overlay_start_2:
0x93: {  	(tag) =	ssettag $0x2  }
0x94: {  	s0 =	rddreg [dreg:$0x0];
	s2 =	stileid.u32  }
0x95: {  	s1 =	rddreg [dreg:$0x1];
	p0 =	sne.s32 s2, $0x0  }
0x96: {  	s3 =	rddreg [dreg:$0x2];
	[bflag:$0x3] =	sbarrier.arrive $0xFFFF;
	s2 =	simm.s32 @!p0 $0x1C02  }
0x97: {  	[timem:s3], [sflag:s2] =	dma.local @!p0 [hbm:s0], s1  }
0x98: {  	s0 =	simm.s32 @!p0 $0x2  }
0x99: {  	_ =	swait.ge @!p0 [sflag:s0], s1  }
0x9a: {  	s1 =	ssub.s32 @!p0 $0x0, s1;
	[sflag:s0] =	ssyncset.done @!p0 $0x0  }
0x9b: {  	[sflag:s0] =	ssyncadd.s32 @!p0 s1  }
0x9c: {  	[bflag:$0x3] =	sbarrier.arrive $0xFFFF  }
0x9d: {  	_ =	shalt  }

// kernel: kernel.14.cloned.1.call-start
scs
__scs_entry_jumppad:
0x0: {  	(pc) =	sbr.rel $0x88, $3  }
0x1: {  	(tag) =	ssettag $0x0;
	lr =	simm.s32 $0x1  }
0x2: {  	[smem:$0x3F97] =	sst lr;
	_ =	strace $0xD0000000  }
0x3: {  	_ = 	snop  }
0x4: {  	_ = 	snop  }
0x5: {  	_ = 	snop  }
0x6: {  	_ = 	snop  }
0x7: {  	_ = 	snop  }
__scs_overlays_trampoline_lowered:
0x8: {  	[smem:$0x3FA6] =	sst s0  }
0x9: {  	[smem:$0x3FA7] =	sst s1  }
0xa: {  	[smem:$0x3FA8] =	sst s2  }
0xb: {  	[smem:$0x3FA9] =	sst s3  }
0xc: {  	[smem:$0x3FAA] =	sst s4  }
0xd: {  	[smem:$0x3FAB] =	sst s5  }
0xe: {  	[smem:$0x3FAC] =	sst s6  }
0xf: {  	[smem:$0x3FAD] =	sst s7  }
0x10: {  	[smem:$0x3FAE] =	sst s8  }
0x11: {  	[smem:$0x3FAF] =	sst s9;
	s0 =	simm.s32 @!p0 $0x0  }
0x12: {  	s1 =	sld [smem:$0x3F95];
	s0 =	simm.s32 @p0 $0x1  }
0x13: {  	[smem:$0x3FB0] =	sst s0;
	s0 =	simm.s32 @!p1 $0x0  }
0x14: {  	s2 =	sld [smem:$0x3F94];
	s0 =	simm.s32 @p1 $0x1  }
0x15: {  	[smem:$0x3FB1] =	sst s0;
	s0 =	simm.s32 @!p2 $0x0  }
0x16: {  	s3 =	sld [smem:$0x3FDB];
	s0 =	simm.s32 @p2 $0x1  }
0x17: {  	s4 =	simm.s32 $0x1BF5;
	[smem:$0x3FB3] =	sst s0  }
0x18: {  	s0 =	sld [smem:$0x3F96];
	_ =	swait.ge [sflag:s4], $0x0  }
0x19: {  	s7 =	sld [smem:$0x3F97]  }
0x1a: {  	s8 =	sadd.s32 $0xFFFFE003, lr  }
0x1b: {  	s9 =	sadd.s32 $0xFFFFFEF7, lr;
	s5 =	simm.s32 $0xFFFFFFFF;
	p2 =	slt.u32 s8, $0xFFFFF086  }
0x1c: {  	p1 =	slt.u32 s9, $0xF7A;
	s5 =	simm.s32 @!p2 $0x0  }
0x1d: {  	s5 =	simm.s32 @p1 $0x1;
	p0 =	seq.s32 s7, s2  }
0x1e: {  	s7 =	smul.u32 @!p0 $0xF7A, s2;
	p2 =	seq.s32 @!p0 s5, $0x0  }
0x1f: {  	s9 =	smul.u32 $0xF7A, s1;
	s8 =	simm.s32 @!p0 $0x1BF5;
	p2 =	por !p2, p0  }
0x20: {  	[sflag:s8] =	ssyncset.s32 @!p0 $0xFFFFF086;
	s6 =	sadd.s32 @!p0 s3, s7;
	s7 =	simm.s32 @!p0 $0x108  }
0x21: {  	s3 =	sadd.s32 s3, s9;
	s6 =	sadd.s32 @!p0 $0x88, s6;
	s7 =	simm.s32 @p2 $0x1082  }
0x22: {  	[simem:s7], [sflag:s8] =	dma.local @!p0 [hbm:s6], $0xF7A  }
0x23: {  	s9 =	sor.u32 $0xD0000000, s2;
	s6 =	simm.s32 $0x108;
	_ =	swait.ge @!p0 [sflag:s8], $0x0  }
0x24: {  	s3 =	sadd.s32 $0x88, s3;
	s6 =	simm.s32 @!p1 $0x1082;
	[sflag:s4] =	ssyncset.s32 $0xFFFFF086  }
0x25: {  	[simem:s6], [sflag:s4] =	dma.local [hbm:s3], $0xF7A  }
0x26: {  	[smem:$0x3F97] =	sst s1;
	(tag) =	ssettag s2;
	_ =	strace s9  }
0x27: {  	s1 =	sld [smem:$0x3FA7]  }
0x28: {  	s2 =	sld [smem:$0x3FA8]  }
0x29: {  	s4 =	sld [smem:$0x3FAA]  }
0x2a: {  	p0 =	seq.s32 s5, $0x0;
	s5 =	sld [smem:$0x3FAB]  }
0x2b: {  	s6 =	sld [smem:$0x3FAC]  }
0x2c: {  	s7 =	sld [smem:$0x3FAD]  }
0x2d: {  	s3 =	simm.s32 $0x108;
	s8 =	sld [smem:$0x3FAE]  }
0x2e: {  	s3 =	simm.s32 @!p0 $0x1082;
	s9 =	sld [smem:$0x3FAF]  }
0x2f: {  	lr =	sadd.s32 s0, s3;
	s0 =	sld [smem:$0x3FA6]  }
0x30: {  	s3 =	sld [smem:$0x3FA9]  }
0x31: {  	[smem:$0x3FB2] =	sst s10  }
0x32: {  	s10 =	sld [smem:$0x3FB0];
	_ =	sdelay $0x3  }
0x33: {  	p0 =	seq.s32 s10, $0x1;
	s10 =	sld [smem:$0x3FB2];
	_ =	sdelay $0x3  }
0x34: {  	[smem:$0x3FB2] =	sst s10  }
0x35: {  	s10 =	sld [smem:$0x3FB1];
	_ =	sdelay $0x3  }
0x36: {  	p1 =	seq.s32 s10, $0x1;
	s10 =	sld [smem:$0x3FB2];
	_ =	sdelay $0x3  }
0x37: {  	[smem:$0x3FB2] =	sst s10  }
0x38: {  	s10 =	sld [smem:$0x3FB3]  }
0x39: {  	_ = 	snop;
	(pc) =	sbr.ind lr, $3  }
0x3a: {  	_ = 	snop  }
0x3b: {  	_ = 	snop  }
0x3c: {  	p2 =	seq.s32 s10, $0x1;
	s10 =	sld [smem:$0x3FB2]  }
0x3d: {  	_ =	shalt  }
0x3e: {  	_ =	shalt  }
0x3f: {  	_ =	shalt  }
0x40: {  	_ =	shalt  }
0x41: {  	_ =	shalt  }
0x42: {  	_ =	shalt  }
0x43: {  	_ =	shalt  }
0x44: {  	_ =	shalt  }
0x45: {  	_ =	shalt  }
0x46: {  	_ =	shalt  }
0x47: {  	_ =	shalt  }
0x48: {  	_ =	shalt  }
0x49: {  	_ =	shalt  }
0x4a: {  	_ =	shalt  }
0x4b: {  	_ =	shalt  }
0x4c: {  	_ =	shalt  }
0x4d: {  	_ =	shalt  }
0x4e: {  	_ =	shalt  }
0x4f: {  	_ =	shalt  }
0x50: {  	_ =	shalt  }
0x51: {  	_ =	shalt  }
0x52: {  	_ =	shalt  }
0x53: {  	_ =	shalt  }
0x54: {  	_ =	shalt  }
0x55: {  	_ =	shalt  }
0x56: {  	_ =	shalt  }
0x57: {  	_ =	shalt  }
0x58: {  	_ =	shalt  }
0x59: {  	_ =	shalt  }
0x5a: {  	_ =	shalt  }
0x5b: {  	_ =	shalt  }
0x5c: {  	_ =	shalt  }
0x5d: {  	_ =	shalt  }
0x5e: {  	_ =	shalt  }
0x5f: {  	_ =	shalt  }
0x60: {  	_ =	shalt  }
0x61: {  	_ =	shalt  }
0x62: {  	_ =	shalt  }
0x63: {  	_ =	shalt  }
0x64: {  	_ =	shalt  }
0x65: {  	_ =	shalt  }
0x66: {  	_ =	shalt  }
0x67: {  	_ =	shalt  }
0x68: {  	_ =	shalt  }
0x69: {  	_ =	shalt  }
0x6a: {  	_ =	shalt  }
0x6b: {  	_ =	shalt  }
0x6c: {  	_ =	shalt  }
0x6d: {  	_ =	shalt  }
0x6e: {  	_ =	shalt  }
0x6f: {  	_ =	shalt  }
0x70: {  	_ =	shalt  }
0x71: {  	_ =	shalt  }
0x72: {  	_ =	shalt  }
0x73: {  	_ =	shalt  }
0x74: {  	_ =	shalt  }
0x75: {  	_ =	shalt  }
0x76: {  	_ =	shalt  }
0x77: {  	_ =	shalt  }
0x78: {  	_ =	shalt  }
0x79: {  	_ =	shalt  }
0x7a: {  	_ =	shalt  }
0x7b: {  	_ =	shalt  }
0x7c: {  	_ =	shalt  }
0x7d: {  	_ =	shalt  }
0x7e: {  	_ =	shalt  }
0x7f: {  	_ =	shalt  }
0x80: {  	_ =	shalt  }
0x81: {  	_ =	shalt  }
0x82: {  	_ =	shalt  }
0x83: {  	_ =	shalt  }
0x84: {  	_ =	shalt  }
0x85: {  	_ =	shalt  }
0x86: {  	_ =	shalt  }
0x87: {  	_ =	shalt  }
.Lfunc_end0:
.L_simem_size_0:
called_computation.11_lowered:
.L_overlay_start_0:
0x88: {  	s2 =	sld [smem:$0x3FD9]  }
0x89: {  	s3 =	sld [smem:$0x3FFE];
	_ =	sdelay $0x1  }
0x8a: {  	s1 =	srdreg.scid  }
0x8b: {  	s0 =	sand.u32 $0x1, s1  }
0x8c: {  	s16 =	sshll.u32 s0, $0xA;
	s2 =	sadd.s32 s3, s2  }
0x8d: {  	s2 =	sadd.s32 s2, s16  }
0x8e: {  	[smem:$0x3FBE] =	sst s2  }
0x8f: {  	_ = 	snop  }
0x90: {  	(tm) =	ssettm $0x1  }
0x91: {  	s17 =	sld [smem:$0x3FFB];
	_ =	sdelay $0x3  }
0x92: {  	_ =	strace s17  }
0x93: {  	s2 =	sld [smem:$0x3FFC];
	_ =	sdelay $0x3  }
0x94: {  	_ =	strace s2  }
0x95: {  	s2 =	sld [smem:$0x3FFD];
	_ =	sdelay $0x3  }
0x96: {  	_ =	strace s2  }
0x97: {  	_ =	strace $0x8FFFFFFF  }
0x98: {  	s18 =	sld [smem:$0x3FDB];
	_ =	sdelay $0x1  }
0x99: {  	s19 =	simm.s32 $_scs_section_size  }
0x9a: {  	s4 =	simm.s32 $_size__tile_overlayer_lowered;
	s5 =	simm.s32 $_tile_overlayer_lowered  }
0x9b: {  	s22 =	simm.s32 $0x1BFF;
	s21 =	sshll.u32 s5, $0x1;
	s2 =	sadd.s32 s19, s18  }
0x9c: {  	s6 =	simm.s32 $0x0;
	s20 =	sshll.u32 s4, $0x1;
	s4 =	sadd.s32 s21, s2  }
0x9d: {  	[timem:s6], [sflag:s22] =	dma.local [hbm:s4], s20  }
0x9e: {  	_ =	swait.ge [sflag:s22], s20  }
0x9f: {  	s3 =	ssub.s32 $0x0, s20;
	[sflag:s22] =	ssyncset.done $0x0  }
0xa0: {  	[sflag:s22] =	ssyncadd.s32 s3;
	_ =	sdelay $0x1  }
0xa1: {  	s23 =	simm.s32 $0x1B8B  }
0xa2: {  	_ =	swait.ge [sflag:s23], $0x1  }
0xa3: {  	[sflag:s23] =	ssyncset.done $0x0  }
0xa4: {  	s25 =	simm.s32 $0x1B8E;
	s24 =	sld [smem:$0x3FFE];
	[sflag:s23] =	ssyncadd.s32 $0xFFFFFFFF  }
0xa5: {  	s26 =	simm.s32 $execute0_lowered;
	[smem:$0x3FD2] =	sst s25  }
0xa6: {  	s4 =	sshll.u32 s26, $0x1;
	_ =	strace $0x8000004C;
	[dreg:$0x1] =	wrdreg $0xFFFFFFFF  }
0xa7: {  	s28 =	simm.s32 $_size_execute0_lowered;
	s2 =	sadd.s32 s2, s4;
	[dreg:$0x0] =	wrdreg $0x0  }
0xa8: {  	s4 =	sshll.u32 s28, $0x1;
	[dreg:$0x2] =	wrdreg s2  }
0xa9: {  	[dreg:$0x3] =	wrdreg s4  }
0xaa: {  	[dreg:$0x4] =	wrdreg $0xC0  }
0xab: {  	_ =	task [dreg:s6], $0x5FFFF  }
0xac: {  	[dreg:$0x1] =	wrdreg $0xFFFFFFFF  }
0xad: {  	[dreg:$0x0] =	wrdreg $0x60  }
0xae: {  	[dreg:$0x2] =	wrdreg s24  }
0xaf: {  	[dreg:$0x3] =	wrdreg $0x9  }
0xb0: {  	_ =	task.clear_ibuf [dreg:s6], $0x4FFFF;
	_ =	strace $0x9000004C  }
0xb1: {  	s29 =	simm.s32 $0x9;
	_ =	strace $0x8000004E  }
0xb2: {  	_ =	swait.ge [sflag:s29], $0x1  }
0xb3: {  	[sflag:s29] =	ssyncadd.s32 $0xFFFFFFFF  }
0xb4: {  	_ =	strace $0x9000004E  }
0xb5: {  	_ =	sfence  }
0xb6: {  	s30 =	sld [smem:$0x0];
	_ =	sdelay $0x2  }
0xb7: {  	s31 =	sshll.u32 s1, $0xD;
	s1 =	sshrl.u32 s1, $0x2  }
0xb8: {  	s3 =	sand.u32 $0x4000, s31;
	s1 =	sadd.s32 s1, s30  }
0xb9: {  	s0 =	sor.u32 s3, s0;
	s1 =	sshll.u32 s1, $0x11  }
0xba: {  	s0 =	sor.u32 s1, s0  }
0xbb: {  	s0 =	sadd.s32 $0x8F2B, s0  }
0xbc: {  	[sflag:s0] =	ssyncadd.remote.s32 $0x1  }
0xbd: {  	_ =	sfence.sel $0xFFFF  }
0xbe: {  	[dreg:$0x0] =	wrdreg $0xFFFFFFFF;
	(pc) =	sbr.abs _section_cstart, $3  }
0xbf: {  	[dreg:$0x1] =	wrdreg $0xFFFFFFFF  }
0xc0: {  	_ =	task.clear_ibuf [dreg:s6], $0x2FFFF;
	_ =	strace $0x9FFFFFFF  }
0xc1: {  	(tm) =	ssettm $0x7FFFFFFF  }
tec
execute0_lowered:
.L_overlay_start_1:
0x0: {  	(tag) =	ssettag $0x1  }
0x1: {  	s1 =	srdreg.scid  }
0x2: {  	s0 =	stileid.u32;
	s6 =	rddreg [dreg:$0x0];
	s2 =	simm.s32 $0x0  }
0x3: {  	s12 =	simm.s32 $0x10080;
	s13 =	simm.s32 $0x80;
	s15 =	simm.s32 $0x8000  }
0x4: {  	s16 =	simm.s32 $0x0;
	s4 =	sand.u32 $0x1, s1;
	s30 =	sshll.u32 s0, $0x1  }
0x5: {  	s3 =	sshrl.u32 s0, $0x2;
	[smem:$0x7FF] =	sst s2;
	s9 =	sor.u32 s4, s30  }
0x6: {  	s7 =	sshll.u32 s3, $0xA;
	s8 =	sshll.u32 s3, $0x12;
	s3 =	sadd.s32 $0x22600, s6  }
0x7: {  	s10 =	ssub.s32 $0x2, s4;
	s4 =	sadd.s32 $0x20400, s6;
	s1 =	sshll.u32 s9, $0x7  }
0x8: {  	s31 =	sshrl.u32 s10, $0x1;
	s9 =	sshll.u32 s9, $0x4;
	s5 =	sand.u32 $0x380, s1  }
0x9: {  	s1 =	rddreg [dreg:$0x1];
	_ =	strace $0x8000004D;
	s10 =	ssub.s32 s10, s31  }
.Ltmp0:
0xa: {  	s14 =	sor.u32 $0x10000, s9;
	s7 =	sor.u32 s7, s5;
	(pc) =	sbr.rel .LBB2_1-.Ltmp0, $4  }
0xb: {  	v0 =	vlaneseq.u32;
	s5 =	sor.u32 s8, s5;
	s9 =	smax.u32 s10, $0x1;
	s10 =	simm.s32 $0x10000  }
0xc: {  	v1 =	vor.u32 s14, v0;
	s14 =	simm.s32 $0x400;
	s7 =	sshrl.u32 s7, $0x3;
	s11 =	sshrl.u32 s5, $0x3  }
0xd: {  	s7 =	sadd.s32 s7, s6;
	s6 =	sadd.s32 s6, s11;
	s11 =	simm.s32 $0x1  }
0xe: {  	vm0 =	vmmov $0xffff;
	s5 =	sadd.s32 $0x20000, s7;
	s7 =	sadd.s32 $0x20200, s7;
	s8 =	sadd.s32 $0x326600, s6  }
.LBB2_3:
0xf: {  	s20 =	simm.s32 $0x0;
	s19 =	simm.s32 $0x8000;
	v4 =	vmov v6  }
.LBB2_8:
0x10: {  	_ =	sdelay $0x1  }
0x11: {  	s20 =	sadd.s32 @p0 $0x10, s20  }
0x12: {  	[sflag:s11] =	ssyncadd.s32 @p0 $0xFFFFFFF0;
	s17 =	smov.u32 @p0 s20  }
0x13: {  	[hbm4b:s3+s2] =	stream.indirect_vreg.scatter [tilespmem:s17], [sflag:$0x1], $0x1, v6, vm0, $0xb8;
	[tilespmem:$0x10100] =	vst v63  }
0x14: {  	_ =	swait.ge [sflag:s11], $0x10  }
0x15: {  	s17 =	sadd.s32 @p0 $0x10, s19;
	[sflag:s11] =	ssyncset.done $0x0  }
0x16: {  	s18 =	smov.u32 @p0 s17;
	[sflag:s11] =	ssyncadd.s32 $0xFFFFFFF0  }
0x17: {  	[hbm4b:s4+s2] =	stream.indirect_vreg.scatter [tilespmem:s18], [sflag:$0x1], $0x1, v4, vm0, $0xb8;
	[tilespmem:$0x10100] =	vst v63  }
0x18: {  	_ =	swait.ge [sflag:s11], $0x10  }
0x19: {  	[sflag:s11] =	ssyncset.done $0x0  }
0x1a: {  	[sflag:s11] =	ssyncadd.s32 $0xFFFFFFF0  }
.LBB2_9:
0x1b: {  	s16 =	sadd.s32 $0x1, s16  }
0x1c: {  	p0 =	sne.s32 s16, s9  }
.Ltmp1:
0x1d: {  	_ = 	snop;
	(pc) =	sbr.rel @!p0 .LBB2_10-.Ltmp1, $1  }
0x1e: {  	_ =	sdelay $0x3  }
.LBB2_1:
0x1f: {  	[tilespmem:s10], [sflag:$0x1] =	stream.linear.gather [hbm4b:s5+s2], $0x80, $0x38;
	[tilespmem:$0x10100] =	vst v63  }
0x20: {  	_ =	swait.ge [sflag:s11], $0x80  }
0x21: {  	[sflag:s11] =	ssyncset.done $0x0  }
0x22: {  	[sflag:s11] =	ssyncadd.s32 $0xFFFFFF80  }
0x23: {  	[tilespmem:s12], [sflag:$0x1] =	stream.linear.gather [hbm4b:s7+s2], $0x80, $0x38;
	[tilespmem:$0x10100] =	vst v63  }
0x24: {  	_ =	swait.ge [sflag:s11], $0x80  }
0x25: {  	[sflag:s11] =	ssyncset.done $0x0  }
0x26: {  	[sflag:s11] =	ssyncadd.s32 $0xFFFFFF80  }
0x27: {  	v2 =	vld [tilespmem:$0x10080];
	_ =	sdelay $0x4  }
0x28: {  	v2 =	vxor.u32 $0x80000000, v2  }
0x29: {  	(xrf0) =	vmax.scan.msk.u32 $0xffff, v2;
	_ =	sdelay $0x5  }
0x2a: {  	v2, _, _ =	vpop (xrf0)  }
0x2b: {  	(v2sf) =	vpush v2, $0xF;
	_ =	sdelay $0xd  }
0x2c: {  	v2 =	vld [tilespmem:$0x10000];
	[tilespmem:s2], [sflag:$0x1] =	stream.strided.gather [hbm4b:s8+s13], $0x8000, s14, s13, $0x38  }
0x2d: {  	s18 =	spop (v2sf)  }
0x2e: {  	s17 =	sadd.s32 $0x8000000F, s18  }
0x2f: {  	s19 =	sand.u32 $0xF, s17  }
0x30: {  	s31 =	sshra.s32 s17, $0x1F;
	p1 =	slt.s32 s17, $0x1;
	p0 =	sne.s32 s19, $0x0  }
0x31: {  	s19 =	sshrl.u32 s31, $0x1C;
	p0 =	por !p1, !p0  }
0x32: {  	s17 =	sadd.s32 s19, s17;
	s19 =	simm.s32 $0x1;
	p0 =	por !p0, !p0  }
0x33: {  	s17 =	sshra.s32 s17, $0x4;
	s19 =	simm.s32 @!p0 $0x0  }
0x34: {  	_ =	swait.ge [sflag:s11], $0x8000;
	s19 =	ssub.s32 s17, s19  }
0x35: {  	[sflag:s11] =	ssyncset.done $0x0;
	p0 =	slt.s32 s19, $0x1  }
.Ltmp2:
0x36: {  	[sflag:s11] =	ssyncadd.s32 $0xFFFF8000;
	(pc) =	sbr.rel @p0 .LBB2_9-.Ltmp2, $4  }
0x37: {  	[tilespmem:s15], [sflag:$0x1] =	stream.strided.gather [hbm4b:s6+s13], $0x8000, s14, s13, $0x38;
	[tilespmem:$0x10100] =	vst v63  }
0x38: {  	_ =	swait.ge [sflag:s11], $0x8000  }
0x39: {  	[sflag:s11] =	ssyncset.done $0x0  }
0x3a: {  	[sflag:s11] =	ssyncadd.s32 $0xFFFF8000  }
0x3b: {  	v2 =	vxor.u32 $0x80000000, v2  }
0x3c: {  	(xrf0) =	vmax.scan.msk.u32 $0xffff, v2;
	_ =	sdelay $0x5  }
0x3d: {  	v2, _, _ =	vpop (xrf0)  }
0x3e: {  	(v2sf) =	vpush v2, $0xF;
	_ =	sdelay $0xe  }
0x3f: {  	s17 =	spop (v2sf)  }
0x40: {  	p1 =	sne.s32 s19, $0x1;
	s20 =	sxor.u32 $0x80000000, s17;
	s17 =	simm.s32 $0x0  }
.Ltmp3:
0x41: {  	s18 =	sxor.u32 $0x80000000, s18;
	v2 =	vmov s20;
	v4 =	vor.u32 s17, v0;
	(pc) =	sbr.rel @!p1 .LBB2_3-.Ltmp3, $4  }
0x42: {  	v3 =	vmov s18;
	v5 =	vadd.s32 v2, v4  }
0x43: {  	vm1 =	vlt.s32 v4, v3;
	vm2 =	vlt.s32 v5, $0x10000  }
0x44: {  	s19 =	sadd.s32 $0xFFFFFFFF, s19;
	vm1 =	vmand vm1, vm2  }
0x45: {  	p0 =	por $0x0, $0x0;
	s18 =	simm.s32 $0x8000;
	s20 =	simm.s32 $0x10;
	v6 =	vsel vm1, v5, v1  }
0x46: {  	_ =	sdelay $0x2  }
0x47: {  	v4 =	vor.u32 s20, v0  }
0x48: {  	[hbm4b:s3+s2] =	stream.indirect_vreg.scatter [tilespmem:s17], [sflag:$0x1], $0x1, v6, vm0, $0xb8;
	v5 =	vadd.s32 v2, v4;
	[tilespmem:$0x10100] =	vst v63  }
0x49: {  	p1 =	sne.s32 s19, $0x1;
	_ =	swait.ge [sflag:s11], $0x10;
	vm1 =	vlt.s32 v4, v3;
	vm2 =	vlt.s32 v5, $0x10000  }
.Ltmp4:
0x4a: {  	[sflag:s11] =	ssyncset.done $0x0;
	vm1 =	vmand vm1, vm2;
	(pc) =	sbr.rel @!p1 .LBB2_5-.Ltmp4, $4  }
0x4b: {  	s21 =	sadd.s32 $0xFFFFFFFF, s19;
	[sflag:s11] =	ssyncadd.s32 $0xFFFFFFF0;
	v5 =	vsel vm1, v5, v1  }
0x4c: {  	[hbm4b:s4+s2] =	stream.indirect_vreg.scatter [tilespmem:s18], [sflag:$0x1], $0x1, v6, vm0, $0xb8;
	[tilespmem:$0x10100] =	vst v63  }
0x4d: {  	s22 =	simm.s32 $0x20;
	p0 =	por $0x1, $0x1;
	_ =	swait.ge [sflag:s11], $0x10  }
0x4e: {  	s20 =	simm.s32 $0x0;
	s19 =	simm.s32 $0x8000;
	v4 =	vmov v5;
	[sflag:s11] =	ssyncset.done $0x0  }
.LBB2_6:
0x4f: {  	v6 =	vor.u32 s22, v0;
	p1 =	sne.s32 s21, $0x1;
	[sflag:s11] =	ssyncadd.s32 $0xFFFFFFF0;
	s20 =	sadd.s32 $0x10, s20  }
0x50: {  	v7 =	vadd.s32 v2, v6;
	[hbm4b:s3+s2] =	stream.indirect_vreg.scatter [tilespmem:s20], [sflag:$0x1], $0x1, v5, vm0, $0xb8;
	[tilespmem:$0x10100] =	vst v63  }
0x51: {  	s21 =	sadd.s32 $0xFFFFFFFF, s21;
	vm1 =	vlt.s32 v6, v3;
	vm2 =	vlt.s32 v7, $0x10000;
	_ =	swait.ge [sflag:s11], $0x10  }
.Ltmp5:
0x52: {  	vm1 =	vmand vm1, vm2;
	[sflag:s11] =	ssyncset.done $0x0;
	(pc) =	sbr.rel @p1 .LBB2_6-.Ltmp5, $4  }
0x53: {  	s19 =	sadd.s32 $0x10, s19;
	v5 =	vsel vm1, v7, v1;
	[sflag:s11] =	ssyncadd.s32 $0xFFFFFFF0  }
0x54: {  	[hbm4b:s4+s2] =	stream.indirect_vreg.scatter [tilespmem:s19], [sflag:$0x1], $0x1, v4, vm0, $0xb8;
	v4 =	vmov v5;
	[tilespmem:$0x10100] =	vst v63  }
0x55: {  	_ =	swait.ge [sflag:s11], $0x10  }
0x56: {  	s22 =	sadd.s32 $0x10, s22;
	[sflag:s11] =	ssyncset.done $0x0  }
.Ltmp6:
0x57: {  	(pc) =	sbr.rel .LBB2_8-.Ltmp6, $2  }
0x58: {  	_ =	sdelay $0x2  }
0x59: {  	v6 =	vmov v5  }
.LBB2_5:
.Ltmp7:
0x5a: {  	(pc) =	sbr.rel .LBB2_8-.Ltmp7, $2  }
0x5b: {  	_ =	sdelay $0x2  }
0x5c: {  	s20 =	simm.s32 $0x0;
	v6 =	vmov v5;
	s19 =	simm.s32 $0x8000;
	v4 =	vmov v5  }
.LBB2_10:
0x5d: {  	_ =	sfence.sel $0x180000  }
0x5e: {  	[bflag:$0x0] =	sbarrier.arrive $0xFFFF  }
0x5f: {  	p0 =	sne.s32 s0, $0x0;
	_ =	strace $0x9000004D  }
0x60: {  	s0 =	sadd.s32 @!p0 $0x100000, s1;
	[bflag:$0x2] =	sbarrier.arrive $0xFFFF  }
0x61: {  	[sflag:s0] =	ssyncadd.tile.s32 @!p0 $0x1;
	_ =	shalt  }
.Lfunc_end2:
_tile_overlayer_lowered:
.L_overlay_start_2:
0x62: {  	(tag) =	ssettag $0x2  }
0x63: {  	s0 =	rddreg [dreg:$0x0];
	s2 =	stileid.u32  }
0x64: {  	s1 =	rddreg [dreg:$0x1];
	p0 =	sne.s32 s2, $0x0  }
0x65: {  	s3 =	rddreg [dreg:$0x2];
	[bflag:$0x3] =	sbarrier.arrive $0xFFFF;
	s2 =	simm.s32 @!p0 $0x1C01  }
0x66: {  	[timem:s3], [sflag:s2] =	dma.local @!p0 [hbm:s0], s1  }
0x67: {  	s0 =	simm.s32 @!p0 $0x1  }
0x68: {  	_ =	swait.ge @!p0 [sflag:s0], s1  }
0x69: {  	s1 =	ssub.s32 @!p0 $0x0, s1;
	[sflag:s0] =	ssyncset.done @!p0 $0x0  }
0x6a: {  	[sflag:s0] =	ssyncadd.s32 @!p0 s1  }
0x6b: {  	[bflag:$0x3] =	sbarrier.arrive $0xFFFF  }
0x6c: {  	_ =	shalt  }

// kernel: kernel.8.cloned.1.call-start
scs
__scs_entry_jumppad:
0x0: {  	(pc) =	sbr.rel $0x88, $3  }
0x1: {  	(tag) =	ssettag $0x0;
	lr =	simm.s32 $0x1  }
0x2: {  	[smem:$0x3F97] =	sst lr;
	_ =	strace $0xD0000000  }
0x3: {  	_ = 	snop  }
0x4: {  	_ = 	snop  }
0x5: {  	_ = 	snop  }
0x6: {  	_ = 	snop  }
0x7: {  	_ = 	snop  }
__scs_overlays_trampoline_lowered:
0x8: {  	[smem:$0x3FA6] =	sst s0  }
0x9: {  	[smem:$0x3FA7] =	sst s1  }
0xa: {  	[smem:$0x3FA8] =	sst s2  }
0xb: {  	[smem:$0x3FA9] =	sst s3  }
0xc: {  	[smem:$0x3FAA] =	sst s4  }
0xd: {  	[smem:$0x3FAB] =	sst s5  }
0xe: {  	[smem:$0x3FAC] =	sst s6  }
0xf: {  	[smem:$0x3FAD] =	sst s7  }
0x10: {  	[smem:$0x3FAE] =	sst s8  }
0x11: {  	[smem:$0x3FAF] =	sst s9;
	s0 =	simm.s32 @!p0 $0x0  }
0x12: {  	s1 =	sld [smem:$0x3F95];
	s0 =	simm.s32 @p0 $0x1  }
0x13: {  	[smem:$0x3FB0] =	sst s0;
	s0 =	simm.s32 @!p1 $0x0  }
0x14: {  	s2 =	sld [smem:$0x3F94];
	s0 =	simm.s32 @p1 $0x1  }
0x15: {  	[smem:$0x3FB1] =	sst s0;
	s0 =	simm.s32 @!p2 $0x0  }
0x16: {  	s3 =	sld [smem:$0x3FDB];
	s0 =	simm.s32 @p2 $0x1  }
0x17: {  	s4 =	simm.s32 $0x1BF5;
	[smem:$0x3FB3] =	sst s0  }
0x18: {  	s0 =	sld [smem:$0x3F96];
	_ =	swait.ge [sflag:s4], $0x0  }
0x19: {  	s7 =	sld [smem:$0x3F97]  }
0x1a: {  	s8 =	sadd.s32 $0xFFFFE003, lr  }
0x1b: {  	s9 =	sadd.s32 $0xFFFFFEF7, lr;
	s5 =	simm.s32 $0xFFFFFFFF;
	p2 =	slt.u32 s8, $0xFFFFF086  }
0x1c: {  	p1 =	slt.u32 s9, $0xF7A;
	s5 =	simm.s32 @!p2 $0x0  }
0x1d: {  	s5 =	simm.s32 @p1 $0x1;
	p0 =	seq.s32 s7, s2  }
0x1e: {  	s7 =	smul.u32 @!p0 $0xF7A, s2;
	p2 =	seq.s32 @!p0 s5, $0x0  }
0x1f: {  	s9 =	smul.u32 $0xF7A, s1;
	s8 =	simm.s32 @!p0 $0x1BF5;
	p2 =	por !p2, p0  }
0x20: {  	[sflag:s8] =	ssyncset.s32 @!p0 $0xFFFFF086;
	s6 =	sadd.s32 @!p0 s3, s7;
	s7 =	simm.s32 @!p0 $0x108  }
0x21: {  	s3 =	sadd.s32 s3, s9;
	s6 =	sadd.s32 @!p0 $0x88, s6;
	s7 =	simm.s32 @p2 $0x1082  }
0x22: {  	[simem:s7], [sflag:s8] =	dma.local @!p0 [hbm:s6], $0xF7A  }
0x23: {  	s9 =	sor.u32 $0xD0000000, s2;
	s6 =	simm.s32 $0x108;
	_ =	swait.ge @!p0 [sflag:s8], $0x0  }
0x24: {  	s3 =	sadd.s32 $0x88, s3;
	s6 =	simm.s32 @!p1 $0x1082;
	[sflag:s4] =	ssyncset.s32 $0xFFFFF086  }
0x25: {  	[simem:s6], [sflag:s4] =	dma.local [hbm:s3], $0xF7A  }
0x26: {  	[smem:$0x3F97] =	sst s1;
	(tag) =	ssettag s2;
	_ =	strace s9  }
0x27: {  	s1 =	sld [smem:$0x3FA7]  }
0x28: {  	s2 =	sld [smem:$0x3FA8]  }
0x29: {  	s4 =	sld [smem:$0x3FAA]  }
0x2a: {  	p0 =	seq.s32 s5, $0x0;
	s5 =	sld [smem:$0x3FAB]  }
0x2b: {  	s6 =	sld [smem:$0x3FAC]  }
0x2c: {  	s7 =	sld [smem:$0x3FAD]  }
0x2d: {  	s3 =	simm.s32 $0x108;
	s8 =	sld [smem:$0x3FAE]  }
0x2e: {  	s3 =	simm.s32 @!p0 $0x1082;
	s9 =	sld [smem:$0x3FAF]  }
0x2f: {  	lr =	sadd.s32 s0, s3;
	s0 =	sld [smem:$0x3FA6]  }
0x30: {  	s3 =	sld [smem:$0x3FA9]  }
0x31: {  	[smem:$0x3FB2] =	sst s10  }
0x32: {  	s10 =	sld [smem:$0x3FB0];
	_ =	sdelay $0x3  }
0x33: {  	p0 =	seq.s32 s10, $0x1;
	s10 =	sld [smem:$0x3FB2];
	_ =	sdelay $0x3  }
0x34: {  	[smem:$0x3FB2] =	sst s10  }
0x35: {  	s10 =	sld [smem:$0x3FB1];
	_ =	sdelay $0x3  }
0x36: {  	p1 =	seq.s32 s10, $0x1;
	s10 =	sld [smem:$0x3FB2];
	_ =	sdelay $0x3  }
0x37: {  	[smem:$0x3FB2] =	sst s10  }
0x38: {  	s10 =	sld [smem:$0x3FB3]  }
0x39: {  	_ = 	snop;
	(pc) =	sbr.ind lr, $3  }
0x3a: {  	_ = 	snop  }
0x3b: {  	_ = 	snop  }
0x3c: {  	p2 =	seq.s32 s10, $0x1;
	s10 =	sld [smem:$0x3FB2]  }
0x3d: {  	_ =	shalt  }
0x3e: {  	_ =	shalt  }
0x3f: {  	_ =	shalt  }
0x40: {  	_ =	shalt  }
0x41: {  	_ =	shalt  }
0x42: {  	_ =	shalt  }
0x43: {  	_ =	shalt  }
0x44: {  	_ =	shalt  }
0x45: {  	_ =	shalt  }
0x46: {  	_ =	shalt  }
0x47: {  	_ =	shalt  }
0x48: {  	_ =	shalt  }
0x49: {  	_ =	shalt  }
0x4a: {  	_ =	shalt  }
0x4b: {  	_ =	shalt  }
0x4c: {  	_ =	shalt  }
0x4d: {  	_ =	shalt  }
0x4e: {  	_ =	shalt  }
0x4f: {  	_ =	shalt  }
0x50: {  	_ =	shalt  }
0x51: {  	_ =	shalt  }
0x52: {  	_ =	shalt  }
0x53: {  	_ =	shalt  }
0x54: {  	_ =	shalt  }
0x55: {  	_ =	shalt  }
0x56: {  	_ =	shalt  }
0x57: {  	_ =	shalt  }
0x58: {  	_ =	shalt  }
0x59: {  	_ =	shalt  }
0x5a: {  	_ =	shalt  }
0x5b: {  	_ =	shalt  }
0x5c: {  	_ =	shalt  }
0x5d: {  	_ =	shalt  }
0x5e: {  	_ =	shalt  }
0x5f: {  	_ =	shalt  }
0x60: {  	_ =	shalt  }
0x61: {  	_ =	shalt  }
0x62: {  	_ =	shalt  }
0x63: {  	_ =	shalt  }
0x64: {  	_ =	shalt  }
0x65: {  	_ =	shalt  }
0x66: {  	_ =	shalt  }
0x67: {  	_ =	shalt  }
0x68: {  	_ =	shalt  }
0x69: {  	_ =	shalt  }
0x6a: {  	_ =	shalt  }
0x6b: {  	_ =	shalt  }
0x6c: {  	_ =	shalt  }
0x6d: {  	_ =	shalt  }
0x6e: {  	_ =	shalt  }
0x6f: {  	_ =	shalt  }
0x70: {  	_ =	shalt  }
0x71: {  	_ =	shalt  }
0x72: {  	_ =	shalt  }
0x73: {  	_ =	shalt  }
0x74: {  	_ =	shalt  }
0x75: {  	_ =	shalt  }
0x76: {  	_ =	shalt  }
0x77: {  	_ =	shalt  }
0x78: {  	_ =	shalt  }
0x79: {  	_ =	shalt  }
0x7a: {  	_ =	shalt  }
0x7b: {  	_ =	shalt  }
0x7c: {  	_ =	shalt  }
0x7d: {  	_ =	shalt  }
0x7e: {  	_ =	shalt  }
0x7f: {  	_ =	shalt  }
0x80: {  	_ =	shalt  }
0x81: {  	_ =	shalt  }
0x82: {  	_ =	shalt  }
0x83: {  	_ =	shalt  }
0x84: {  	_ =	shalt  }
0x85: {  	_ =	shalt  }
0x86: {  	_ =	shalt  }
0x87: {  	_ =	shalt  }
.Lfunc_end0:
.L_simem_size_0:
called_computation.9_lowered:
.L_overlay_start_0:
0x88: {  	s2 =	sld [smem:$0x3FD9]  }
0x89: {  	s3 =	sld [smem:$0x3FFE];
	_ =	sdelay $0x1  }
0x8a: {  	s1 =	srdreg.scid  }
0x8b: {  	s0 =	sand.u32 $0x1, s1  }
0x8c: {  	s16 =	sshll.u32 s0, $0xA;
	s2 =	sadd.s32 s3, s2  }
0x8d: {  	s2 =	sadd.s32 s2, s16  }
0x8e: {  	[smem:$0x3FBE] =	sst s2  }
0x8f: {  	_ = 	snop  }
0x90: {  	(tm) =	ssettm $0x1  }
0x91: {  	s17 =	sld [smem:$0x3FFB];
	_ =	sdelay $0x3  }
0x92: {  	_ =	strace s17  }
0x93: {  	s2 =	sld [smem:$0x3FFC];
	_ =	sdelay $0x3  }
0x94: {  	_ =	strace s2  }
0x95: {  	s2 =	sld [smem:$0x3FFD];
	_ =	sdelay $0x3  }
0x96: {  	_ =	strace s2  }
0x97: {  	_ =	strace $0x8FFFFFFF  }
0x98: {  	s18 =	sld [smem:$0x3FDB];
	_ =	sdelay $0x1  }
0x99: {  	s19 =	simm.s32 $_scs_section_size  }
0x9a: {  	s4 =	simm.s32 $_size__tile_overlayer_lowered;
	s5 =	simm.s32 $_tile_overlayer_lowered  }
0x9b: {  	s22 =	simm.s32 $0x1BFF;
	s21 =	sshll.u32 s5, $0x1;
	s2 =	sadd.s32 s19, s18  }
0x9c: {  	s6 =	simm.s32 $0x0;
	s20 =	sshll.u32 s4, $0x1;
	s4 =	sadd.s32 s21, s2  }
0x9d: {  	[timem:s6], [sflag:s22] =	dma.local [hbm:s4], s20  }
0x9e: {  	_ =	swait.ge [sflag:s22], s20  }
0x9f: {  	s3 =	ssub.s32 $0x0, s20;
	[sflag:s22] =	ssyncset.done $0x0  }
0xa0: {  	[sflag:s22] =	ssyncadd.s32 s3;
	_ =	sdelay $0x1  }
0xa1: {  	s23 =	simm.s32 $0x1B8B  }
0xa2: {  	_ =	swait.ge [sflag:s23], $0x1  }
0xa3: {  	[sflag:s23] =	ssyncset.done $0x0  }
0xa4: {  	s25 =	simm.s32 $0x1B8E;
	s24 =	sld [smem:$0x3FFE];
	[sflag:s23] =	ssyncadd.s32 $0xFFFFFFFF  }
0xa5: {  	s26 =	simm.s32 $execute0_lowered;
	[smem:$0x3FD2] =	sst s25  }
0xa6: {  	s4 =	sshll.u32 s26, $0x1;
	_ =	strace $0x80000046;
	[dreg:$0x1] =	wrdreg $0xFFFFFFFF  }
0xa7: {  	s28 =	simm.s32 $_size_execute0_lowered;
	s2 =	sadd.s32 s2, s4;
	[dreg:$0x0] =	wrdreg $0x0  }
0xa8: {  	s4 =	sshll.u32 s28, $0x1;
	[dreg:$0x2] =	wrdreg s2  }
0xa9: {  	[dreg:$0x3] =	wrdreg s4  }
0xaa: {  	[dreg:$0x4] =	wrdreg $0xC0  }
0xab: {  	_ =	task [dreg:s6], $0x5FFFF  }
0xac: {  	[dreg:$0x1] =	wrdreg $0xFFFFFFFF  }
0xad: {  	[dreg:$0x0] =	wrdreg $0x60  }
0xae: {  	[dreg:$0x2] =	wrdreg s24  }
0xaf: {  	[dreg:$0x3] =	wrdreg $0x9  }
0xb0: {  	_ =	task.clear_ibuf [dreg:s6], $0x4FFFF;
	_ =	strace $0x90000046  }
0xb1: {  	s29 =	simm.s32 $0x9;
	_ =	strace $0x80000048  }
0xb2: {  	_ =	swait.ge [sflag:s29], $0x1  }
0xb3: {  	[sflag:s29] =	ssyncadd.s32 $0xFFFFFFFF  }
0xb4: {  	_ =	strace $0x90000048  }
0xb5: {  	_ =	sfence  }
0xb6: {  	s30 =	sld [smem:$0x0];
	_ =	sdelay $0x2  }
0xb7: {  	s31 =	sshll.u32 s1, $0xD;
	s1 =	sshrl.u32 s1, $0x2  }
0xb8: {  	s3 =	sand.u32 $0x4000, s31;
	s1 =	sadd.s32 s1, s30  }
0xb9: {  	s0 =	sor.u32 s3, s0;
	s1 =	sshll.u32 s1, $0x11  }
0xba: {  	s0 =	sor.u32 s1, s0  }
0xbb: {  	s0 =	sadd.s32 $0x8F2B, s0  }
0xbc: {  	[sflag:s0] =	ssyncadd.remote.s32 $0x1  }
0xbd: {  	_ =	sfence.sel $0xFFFF  }
0xbe: {  	[dreg:$0x0] =	wrdreg $0xFFFFFFFF;
	(pc) =	sbr.abs _section_cstart, $3  }
0xbf: {  	[dreg:$0x1] =	wrdreg $0xFFFFFFFF  }
0xc0: {  	_ =	task.clear_ibuf [dreg:s6], $0x2FFFF;
	_ =	strace $0x9FFFFFFF  }
0xc1: {  	(tm) =	ssettm $0x7FFFFFFF  }
tec
execute0_lowered:
.L_overlay_start_1:
0x0: {  	(tag) =	ssettag $0x1  }
0x1: {  	s1 =	srdreg.scid  }
0x2: {  	s0 =	stileid.u32;
	s4 =	rddreg [dreg:$0x0];
	s2 =	simm.s32 $0x0  }
0x3: {  	s8 =	simm.s32 $0x80;
	s3 =	sand.u32 $0x1, s1;
	s1 =	rddreg [dreg:$0x1]  }
0x4: {  	s9 =	simm.s32 $0x400;
	s30 =	sshll.u32 s0, $0x1;
	[smem:$0x7FF] =	sst s2  }
0x5: {  	s7 =	sshll.u32 s0, $0xE;
	s5 =	sor.u32 s3, s30;
	_ =	strace $0x80000047  }
0x6: {  	s3 =	ssub.s32 $0x2, s3;
	s6 =	smul.u32 $0x320, s5;
	s5 =	sshll.u32 s5, $0x4  }
0x7: {  	s7 =	sand.u32 $0x30000, s7;
	s31 =	sshrl.u32 s3, $0x1;
	s5 =	sand.u32 $0x70, s5  }
0x8: {  	s6 =	sadd.s32 s6, s4;
	s4 =	sadd.s32 s7, s4;
	s7 =	ssub.s32 s3, s31  }
0x9: {  	s3 =	sadd.s32 $0x320000, s6;
	s4 =	sadd.s32 s5, s4;
	s5 =	smax.u32 s7, $0x1  }
0xa: {  	v0 =	vimm.s32 $0x0;
	v1 =	vlaneseq.u32;
	v2 =	vimm.s32 $0x1;
	s6 =	simm.s32 $0x1;
	s7 =	simm.s32 $0x1900;
	s4 =	sadd.s32 $0x326400, s4  }
.LBB2_1:
0xb: {  	s10 =	simm.s32 $0x40;
	s11 =	simm.s32 $0x0  }
.LBB2_2:
0xc: {  	p0 =	sne.s32 s10, $0x3FFC0;
	[tilespmem:s11+$0x1900] =	vst v0;
	s11 =	smov.u32 s10;
	s10 =	sadd.s32 $0x40, s10  }
.Ltmp0:
0xd: {  	(pc) =	sbr.rel @p0 .LBB2_2-.Ltmp0, $2  }
0xe: {  	_ =	sdelay $0x2  }
0xf: {  	s11 =	sshra.s32 s11, $0x2  }
0x10: {  	[tilespmem:s11+$0x1900] =	vst v0;
	s10 =	simm.s32 $0x0  }
0x11: {  	[tilespmem:s10], [sflag:$0x1] =	stream.linear.gather [hbm4b:s3+s10], $0x1900, $0x38;
	[tilespmem:$0x11900] =	vst v63  }
0x12: {  	_ =	swait.ge [sflag:s6], $0x1900  }
0x13: {  	[sflag:s6] =	ssyncset.done $0x0  }
0x14: {  	s11 =	simm.s32 $0x0;
	s10 =	simm.s32 $0x40;
	[sflag:s6] =	ssyncadd.s32 $0xFFFFE700  }
.LBB2_4:
0x15: {  	p0 =	sne.s32 s10, $0x63C0;
	v3 =	vld [tilespmem:s11+$0x0];
	_ =	sdelay $0x4  }
0x16: {  	v3 =	vshrl.u32 v3, $0x10  }
0x17: {  	v3 =	vand.u32 $0xFFF0, v3  }
0x18: {  	v3 =	vor.u32 v1, v3  }
.Ltmp1:
0x19: {  	(pc) =	sbr.rel @p0 .LBB2_4-.Ltmp1, $2  }
0x1a: {  	_ =	sdelay $0x2  }
0x1b: {  	s11 =	sshra.s32 s10, $0x2;
	s10 =	sadd.s32 $0x40, s10;
	[tilespmem:v3+s7+$0x0] =	vst.idx.add.s32.msk $0xffff, v2  }
0x1c: {  	v3 =	vld [tilespmem:s11+$0x0];
	_ =	sdelay $0x4  }
0x1d: {  	v3 =	vshrl.u32 v3, $0x10  }
0x1e: {  	v3 =	vand.u32 $0xFFF0, v3  }
0x1f: {  	v3 =	vor.u32 v1, v3;
	_ =	sdelay $0x2  }
0x20: {  	s2 =	sadd.s32 $0x1, s2  }
0x21: {  	p0 =	sne.s32 s2, s5  }
.Ltmp2:
0x22: {  	[tilespmem:v3+s7+$0x0] =	vst.idx.add.s32.msk $0xffff, v2;
	(pc) =	sbr.rel @p0 .LBB2_1-.Ltmp2, $4  }
0x23: {  	[hbm4b:s4+s8] =	stream.strided.scatter [tilespmem:s7], [sflag:$0x1], $0x10000, s9, s8, $0x38;
	[tilespmem:$0x11900] =	vst v63  }
0x24: {  	_ =	swait.ge [sflag:s6], $0x10000  }
0x25: {  	[sflag:s6] =	ssyncset.done $0x0  }
0x26: {  	[sflag:s6] =	ssyncadd.s32 $0xFFFF0000  }
0x27: {  	_ =	sfence.sel $0x180000  }
0x28: {  	[bflag:$0x0] =	sbarrier.arrive $0xFFFF  }
0x29: {  	p0 =	sne.s32 s0, $0x0;
	_ =	strace $0x90000047  }
0x2a: {  	s0 =	sadd.s32 @!p0 $0x100000, s1;
	[bflag:$0x2] =	sbarrier.arrive $0xFFFF  }
0x2b: {  	[sflag:s0] =	ssyncadd.tile.s32 @!p0 $0x1;
	_ =	shalt  }
.Lfunc_end2:
_tile_overlayer_lowered:
.L_overlay_start_2:
0x2c: {  	(tag) =	ssettag $0x2  }
0x2d: {  	s0 =	rddreg [dreg:$0x0];
	s2 =	stileid.u32  }
0x2e: {  	s1 =	rddreg [dreg:$0x1];
	p0 =	sne.s32 s2, $0x0  }
0x2f: {  	s3 =	rddreg [dreg:$0x2];
	[bflag:$0x3] =	sbarrier.arrive $0xFFFF;
	s2 =	simm.s32 @!p0 $0x1C01  }
0x30: {  	[timem:s3], [sflag:s2] =	dma.local @!p0 [hbm:s0], s1  }
0x31: {  	s0 =	simm.s32 @!p0 $0x1  }
0x32: {  	_ =	swait.ge @!p0 [sflag:s0], s1  }
0x33: {  	s1 =	ssub.s32 @!p0 $0x0, s1;
	[sflag:s0] =	ssyncset.done @!p0 $0x0  }
0x34: {  	[sflag:s0] =	ssyncadd.s32 @!p0 s1  }
0x35: {  	[bflag:$0x3] =	sbarrier.arrive $0xFFFF  }
0x36: {  	_ =	shalt  }

</sc_bundles>
